<compile_context>
chip_gen: v7x
topology: tpu7x:2x2x1
jax: 0.10.2.dev20260603
libtpu: 0.0.44.dev20260713+nightly
codegen_flags: <defaults>
</compile_context>

<pallas_src>
import functools

import jax
import jax.numpy as jnp
from jax import lax
from jax.experimental import pallas as pl
from jax.experimental.pallas import tpu as pltpu
from jax.experimental.pallas import tpu_sc as plsc

BATCH = 16384
EMBED_K = 16
NUM_WORKERS = 32
PAIRS_PER_WORKER = BATCH // NUM_WORKERS
CHUNK = 128
NUM_CHUNKS = PAIRS_PER_WORKER // CHUNK
SUPER_ROWS = 125000


@functools.partial(
    pl.kernel,
    out_type=jax.ShapeDtypeStruct((BATCH,), jnp.float32),
    mesh=plsc.VectorSubcoreMesh(core_axis_name="c", subcore_axis_name="s"),
    scratch_types=[
        pltpu.VMEM((NUM_CHUNKS, CHUNK), jnp.int32),
        pltpu.VMEM((NUM_CHUNKS, CHUNK), jnp.int32),
        pltpu.VMEM((NUM_CHUNKS, CHUNK), jnp.int32),
        pltpu.VMEM((NUM_CHUNKS, CHUNK), jnp.int32),
        pltpu.VMEM((2, CHUNK, 128), jnp.float32),
        pltpu.VMEM((2, CHUNK, 128), jnp.float32),
        pltpu.VMEM((PAIRS_PER_WORKER,), jnp.float32),
        pltpu.SemaphoreType.DMA,
    ],
)
def _mf_sc_kernel(uidx_hbm, vidx_hbm, w8_hbm, h8_hbm, out_hbm,
                  u_raw, v_raw, uj_v, vj_v, u_slab, v_slab, out_v, sem):
    num_cores = 2
    wid = lax.axis_index("s") * num_cores + lax.axis_index("c")
    base = wid * PAIRS_PER_WORKER

    pltpu.sync_copy(uidx_hbm.at[wid], u_raw)
    pltpu.sync_copy(vidx_hbm.at[wid], v_raw)

    for c in range(NUM_CHUNKS):
        for i in range(CHUNK // 16):
            sl = pl.ds(i * 16, 16)
            uj_v[c, sl] = u_raw[c, sl] >> 3
            vj_v[c, sl] = v_raw[c, sl] >> 3

    def fire(c):
        buf = c % 2
        return [
            pltpu.async_copy(w8_hbm.at[uj_v.at[c]], u_slab.at[buf], sem),
            pltpu.async_copy(h8_hbm.at[vj_v.at[c]], v_slab.at[buf], sem),
        ]

    lane = lax.iota(jnp.int32, 16)
    folds = [lane ^ 8, lane ^ 4, lane ^ 2, lane ^ 1]
    masks = [lane % (2 * g) < g for g in (8, 4, 2, 1)]
    bitrev = [0, 8, 4, 12, 2, 10, 6, 14, 1, 9, 5, 13, 3, 11, 7, 15]
    gd = lax.GatherDimensionNumbers(
        offset_dims=(), collapsed_slice_dims=(0,), start_index_map=(0,))

    def fold(vec, level):
        perm = lax.gather(vec, folds[level][:, None], gd, (1,),
                          mode=lax.GatherScatterMode.PROMISE_IN_BOUNDS)
        return vec + perm

    def compute_chunk(c):
        buf = c % 2

        def block_body(b, carry):
            uo = (u_raw[c, pl.ds(b * 16, 16)] & 7) << 4
            vo = (v_raw[c, pl.ds(b * 16, 16)] & 7) << 4
            regs = []
            for i in bitrev:
                r = b * 16 + i
                urow = u_slab[buf, r, pl.ds(uo[i], 16)]
                vrow = v_slab[buf, r, pl.ds(vo[i], 16)]
                regs.append(urow * vrow)
            for level in range(4):
                nxt = []
                for j in range(0, len(regs), 2):
                    a = fold(regs[j], level)
                    bb = fold(regs[j + 1], level)
                    nxt.append(jnp.where(masks[level], a, bb))
                regs = nxt
            sig = 1.0 / (1.0 + jnp.exp(-regs[0]))
            out_v[pl.ds(c * CHUNK + b * 16, 16)] = sig
            return carry

        lax.fori_loop(0, CHUNK // 16, block_body, 0)

    inflight = fire(0)
    for c in range(NUM_CHUNKS):
        for cp in inflight:
            cp.wait()
        nxt = fire(c + 1) if c + 1 < NUM_CHUNKS else []
        compute_chunk(c)
        inflight = nxt

    pltpu.sync_copy(out_v, out_hbm.at[pl.ds(base, PAIRS_PER_WORKER)])


def kernel(x, W, H):
    w8 = W.reshape(SUPER_ROWS, 128)
    h8 = H.reshape(SUPER_ROWS, 128)
    uidx = x[:, 0].astype(jnp.int32).reshape(NUM_WORKERS, NUM_CHUNKS, CHUNK)
    vidx = x[:, 1].astype(jnp.int32).reshape(NUM_WORKERS, NUM_CHUNKS, CHUNK)
    return _mf_sc_kernel(uidx, vidx, w8, h8)

# --- scband reference (transcript-rebuilt; emitter-appended) ---
"""Pipeline reference for scband-mf-30253749633237 (READ-ONLY COPY).

The authoritative reference and input builder live on the scoring server;
editing this copy changes nothing except your own understanding.
"""

import jax, jax.numpy as jnp
import numpy as np

NUM_USERS = 1000000
NUM_ITEMS = 1000000
EMBED_K = 16
BATCH = 16384

def setup_inputs(seed: int = 0) -> dict:
    key = jax.random.key(seed)
    k1, k2, k3 = jax.random.split(key, 3)
    x = jax.random.randint(k1, (BATCH, 2), 0, NUM_USERS, dtype=jnp.int64 if jax.config.jax_enable_x64 else jnp.int32)
    W = jax.random.normal(k2, (NUM_USERS, EMBED_K), dtype=jnp.float32)
    H = jax.random.normal(k3, (NUM_ITEMS, EMBED_K), dtype=jnp.float32)
    return {"x": x, "W": W, "H": H}

def reference(x, W, H):
    user_idx = x[:, 0]
    item_idx = x[:, 1]
    U_emb = jnp.take(W, user_idx, axis=0)
    V_emb = jnp.take(H, item_idx, axis=0)
    out = jax.nn.sigmoid(jnp.sum(U_emb * V_emb, axis=1))
    return out

if __name__ == "__main__":
    import jax
    _d = setup_inputs()
    print(jax.jit(kernel)(*tuple(_d.values())))

</pallas_src>

<mosaic_0001>
#map = affine_map<(d0, d1) -> (0, 0, 0)>
#map1 = affine_map<(d0, d1) -> (0, 0)>
#map2 = affine_map<(d0, d1) -> (0)>
module attributes {stable_mosaic.version = 14 : i64} {
  func.func @_mf_sc_kernel(%arg0: i32, %arg1: i32, %arg2: memref<32x4x128xi32, #tpu.memory_space<hbm>>, %arg3: memref<32x4x128xi32, #tpu.memory_space<hbm>>, %arg4: memref<125000x128xf32, #tpu.memory_space<hbm>>, %arg5: memref<125000x128xf32, #tpu.memory_space<hbm>>, %arg6: memref<16384xf32, #tpu.memory_space<hbm>>, %arg7: memref<4x128xi32, #tpu.memory_space<vmem>>, %arg8: memref<4x128xi32, #tpu.memory_space<vmem>>, %arg9: memref<4x128xi32, #tpu.memory_space<vmem>>, %arg10: memref<4x128xi32, #tpu.memory_space<vmem>>, %arg11: memref<2x128x128xf32, #tpu.memory_space<vmem>>, %arg12: memref<2x128x128xf32, #tpu.memory_space<vmem>>, %arg13: memref<512xf32, #tpu.memory_space<vmem>>, %arg14: memref<!tpu.dma_semaphore, #tpu.memory_space<semaphore_mem>>) attributes {dimension_semantics = [#tpu.dimension_semantics<core_parallel>, #tpu.dimension_semantics<subcore_parallel>], iteration_bounds = array<i64: 2, 16>, scalar_prefetch = 0 : i64, scratch_operands = 8 : i64, tpu.core_type = #tpu.core_type<sc_vector_subcore>, window_params = [{transform_indices = #map}, {transform_indices = #map}, {transform_indices = #map1}, {transform_indices = #map1}, {transform_indices = #map2}]} {
    %mul3A = arith.constant 2 : i32
    %mul3A_0 = arith.muli %arg1, %mul3A : i32
    %add3A = arith.addi %mul3A_0, %arg0 : i32
    %mul3A_1 = arith.constant 512 : i32
    %mul3A_2 = arith.muli %add3A, %mul3A_1 : i32
    "tpu.region"() ({
      %run_scoped3A = tpu.sem_alloc : memref<!tpu.dma_semaphore, #tpu.memory_space<semaphore_mem>>
      %dma_start3A_1213 = arith.constant 0 : i32
      %dma_start3A_1214 = arith.constant 0 : i32
      %dma_start3A_1215 = tpu.memref_slice %arg2[%add3A, %dma_start3A_1213, %dma_start3A_1214] : memref<32x4x128xi32, #tpu.memory_space<hbm>> -> memref<1x4x128xi32, #tpu.memory_space<hbm>>
      %dma_start3A_1216 = tpu.memref_squeeze %dma_start3A_1215 : memref<1x4x128xi32, #tpu.memory_space<hbm>> -> memref<4x128xi32, #tpu.memory_space<hbm>>
      %dma_start3A_1217 = arith.constant 0 : i32
      %dma_start3A_1218 = arith.constant 0 : i32
      %dma_start3A_1219 = tpu.memref_slice %arg2[%add3A, %dma_start3A_1217, %dma_start3A_1218] : memref<32x4x128xi32, #tpu.memory_space<hbm>> -> memref<1x4x128xi32, #tpu.memory_space<hbm>>
      %dma_start3A_1220 = tpu.memref_squeeze %dma_start3A_1219 : memref<1x4x128xi32, #tpu.memory_space<hbm>> -> memref<4x128xi32, #tpu.memory_space<hbm>>
      tpu.enqueue_dma source(%dma_start3A_1220 : memref<4x128xi32, #tpu.memory_space<hbm>>) target(%arg7 : memref<4x128xi32, #tpu.memory_space<vmem>>) target_semaphore(%run_scoped3A : memref<!tpu.dma_semaphore, #tpu.memory_space<semaphore_mem>>)
      %dma_wait3A_1221 = arith.constant 0 : i32
      %dma_wait3A_1222 = arith.constant 0 : i32
      %dma_wait3A_1223 = tpu.memref_slice %arg2[%add3A, %dma_wait3A_1221, %dma_wait3A_1222] : memref<32x4x128xi32, #tpu.memory_space<hbm>> -> memref<1x4x128xi32, #tpu.memory_space<hbm>>
      %dma_wait3A_1224 = tpu.memref_squeeze %dma_wait3A_1223 : memref<1x4x128xi32, #tpu.memory_space<hbm>> -> memref<4x128xi32, #tpu.memory_space<hbm>>
      %dma_wait3A_1225 = arith.constant 0 : i32
      %dma_wait3A_1226 = arith.constant 0 : i32
      %dma_wait3A_1227 = tpu.memref_slice %arg2[%add3A, %dma_wait3A_1225, %dma_wait3A_1226] : memref<32x4x128xi32, #tpu.memory_space<hbm>> -> memref<1x4x128xi32, #tpu.memory_space<hbm>>
      %dma_wait3A_1228 = tpu.memref_squeeze %dma_wait3A_1227 : memref<1x4x128xi32, #tpu.memory_space<hbm>> -> memref<4x128xi32, #tpu.memory_space<hbm>>
      tpu.wait_dma2 semaphore(%run_scoped3A : memref<!tpu.dma_semaphore, #tpu.memory_space<semaphore_mem>>) src(%dma_wait3A_1228 : memref<4x128xi32, #tpu.memory_space<hbm>>) dst(%arg7 : memref<4x128xi32, #tpu.memory_space<vmem>>)
      tpu.yield
    }) : () -> ()
    "tpu.region"() ({
      %run_scoped3A = tpu.sem_alloc : memref<!tpu.dma_semaphore, #tpu.memory_space<semaphore_mem>>
      %dma_start3A_1213 = arith.constant 0 : i32
      %dma_start3A_1214 = arith.constant 0 : i32
      %dma_start3A_1215 = tpu.memref_slice %arg3[%add3A, %dma_start3A_1213, %dma_start3A_1214] : memref<32x4x128xi32, #tpu.memory_space<hbm>> -> memref<1x4x128xi32, #tpu.memory_space<hbm>>
      %dma_start3A_1216 = tpu.memref_squeeze %dma_start3A_1215 : memref<1x4x128xi32, #tpu.memory_space<hbm>> -> memref<4x128xi32, #tpu.memory_space<hbm>>
      %dma_start3A_1217 = arith.constant 0 : i32
      %dma_start3A_1218 = arith.constant 0 : i32
      %dma_start3A_1219 = tpu.memref_slice %arg3[%add3A, %dma_start3A_1217, %dma_start3A_1218] : memref<32x4x128xi32, #tpu.memory_space<hbm>> -> memref<1x4x128xi32, #tpu.memory_space<hbm>>
      %dma_start3A_1220 = tpu.memref_squeeze %dma_start3A_1219 : memref<1x4x128xi32, #tpu.memory_space<hbm>> -> memref<4x128xi32, #tpu.memory_space<hbm>>
      tpu.enqueue_dma source(%dma_start3A_1220 : memref<4x128xi32, #tpu.memory_space<hbm>>) target(%arg8 : memref<4x128xi32, #tpu.memory_space<vmem>>) target_semaphore(%run_scoped3A : memref<!tpu.dma_semaphore, #tpu.memory_space<semaphore_mem>>)
      %dma_wait3A_1221 = arith.constant 0 : i32
      %dma_wait3A_1222 = arith.constant 0 : i32
      %dma_wait3A_1223 = tpu.memref_slice %arg3[%add3A, %dma_wait3A_1221, %dma_wait3A_1222] : memref<32x4x128xi32, #tpu.memory_space<hbm>> -> memref<1x4x128xi32, #tpu.memory_space<hbm>>
      %dma_wait3A_1224 = tpu.memref_squeeze %dma_wait3A_1223 : memref<1x4x128xi32, #tpu.memory_space<hbm>> -> memref<4x128xi32, #tpu.memory_space<hbm>>
      %dma_wait3A_1225 = arith.constant 0 : i32
      %dma_wait3A_1226 = arith.constant 0 : i32
      %dma_wait3A_1227 = tpu.memref_slice %arg3[%add3A, %dma_wait3A_1225, %dma_wait3A_1226] : memref<32x4x128xi32, #tpu.memory_space<hbm>> -> memref<1x4x128xi32, #tpu.memory_space<hbm>>
      %dma_wait3A_1228 = tpu.memref_squeeze %dma_wait3A_1227 : memref<1x4x128xi32, #tpu.memory_space<hbm>> -> memref<4x128xi32, #tpu.memory_space<hbm>>
      tpu.wait_dma2 semaphore(%run_scoped3A : memref<!tpu.dma_semaphore, #tpu.memory_space<semaphore_mem>>) src(%dma_wait3A_1228 : memref<4x128xi32, #tpu.memory_space<hbm>>) dst(%arg8 : memref<4x128xi32, #tpu.memory_space<vmem>>)
      tpu.yield
    }) : () -> ()
    %get3A = arith.constant 0 : i32
    %get3A_3 = arith.index_cast %get3A : i32 to index
    %get3A_4 = arith.constant 0 : index
    %get3A_5 = tpu.vector_load %arg7[%get3A_3, %get3A_4] {strides = array<i32>} : memref<4x128xi32, #tpu.memory_space<vmem>>, vector<1x16xi32>,
    %get3A_6 = vector.shape_cast %get3A_5 : vector<1x16xi32> to vector<16xi32>
    %shift_right_arithmetic3A = arith.constant 3 : i32
    %shift_right_arithmetic3A_7 = vector.broadcast %shift_right_arithmetic3A : i32 to vector<16xi32>
    %shift_right_arithmetic3A_8 = arith.shrsi %get3A_6, %shift_right_arithmetic3A_7 : vector<16xi32>
    %swap3A = arith.constant 0 : i32
    %swap3A_9 = arith.index_cast %swap3A : i32 to index
    %swap3A_10 = arith.constant 0 : index
    %swap3A_11 = tpu.vector_load %arg9[%swap3A_9, %swap3A_10] {strides = array<i32>} : memref<4x128xi32, #tpu.memory_space<vmem>>, vector<1x16xi32>,
    %swap3A_12 = vector.shape_cast %swap3A_11 : vector<1x16xi32> to vector<16xi32>
    %swap3A_13 = vector.shape_cast %shift_right_arithmetic3A_8 : vector<16xi32> to vector<1x16xi32>
    tpu.vector_store %arg9[%swap3A_9, %swap3A_10], %swap3A_13 {strides = array<i32>} : memref<4x128xi32, #tpu.memory_space<vmem>>, vector<1x16xi32>,
    %get3A_14 = arith.constant 0 : i32
    %get3A_15 = arith.index_cast %get3A_14 : i32 to index
    %get3A_16 = arith.constant 0 : index
    %get3A_17 = tpu.vector_load %arg8[%get3A_15, %get3A_16] {strides = array<i32>} : memref<4x128xi32, #tpu.memory_space<vmem>>, vector<1x16xi32>,
    %get3A_18 = vector.shape_cast %get3A_17 : vector<1x16xi32> to vector<16xi32>
    %shift_right_arithmetic3A_19 = arith.constant 3 : i32
    %shift_right_arithmetic3A_20 = vector.broadcast %shift_right_arithmetic3A_19 : i32 to vector<16xi32>
    %shift_right_arithmetic3A_21 = arith.shrsi %get3A_18, %shift_right_arithmetic3A_20 : vector<16xi32>
    %swap3A_22 = arith.constant 0 : i32
    %swap3A_23 = arith.index_cast %swap3A_22 : i32 to index
    %swap3A_24 = arith.constant 0 : index
    %swap3A_25 = tpu.vector_load %arg10[%swap3A_23, %swap3A_24] {strides = array<i32>} : memref<4x128xi32, #tpu.memory_space<vmem>>, vector<1x16xi32>,
    %swap3A_26 = vector.shape_cast %swap3A_25 : vector<1x16xi32> to vector<16xi32>
    %swap3A_27 = vector.shape_cast %shift_right_arithmetic3A_21 : vector<16xi32> to vector<1x16xi32>
    tpu.vector_store %arg10[%swap3A_23, %swap3A_24], %swap3A_27 {strides = array<i32>} : memref<4x128xi32, #tpu.memory_space<vmem>>, vector<1x16xi32>,
    %get3A_28 = arith.constant 0 : i32
    %get3A_29 = arith.index_cast %get3A_28 : i32 to index
    %get3A_30 = arith.constant 16 : index
    %get3A_31 = tpu.vector_load %arg7[%get3A_29, %get3A_30] {strides = array<i32>} : memref<4x128xi32, #tpu.memory_space<vmem>>, vector<1x16xi32>,
    %get3A_32 = vector.shape_cast %get3A_31 : vector<1x16xi32> to vector<16xi32>
    %shift_right_arithmetic3A_33 = arith.constant 3 : i32
    %shift_right_arithmetic3A_34 = vector.broadcast %shift_right_arithmetic3A_33 : i32 to vector<16xi32>
    %shift_right_arithmetic3A_35 = arith.shrsi %get3A_32, %shift_right_arithmetic3A_34 : vector<16xi32>
    %swap3A_36 = arith.constant 0 : i32
    %swap3A_37 = arith.index_cast %swap3A_36 : i32 to index
    %swap3A_38 = arith.constant 16 : index
    %swap3A_39 = tpu.vector_load %arg9[%swap3A_37, %swap3A_38] {strides = array<i32>} : memref<4x128xi32, #tpu.memory_space<vmem>>, vector<1x16xi32>,
    %swap3A_40 = vector.shape_cast %swap3A_39 : vector<1x16xi32> to vector<16xi32>
    %swap3A_41 = vector.shape_cast %shift_right_arithmetic3A_35 : vector<16xi32> to vector<1x16xi32>
    tpu.vector_store %arg9[%swap3A_37, %swap3A_38], %swap3A_41 {strides = array<i32>} : memref<4x128xi32, #tpu.memory_space<vmem>>, vector<1x16xi32>,
    %get3A_42 = arith.constant 0 : i32
    %get3A_43 = arith.index_cast %get3A_42 : i32 to index
    %get3A_44 = arith.constant 16 : index
    %get3A_45 = tpu.vector_load %arg8[%get3A_43, %get3A_44] {strides = array<i32>} : memref<4x128xi32, #tpu.memory_space<vmem>>, vector<1x16xi32>,
    %get3A_46 = vector.shape_cast %get3A_45 : vector<1x16xi32> to vector<16xi32>
    %shift_right_arithmetic3A_47 = arith.constant 3 : i32
    %shift_right_arithmetic3A_48 = vector.broadcast %shift_right_arithmetic3A_47 : i32 to vector<16xi32>
    %shift_right_arithmetic3A_49 = arith.shrsi %get3A_46, %shift_right_arithmetic3A_48 : vector<16xi32>
    %swap3A_50 = arith.constant 0 : i32
    %swap3A_51 = arith.index_cast %swap3A_50 : i32 to index
    %swap3A_52 = arith.constant 16 : index
    %swap3A_53 = tpu.vector_load %arg10[%swap3A_51, %swap3A_52] {strides = array<i32>} : memref<4x128xi32, #tpu.memory_space<vmem>>, vector<1x16xi32>,
    %swap3A_54 = vector.shape_cast %swap3A_53 : vector<1x16xi32> to vector<16xi32>
    %swap3A_55 = vector.shape_cast %shift_right_arithmetic3A_49 : vector<16xi32> to vector<1x16xi32>
    tpu.vector_store %arg10[%swap3A_51, %swap3A_52], %swap3A_55 {strides = array<i32>} : memref<4x128xi32, #tpu.memory_space<vmem>>, vector<1x16xi32>,
    %get3A_56 = arith.constant 0 : i32
    %get3A_57 = arith.index_cast %get3A_56 : i32 to index
    %get3A_58 = arith.constant 32 : index
    %get3A_59 = tpu.vector_load %arg7[%get3A_57, %get3A_58] {strides = array<i32>} : memref<4x128xi32, #tpu.memory_space<vmem>>, vector<1x16xi32>,
    %get3A_60 = vector.shape_cast %get3A_59 : vector<1x16xi32> to vector<16xi32>
    %shift_right_arithmetic3A_61 = arith.constant 3 : i32
    %shift_right_arithmetic3A_62 = vector.broadcast %shift_right_arithmetic3A_61 : i32 to vector<16xi32>
    %shift_right_arithmetic3A_63 = arith.shrsi %get3A_60, %shift_right_arithmetic3A_62 : vector<16xi32>
    %swap3A_64 = arith.constant 0 : i32
    %swap3A_65 = arith.index_cast %swap3A_64 : i32 to index
    %swap3A_66 = arith.constant 32 : index
    %swap3A_67 = tpu.vector_load %arg9[%swap3A_65, %swap3A_66] {strides = array<i32>} : memref<4x128xi32, #tpu.memory_space<vmem>>, vector<1x16xi32>,
    %swap3A_68 = vector.shape_cast %swap3A_67 : vector<1x16xi32> to vector<16xi32>
    %swap3A_69 = vector.shape_cast %shift_right_arithmetic3A_63 : vector<16xi32> to vector<1x16xi32>
    tpu.vector_store %arg9[%swap3A_65, %swap3A_66], %swap3A_69 {strides = array<i32>} : memref<4x128xi32, #tpu.memory_space<vmem>>, vector<1x16xi32>,
    %get3A_70 = arith.constant 0 : i32
    %get3A_71 = arith.index_cast %get3A_70 : i32 to index
    %get3A_72 = arith.constant 32 : index
    %get3A_73 = tpu.vector_load %arg8[%get3A_71, %get3A_72] {strides = array<i32>} : memref<4x128xi32, #tpu.memory_space<vmem>>, vector<1x16xi32>,
    %get3A_74 = vector.shape_cast %get3A_73 : vector<1x16xi32> to vector<16xi32>
    %shift_right_arithmetic3A_75 = arith.constant 3 : i32
    %shift_right_arithmetic3A_76 = vector.broadcast %shift_right_arithmetic3A_75 : i32 to vector<16xi32>
    %shift_right_arithmetic3A_77 = arith.shrsi %get3A_74, %shift_right_arithmetic3A_76 : vector<16xi32>
    %swap3A_78 = arith.constant 0 : i32
    %swap3A_79 = arith.index_cast %swap3A_78 : i32 to index
    %swap3A_80 = arith.constant 32 : index
    %swap3A_81 = tpu.vector_load %arg10[%swap3A_79, %swap3A_80] {strides = array<i32>} : memref<4x128xi32, #tpu.memory_space<vmem>>, vector<1x16xi32>,
    %swap3A_82 = vector.shape_cast %swap3A_81 : vector<1x16xi32> to vector<16xi32>
    %swap3A_83 = vector.shape_cast %shift_right_arithmetic3A_77 : vector<16xi32> to vector<1x16xi32>
    tpu.vector_store %arg10[%swap3A_79, %swap3A_80], %swap3A_83 {strides = array<i32>} : memref<4x128xi32, #tpu.memory_space<vmem>>, vector<1x16xi32>,
    %get3A_84 = arith.constant 0 : i32
    %get3A_85 = arith.index_cast %get3A_84 : i32 to index
    %get3A_86 = arith.constant 48 : index
    %get3A_87 = tpu.vector_load %arg7[%get3A_85, %get3A_86] {strides = array<i32>} : memref<4x128xi32, #tpu.memory_space<vmem>>, vector<1x16xi32>,
    %get3A_88 = vector.shape_cast %get3A_87 : vector<1x16xi32> to vector<16xi32>
    %shift_right_arithmetic3A_89 = arith.constant 3 : i32
    %shift_right_arithmetic3A_90 = vector.broadcast %shift_right_arithmetic3A_89 : i32 to vector<16xi32>
    %shift_right_arithmetic3A_91 = arith.shrsi %get3A_88, %shift_right_arithmetic3A_90 : vector<16xi32>
    %swap3A_92 = arith.constant 0 : i32
    %swap3A_93 = arith.index_cast %swap3A_92 : i32 to index
    %swap3A_94 = arith.constant 48 : index
    %swap3A_95 = tpu.vector_load %arg9[%swap3A_93, %swap3A_94] {strides = array<i32>} : memref<4x128xi32, #tpu.memory_space<vmem>>, vector<1x16xi32>,
    %swap3A_96 = vector.shape_cast %swap3A_95 : vector<1x16xi32> to vector<16xi32>
    %swap3A_97 = vector.shape_cast %shift_right_arithmetic3A_91 : vector<16xi32> to vector<1x16xi32>
    tpu.vector_store %arg9[%swap3A_93, %swap3A_94], %swap3A_97 {strides = array<i32>} : memref<4x128xi32, #tpu.memory_space<vmem>>, vector<1x16xi32>,
    %get3A_98 = arith.constant 0 : i32
    %get3A_99 = arith.index_cast %get3A_98 : i32 to index
    %get3A_100 = arith.constant 48 : index
    %get3A_101 = tpu.vector_load %arg8[%get3A_99, %get3A_100] {strides = array<i32>} : memref<4x128xi32, #tpu.memory_space<vmem>>, vector<1x16xi32>,
    %get3A_102 = vector.shape_cast %get3A_101 : vector<1x16xi32> to vector<16xi32>
    %shift_right_arithmetic3A_103 = arith.constant 3 : i32
    %shift_right_arithmetic3A_104 = vector.broadcast %shift_right_arithmetic3A_103 : i32 to vector<16xi32>
    %shift_right_arithmetic3A_105 = arith.shrsi %get3A_102, %shift_right_arithmetic3A_104 : vector<16xi32>
    %swap3A_106 = arith.constant 0 : i32
    %swap3A_107 = arith.index_cast %swap3A_106 : i32 to index
    %swap3A_108 = arith.constant 48 : index
    %swap3A_109 = tpu.vector_load %arg10[%swap3A_107, %swap3A_108] {strides = array<i32>} : memref<4x128xi32, #tpu.memory_space<vmem>>, vector<1x16xi32>,
    %swap3A_110 = vector.shape_cast %swap3A_109 : vector<1x16xi32> to vector<16xi32>
    %swap3A_111 = vector.shape_cast %shift_right_arithmetic3A_105 : vector<16xi32> to vector<1x16xi32>
    tpu.vector_store %arg10[%swap3A_107, %swap3A_108], %swap3A_111 {strides = array<i32>} : memref<4x128xi32, #tpu.memory_space<vmem>>, vector<1x16xi32>,
    %get3A_112 = arith.constant 0 : i32
    %get3A_113 = arith.index_cast %get3A_112 : i32 to index
    %get3A_114 = arith.constant 64 : index
    %get3A_115 = tpu.vector_load %arg7[%get3A_113, %get3A_114] {strides = array<i32>} : memref<4x128xi32, #tpu.memory_space<vmem>>, vector<1x16xi32>,
    %get3A_116 = vector.shape_cast %get3A_115 : vector<1x16xi32> to vector<16xi32>
    %shift_right_arithmetic3A_117 = arith.constant 3 : i32
    %shift_right_arithmetic3A_118 = vector.broadcast %shift_right_arithmetic3A_117 : i32 to vector<16xi32>
    %shift_right_arithmetic3A_119 = arith.shrsi %get3A_116, %shift_right_arithmetic3A_118 : vector<16xi32>
    %swap3A_120 = arith.constant 0 : i32
    %swap3A_121 = arith.index_cast %swap3A_120 : i32 to index
    %swap3A_122 = arith.constant 64 : index
    %swap3A_123 = tpu.vector_load %arg9[%swap3A_121, %swap3A_122] {strides = array<i32>} : memref<4x128xi32, #tpu.memory_space<vmem>>, vector<1x16xi32>,
    %swap3A_124 = vector.shape_cast %swap3A_123 : vector<1x16xi32> to vector<16xi32>
    %swap3A_125 = vector.shape_cast %shift_right_arithmetic3A_119 : vector<16xi32> to vector<1x16xi32>
    tpu.vector_store %arg9[%swap3A_121, %swap3A_122], %swap3A_125 {strides = array<i32>} : memref<4x128xi32, #tpu.memory_space<vmem>>, vector<1x16xi32>,
    %get3A_126 = arith.constant 0 : i32
    %get3A_127 = arith.index_cast %get3A_126 : i32 to index
    %get3A_128 = arith.constant 64 : index
    %get3A_129 = tpu.vector_load %arg8[%get3A_127, %get3A_128] {strides = array<i32>} : memref<4x128xi32, #tpu.memory_space<vmem>>, vector<1x16xi32>,
    %get3A_130 = vector.shape_cast %get3A_129 : vector<1x16xi32> to vector<16xi32>
    %shift_right_arithmetic3A_131 = arith.constant 3 : i32
    %shift_right_arithmetic3A_132 = vector.broadcast %shift_right_arithmetic3A_131 : i32 to vector<16xi32>
    %shift_right_arithmetic3A_133 = arith.shrsi %get3A_130, %shift_right_arithmetic3A_132 : vector<16xi32>
    %swap3A_134 = arith.constant 0 : i32
    %swap3A_135 = arith.index_cast %swap3A_134 : i32 to index
    %swap3A_136 = arith.constant 64 : index
    %swap3A_137 = tpu.vector_load %arg10[%swap3A_135, %swap3A_136] {strides = array<i32>} : memref<4x128xi32, #tpu.memory_space<vmem>>, vector<1x16xi32>,
    %swap3A_138 = vector.shape_cast %swap3A_137 : vector<1x16xi32> to vector<16xi32>
    %swap3A_139 = vector.shape_cast %shift_right_arithmetic3A_133 : vector<16xi32> to vector<1x16xi32>
    tpu.vector_store %arg10[%swap3A_135, %swap3A_136], %swap3A_139 {strides = array<i32>} : memref<4x128xi32, #tpu.memory_space<vmem>>, vector<1x16xi32>,
    %get3A_140 = arith.constant 0 : i32
    %get3A_141 = arith.index_cast %get3A_140 : i32 to index
    %get3A_142 = arith.constant 80 : index
    %get3A_143 = tpu.vector_load %arg7[%get3A_141, %get3A_142] {strides = array<i32>} : memref<4x128xi32, #tpu.memory_space<vmem>>, vector<1x16xi32>,
    %get3A_144 = vector.shape_cast %get3A_143 : vector<1x16xi32> to vector<16xi32>
    %shift_right_arithmetic3A_145 = arith.constant 3 : i32
    %shift_right_arithmetic3A_146 = vector.broadcast %shift_right_arithmetic3A_145 : i32 to vector<16xi32>
    %shift_right_arithmetic3A_147 = arith.shrsi %get3A_144, %shift_right_arithmetic3A_146 : vector<16xi32>
    %swap3A_148 = arith.constant 0 : i32
    %swap3A_149 = arith.index_cast %swap3A_148 : i32 to index
    %swap3A_150 = arith.constant 80 : index
    %swap3A_151 = tpu.vector_load %arg9[%swap3A_149, %swap3A_150] {strides = array<i32>} : memref<4x128xi32, #tpu.memory_space<vmem>>, vector<1x16xi32>,
    %swap3A_152 = vector.shape_cast %swap3A_151 : vector<1x16xi32> to vector<16xi32>
    %swap3A_153 = vector.shape_cast %shift_right_arithmetic3A_147 : vector<16xi32> to vector<1x16xi32>
    tpu.vector_store %arg9[%swap3A_149, %swap3A_150], %swap3A_153 {strides = array<i32>} : memref<4x128xi32, #tpu.memory_space<vmem>>, vector<1x16xi32>,
    %get3A_154 = arith.constant 0 : i32
    %get3A_155 = arith.index_cast %get3A_154 : i32 to index
    %get3A_156 = arith.constant 80 : index
    %get3A_157 = tpu.vector_load %arg8[%get3A_155, %get3A_156] {strides = array<i32>} : memref<4x128xi32, #tpu.memory_space<vmem>>, vector<1x16xi32>,
    %get3A_158 = vector.shape_cast %get3A_157 : vector<1x16xi32> to vector<16xi32>
    %shift_right_arithmetic3A_159 = arith.constant 3 : i32
    %shift_right_arithmetic3A_160 = vector.broadcast %shift_right_arithmetic3A_159 : i32 to vector<16xi32>
    %shift_right_arithmetic3A_161 = arith.shrsi %get3A_158, %shift_right_arithmetic3A_160 : vector<16xi32>
    %swap3A_162 = arith.constant 0 : i32
    %swap3A_163 = arith.index_cast %swap3A_162 : i32 to index
    %swap3A_164 = arith.constant 80 : index
    %swap3A_165 = tpu.vector_load %arg10[%swap3A_163, %swap3A_164] {strides = array<i32>} : memref<4x128xi32, #tpu.memory_space<vmem>>, vector<1x16xi32>,
    %swap3A_166 = vector.shape_cast %swap3A_165 : vector<1x16xi32> to vector<16xi32>
    %swap3A_167 = vector.shape_cast %shift_right_arithmetic3A_161 : vector<16xi32> to vector<1x16xi32>
    tpu.vector_store %arg10[%swap3A_163, %swap3A_164], %swap3A_167 {strides = array<i32>} : memref<4x128xi32, #tpu.memory_space<vmem>>, vector<1x16xi32>,
    %get3A_168 = arith.constant 0 : i32
    %get3A_169 = arith.index_cast %get3A_168 : i32 to index
    %get3A_170 = arith.constant 96 : index
    %get3A_171 = tpu.vector_load %arg7[%get3A_169, %get3A_170] {strides = array<i32>} : memref<4x128xi32, #tpu.memory_space<vmem>>, vector<1x16xi32>,
    %get3A_172 = vector.shape_cast %get3A_171 : vector<1x16xi32> to vector<16xi32>
    %shift_right_arithmetic3A_173 = arith.constant 3 : i32
    %shift_right_arithmetic3A_174 = vector.broadcast %shift_right_arithmetic3A_173 : i32 to vector<16xi32>
    %shift_right_arithmetic3A_175 = arith.shrsi %get3A_172, %shift_right_arithmetic3A_174 : vector<16xi32>
    %swap3A_176 = arith.constant 0 : i32
    %swap3A_177 = arith.index_cast %swap3A_176 : i32 to index
    %swap3A_178 = arith.constant 96 : index
    %swap3A_179 = tpu.vector_load %arg9[%swap3A_177, %swap3A_178] {strides = array<i32>} : memref<4x128xi32, #tpu.memory_space<vmem>>, vector<1x16xi32>,
    %swap3A_180 = vector.shape_cast %swap3A_179 : vector<1x16xi32> to vector<16xi32>
    %swap3A_181 = vector.shape_cast %shift_right_arithmetic3A_175 : vector<16xi32> to vector<1x16xi32>
    tpu.vector_store %arg9[%swap3A_177, %swap3A_178], %swap3A_181 {strides = array<i32>} : memref<4x128xi32, #tpu.memory_space<vmem>>, vector<1x16xi32>,
    %get3A_182 = arith.constant 0 : i32
    %get3A_183 = arith.index_cast %get3A_182 : i32 to index
    %get3A_184 = arith.constant 96 : index
    %get3A_185 = tpu.vector_load %arg8[%get3A_183, %get3A_184] {strides = array<i32>} : memref<4x128xi32, #tpu.memory_space<vmem>>, vector<1x16xi32>,
    %get3A_186 = vector.shape_cast %get3A_185 : vector<1x16xi32> to vector<16xi32>
    %shift_right_arithmetic3A_187 = arith.constant 3 : i32
    %shift_right_arithmetic3A_188 = vector.broadcast %shift_right_arithmetic3A_187 : i32 to vector<16xi32>
    %shift_right_arithmetic3A_189 = arith.shrsi %get3A_186, %shift_right_arithmetic3A_188 : vector<16xi32>
    %swap3A_190 = arith.constant 0 : i32
    %swap3A_191 = arith.index_cast %swap3A_190 : i32 to index
    %swap3A_192 = arith.constant 96 : index
    %swap3A_193 = tpu.vector_load %arg10[%swap3A_191, %swap3A_192] {strides = array<i32>} : memref<4x128xi32, #tpu.memory_space<vmem>>, vector<1x16xi32>,
    %swap3A_194 = vector.shape_cast %swap3A_193 : vector<1x16xi32> to vector<16xi32>
    %swap3A_195 = vector.shape_cast %shift_right_arithmetic3A_189 : vector<16xi32> to vector<1x16xi32>
    tpu.vector_store %arg10[%swap3A_191, %swap3A_192], %swap3A_195 {strides = array<i32>} : memref<4x128xi32, #tpu.memory_space<vmem>>, vector<1x16xi32>,
    %get3A_196 = arith.constant 0 : i32
    %get3A_197 = arith.index_cast %get3A_196 : i32 to index
    %get3A_198 = arith.constant 112 : index
    %get3A_199 = tpu.vector_load %arg7[%get3A_197, %get3A_198] {strides = array<i32>} : memref<4x128xi32, #tpu.memory_space<vmem>>, vector<1x16xi32>,
    %get3A_200 = vector.shape_cast %get3A_199 : vector<1x16xi32> to vector<16xi32>
    %shift_right_arithmetic3A_201 = arith.constant 3 : i32
    %shift_right_arithmetic3A_202 = vector.broadcast %shift_right_arithmetic3A_201 : i32 to vector<16xi32>
    %shift_right_arithmetic3A_203 = arith.shrsi %get3A_200, %shift_right_arithmetic3A_202 : vector<16xi32>
    %swap3A_204 = arith.constant 0 : i32
    %swap3A_205 = arith.index_cast %swap3A_204 : i32 to index
    %swap3A_206 = arith.constant 112 : index
    %swap3A_207 = tpu.vector_load %arg9[%swap3A_205, %swap3A_206] {strides = array<i32>} : memref<4x128xi32, #tpu.memory_space<vmem>>, vector<1x16xi32>,
    %swap3A_208 = vector.shape_cast %swap3A_207 : vector<1x16xi32> to vector<16xi32>
    %swap3A_209 = vector.shape_cast %shift_right_arithmetic3A_203 : vector<16xi32> to vector<1x16xi32>
    tpu.vector_store %arg9[%swap3A_205, %swap3A_206], %swap3A_209 {strides = array<i32>} : memref<4x128xi32, #tpu.memory_space<vmem>>, vector<1x16xi32>,
    %get3A_210 = arith.constant 0 : i32
    %get3A_211 = arith.index_cast %get3A_210 : i32 to index
    %get3A_212 = arith.constant 112 : index
    %get3A_213 = tpu.vector_load %arg8[%get3A_211, %get3A_212] {strides = array<i32>} : memref<4x128xi32, #tpu.memory_space<vmem>>, vector<1x16xi32>,
    %get3A_214 = vector.shape_cast %get3A_213 : vector<1x16xi32> to vector<16xi32>
    %shift_right_arithmetic3A_215 = arith.constant 3 : i32
    %shift_right_arithmetic3A_216 = vector.broadcast %shift_right_arithmetic3A_215 : i32 to vector<16xi32>
    %shift_right_arithmetic3A_217 = arith.shrsi %get3A_214, %shift_right_arithmetic3A_216 : vector<16xi32>
    %swap3A_218 = arith.constant 0 : i32
    %swap3A_219 = arith.index_cast %swap3A_218 : i32 to index
    %swap3A_220 = arith.constant 112 : index
    %swap3A_221 = tpu.vector_load %arg10[%swap3A_219, %swap3A_220] {strides = array<i32>} : memref<4x128xi32, #tpu.memory_space<vmem>>, vector<1x16xi32>,
    %swap3A_222 = vector.shape_cast %swap3A_221 : vector<1x16xi32> to vector<16xi32>
    %swap3A_223 = vector.shape_cast %shift_right_arithmetic3A_217 : vector<16xi32> to vector<1x16xi32>
    tpu.vector_store %arg10[%swap3A_219, %swap3A_220], %swap3A_223 {strides = array<i32>} : memref<4x128xi32, #tpu.memory_space<vmem>>, vector<1x16xi32>,
    %get3A_224 = arith.constant 1 : i32
    %get3A_225 = arith.index_cast %get3A_224 : i32 to index
    %get3A_226 = arith.constant 0 : index
    %get3A_227 = tpu.vector_load %arg7[%get3A_225, %get3A_226] {strides = array<i32>} : memref<4x128xi32, #tpu.memory_space<vmem>>, vector<1x16xi32>,
    %get3A_228 = vector.shape_cast %get3A_227 : vector<1x16xi32> to vector<16xi32>
    %shift_right_arithmetic3A_229 = arith.constant 3 : i32
    %shift_right_arithmetic3A_230 = vector.broadcast %shift_right_arithmetic3A_229 : i32 to vector<16xi32>
    %shift_right_arithmetic3A_231 = arith.shrsi %get3A_228, %shift_right_arithmetic3A_230 : vector<16xi32>
    %swap3A_232 = arith.constant 1 : i32
    %swap3A_233 = arith.index_cast %swap3A_232 : i32 to index
    %swap3A_234 = arith.constant 0 : index
    %swap3A_235 = tpu.vector_load %arg9[%swap3A_233, %swap3A_234] {strides = array<i32>} : memref<4x128xi32, #tpu.memory_space<vmem>>, vector<1x16xi32>,
    %swap3A_236 = vector.shape_cast %swap3A_235 : vector<1x16xi32> to vector<16xi32>
    %swap3A_237 = vector.shape_cast %shift_right_arithmetic3A_231 : vector<16xi32> to vector<1x16xi32>
    tpu.vector_store %arg9[%swap3A_233, %swap3A_234], %swap3A_237 {strides = array<i32>} : memref<4x128xi32, #tpu.memory_space<vmem>>, vector<1x16xi32>,
    %get3A_238 = arith.constant 1 : i32
    %get3A_239 = arith.index_cast %get3A_238 : i32 to index
    %get3A_240 = arith.constant 0 : index
    %get3A_241 = tpu.vector_load %arg8[%get3A_239, %get3A_240] {strides = array<i32>} : memref<4x128xi32, #tpu.memory_space<vmem>>, vector<1x16xi32>,
    %get3A_242 = vector.shape_cast %get3A_241 : vector<1x16xi32> to vector<16xi32>
    %shift_right_arithmetic3A_243 = arith.constant 3 : i32
    %shift_right_arithmetic3A_244 = vector.broadcast %shift_right_arithmetic3A_243 : i32 to vector<16xi32>
    %shift_right_arithmetic3A_245 = arith.shrsi %get3A_242, %shift_right_arithmetic3A_244 : vector<16xi32>
    %swap3A_246 = arith.constant 1 : i32
    %swap3A_247 = arith.index_cast %swap3A_246 : i32 to index
    %swap3A_248 = arith.constant 0 : index
    %swap3A_249 = tpu.vector_load %arg10[%swap3A_247, %swap3A_248] {strides = array<i32>} : memref<4x128xi32, #tpu.memory_space<vmem>>, vector<1x16xi32>,
    %swap3A_250 = vector.shape_cast %swap3A_249 : vector<1x16xi32> to vector<16xi32>
    %swap3A_251 = vector.shape_cast %shift_right_arithmetic3A_245 : vector<16xi32> to vector<1x16xi32>
    tpu.vector_store %arg10[%swap3A_247, %swap3A_248], %swap3A_251 {strides = array<i32>} : memref<4x128xi32, #tpu.memory_space<vmem>>, vector<1x16xi32>,
    %get3A_252 = arith.constant 1 : i32
    %get3A_253 = arith.index_cast %get3A_252 : i32 to index
    %get3A_254 = arith.constant 16 : index
    %get3A_255 = tpu.vector_load %arg7[%get3A_253, %get3A_254] {strides = array<i32>} : memref<4x128xi32, #tpu.memory_space<vmem>>, vector<1x16xi32>,
    %get3A_256 = vector.shape_cast %get3A_255 : vector<1x16xi32> to vector<16xi32>
    %shift_right_arithmetic3A_257 = arith.constant 3 : i32
    %shift_right_arithmetic3A_258 = vector.broadcast %shift_right_arithmetic3A_257 : i32 to vector<16xi32>
    %shift_right_arithmetic3A_259 = arith.shrsi %get3A_256, %shift_right_arithmetic3A_258 : vector<16xi32>
    %swap3A_260 = arith.constant 1 : i32
    %swap3A_261 = arith.index_cast %swap3A_260 : i32 to index
    %swap3A_262 = arith.constant 16 : index
    %swap3A_263 = tpu.vector_load %arg9[%swap3A_261, %swap3A_262] {strides = array<i32>} : memref<4x128xi32, #tpu.memory_space<vmem>>, vector<1x16xi32>,
    %swap3A_264 = vector.shape_cast %swap3A_263 : vector<1x16xi32> to vector<16xi32>
    %swap3A_265 = vector.shape_cast %shift_right_arithmetic3A_259 : vector<16xi32> to vector<1x16xi32>
    tpu.vector_store %arg9[%swap3A_261, %swap3A_262], %swap3A_265 {strides = array<i32>} : memref<4x128xi32, #tpu.memory_space<vmem>>, vector<1x16xi32>,
    %get3A_266 = arith.constant 1 : i32
    %get3A_267 = arith.index_cast %get3A_266 : i32 to index
    %get3A_268 = arith.constant 16 : index
    %get3A_269 = tpu.vector_load %arg8[%get3A_267, %get3A_268] {strides = array<i32>} : memref<4x128xi32, #tpu.memory_space<vmem>>, vector<1x16xi32>,
    %get3A_270 = vector.shape_cast %get3A_269 : vector<1x16xi32> to vector<16xi32>
    %shift_right_arithmetic3A_271 = arith.constant 3 : i32
    %shift_right_arithmetic3A_272 = vector.broadcast %shift_right_arithmetic3A_271 : i32 to vector<16xi32>
    %shift_right_arithmetic3A_273 = arith.shrsi %get3A_270, %shift_right_arithmetic3A_272 : vector<16xi32>
    %swap3A_274 = arith.constant 1 : i32
    %swap3A_275 = arith.index_cast %swap3A_274 : i32 to index
    %swap3A_276 = arith.constant 16 : index
    %swap3A_277 = tpu.vector_load %arg10[%swap3A_275, %swap3A_276] {strides = array<i32>} : memref<4x128xi32, #tpu.memory_space<vmem>>, vector<1x16xi32>,
    %swap3A_278 = vector.shape_cast %swap3A_277 : vector<1x16xi32> to vector<16xi32>
    %swap3A_279 = vector.shape_cast %shift_right_arithmetic3A_273 : vector<16xi32> to vector<1x16xi32>
    tpu.vector_store %arg10[%swap3A_275, %swap3A_276], %swap3A_279 {strides = array<i32>} : memref<4x128xi32, #tpu.memory_space<vmem>>, vector<1x16xi32>,
    %get3A_280 = arith.constant 1 : i32
    %get3A_281 = arith.index_cast %get3A_280 : i32 to index
    %get3A_282 = arith.constant 32 : index
    %get3A_283 = tpu.vector_load %arg7[%get3A_281, %get3A_282] {strides = array<i32>} : memref<4x128xi32, #tpu.memory_space<vmem>>, vector<1x16xi32>,
    %get3A_284 = vector.shape_cast %get3A_283 : vector<1x16xi32> to vector<16xi32>
    %shift_right_arithmetic3A_285 = arith.constant 3 : i32
    %shift_right_arithmetic3A_286 = vector.broadcast %shift_right_arithmetic3A_285 : i32 to vector<16xi32>
    %shift_right_arithmetic3A_287 = arith.shrsi %get3A_284, %shift_right_arithmetic3A_286 : vector<16xi32>
    %swap3A_288 = arith.constant 1 : i32
    %swap3A_289 = arith.index_cast %swap3A_288 : i32 to index
    %swap3A_290 = arith.constant 32 : index
    %swap3A_291 = tpu.vector_load %arg9[%swap3A_289, %swap3A_290] {strides = array<i32>} : memref<4x128xi32, #tpu.memory_space<vmem>>, vector<1x16xi32>,
    %swap3A_292 = vector.shape_cast %swap3A_291 : vector<1x16xi32> to vector<16xi32>
    %swap3A_293 = vector.shape_cast %shift_right_arithmetic3A_287 : vector<16xi32> to vector<1x16xi32>
    tpu.vector_store %arg9[%swap3A_289, %swap3A_290], %swap3A_293 {strides = array<i32>} : memref<4x128xi32, #tpu.memory_space<vmem>>, vector<1x16xi32>,
    %get3A_294 = arith.constant 1 : i32
    %get3A_295 = arith.index_cast %get3A_294 : i32 to index
    %get3A_296 = arith.constant 32 : index
    %get3A_297 = tpu.vector_load %arg8[%get3A_295, %get3A_296] {strides = array<i32>} : memref<4x128xi32, #tpu.memory_space<vmem>>, vector<1x16xi32>,
    %get3A_298 = vector.shape_cast %get3A_297 : vector<1x16xi32> to vector<16xi32>
    %shift_right_arithmetic3A_299 = arith.constant 3 : i32
    %shift_right_arithmetic3A_300 = vector.broadcast %shift_right_arithmetic3A_299 : i32 to vector<16xi32>
    %shift_right_arithmetic3A_301 = arith.shrsi %get3A_298, %shift_right_arithmetic3A_300 : vector<16xi32>
    %swap3A_302 = arith.constant 1 : i32
    %swap3A_303 = arith.index_cast %swap3A_302 : i32 to index
    %swap3A_304 = arith.constant 32 : index
    %swap3A_305 = tpu.vector_load %arg10[%swap3A_303, %swap3A_304] {strides = array<i32>} : memref<4x128xi32, #tpu.memory_space<vmem>>, vector<1x16xi32>,
    %swap3A_306 = vector.shape_cast %swap3A_305 : vector<1x16xi32> to vector<16xi32>
    %swap3A_307 = vector.shape_cast %shift_right_arithmetic3A_301 : vector<16xi32> to vector<1x16xi32>
    tpu.vector_store %arg10[%swap3A_303, %swap3A_304], %swap3A_307 {strides = array<i32>} : memref<4x128xi32, #tpu.memory_space<vmem>>, vector<1x16xi32>,
    %get3A_308 = arith.constant 1 : i32
    %get3A_309 = arith.index_cast %get3A_308 : i32 to index
    %get3A_310 = arith.constant 48 : index
    %get3A_311 = tpu.vector_load %arg7[%get3A_309, %get3A_310] {strides = array<i32>} : memref<4x128xi32, #tpu.memory_space<vmem>>, vector<1x16xi32>,
    %get3A_312 = vector.shape_cast %get3A_311 : vector<1x16xi32> to vector<16xi32>
    %shift_right_arithmetic3A_313 = arith.constant 3 : i32
    %shift_right_arithmetic3A_314 = vector.broadcast %shift_right_arithmetic3A_313 : i32 to vector<16xi32>
    %shift_right_arithmetic3A_315 = arith.shrsi %get3A_312, %shift_right_arithmetic3A_314 : vector<16xi32>
    %swap3A_316 = arith.constant 1 : i32
    %swap3A_317 = arith.index_cast %swap3A_316 : i32 to index
    %swap3A_318 = arith.constant 48 : index
    %swap3A_319 = tpu.vector_load %arg9[%swap3A_317, %swap3A_318] {strides = array<i32>} : memref<4x128xi32, #tpu.memory_space<vmem>>, vector<1x16xi32>,
    %swap3A_320 = vector.shape_cast %swap3A_319 : vector<1x16xi32> to vector<16xi32>
    %swap3A_321 = vector.shape_cast %shift_right_arithmetic3A_315 : vector<16xi32> to vector<1x16xi32>
    tpu.vector_store %arg9[%swap3A_317, %swap3A_318], %swap3A_321 {strides = array<i32>} : memref<4x128xi32, #tpu.memory_space<vmem>>, vector<1x16xi32>,
    %get3A_322 = arith.constant 1 : i32
    %get3A_323 = arith.index_cast %get3A_322 : i32 to index
    %get3A_324 = arith.constant 48 : index
    %get3A_325 = tpu.vector_load %arg8[%get3A_323, %get3A_324] {strides = array<i32>} : memref<4x128xi32, #tpu.memory_space<vmem>>, vector<1x16xi32>,
    %get3A_326 = vector.shape_cast %get3A_325 : vector<1x16xi32> to vector<16xi32>
    %shift_right_arithmetic3A_327 = arith.constant 3 : i32
    %shift_right_arithmetic3A_328 = vector.broadcast %shift_right_arithmetic3A_327 : i32 to vector<16xi32>
    %shift_right_arithmetic3A_329 = arith.shrsi %get3A_326, %shift_right_arithmetic3A_328 : vector<16xi32>
    %swap3A_330 = arith.constant 1 : i32
    %swap3A_331 = arith.index_cast %swap3A_330 : i32 to index
    %swap3A_332 = arith.constant 48 : index
    %swap3A_333 = tpu.vector_load %arg10[%swap3A_331, %swap3A_332] {strides = array<i32>} : memref<4x128xi32, #tpu.memory_space<vmem>>, vector<1x16xi32>,
    %swap3A_334 = vector.shape_cast %swap3A_333 : vector<1x16xi32> to vector<16xi32>
    %swap3A_335 = vector.shape_cast %shift_right_arithmetic3A_329 : vector<16xi32> to vector<1x16xi32>
    tpu.vector_store %arg10[%swap3A_331, %swap3A_332], %swap3A_335 {strides = array<i32>} : memref<4x128xi32, #tpu.memory_space<vmem>>, vector<1x16xi32>,
    %get3A_336 = arith.constant 1 : i32
    %get3A_337 = arith.index_cast %get3A_336 : i32 to index
    %get3A_338 = arith.constant 64 : index
    %get3A_339 = tpu.vector_load %arg7[%get3A_337, %get3A_338] {strides = array<i32>} : memref<4x128xi32, #tpu.memory_space<vmem>>, vector<1x16xi32>,
    %get3A_340 = vector.shape_cast %get3A_339 : vector<1x16xi32> to vector<16xi32>
    %shift_right_arithmetic3A_341 = arith.constant 3 : i32
    %shift_right_arithmetic3A_342 = vector.broadcast %shift_right_arithmetic3A_341 : i32 to vector<16xi32>
    %shift_right_arithmetic3A_343 = arith.shrsi %get3A_340, %shift_right_arithmetic3A_342 : vector<16xi32>
    %swap3A_344 = arith.constant 1 : i32
    %swap3A_345 = arith.index_cast %swap3A_344 : i32 to index
    %swap3A_346 = arith.constant 64 : index
    %swap3A_347 = tpu.vector_load %arg9[%swap3A_345, %swap3A_346] {strides = array<i32>} : memref<4x128xi32, #tpu.memory_space<vmem>>, vector<1x16xi32>,
    %swap3A_348 = vector.shape_cast %swap3A_347 : vector<1x16xi32> to vector<16xi32>
    %swap3A_349 = vector.shape_cast %shift_right_arithmetic3A_343 : vector<16xi32> to vector<1x16xi32>
    tpu.vector_store %arg9[%swap3A_345, %swap3A_346], %swap3A_349 {strides = array<i32>} : memref<4x128xi32, #tpu.memory_space<vmem>>, vector<1x16xi32>,
    %get3A_350 = arith.constant 1 : i32
    %get3A_351 = arith.index_cast %get3A_350 : i32 to index
    %get3A_352 = arith.constant 64 : index
    %get3A_353 = tpu.vector_load %arg8[%get3A_351, %get3A_352] {strides = array<i32>} : memref<4x128xi32, #tpu.memory_space<vmem>>, vector<1x16xi32>,
    %get3A_354 = vector.shape_cast %get3A_353 : vector<1x16xi32> to vector<16xi32>
    %shift_right_arithmetic3A_355 = arith.constant 3 : i32
    %shift_right_arithmetic3A_356 = vector.broadcast %shift_right_arithmetic3A_355 : i32 to vector<16xi32>
    %shift_right_arithmetic3A_357 = arith.shrsi %get3A_354, %shift_right_arithmetic3A_356 : vector<16xi32>
    %swap3A_358 = arith.constant 1 : i32
    %swap3A_359 = arith.index_cast %swap3A_358 : i32 to index
    %swap3A_360 = arith.constant 64 : index
    %swap3A_361 = tpu.vector_load %arg10[%swap3A_359, %swap3A_360] {strides = array<i32>} : memref<4x128xi32, #tpu.memory_space<vmem>>, vector<1x16xi32>,
    %swap3A_362 = vector.shape_cast %swap3A_361 : vector<1x16xi32> to vector<16xi32>
    %swap3A_363 = vector.shape_cast %shift_right_arithmetic3A_357 : vector<16xi32> to vector<1x16xi32>
    tpu.vector_store %arg10[%swap3A_359, %swap3A_360], %swap3A_363 {strides = array<i32>} : memref<4x128xi32, #tpu.memory_space<vmem>>, vector<1x16xi32>,
    %get3A_364 = arith.constant 1 : i32
    %get3A_365 = arith.index_cast %get3A_364 : i32 to index
    %get3A_366 = arith.constant 80 : index
    %get3A_367 = tpu.vector_load %arg7[%get3A_365, %get3A_366] {strides = array<i32>} : memref<4x128xi32, #tpu.memory_space<vmem>>, vector<1x16xi32>,
    %get3A_368 = vector.shape_cast %get3A_367 : vector<1x16xi32> to vector<16xi32>
    %shift_right_arithmetic3A_369 = arith.constant 3 : i32
    %shift_right_arithmetic3A_370 = vector.broadcast %shift_right_arithmetic3A_369 : i32 to vector<16xi32>
    %shift_right_arithmetic3A_371 = arith.shrsi %get3A_368, %shift_right_arithmetic3A_370 : vector<16xi32>
    %swap3A_372 = arith.constant 1 : i32
    %swap3A_373 = arith.index_cast %swap3A_372 : i32 to index
    %swap3A_374 = arith.constant 80 : index
    %swap3A_375 = tpu.vector_load %arg9[%swap3A_373, %swap3A_374] {strides = array<i32>} : memref<4x128xi32, #tpu.memory_space<vmem>>, vector<1x16xi32>,
    %swap3A_376 = vector.shape_cast %swap3A_375 : vector<1x16xi32> to vector<16xi32>
    %swap3A_377 = vector.shape_cast %shift_right_arithmetic3A_371 : vector<16xi32> to vector<1x16xi32>
    tpu.vector_store %arg9[%swap3A_373, %swap3A_374], %swap3A_377 {strides = array<i32>} : memref<4x128xi32, #tpu.memory_space<vmem>>, vector<1x16xi32>,
    %get3A_378 = arith.constant 1 : i32
    %get3A_379 = arith.index_cast %get3A_378 : i32 to index
    %get3A_380 = arith.constant 80 : index
    %get3A_381 = tpu.vector_load %arg8[%get3A_379, %get3A_380] {strides = array<i32>} : memref<4x128xi32, #tpu.memory_space<vmem>>, vector<1x16xi32>,
    %get3A_382 = vector.shape_cast %get3A_381 : vector<1x16xi32> to vector<16xi32>
    %shift_right_arithmetic3A_383 = arith.constant 3 : i32
    %shift_right_arithmetic3A_384 = vector.broadcast %shift_right_arithmetic3A_383 : i32 to vector<16xi32>
    %shift_right_arithmetic3A_385 = arith.shrsi %get3A_382, %shift_right_arithmetic3A_384 : vector<16xi32>
    %swap3A_386 = arith.constant 1 : i32
    %swap3A_387 = arith.index_cast %swap3A_386 : i32 to index
    %swap3A_388 = arith.constant 80 : index
    %swap3A_389 = tpu.vector_load %arg10[%swap3A_387, %swap3A_388] {strides = array<i32>} : memref<4x128xi32, #tpu.memory_space<vmem>>, vector<1x16xi32>,
    %swap3A_390 = vector.shape_cast %swap3A_389 : vector<1x16xi32> to vector<16xi32>
    %swap3A_391 = vector.shape_cast %shift_right_arithmetic3A_385 : vector<16xi32> to vector<1x16xi32>
    tpu.vector_store %arg10[%swap3A_387, %swap3A_388], %swap3A_391 {strides = array<i32>} : memref<4x128xi32, #tpu.memory_space<vmem>>, vector<1x16xi32>,
    %get3A_392 = arith.constant 1 : i32
    %get3A_393 = arith.index_cast %get3A_392 : i32 to index
    %get3A_394 = arith.constant 96 : index
    %get3A_395 = tpu.vector_load %arg7[%get3A_393, %get3A_394] {strides = array<i32>} : memref<4x128xi32, #tpu.memory_space<vmem>>, vector<1x16xi32>,
    %get3A_396 = vector.shape_cast %get3A_395 : vector<1x16xi32> to vector<16xi32>
    %shift_right_arithmetic3A_397 = arith.constant 3 : i32
    %shift_right_arithmetic3A_398 = vector.broadcast %shift_right_arithmetic3A_397 : i32 to vector<16xi32>
    %shift_right_arithmetic3A_399 = arith.shrsi %get3A_396, %shift_right_arithmetic3A_398 : vector<16xi32>
    %swap3A_400 = arith.constant 1 : i32
    %swap3A_401 = arith.index_cast %swap3A_400 : i32 to index
    %swap3A_402 = arith.constant 96 : index
    %swap3A_403 = tpu.vector_load %arg9[%swap3A_401, %swap3A_402] {strides = array<i32>} : memref<4x128xi32, #tpu.memory_space<vmem>>, vector<1x16xi32>,
    %swap3A_404 = vector.shape_cast %swap3A_403 : vector<1x16xi32> to vector<16xi32>
    %swap3A_405 = vector.shape_cast %shift_right_arithmetic3A_399 : vector<16xi32> to vector<1x16xi32>
    tpu.vector_store %arg9[%swap3A_401, %swap3A_402], %swap3A_405 {strides = array<i32>} : memref<4x128xi32, #tpu.memory_space<vmem>>, vector<1x16xi32>,
    %get3A_406 = arith.constant 1 : i32
    %get3A_407 = arith.index_cast %get3A_406 : i32 to index
    %get3A_408 = arith.constant 96 : index
    %get3A_409 = tpu.vector_load %arg8[%get3A_407, %get3A_408] {strides = array<i32>} : memref<4x128xi32, #tpu.memory_space<vmem>>, vector<1x16xi32>,
    %get3A_410 = vector.shape_cast %get3A_409 : vector<1x16xi32> to vector<16xi32>
    %shift_right_arithmetic3A_411 = arith.constant 3 : i32
    %shift_right_arithmetic3A_412 = vector.broadcast %shift_right_arithmetic3A_411 : i32 to vector<16xi32>
    %shift_right_arithmetic3A_413 = arith.shrsi %get3A_410, %shift_right_arithmetic3A_412 : vector<16xi32>
    %swap3A_414 = arith.constant 1 : i32
    %swap3A_415 = arith.index_cast %swap3A_414 : i32 to index
    %swap3A_416 = arith.constant 96 : index
    %swap3A_417 = tpu.vector_load %arg10[%swap3A_415, %swap3A_416] {strides = array<i32>} : memref<4x128xi32, #tpu.memory_space<vmem>>, vector<1x16xi32>,
    %swap3A_418 = vector.shape_cast %swap3A_417 : vector<1x16xi32> to vector<16xi32>
    %swap3A_419 = vector.shape_cast %shift_right_arithmetic3A_413 : vector<16xi32> to vector<1x16xi32>
    tpu.vector_store %arg10[%swap3A_415, %swap3A_416], %swap3A_419 {strides = array<i32>} : memref<4x128xi32, #tpu.memory_space<vmem>>, vector<1x16xi32>,
    %get3A_420 = arith.constant 1 : i32
    %get3A_421 = arith.index_cast %get3A_420 : i32 to index
    %get3A_422 = arith.constant 112 : index
    %get3A_423 = tpu.vector_load %arg7[%get3A_421, %get3A_422] {strides = array<i32>} : memref<4x128xi32, #tpu.memory_space<vmem>>, vector<1x16xi32>,
    %get3A_424 = vector.shape_cast %get3A_423 : vector<1x16xi32> to vector<16xi32>
    %shift_right_arithmetic3A_425 = arith.constant 3 : i32
    %shift_right_arithmetic3A_426 = vector.broadcast %shift_right_arithmetic3A_425 : i32 to vector<16xi32>
    %shift_right_arithmetic3A_427 = arith.shrsi %get3A_424, %shift_right_arithmetic3A_426 : vector<16xi32>
    %swap3A_428 = arith.constant 1 : i32
    %swap3A_429 = arith.index_cast %swap3A_428 : i32 to index
    %swap3A_430 = arith.constant 112 : index
    %swap3A_431 = tpu.vector_load %arg9[%swap3A_429, %swap3A_430] {strides = array<i32>} : memref<4x128xi32, #tpu.memory_space<vmem>>, vector<1x16xi32>,
    %swap3A_432 = vector.shape_cast %swap3A_431 : vector<1x16xi32> to vector<16xi32>
    %swap3A_433 = vector.shape_cast %shift_right_arithmetic3A_427 : vector<16xi32> to vector<1x16xi32>
    tpu.vector_store %arg9[%swap3A_429, %swap3A_430], %swap3A_433 {strides = array<i32>} : memref<4x128xi32, #tpu.memory_space<vmem>>, vector<1x16xi32>,
    %get3A_434 = arith.constant 1 : i32
    %get3A_435 = arith.index_cast %get3A_434 : i32 to index
    %get3A_436 = arith.constant 112 : index
    %get3A_437 = tpu.vector_load %arg8[%get3A_435, %get3A_436] {strides = array<i32>} : memref<4x128xi32, #tpu.memory_space<vmem>>, vector<1x16xi32>,
    %get3A_438 = vector.shape_cast %get3A_437 : vector<1x16xi32> to vector<16xi32>
    %shift_right_arithmetic3A_439 = arith.constant 3 : i32
    %shift_right_arithmetic3A_440 = vector.broadcast %shift_right_arithmetic3A_439 : i32 to vector<16xi32>
    %shift_right_arithmetic3A_441 = arith.shrsi %get3A_438, %shift_right_arithmetic3A_440 : vector<16xi32>
    %swap3A_442 = arith.constant 1 : i32
    %swap3A_443 = arith.index_cast %swap3A_442 : i32 to index
    %swap3A_444 = arith.constant 112 : index
    %swap3A_445 = tpu.vector_load %arg10[%swap3A_443, %swap3A_444] {strides = array<i32>} : memref<4x128xi32, #tpu.memory_space<vmem>>, vector<1x16xi32>,
    %swap3A_446 = vector.shape_cast %swap3A_445 : vector<1x16xi32> to vector<16xi32>
    %swap3A_447 = vector.shape_cast %shift_right_arithmetic3A_441 : vector<16xi32> to vector<1x16xi32>
    tpu.vector_store %arg10[%swap3A_443, %swap3A_444], %swap3A_447 {strides = array<i32>} : memref<4x128xi32, #tpu.memory_space<vmem>>, vector<1x16xi32>,
    %get3A_448 = arith.constant 2 : i32
    %get3A_449 = arith.index_cast %get3A_448 : i32 to index
    %get3A_450 = arith.constant 0 : index
    %get3A_451 = tpu.vector_load %arg7[%get3A_449, %get3A_450] {strides = array<i32>} : memref<4x128xi32, #tpu.memory_space<vmem>>, vector<1x16xi32>,
    %get3A_452 = vector.shape_cast %get3A_451 : vector<1x16xi32> to vector<16xi32>
    %shift_right_arithmetic3A_453 = arith.constant 3 : i32
    %shift_right_arithmetic3A_454 = vector.broadcast %shift_right_arithmetic3A_453 : i32 to vector<16xi32>
    %shift_right_arithmetic3A_455 = arith.shrsi %get3A_452, %shift_right_arithmetic3A_454 : vector<16xi32>
    %swap3A_456 = arith.constant 2 : i32
    %swap3A_457 = arith.index_cast %swap3A_456 : i32 to index
    %swap3A_458 = arith.constant 0 : index
    %swap3A_459 = tpu.vector_load %arg9[%swap3A_457, %swap3A_458] {strides = array<i32>} : memref<4x128xi32, #tpu.memory_space<vmem>>, vector<1x16xi32>,
    %swap3A_460 = vector.shape_cast %swap3A_459 : vector<1x16xi32> to vector<16xi32>
    %swap3A_461 = vector.shape_cast %shift_right_arithmetic3A_455 : vector<16xi32> to vector<1x16xi32>
    tpu.vector_store %arg9[%swap3A_457, %swap3A_458], %swap3A_461 {strides = array<i32>} : memref<4x128xi32, #tpu.memory_space<vmem>>, vector<1x16xi32>,
    %get3A_462 = arith.constant 2 : i32
    %get3A_463 = arith.index_cast %get3A_462 : i32 to index
    %get3A_464 = arith.constant 0 : index
    %get3A_465 = tpu.vector_load %arg8[%get3A_463, %get3A_464] {strides = array<i32>} : memref<4x128xi32, #tpu.memory_space<vmem>>, vector<1x16xi32>,
    %get3A_466 = vector.shape_cast %get3A_465 : vector<1x16xi32> to vector<16xi32>
    %shift_right_arithmetic3A_467 = arith.constant 3 : i32
    %shift_right_arithmetic3A_468 = vector.broadcast %shift_right_arithmetic3A_467 : i32 to vector<16xi32>
    %shift_right_arithmetic3A_469 = arith.shrsi %get3A_466, %shift_right_arithmetic3A_468 : vector<16xi32>
    %swap3A_470 = arith.constant 2 : i32
    %swap3A_471 = arith.index_cast %swap3A_470 : i32 to index
    %swap3A_472 = arith.constant 0 : index
    %swap3A_473 = tpu.vector_load %arg10[%swap3A_471, %swap3A_472] {strides = array<i32>} : memref<4x128xi32, #tpu.memory_space<vmem>>, vector<1x16xi32>,
    %swap3A_474 = vector.shape_cast %swap3A_473 : vector<1x16xi32> to vector<16xi32>
    %swap3A_475 = vector.shape_cast %shift_right_arithmetic3A_469 : vector<16xi32> to vector<1x16xi32>
    tpu.vector_store %arg10[%swap3A_471, %swap3A_472], %swap3A_475 {strides = array<i32>} : memref<4x128xi32, #tpu.memory_space<vmem>>, vector<1x16xi32>,
    %get3A_476 = arith.constant 2 : i32
    %get3A_477 = arith.index_cast %get3A_476 : i32 to index
    %get3A_478 = arith.constant 16 : index
    %get3A_479 = tpu.vector_load %arg7[%get3A_477, %get3A_478] {strides = array<i32>} : memref<4x128xi32, #tpu.memory_space<vmem>>, vector<1x16xi32>,
    %get3A_480 = vector.shape_cast %get3A_479 : vector<1x16xi32> to vector<16xi32>
    %shift_right_arithmetic3A_481 = arith.constant 3 : i32
    %shift_right_arithmetic3A_482 = vector.broadcast %shift_right_arithmetic3A_481 : i32 to vector<16xi32>
    %shift_right_arithmetic3A_483 = arith.shrsi %get3A_480, %shift_right_arithmetic3A_482 : vector<16xi32>
    %swap3A_484 = arith.constant 2 : i32
    %swap3A_485 = arith.index_cast %swap3A_484 : i32 to index
    %swap3A_486 = arith.constant 16 : index
    %swap3A_487 = tpu.vector_load %arg9[%swap3A_485, %swap3A_486] {strides = array<i32>} : memref<4x128xi32, #tpu.memory_space<vmem>>, vector<1x16xi32>,
    %swap3A_488 = vector.shape_cast %swap3A_487 : vector<1x16xi32> to vector<16xi32>
    %swap3A_489 = vector.shape_cast %shift_right_arithmetic3A_483 : vector<16xi32> to vector<1x16xi32>
    tpu.vector_store %arg9[%swap3A_485, %swap3A_486], %swap3A_489 {strides = array<i32>} : memref<4x128xi32, #tpu.memory_space<vmem>>, vector<1x16xi32>,
    %get3A_490 = arith.constant 2 : i32
    %get3A_491 = arith.index_cast %get3A_490 : i32 to index
    %get3A_492 = arith.constant 16 : index
    %get3A_493 = tpu.vector_load %arg8[%get3A_491, %get3A_492] {strides = array<i32>} : memref<4x128xi32, #tpu.memory_space<vmem>>, vector<1x16xi32>,
    %get3A_494 = vector.shape_cast %get3A_493 : vector<1x16xi32> to vector<16xi32>
    %shift_right_arithmetic3A_495 = arith.constant 3 : i32
    %shift_right_arithmetic3A_496 = vector.broadcast %shift_right_arithmetic3A_495 : i32 to vector<16xi32>
    %shift_right_arithmetic3A_497 = arith.shrsi %get3A_494, %shift_right_arithmetic3A_496 : vector<16xi32>
    %swap3A_498 = arith.constant 2 : i32
    %swap3A_499 = arith.index_cast %swap3A_498 : i32 to index
    %swap3A_500 = arith.constant 16 : index
    %swap3A_501 = tpu.vector_load %arg10[%swap3A_499, %swap3A_500] {strides = array<i32>} : memref<4x128xi32, #tpu.memory_space<vmem>>, vector<1x16xi32>,
    %swap3A_502 = vector.shape_cast %swap3A_501 : vector<1x16xi32> to vector<16xi32>
    %swap3A_503 = vector.shape_cast %shift_right_arithmetic3A_497 : vector<16xi32> to vector<1x16xi32>
    tpu.vector_store %arg10[%swap3A_499, %swap3A_500], %swap3A_503 {strides = array<i32>} : memref<4x128xi32, #tpu.memory_space<vmem>>, vector<1x16xi32>,
    %get3A_504 = arith.constant 2 : i32
    %get3A_505 = arith.index_cast %get3A_504 : i32 to index
    %get3A_506 = arith.constant 32 : index
    %get3A_507 = tpu.vector_load %arg7[%get3A_505, %get3A_506] {strides = array<i32>} : memref<4x128xi32, #tpu.memory_space<vmem>>, vector<1x16xi32>,
    %get3A_508 = vector.shape_cast %get3A_507 : vector<1x16xi32> to vector<16xi32>
    %shift_right_arithmetic3A_509 = arith.constant 3 : i32
    %shift_right_arithmetic3A_510 = vector.broadcast %shift_right_arithmetic3A_509 : i32 to vector<16xi32>
    %shift_right_arithmetic3A_511 = arith.shrsi %get3A_508, %shift_right_arithmetic3A_510 : vector<16xi32>
    %swap3A_512 = arith.constant 2 : i32
    %swap3A_513 = arith.index_cast %swap3A_512 : i32 to index
    %swap3A_514 = arith.constant 32 : index
    %swap3A_515 = tpu.vector_load %arg9[%swap3A_513, %swap3A_514] {strides = array<i32>} : memref<4x128xi32, #tpu.memory_space<vmem>>, vector<1x16xi32>,
    %swap3A_516 = vector.shape_cast %swap3A_515 : vector<1x16xi32> to vector<16xi32>
    %swap3A_517 = vector.shape_cast %shift_right_arithmetic3A_511 : vector<16xi32> to vector<1x16xi32>
    tpu.vector_store %arg9[%swap3A_513, %swap3A_514], %swap3A_517 {strides = array<i32>} : memref<4x128xi32, #tpu.memory_space<vmem>>, vector<1x16xi32>,
    %get3A_518 = arith.constant 2 : i32
    %get3A_519 = arith.index_cast %get3A_518 : i32 to index
    %get3A_520 = arith.constant 32 : index
    %get3A_521 = tpu.vector_load %arg8[%get3A_519, %get3A_520] {strides = array<i32>} : memref<4x128xi32, #tpu.memory_space<vmem>>, vector<1x16xi32>,
    %get3A_522 = vector.shape_cast %get3A_521 : vector<1x16xi32> to vector<16xi32>
    %shift_right_arithmetic3A_523 = arith.constant 3 : i32
    %shift_right_arithmetic3A_524 = vector.broadcast %shift_right_arithmetic3A_523 : i32 to vector<16xi32>
    %shift_right_arithmetic3A_525 = arith.shrsi %get3A_522, %shift_right_arithmetic3A_524 : vector<16xi32>
    %swap3A_526 = arith.constant 2 : i32
    %swap3A_527 = arith.index_cast %swap3A_526 : i32 to index
    %swap3A_528 = arith.constant 32 : index
    %swap3A_529 = tpu.vector_load %arg10[%swap3A_527, %swap3A_528] {strides = array<i32>} : memref<4x128xi32, #tpu.memory_space<vmem>>, vector<1x16xi32>,
    %swap3A_530 = vector.shape_cast %swap3A_529 : vector<1x16xi32> to vector<16xi32>
    %swap3A_531 = vector.shape_cast %shift_right_arithmetic3A_525 : vector<16xi32> to vector<1x16xi32>
    tpu.vector_store %arg10[%swap3A_527, %swap3A_528], %swap3A_531 {strides = array<i32>} : memref<4x128xi32, #tpu.memory_space<vmem>>, vector<1x16xi32>,
    %get3A_532 = arith.constant 2 : i32
    %get3A_533 = arith.index_cast %get3A_532 : i32 to index
    %get3A_534 = arith.constant 48 : index
    %get3A_535 = tpu.vector_load %arg7[%get3A_533, %get3A_534] {strides = array<i32>} : memref<4x128xi32, #tpu.memory_space<vmem>>, vector<1x16xi32>,
    %get3A_536 = vector.shape_cast %get3A_535 : vector<1x16xi32> to vector<16xi32>
    %shift_right_arithmetic3A_537 = arith.constant 3 : i32
    %shift_right_arithmetic3A_538 = vector.broadcast %shift_right_arithmetic3A_537 : i32 to vector<16xi32>
    %shift_right_arithmetic3A_539 = arith.shrsi %get3A_536, %shift_right_arithmetic3A_538 : vector<16xi32>
    %swap3A_540 = arith.constant 2 : i32
    %swap3A_541 = arith.index_cast %swap3A_540 : i32 to index
    %swap3A_542 = arith.constant 48 : index
    %swap3A_543 = tpu.vector_load %arg9[%swap3A_541, %swap3A_542] {strides = array<i32>} : memref<4x128xi32, #tpu.memory_space<vmem>>, vector<1x16xi32>,
    %swap3A_544 = vector.shape_cast %swap3A_543 : vector<1x16xi32> to vector<16xi32>
    %swap3A_545 = vector.shape_cast %shift_right_arithmetic3A_539 : vector<16xi32> to vector<1x16xi32>
    tpu.vector_store %arg9[%swap3A_541, %swap3A_542], %swap3A_545 {strides = array<i32>} : memref<4x128xi32, #tpu.memory_space<vmem>>, vector<1x16xi32>,
    %get3A_546 = arith.constant 2 : i32
    %get3A_547 = arith.index_cast %get3A_546 : i32 to index
    %get3A_548 = arith.constant 48 : index
    %get3A_549 = tpu.vector_load %arg8[%get3A_547, %get3A_548] {strides = array<i32>} : memref<4x128xi32, #tpu.memory_space<vmem>>, vector<1x16xi32>,
    %get3A_550 = vector.shape_cast %get3A_549 : vector<1x16xi32> to vector<16xi32>
    %shift_right_arithmetic3A_551 = arith.constant 3 : i32
    %shift_right_arithmetic3A_552 = vector.broadcast %shift_right_arithmetic3A_551 : i32 to vector<16xi32>
    %shift_right_arithmetic3A_553 = arith.shrsi %get3A_550, %shift_right_arithmetic3A_552 : vector<16xi32>
    %swap3A_554 = arith.constant 2 : i32
    %swap3A_555 = arith.index_cast %swap3A_554 : i32 to index
    %swap3A_556 = arith.constant 48 : index
    %swap3A_557 = tpu.vector_load %arg10[%swap3A_555, %swap3A_556] {strides = array<i32>} : memref<4x128xi32, #tpu.memory_space<vmem>>, vector<1x16xi32>,
    %swap3A_558 = vector.shape_cast %swap3A_557 : vector<1x16xi32> to vector<16xi32>
    %swap3A_559 = vector.shape_cast %shift_right_arithmetic3A_553 : vector<16xi32> to vector<1x16xi32>
    tpu.vector_store %arg10[%swap3A_555, %swap3A_556], %swap3A_559 {strides = array<i32>} : memref<4x128xi32, #tpu.memory_space<vmem>>, vector<1x16xi32>,
    %get3A_560 = arith.constant 2 : i32
    %get3A_561 = arith.index_cast %get3A_560 : i32 to index
    %get3A_562 = arith.constant 64 : index
    %get3A_563 = tpu.vector_load %arg7[%get3A_561, %get3A_562] {strides = array<i32>} : memref<4x128xi32, #tpu.memory_space<vmem>>, vector<1x16xi32>,
    %get3A_564 = vector.shape_cast %get3A_563 : vector<1x16xi32> to vector<16xi32>
    %shift_right_arithmetic3A_565 = arith.constant 3 : i32
    %shift_right_arithmetic3A_566 = vector.broadcast %shift_right_arithmetic3A_565 : i32 to vector<16xi32>
    %shift_right_arithmetic3A_567 = arith.shrsi %get3A_564, %shift_right_arithmetic3A_566 : vector<16xi32>
    %swap3A_568 = arith.constant 2 : i32
    %swap3A_569 = arith.index_cast %swap3A_568 : i32 to index
    %swap3A_570 = arith.constant 64 : index
    %swap3A_571 = tpu.vector_load %arg9[%swap3A_569, %swap3A_570] {strides = array<i32>} : memref<4x128xi32, #tpu.memory_space<vmem>>, vector<1x16xi32>,
    %swap3A_572 = vector.shape_cast %swap3A_571 : vector<1x16xi32> to vector<16xi32>
    %swap3A_573 = vector.shape_cast %shift_right_arithmetic3A_567 : vector<16xi32> to vector<1x16xi32>
    tpu.vector_store %arg9[%swap3A_569, %swap3A_570], %swap3A_573 {strides = array<i32>} : memref<4x128xi32, #tpu.memory_space<vmem>>, vector<1x16xi32>,
    %get3A_574 = arith.constant 2 : i32
    %get3A_575 = arith.index_cast %get3A_574 : i32 to index
    %get3A_576 = arith.constant 64 : index
    %get3A_577 = tpu.vector_load %arg8[%get3A_575, %get3A_576] {strides = array<i32>} : memref<4x128xi32, #tpu.memory_space<vmem>>, vector<1x16xi32>,
    %get3A_578 = vector.shape_cast %get3A_577 : vector<1x16xi32> to vector<16xi32>
    %shift_right_arithmetic3A_579 = arith.constant 3 : i32
    %shift_right_arithmetic3A_580 = vector.broadcast %shift_right_arithmetic3A_579 : i32 to vector<16xi32>
    %shift_right_arithmetic3A_581 = arith.shrsi %get3A_578, %shift_right_arithmetic3A_580 : vector<16xi32>
    %swap3A_582 = arith.constant 2 : i32
    %swap3A_583 = arith.index_cast %swap3A_582 : i32 to index
    %swap3A_584 = arith.constant 64 : index
    %swap3A_585 = tpu.vector_load %arg10[%swap3A_583, %swap3A_584] {strides = array<i32>} : memref<4x128xi32, #tpu.memory_space<vmem>>, vector<1x16xi32>,
    %swap3A_586 = vector.shape_cast %swap3A_585 : vector<1x16xi32> to vector<16xi32>
    %swap3A_587 = vector.shape_cast %shift_right_arithmetic3A_581 : vector<16xi32> to vector<1x16xi32>
    tpu.vector_store %arg10[%swap3A_583, %swap3A_584], %swap3A_587 {strides = array<i32>} : memref<4x128xi32, #tpu.memory_space<vmem>>, vector<1x16xi32>,
    %get3A_588 = arith.constant 2 : i32
    %get3A_589 = arith.index_cast %get3A_588 : i32 to index
    %get3A_590 = arith.constant 80 : index
    %get3A_591 = tpu.vector_load %arg7[%get3A_589, %get3A_590] {strides = array<i32>} : memref<4x128xi32, #tpu.memory_space<vmem>>, vector<1x16xi32>,
    %get3A_592 = vector.shape_cast %get3A_591 : vector<1x16xi32> to vector<16xi32>
    %shift_right_arithmetic3A_593 = arith.constant 3 : i32
    %shift_right_arithmetic3A_594 = vector.broadcast %shift_right_arithmetic3A_593 : i32 to vector<16xi32>
    %shift_right_arithmetic3A_595 = arith.shrsi %get3A_592, %shift_right_arithmetic3A_594 : vector<16xi32>
    %swap3A_596 = arith.constant 2 : i32
    %swap3A_597 = arith.index_cast %swap3A_596 : i32 to index
    %swap3A_598 = arith.constant 80 : index
    %swap3A_599 = tpu.vector_load %arg9[%swap3A_597, %swap3A_598] {strides = array<i32>} : memref<4x128xi32, #tpu.memory_space<vmem>>, vector<1x16xi32>,
    %swap3A_600 = vector.shape_cast %swap3A_599 : vector<1x16xi32> to vector<16xi32>
    %swap3A_601 = vector.shape_cast %shift_right_arithmetic3A_595 : vector<16xi32> to vector<1x16xi32>
    tpu.vector_store %arg9[%swap3A_597, %swap3A_598], %swap3A_601 {strides = array<i32>} : memref<4x128xi32, #tpu.memory_space<vmem>>, vector<1x16xi32>,
    %get3A_602 = arith.constant 2 : i32
    %get3A_603 = arith.index_cast %get3A_602 : i32 to index
    %get3A_604 = arith.constant 80 : index
    %get3A_605 = tpu.vector_load %arg8[%get3A_603, %get3A_604] {strides = array<i32>} : memref<4x128xi32, #tpu.memory_space<vmem>>, vector<1x16xi32>,
    %get3A_606 = vector.shape_cast %get3A_605 : vector<1x16xi32> to vector<16xi32>
    %shift_right_arithmetic3A_607 = arith.constant 3 : i32
    %shift_right_arithmetic3A_608 = vector.broadcast %shift_right_arithmetic3A_607 : i32 to vector<16xi32>
    %shift_right_arithmetic3A_609 = arith.shrsi %get3A_606, %shift_right_arithmetic3A_608 : vector<16xi32>
    %swap3A_610 = arith.constant 2 : i32
    %swap3A_611 = arith.index_cast %swap3A_610 : i32 to index
    %swap3A_612 = arith.constant 80 : index
    %swap3A_613 = tpu.vector_load %arg10[%swap3A_611, %swap3A_612] {strides = array<i32>} : memref<4x128xi32, #tpu.memory_space<vmem>>, vector<1x16xi32>,
    %swap3A_614 = vector.shape_cast %swap3A_613 : vector<1x16xi32> to vector<16xi32>
    %swap3A_615 = vector.shape_cast %shift_right_arithmetic3A_609 : vector<16xi32> to vector<1x16xi32>
    tpu.vector_store %arg10[%swap3A_611, %swap3A_612], %swap3A_615 {strides = array<i32>} : memref<4x128xi32, #tpu.memory_space<vmem>>, vector<1x16xi32>,
    %get3A_616 = arith.constant 2 : i32
    %get3A_617 = arith.index_cast %get3A_616 : i32 to index
    %get3A_618 = arith.constant 96 : index
    %get3A_619 = tpu.vector_load %arg7[%get3A_617, %get3A_618] {strides = array<i32>} : memref<4x128xi32, #tpu.memory_space<vmem>>, vector<1x16xi32>,
    %get3A_620 = vector.shape_cast %get3A_619 : vector<1x16xi32> to vector<16xi32>
    %shift_right_arithmetic3A_621 = arith.constant 3 : i32
    %shift_right_arithmetic3A_622 = vector.broadcast %shift_right_arithmetic3A_621 : i32 to vector<16xi32>
    %shift_right_arithmetic3A_623 = arith.shrsi %get3A_620, %shift_right_arithmetic3A_622 : vector<16xi32>
    %swap3A_624 = arith.constant 2 : i32
    %swap3A_625 = arith.index_cast %swap3A_624 : i32 to index
    %swap3A_626 = arith.constant 96 : index
    %swap3A_627 = tpu.vector_load %arg9[%swap3A_625, %swap3A_626] {strides = array<i32>} : memref<4x128xi32, #tpu.memory_space<vmem>>, vector<1x16xi32>,
    %swap3A_628 = vector.shape_cast %swap3A_627 : vector<1x16xi32> to vector<16xi32>
    %swap3A_629 = vector.shape_cast %shift_right_arithmetic3A_623 : vector<16xi32> to vector<1x16xi32>
    tpu.vector_store %arg9[%swap3A_625, %swap3A_626], %swap3A_629 {strides = array<i32>} : memref<4x128xi32, #tpu.memory_space<vmem>>, vector<1x16xi32>,
    %get3A_630 = arith.constant 2 : i32
    %get3A_631 = arith.index_cast %get3A_630 : i32 to index
    %get3A_632 = arith.constant 96 : index
    %get3A_633 = tpu.vector_load %arg8[%get3A_631, %get3A_632] {strides = array<i32>} : memref<4x128xi32, #tpu.memory_space<vmem>>, vector<1x16xi32>,
    %get3A_634 = vector.shape_cast %get3A_633 : vector<1x16xi32> to vector<16xi32>
    %shift_right_arithmetic3A_635 = arith.constant 3 : i32
    %shift_right_arithmetic3A_636 = vector.broadcast %shift_right_arithmetic3A_635 : i32 to vector<16xi32>
    %shift_right_arithmetic3A_637 = arith.shrsi %get3A_634, %shift_right_arithmetic3A_636 : vector<16xi32>
    %swap3A_638 = arith.constant 2 : i32
    %swap3A_639 = arith.index_cast %swap3A_638 : i32 to index
    %swap3A_640 = arith.constant 96 : index
    %swap3A_641 = tpu.vector_load %arg10[%swap3A_639, %swap3A_640] {strides = array<i32>} : memref<4x128xi32, #tpu.memory_space<vmem>>, vector<1x16xi32>,
    %swap3A_642 = vector.shape_cast %swap3A_641 : vector<1x16xi32> to vector<16xi32>
    %swap3A_643 = vector.shape_cast %shift_right_arithmetic3A_637 : vector<16xi32> to vector<1x16xi32>
    tpu.vector_store %arg10[%swap3A_639, %swap3A_640], %swap3A_643 {strides = array<i32>} : memref<4x128xi32, #tpu.memory_space<vmem>>, vector<1x16xi32>,
    %get3A_644 = arith.constant 2 : i32
    %get3A_645 = arith.index_cast %get3A_644 : i32 to index
    %get3A_646 = arith.constant 112 : index
    %get3A_647 = tpu.vector_load %arg7[%get3A_645, %get3A_646] {strides = array<i32>} : memref<4x128xi32, #tpu.memory_space<vmem>>, vector<1x16xi32>,
    %get3A_648 = vector.shape_cast %get3A_647 : vector<1x16xi32> to vector<16xi32>
    %shift_right_arithmetic3A_649 = arith.constant 3 : i32
    %shift_right_arithmetic3A_650 = vector.broadcast %shift_right_arithmetic3A_649 : i32 to vector<16xi32>
    %shift_right_arithmetic3A_651 = arith.shrsi %get3A_648, %shift_right_arithmetic3A_650 : vector<16xi32>
    %swap3A_652 = arith.constant 2 : i32
    %swap3A_653 = arith.index_cast %swap3A_652 : i32 to index
    %swap3A_654 = arith.constant 112 : index
    %swap3A_655 = tpu.vector_load %arg9[%swap3A_653, %swap3A_654] {strides = array<i32>} : memref<4x128xi32, #tpu.memory_space<vmem>>, vector<1x16xi32>,
    %swap3A_656 = vector.shape_cast %swap3A_655 : vector<1x16xi32> to vector<16xi32>
    %swap3A_657 = vector.shape_cast %shift_right_arithmetic3A_651 : vector<16xi32> to vector<1x16xi32>
    tpu.vector_store %arg9[%swap3A_653, %swap3A_654], %swap3A_657 {strides = array<i32>} : memref<4x128xi32, #tpu.memory_space<vmem>>, vector<1x16xi32>,
    %get3A_658 = arith.constant 2 : i32
    %get3A_659 = arith.index_cast %get3A_658 : i32 to index
    %get3A_660 = arith.constant 112 : index
    %get3A_661 = tpu.vector_load %arg8[%get3A_659, %get3A_660] {strides = array<i32>} : memref<4x128xi32, #tpu.memory_space<vmem>>, vector<1x16xi32>,
    %get3A_662 = vector.shape_cast %get3A_661 : vector<1x16xi32> to vector<16xi32>
    %shift_right_arithmetic3A_663 = arith.constant 3 : i32
    %shift_right_arithmetic3A_664 = vector.broadcast %shift_right_arithmetic3A_663 : i32 to vector<16xi32>
    %shift_right_arithmetic3A_665 = arith.shrsi %get3A_662, %shift_right_arithmetic3A_664 : vector<16xi32>
    %swap3A_666 = arith.constant 2 : i32
    %swap3A_667 = arith.index_cast %swap3A_666 : i32 to index
    %swap3A_668 = arith.constant 112 : index
    %swap3A_669 = tpu.vector_load %arg10[%swap3A_667, %swap3A_668] {strides = array<i32>} : memref<4x128xi32, #tpu.memory_space<vmem>>, vector<1x16xi32>,
    %swap3A_670 = vector.shape_cast %swap3A_669 : vector<1x16xi32> to vector<16xi32>
    %swap3A_671 = vector.shape_cast %shift_right_arithmetic3A_665 : vector<16xi32> to vector<1x16xi32>
    tpu.vector_store %arg10[%swap3A_667, %swap3A_668], %swap3A_671 {strides = array<i32>} : memref<4x128xi32, #tpu.memory_space<vmem>>, vector<1x16xi32>,
    %get3A_672 = arith.constant 3 : i32
    %get3A_673 = arith.index_cast %get3A_672 : i32 to index
    %get3A_674 = arith.constant 0 : index
    %get3A_675 = tpu.vector_load %arg7[%get3A_673, %get3A_674] {strides = array<i32>} : memref<4x128xi32, #tpu.memory_space<vmem>>, vector<1x16xi32>,
    %get3A_676 = vector.shape_cast %get3A_675 : vector<1x16xi32> to vector<16xi32>
    %shift_right_arithmetic3A_677 = arith.constant 3 : i32
    %shift_right_arithmetic3A_678 = vector.broadcast %shift_right_arithmetic3A_677 : i32 to vector<16xi32>
    %shift_right_arithmetic3A_679 = arith.shrsi %get3A_676, %shift_right_arithmetic3A_678 : vector<16xi32>
    %swap3A_680 = arith.constant 3 : i32
    %swap3A_681 = arith.index_cast %swap3A_680 : i32 to index
    %swap3A_682 = arith.constant 0 : index
    %swap3A_683 = tpu.vector_load %arg9[%swap3A_681, %swap3A_682] {strides = array<i32>} : memref<4x128xi32, #tpu.memory_space<vmem>>, vector<1x16xi32>,
    %swap3A_684 = vector.shape_cast %swap3A_683 : vector<1x16xi32> to vector<16xi32>
    %swap3A_685 = vector.shape_cast %shift_right_arithmetic3A_679 : vector<16xi32> to vector<1x16xi32>
    tpu.vector_store %arg9[%swap3A_681, %swap3A_682], %swap3A_685 {strides = array<i32>} : memref<4x128xi32, #tpu.memory_space<vmem>>, vector<1x16xi32>,
    %get3A_686 = arith.constant 3 : i32
    %get3A_687 = arith.index_cast %get3A_686 : i32 to index
    %get3A_688 = arith.constant 0 : index
    %get3A_689 = tpu.vector_load %arg8[%get3A_687, %get3A_688] {strides = array<i32>} : memref<4x128xi32, #tpu.memory_space<vmem>>, vector<1x16xi32>,
    %get3A_690 = vector.shape_cast %get3A_689 : vector<1x16xi32> to vector<16xi32>
    %shift_right_arithmetic3A_691 = arith.constant 3 : i32
    %shift_right_arithmetic3A_692 = vector.broadcast %shift_right_arithmetic3A_691 : i32 to vector<16xi32>
    %shift_right_arithmetic3A_693 = arith.shrsi %get3A_690, %shift_right_arithmetic3A_692 : vector<16xi32>
    %swap3A_694 = arith.constant 3 : i32
    %swap3A_695 = arith.index_cast %swap3A_694 : i32 to index
    %swap3A_696 = arith.constant 0 : index
    %swap3A_697 = tpu.vector_load %arg10[%swap3A_695, %swap3A_696] {strides = array<i32>} : memref<4x128xi32, #tpu.memory_space<vmem>>, vector<1x16xi32>,
    %swap3A_698 = vector.shape_cast %swap3A_697 : vector<1x16xi32> to vector<16xi32>
    %swap3A_699 = vector.shape_cast %shift_right_arithmetic3A_693 : vector<16xi32> to vector<1x16xi32>
    tpu.vector_store %arg10[%swap3A_695, %swap3A_696], %swap3A_699 {strides = array<i32>} : memref<4x128xi32, #tpu.memory_space<vmem>>, vector<1x16xi32>,
    %get3A_700 = arith.constant 3 : i32
    %get3A_701 = arith.index_cast %get3A_700 : i32 to index
    %get3A_702 = arith.constant 16 : index
    %get3A_703 = tpu.vector_load %arg7[%get3A_701, %get3A_702] {strides = array<i32>} : memref<4x128xi32, #tpu.memory_space<vmem>>, vector<1x16xi32>,
    %get3A_704 = vector.shape_cast %get3A_703 : vector<1x16xi32> to vector<16xi32>
    %shift_right_arithmetic3A_705 = arith.constant 3 : i32
    %shift_right_arithmetic3A_706 = vector.broadcast %shift_right_arithmetic3A_705 : i32 to vector<16xi32>
    %shift_right_arithmetic3A_707 = arith.shrsi %get3A_704, %shift_right_arithmetic3A_706 : vector<16xi32>
    %swap3A_708 = arith.constant 3 : i32
    %swap3A_709 = arith.index_cast %swap3A_708 : i32 to index
    %swap3A_710 = arith.constant 16 : index
    %swap3A_711 = tpu.vector_load %arg9[%swap3A_709, %swap3A_710] {strides = array<i32>} : memref<4x128xi32, #tpu.memory_space<vmem>>, vector<1x16xi32>,
    %swap3A_712 = vector.shape_cast %swap3A_711 : vector<1x16xi32> to vector<16xi32>
    %swap3A_713 = vector.shape_cast %shift_right_arithmetic3A_707 : vector<16xi32> to vector<1x16xi32>
    tpu.vector_store %arg9[%swap3A_709, %swap3A_710], %swap3A_713 {strides = array<i32>} : memref<4x128xi32, #tpu.memory_space<vmem>>, vector<1x16xi32>,
    %get3A_714 = arith.constant 3 : i32
    %get3A_715 = arith.index_cast %get3A_714 : i32 to index
    %get3A_716 = arith.constant 16 : index
    %get3A_717 = tpu.vector_load %arg8[%get3A_715, %get3A_716] {strides = array<i32>} : memref<4x128xi32, #tpu.memory_space<vmem>>, vector<1x16xi32>,
    %get3A_718 = vector.shape_cast %get3A_717 : vector<1x16xi32> to vector<16xi32>
    %shift_right_arithmetic3A_719 = arith.constant 3 : i32
    %shift_right_arithmetic3A_720 = vector.broadcast %shift_right_arithmetic3A_719 : i32 to vector<16xi32>
    %shift_right_arithmetic3A_721 = arith.shrsi %get3A_718, %shift_right_arithmetic3A_720 : vector<16xi32>
    %swap3A_722 = arith.constant 3 : i32
    %swap3A_723 = arith.index_cast %swap3A_722 : i32 to index
    %swap3A_724 = arith.constant 16 : index
    %swap3A_725 = tpu.vector_load %arg10[%swap3A_723, %swap3A_724] {strides = array<i32>} : memref<4x128xi32, #tpu.memory_space<vmem>>, vector<1x16xi32>,
    %swap3A_726 = vector.shape_cast %swap3A_725 : vector<1x16xi32> to vector<16xi32>
    %swap3A_727 = vector.shape_cast %shift_right_arithmetic3A_721 : vector<16xi32> to vector<1x16xi32>
    tpu.vector_store %arg10[%swap3A_723, %swap3A_724], %swap3A_727 {strides = array<i32>} : memref<4x128xi32, #tpu.memory_space<vmem>>, vector<1x16xi32>,
    %get3A_728 = arith.constant 3 : i32
    %get3A_729 = arith.index_cast %get3A_728 : i32 to index
    %get3A_730 = arith.constant 32 : index
    %get3A_731 = tpu.vector_load %arg7[%get3A_729, %get3A_730] {strides = array<i32>} : memref<4x128xi32, #tpu.memory_space<vmem>>, vector<1x16xi32>,
    %get3A_732 = vector.shape_cast %get3A_731 : vector<1x16xi32> to vector<16xi32>
    %shift_right_arithmetic3A_733 = arith.constant 3 : i32
    %shift_right_arithmetic3A_734 = vector.broadcast %shift_right_arithmetic3A_733 : i32 to vector<16xi32>
    %shift_right_arithmetic3A_735 = arith.shrsi %get3A_732, %shift_right_arithmetic3A_734 : vector<16xi32>
    %swap3A_736 = arith.constant 3 : i32
    %swap3A_737 = arith.index_cast %swap3A_736 : i32 to index
    %swap3A_738 = arith.constant 32 : index
    %swap3A_739 = tpu.vector_load %arg9[%swap3A_737, %swap3A_738] {strides = array<i32>} : memref<4x128xi32, #tpu.memory_space<vmem>>, vector<1x16xi32>,
    %swap3A_740 = vector.shape_cast %swap3A_739 : vector<1x16xi32> to vector<16xi32>
    %swap3A_741 = vector.shape_cast %shift_right_arithmetic3A_735 : vector<16xi32> to vector<1x16xi32>
    tpu.vector_store %arg9[%swap3A_737, %swap3A_738], %swap3A_741 {strides = array<i32>} : memref<4x128xi32, #tpu.memory_space<vmem>>, vector<1x16xi32>,
    %get3A_742 = arith.constant 3 : i32
    %get3A_743 = arith.index_cast %get3A_742 : i32 to index
    %get3A_744 = arith.constant 32 : index
    %get3A_745 = tpu.vector_load %arg8[%get3A_743, %get3A_744] {strides = array<i32>} : memref<4x128xi32, #tpu.memory_space<vmem>>, vector<1x16xi32>,
    %get3A_746 = vector.shape_cast %get3A_745 : vector<1x16xi32> to vector<16xi32>
    %shift_right_arithmetic3A_747 = arith.constant 3 : i32
    %shift_right_arithmetic3A_748 = vector.broadcast %shift_right_arithmetic3A_747 : i32 to vector<16xi32>
    %shift_right_arithmetic3A_749 = arith.shrsi %get3A_746, %shift_right_arithmetic3A_748 : vector<16xi32>
    %swap3A_750 = arith.constant 3 : i32
    %swap3A_751 = arith.index_cast %swap3A_750 : i32 to index
    %swap3A_752 = arith.constant 32 : index
    %swap3A_753 = tpu.vector_load %arg10[%swap3A_751, %swap3A_752] {strides = array<i32>} : memref<4x128xi32, #tpu.memory_space<vmem>>, vector<1x16xi32>,
    %swap3A_754 = vector.shape_cast %swap3A_753 : vector<1x16xi32> to vector<16xi32>
    %swap3A_755 = vector.shape_cast %shift_right_arithmetic3A_749 : vector<16xi32> to vector<1x16xi32>
    tpu.vector_store %arg10[%swap3A_751, %swap3A_752], %swap3A_755 {strides = array<i32>} : memref<4x128xi32, #tpu.memory_space<vmem>>, vector<1x16xi32>,
    %get3A_756 = arith.constant 3 : i32
    %get3A_757 = arith.index_cast %get3A_756 : i32 to index
    %get3A_758 = arith.constant 48 : index
    %get3A_759 = tpu.vector_load %arg7[%get3A_757, %get3A_758] {strides = array<i32>} : memref<4x128xi32, #tpu.memory_space<vmem>>, vector<1x16xi32>,
    %get3A_760 = vector.shape_cast %get3A_759 : vector<1x16xi32> to vector<16xi32>
    %shift_right_arithmetic3A_761 = arith.constant 3 : i32
    %shift_right_arithmetic3A_762 = vector.broadcast %shift_right_arithmetic3A_761 : i32 to vector<16xi32>
    %shift_right_arithmetic3A_763 = arith.shrsi %get3A_760, %shift_right_arithmetic3A_762 : vector<16xi32>
    %swap3A_764 = arith.constant 3 : i32
    %swap3A_765 = arith.index_cast %swap3A_764 : i32 to index
    %swap3A_766 = arith.constant 48 : index
    %swap3A_767 = tpu.vector_load %arg9[%swap3A_765, %swap3A_766] {strides = array<i32>} : memref<4x128xi32, #tpu.memory_space<vmem>>, vector<1x16xi32>,
    %swap3A_768 = vector.shape_cast %swap3A_767 : vector<1x16xi32> to vector<16xi32>
    %swap3A_769 = vector.shape_cast %shift_right_arithmetic3A_763 : vector<16xi32> to vector<1x16xi32>
    tpu.vector_store %arg9[%swap3A_765, %swap3A_766], %swap3A_769 {strides = array<i32>} : memref<4x128xi32, #tpu.memory_space<vmem>>, vector<1x16xi32>,
    %get3A_770 = arith.constant 3 : i32
    %get3A_771 = arith.index_cast %get3A_770 : i32 to index
    %get3A_772 = arith.constant 48 : index
    %get3A_773 = tpu.vector_load %arg8[%get3A_771, %get3A_772] {strides = array<i32>} : memref<4x128xi32, #tpu.memory_space<vmem>>, vector<1x16xi32>,
    %get3A_774 = vector.shape_cast %get3A_773 : vector<1x16xi32> to vector<16xi32>
    %shift_right_arithmetic3A_775 = arith.constant 3 : i32
    %shift_right_arithmetic3A_776 = vector.broadcast %shift_right_arithmetic3A_775 : i32 to vector<16xi32>
    %shift_right_arithmetic3A_777 = arith.shrsi %get3A_774, %shift_right_arithmetic3A_776 : vector<16xi32>
    %swap3A_778 = arith.constant 3 : i32
    %swap3A_779 = arith.index_cast %swap3A_778 : i32 to index
    %swap3A_780 = arith.constant 48 : index
    %swap3A_781 = tpu.vector_load %arg10[%swap3A_779, %swap3A_780] {strides = array<i32>} : memref<4x128xi32, #tpu.memory_space<vmem>>, vector<1x16xi32>,
    %swap3A_782 = vector.shape_cast %swap3A_781 : vector<1x16xi32> to vector<16xi32>
    %swap3A_783 = vector.shape_cast %shift_right_arithmetic3A_777 : vector<16xi32> to vector<1x16xi32>
    tpu.vector_store %arg10[%swap3A_779, %swap3A_780], %swap3A_783 {strides = array<i32>} : memref<4x128xi32, #tpu.memory_space<vmem>>, vector<1x16xi32>,
    %get3A_784 = arith.constant 3 : i32
    %get3A_785 = arith.index_cast %get3A_784 : i32 to index
    %get3A_786 = arith.constant 64 : index
    %get3A_787 = tpu.vector_load %arg7[%get3A_785, %get3A_786] {strides = array<i32>} : memref<4x128xi32, #tpu.memory_space<vmem>>, vector<1x16xi32>,
    %get3A_788 = vector.shape_cast %get3A_787 : vector<1x16xi32> to vector<16xi32>
    %shift_right_arithmetic3A_789 = arith.constant 3 : i32
    %shift_right_arithmetic3A_790 = vector.broadcast %shift_right_arithmetic3A_789 : i32 to vector<16xi32>
    %shift_right_arithmetic3A_791 = arith.shrsi %get3A_788, %shift_right_arithmetic3A_790 : vector<16xi32>
    %swap3A_792 = arith.constant 3 : i32
    %swap3A_793 = arith.index_cast %swap3A_792 : i32 to index
    %swap3A_794 = arith.constant 64 : index
    %swap3A_795 = tpu.vector_load %arg9[%swap3A_793, %swap3A_794] {strides = array<i32>} : memref<4x128xi32, #tpu.memory_space<vmem>>, vector<1x16xi32>,
    %swap3A_796 = vector.shape_cast %swap3A_795 : vector<1x16xi32> to vector<16xi32>
    %swap3A_797 = vector.shape_cast %shift_right_arithmetic3A_791 : vector<16xi32> to vector<1x16xi32>
    tpu.vector_store %arg9[%swap3A_793, %swap3A_794], %swap3A_797 {strides = array<i32>} : memref<4x128xi32, #tpu.memory_space<vmem>>, vector<1x16xi32>,
    %get3A_798 = arith.constant 3 : i32
    %get3A_799 = arith.index_cast %get3A_798 : i32 to index
    %get3A_800 = arith.constant 64 : index
    %get3A_801 = tpu.vector_load %arg8[%get3A_799, %get3A_800] {strides = array<i32>} : memref<4x128xi32, #tpu.memory_space<vmem>>, vector<1x16xi32>,
    %get3A_802 = vector.shape_cast %get3A_801 : vector<1x16xi32> to vector<16xi32>
    %shift_right_arithmetic3A_803 = arith.constant 3 : i32
    %shift_right_arithmetic3A_804 = vector.broadcast %shift_right_arithmetic3A_803 : i32 to vector<16xi32>
    %shift_right_arithmetic3A_805 = arith.shrsi %get3A_802, %shift_right_arithmetic3A_804 : vector<16xi32>
    %swap3A_806 = arith.constant 3 : i32
    %swap3A_807 = arith.index_cast %swap3A_806 : i32 to index
    %swap3A_808 = arith.constant 64 : index
    %swap3A_809 = tpu.vector_load %arg10[%swap3A_807, %swap3A_808] {strides = array<i32>} : memref<4x128xi32, #tpu.memory_space<vmem>>, vector<1x16xi32>,
    %swap3A_810 = vector.shape_cast %swap3A_809 : vector<1x16xi32> to vector<16xi32>
    %swap3A_811 = vector.shape_cast %shift_right_arithmetic3A_805 : vector<16xi32> to vector<1x16xi32>
    tpu.vector_store %arg10[%swap3A_807, %swap3A_808], %swap3A_811 {strides = array<i32>} : memref<4x128xi32, #tpu.memory_space<vmem>>, vector<1x16xi32>,
    %get3A_812 = arith.constant 3 : i32
    %get3A_813 = arith.index_cast %get3A_812 : i32 to index
    %get3A_814 = arith.constant 80 : index
    %get3A_815 = tpu.vector_load %arg7[%get3A_813, %get3A_814] {strides = array<i32>} : memref<4x128xi32, #tpu.memory_space<vmem>>, vector<1x16xi32>,
    %get3A_816 = vector.shape_cast %get3A_815 : vector<1x16xi32> to vector<16xi32>
    %shift_right_arithmetic3A_817 = arith.constant 3 : i32
    %shift_right_arithmetic3A_818 = vector.broadcast %shift_right_arithmetic3A_817 : i32 to vector<16xi32>
    %shift_right_arithmetic3A_819 = arith.shrsi %get3A_816, %shift_right_arithmetic3A_818 : vector<16xi32>
    %swap3A_820 = arith.constant 3 : i32
    %swap3A_821 = arith.index_cast %swap3A_820 : i32 to index
    %swap3A_822 = arith.constant 80 : index
    %swap3A_823 = tpu.vector_load %arg9[%swap3A_821, %swap3A_822] {strides = array<i32>} : memref<4x128xi32, #tpu.memory_space<vmem>>, vector<1x16xi32>,
    %swap3A_824 = vector.shape_cast %swap3A_823 : vector<1x16xi32> to vector<16xi32>
    %swap3A_825 = vector.shape_cast %shift_right_arithmetic3A_819 : vector<16xi32> to vector<1x16xi32>
    tpu.vector_store %arg9[%swap3A_821, %swap3A_822], %swap3A_825 {strides = array<i32>} : memref<4x128xi32, #tpu.memory_space<vmem>>, vector<1x16xi32>,
    %get3A_826 = arith.constant 3 : i32
    %get3A_827 = arith.index_cast %get3A_826 : i32 to index
    %get3A_828 = arith.constant 80 : index
    %get3A_829 = tpu.vector_load %arg8[%get3A_827, %get3A_828] {strides = array<i32>} : memref<4x128xi32, #tpu.memory_space<vmem>>, vector<1x16xi32>,
    %get3A_830 = vector.shape_cast %get3A_829 : vector<1x16xi32> to vector<16xi32>
    %shift_right_arithmetic3A_831 = arith.constant 3 : i32
    %shift_right_arithmetic3A_832 = vector.broadcast %shift_right_arithmetic3A_831 : i32 to vector<16xi32>
    %shift_right_arithmetic3A_833 = arith.shrsi %get3A_830, %shift_right_arithmetic3A_832 : vector<16xi32>
    %swap3A_834 = arith.constant 3 : i32
    %swap3A_835 = arith.index_cast %swap3A_834 : i32 to index
    %swap3A_836 = arith.constant 80 : index
    %swap3A_837 = tpu.vector_load %arg10[%swap3A_835, %swap3A_836] {strides = array<i32>} : memref<4x128xi32, #tpu.memory_space<vmem>>, vector<1x16xi32>,
    %swap3A_838 = vector.shape_cast %swap3A_837 : vector<1x16xi32> to vector<16xi32>
    %swap3A_839 = vector.shape_cast %shift_right_arithmetic3A_833 : vector<16xi32> to vector<1x16xi32>
    tpu.vector_store %arg10[%swap3A_835, %swap3A_836], %swap3A_839 {strides = array<i32>} : memref<4x128xi32, #tpu.memory_space<vmem>>, vector<1x16xi32>,
    %get3A_840 = arith.constant 3 : i32
    %get3A_841 = arith.index_cast %get3A_840 : i32 to index
    %get3A_842 = arith.constant 96 : index
    %get3A_843 = tpu.vector_load %arg7[%get3A_841, %get3A_842] {strides = array<i32>} : memref<4x128xi32, #tpu.memory_space<vmem>>, vector<1x16xi32>,
    %get3A_844 = vector.shape_cast %get3A_843 : vector<1x16xi32> to vector<16xi32>
    %shift_right_arithmetic3A_845 = arith.constant 3 : i32
    %shift_right_arithmetic3A_846 = vector.broadcast %shift_right_arithmetic3A_845 : i32 to vector<16xi32>
    %shift_right_arithmetic3A_847 = arith.shrsi %get3A_844, %shift_right_arithmetic3A_846 : vector<16xi32>
    %swap3A_848 = arith.constant 3 : i32
    %swap3A_849 = arith.index_cast %swap3A_848 : i32 to index
    %swap3A_850 = arith.constant 96 : index
    %swap3A_851 = tpu.vector_load %arg9[%swap3A_849, %swap3A_850] {strides = array<i32>} : memref<4x128xi32, #tpu.memory_space<vmem>>, vector<1x16xi32>,
    %swap3A_852 = vector.shape_cast %swap3A_851 : vector<1x16xi32> to vector<16xi32>
    %swap3A_853 = vector.shape_cast %shift_right_arithmetic3A_847 : vector<16xi32> to vector<1x16xi32>
    tpu.vector_store %arg9[%swap3A_849, %swap3A_850], %swap3A_853 {strides = array<i32>} : memref<4x128xi32, #tpu.memory_space<vmem>>, vector<1x16xi32>,
    %get3A_854 = arith.constant 3 : i32
    %get3A_855 = arith.index_cast %get3A_854 : i32 to index
    %get3A_856 = arith.constant 96 : index
    %get3A_857 = tpu.vector_load %arg8[%get3A_855, %get3A_856] {strides = array<i32>} : memref<4x128xi32, #tpu.memory_space<vmem>>, vector<1x16xi32>,
    %get3A_858 = vector.shape_cast %get3A_857 : vector<1x16xi32> to vector<16xi32>
    %shift_right_arithmetic3A_859 = arith.constant 3 : i32
    %shift_right_arithmetic3A_860 = vector.broadcast %shift_right_arithmetic3A_859 : i32 to vector<16xi32>
    %shift_right_arithmetic3A_861 = arith.shrsi %get3A_858, %shift_right_arithmetic3A_860 : vector<16xi32>
    %swap3A_862 = arith.constant 3 : i32
    %swap3A_863 = arith.index_cast %swap3A_862 : i32 to index
    %swap3A_864 = arith.constant 96 : index
    %swap3A_865 = tpu.vector_load %arg10[%swap3A_863, %swap3A_864] {strides = array<i32>} : memref<4x128xi32, #tpu.memory_space<vmem>>, vector<1x16xi32>,
    %swap3A_866 = vector.shape_cast %swap3A_865 : vector<1x16xi32> to vector<16xi32>
    %swap3A_867 = vector.shape_cast %shift_right_arithmetic3A_861 : vector<16xi32> to vector<1x16xi32>
    tpu.vector_store %arg10[%swap3A_863, %swap3A_864], %swap3A_867 {strides = array<i32>} : memref<4x128xi32, #tpu.memory_space<vmem>>, vector<1x16xi32>,
    %get3A_868 = arith.constant 3 : i32
    %get3A_869 = arith.index_cast %get3A_868 : i32 to index
    %get3A_870 = arith.constant 112 : index
    %get3A_871 = tpu.vector_load %arg7[%get3A_869, %get3A_870] {strides = array<i32>} : memref<4x128xi32, #tpu.memory_space<vmem>>, vector<1x16xi32>,
    %get3A_872 = vector.shape_cast %get3A_871 : vector<1x16xi32> to vector<16xi32>
    %shift_right_arithmetic3A_873 = arith.constant 3 : i32
    %shift_right_arithmetic3A_874 = vector.broadcast %shift_right_arithmetic3A_873 : i32 to vector<16xi32>
    %shift_right_arithmetic3A_875 = arith.shrsi %get3A_872, %shift_right_arithmetic3A_874 : vector<16xi32>
    %swap3A_876 = arith.constant 3 : i32
    %swap3A_877 = arith.index_cast %swap3A_876 : i32 to index
    %swap3A_878 = arith.constant 112 : index
    %swap3A_879 = tpu.vector_load %arg9[%swap3A_877, %swap3A_878] {strides = array<i32>} : memref<4x128xi32, #tpu.memory_space<vmem>>, vector<1x16xi32>,
    %swap3A_880 = vector.shape_cast %swap3A_879 : vector<1x16xi32> to vector<16xi32>
    %swap3A_881 = vector.shape_cast %shift_right_arithmetic3A_875 : vector<16xi32> to vector<1x16xi32>
    tpu.vector_store %arg9[%swap3A_877, %swap3A_878], %swap3A_881 {strides = array<i32>} : memref<4x128xi32, #tpu.memory_space<vmem>>, vector<1x16xi32>,
    %get3A_882 = arith.constant 3 : i32
    %get3A_883 = arith.index_cast %get3A_882 : i32 to index
    %get3A_884 = arith.constant 112 : index
    %get3A_885 = tpu.vector_load %arg8[%get3A_883, %get3A_884] {strides = array<i32>} : memref<4x128xi32, #tpu.memory_space<vmem>>, vector<1x16xi32>,
    %get3A_886 = vector.shape_cast %get3A_885 : vector<1x16xi32> to vector<16xi32>
    %shift_right_arithmetic3A_887 = arith.constant 3 : i32
    %shift_right_arithmetic3A_888 = vector.broadcast %shift_right_arithmetic3A_887 : i32 to vector<16xi32>
    %shift_right_arithmetic3A_889 = arith.shrsi %get3A_886, %shift_right_arithmetic3A_888 : vector<16xi32>
    %swap3A_890 = arith.constant 3 : i32
    %swap3A_891 = arith.index_cast %swap3A_890 : i32 to index
    %swap3A_892 = arith.constant 112 : index
    %swap3A_893 = tpu.vector_load %arg10[%swap3A_891, %swap3A_892] {strides = array<i32>} : memref<4x128xi32, #tpu.memory_space<vmem>>, vector<1x16xi32>,
    %swap3A_894 = vector.shape_cast %swap3A_893 : vector<1x16xi32> to vector<16xi32>
    %swap3A_895 = vector.shape_cast %shift_right_arithmetic3A_889 : vector<16xi32> to vector<1x16xi32>
    tpu.vector_store %arg10[%swap3A_891, %swap3A_892], %swap3A_895 {strides = array<i32>} : memref<4x128xi32, #tpu.memory_space<vmem>>, vector<1x16xi32>,
    %iota3A = tpu.iota {dimensions = array<i32: 0>} : vector<16xi32>
    %xor3A = arith.constant 8 : i32
    %xor3A_896 = vector.broadcast %xor3A : i32 to vector<16xi32>
    %xor3A_897 = arith.xori %iota3A, %xor3A_896 : vector<16xi32>
    %xor3A_898 = arith.constant 4 : i32
    %xor3A_899 = vector.broadcast %xor3A_898 : i32 to vector<16xi32>
    %xor3A_900 = arith.xori %iota3A, %xor3A_899 : vector<16xi32>
    %xor3A_901 = arith.constant 2 : i32
    %xor3A_902 = vector.broadcast %xor3A_901 : i32 to vector<16xi32>
    %xor3A_903 = arith.xori %iota3A, %xor3A_902 : vector<16xi32>
    %xor3A_904 = arith.constant 1 : i32
    %xor3A_905 = vector.broadcast %xor3A_904 : i32 to vector<16xi32>
    %xor3A_906 = arith.xori %iota3A, %xor3A_905 : vector<16xi32>
    %jit3A = arith.constant 16 : i32
    %eq3A = arith.constant 0 : i32
    %eq3A_907 = arith.cmpi eq, %jit3A, %eq3A : i32
    %jit3A_908 = arith.constant 1 : i32
    %select_n3A = arith.select %eq3A_907, %jit3A_908, %jit3A : i32
    %rem3A = vector.broadcast %select_n3A : i32 to vector<16xi32>
    %rem3A_909 = arith.remsi %iota3A, %rem3A : vector<16xi32>
    %ne3A = arith.constant 0 : i32
    %ne3A_910 = vector.broadcast %ne3A : i32 to vector<16xi32>
    %ne3A_911 = arith.cmpi ne, %rem3A_909, %ne3A_910 : vector<16xi32>
    %lt3A = arith.constant 0 : i32
    %lt3A_912 = vector.broadcast %lt3A : i32 to vector<16xi32>
    %lt3A_913 = arith.cmpi slt, %rem3A_909, %lt3A_912 : vector<16xi32>
    %lt3A_914 = arith.constant 0 : i32
    %lt3A_915 = arith.cmpi slt, %select_n3A, %lt3A_914 : i32
    %ne3A_916 = vector.broadcast %lt3A_915 : i1 to vector<16xi1>
    %ne3A_917 = vector.broadcast %ne3A_916 : vector<16xi1> to vector<16xi1>
    %ne3A_918 = arith.xori %lt3A_913, %ne3A_917 : vector<16xi1>
    %and3A = arith.andi %ne3A_918, %ne3A_911 : vector<16xi1>
    %add3A_919 = vector.broadcast %select_n3A : i32 to vector<16xi32>
    %add3A_920 = arith.addi %rem3A_909, %add3A_919 : vector<16xi32>
    %select_n3A_921 = arith.select %and3A, %add3A_920, %rem3A_909 : vector<16xi1>, vector<16xi32>
    %lt3A_922 = arith.constant 8 : i32
    %lt3A_923 = vector.broadcast %lt3A_922 : i32 to vector<16xi32>
    %lt3A_924 = arith.cmpi slt, %select_n3A_921, %lt3A_923 : vector<16xi32>
    %jit3A_925 = arith.constant 8 : i32
    %eq3A_926 = arith.constant 0 : i32
    %eq3A_927 = arith.cmpi eq, %jit3A_925, %eq3A_926 : i32
    %jit3A_928 = arith.constant 1 : i32
    %select_n3A_929 = arith.select %eq3A_927, %jit3A_928, %jit3A_925 : i32
    %rem3A_930 = vector.broadcast %select_n3A_929 : i32 to vector<16xi32>
    %rem3A_931 = arith.remsi %iota3A, %rem3A_930 : vector<16xi32>
    %ne3A_932 = arith.constant 0 : i32
    %ne3A_933 = vector.broadcast %ne3A_932 : i32 to vector<16xi32>
    %ne3A_934 = arith.cmpi ne, %rem3A_931, %ne3A_933 : vector<16xi32>
    %lt3A_935 = arith.constant 0 : i32
    %lt3A_936 = vector.broadcast %lt3A_935 : i32 to vector<16xi32>
    %lt3A_937 = arith.cmpi slt, %rem3A_931, %lt3A_936 : vector<16xi32>
    %lt3A_938 = arith.constant 0 : i32
    %lt3A_939 = arith.cmpi slt, %select_n3A_929, %lt3A_938 : i32
    %ne3A_940 = vector.broadcast %lt3A_939 : i1 to vector<16xi1>
    %ne3A_941 = vector.broadcast %ne3A_940 : vector<16xi1> to vector<16xi1>
    %ne3A_942 = arith.xori %lt3A_937, %ne3A_941 : vector<16xi1>
    %and3A_943 = arith.andi %ne3A_942, %ne3A_934 : vector<16xi1>
    %add3A_944 = vector.broadcast %select_n3A_929 : i32 to vector<16xi32>
    %add3A_945 = arith.addi %rem3A_931, %add3A_944 : vector<16xi32>
    %select_n3A_946 = arith.select %and3A_943, %add3A_945, %rem3A_931 : vector<16xi1>, vector<16xi32>
    %lt3A_947 = arith.constant 4 : i32
    %lt3A_948 = vector.broadcast %lt3A_947 : i32 to vector<16xi32>
    %lt3A_949 = arith.cmpi slt, %select_n3A_946, %lt3A_948 : vector<16xi32>
    %jit3A_950 = arith.constant 4 : i32
    %eq3A_951 = arith.constant 0 : i32
    %eq3A_952 = arith.cmpi eq, %jit3A_950, %eq3A_951 : i32
    %jit3A_953 = arith.constant 1 : i32
    %select_n3A_954 = arith.select %eq3A_952, %jit3A_953, %jit3A_950 : i32
    %rem3A_955 = vector.broadcast %select_n3A_954 : i32 to vector<16xi32>
    %rem3A_956 = arith.remsi %iota3A, %rem3A_955 : vector<16xi32>
    %ne3A_957 = arith.constant 0 : i32
    %ne3A_958 = vector.broadcast %ne3A_957 : i32 to vector<16xi32>
    %ne3A_959 = arith.cmpi ne, %rem3A_956, %ne3A_958 : vector<16xi32>
    %lt3A_960 = arith.constant 0 : i32
    %lt3A_961 = vector.broadcast %lt3A_960 : i32 to vector<16xi32>
    %lt3A_962 = arith.cmpi slt, %rem3A_956, %lt3A_961 : vector<16xi32>
    %lt3A_963 = arith.constant 0 : i32
    %lt3A_964 = arith.cmpi slt, %select_n3A_954, %lt3A_963 : i32
    %ne3A_965 = vector.broadcast %lt3A_964 : i1 to vector<16xi1>
    %ne3A_966 = vector.broadcast %ne3A_965 : vector<16xi1> to vector<16xi1>
    %ne3A_967 = arith.xori %lt3A_962, %ne3A_966 : vector<16xi1>
    %and3A_968 = arith.andi %ne3A_967, %ne3A_959 : vector<16xi1>
    %add3A_969 = vector.broadcast %select_n3A_954 : i32 to vector<16xi32>
    %add3A_970 = arith.addi %rem3A_956, %add3A_969 : vector<16xi32>
    %select_n3A_971 = arith.select %and3A_968, %add3A_970, %rem3A_956 : vector<16xi1>, vector<16xi32>
    %lt3A_972 = arith.constant 2 : i32
    %lt3A_973 = vector.broadcast %lt3A_972 : i32 to vector<16xi32>
    %lt3A_974 = arith.cmpi slt, %select_n3A_971, %lt3A_973 : vector<16xi32>
    %jit3A_975 = arith.constant 2 : i32
    %eq3A_976 = arith.constant 0 : i32
    %eq3A_977 = arith.cmpi eq, %jit3A_975, %eq3A_976 : i32
    %jit3A_978 = arith.constant 1 : i32
    %select_n3A_979 = arith.select %eq3A_977, %jit3A_978, %jit3A_975 : i32
    %rem3A_980 = vector.broadcast %select_n3A_979 : i32 to vector<16xi32>
    %rem3A_981 = arith.remsi %iota3A, %rem3A_980 : vector<16xi32>
    %ne3A_982 = arith.constant 0 : i32
    %ne3A_983 = vector.broadcast %ne3A_982 : i32 to vector<16xi32>
    %ne3A_984 = arith.cmpi ne, %rem3A_981, %ne3A_983 : vector<16xi32>
    %lt3A_985 = arith.constant 0 : i32
    %lt3A_986 = vector.broadcast %lt3A_985 : i32 to vector<16xi32>
    %lt3A_987 = arith.cmpi slt, %rem3A_981, %lt3A_986 : vector<16xi32>
    %lt3A_988 = arith.constant 0 : i32
    %lt3A_989 = arith.cmpi slt, %select_n3A_979, %lt3A_988 : i32
    %ne3A_990 = vector.broadcast %lt3A_989 : i1 to vector<16xi1>
    %ne3A_991 = vector.broadcast %ne3A_990 : vector<16xi1> to vector<16xi1>
    %ne3A_992 = arith.xori %lt3A_987, %ne3A_991 : vector<16xi1>
    %and3A_993 = arith.andi %ne3A_992, %ne3A_984 : vector<16xi1>
    %add3A_994 = vector.broadcast %select_n3A_979 : i32 to vector<16xi32>
    %add3A_995 = arith.addi %rem3A_981, %add3A_994 : vector<16xi32>
    %select_n3A_996 = arith.select %and3A_993, %add3A_995, %rem3A_981 : vector<16xi1>, vector<16xi32>
    %lt3A_997 = arith.constant 1 : i32
    %lt3A_998 = vector.broadcast %lt3A_997 : i32 to vector<16xi32>
    %lt3A_999 = arith.cmpi slt, %select_n3A_996, %lt3A_998 : vector<16xi32>
    %dma_start3A = arith.constant 0 : i32
    %dma_start3A_1000 = arith.constant 0 : i32
    %dma_start3A_1001 = arith.constant 0 : i32
    %dma_start3A_1002 = arith.constant 0 : i32
    %dma_start3A_1003 = tpu.memref_slice %arg11[%dma_start3A_1000, %dma_start3A_1001, %dma_start3A_1002] : memref<2x128x128xf32, #tpu.memory_space<vmem>> -> memref<1x128x128xf32, #tpu.memory_space<vmem>>
    %dma_start3A_1004 = tpu.memref_squeeze %dma_start3A_1003 : memref<1x128x128xf32, #tpu.memory_space<vmem>> -> memref<128x128xf32, #tpu.memory_space<vmem>>
    %dma_start3A_1005 = arith.constant 0 : i32
    %dma_start3A_1006 = tpu.memref_slice %arg9[%dma_start3A, %dma_start3A_1005] : memref<4x128xi32, #tpu.memory_space<vmem>> -> memref<1x128xi32, #tpu.memory_space<vmem>>
    %dma_start3A_1007 = tpu.memref_squeeze %dma_start3A_1006 : memref<1x128xi32, #tpu.memory_space<vmem>> -> memref<128xi32, #tpu.memory_space<vmem>>
    %dma_start3A_1008 = arith.constant 0 : i32
    %dma_start3A_1009 = arith.constant 0 : i32
    %dma_start3A_1010 = tpu.memref_slice %arg4[%dma_start3A_1008, %dma_start3A_1009] : memref<125000x128xf32, #tpu.memory_space<hbm>> -> memref<125000x128xf32, #tpu.memory_space<hbm>>
    tpu.enqueue_indirect_dma source(%dma_start3A_1010 : memref<125000x128xf32, #tpu.memory_space<hbm>>) target(%dma_start3A_1004 : memref<128x128xf32, #tpu.memory_space<vmem>>) offsets(%dma_start3A_1007 : memref<128xi32, #tpu.memory_space<vmem>>) semaphore(%arg14 : memref<!tpu.dma_semaphore, #tpu.memory_space<semaphore_mem>>)
    %dma_start3A_1011 = arith.constant 0 : i32
    %dma_start3A_1012 = arith.constant 0 : i32
    %dma_start3A_1013 = arith.constant 0 : i32
    %dma_start3A_1014 = arith.constant 0 : i32
    %dma_start3A_1015 = tpu.memref_slice %arg12[%dma_start3A_1012, %dma_start3A_1013, %dma_start3A_1014] : memref<2x128x128xf32, #tpu.memory_space<vmem>> -> memref<1x128x128xf32, #tpu.memory_space<vmem>>
    %dma_start3A_1016 = tpu.memref_squeeze %dma_start3A_1015 : memref<1x128x128xf32, #tpu.memory_space<vmem>> -> memref<128x128xf32, #tpu.memory_space<vmem>>
    %dma_start3A_1017 = arith.constant 0 : i32
    %dma_start3A_1018 = tpu.memref_slice %arg10[%dma_start3A_1011, %dma_start3A_1017] : memref<4x128xi32, #tpu.memory_space<vmem>> -> memref<1x128xi32, #tpu.memory_space<vmem>>
    %dma_start3A_1019 = tpu.memref_squeeze %dma_start3A_1018 : memref<1x128xi32, #tpu.memory_space<vmem>> -> memref<128xi32, #tpu.memory_space<vmem>>
    %dma_start3A_1020 = arith.constant 0 : i32
    %dma_start3A_1021 = arith.constant 0 : i32
    %dma_start3A_1022 = tpu.memref_slice %arg5[%dma_start3A_1020, %dma_start3A_1021] : memref<125000x128xf32, #tpu.memory_space<hbm>> -> memref<125000x128xf32, #tpu.memory_space<hbm>>
    tpu.enqueue_indirect_dma source(%dma_start3A_1022 : memref<125000x128xf32, #tpu.memory_space<hbm>>) target(%dma_start3A_1016 : memref<128x128xf32, #tpu.memory_space<vmem>>) offsets(%dma_start3A_1019 : memref<128xi32, #tpu.memory_space<vmem>>) semaphore(%arg14 : memref<!tpu.dma_semaphore, #tpu.memory_space<semaphore_mem>>)
    %dma_wait3A = arith.constant 0 : i32
    %dma_wait3A_1023 = arith.constant 0 : i32
    %dma_wait3A_1024 = arith.constant 0 : i32
    %dma_wait3A_1025 = arith.constant 0 : i32
    %dma_wait3A_1026 = tpu.memref_slice %arg11[%dma_wait3A_1023, %dma_wait3A_1024, %dma_wait3A_1025] : memref<2x128x128xf32, #tpu.memory_space<vmem>> -> memref<1x128x128xf32, #tpu.memory_space<vmem>>
    %dma_wait3A_1027 = tpu.memref_squeeze %dma_wait3A_1026 : memref<1x128x128xf32, #tpu.memory_space<vmem>> -> memref<128x128xf32, #tpu.memory_space<vmem>>
    %dma_wait3A_1028 = arith.constant 0 : i32
    %dma_wait3A_1029 = tpu.memref_slice %arg9[%dma_wait3A, %dma_wait3A_1028] : memref<4x128xi32, #tpu.memory_space<vmem>> -> memref<1x128xi32, #tpu.memory_space<vmem>>
    %dma_wait3A_1030 = tpu.memref_squeeze %dma_wait3A_1029 : memref<1x128xi32, #tpu.memory_space<vmem>> -> memref<128xi32, #tpu.memory_space<vmem>>
    %dma_wait3A_1031 = arith.constant 0 : i32
    %dma_wait3A_1032 = arith.constant 0 : i32
    %dma_wait3A_1033 = tpu.memref_slice %arg4[%dma_wait3A_1031, %dma_wait3A_1032] : memref<125000x128xf32, #tpu.memory_space<hbm>> -> memref<125000x128xf32, #tpu.memory_space<hbm>>
    tpu.wait_indirect_dma semaphore(%arg14 : memref<!tpu.dma_semaphore, #tpu.memory_space<semaphore_mem>>) src(%dma_wait3A_1033 : memref<125000x128xf32, #tpu.memory_space<hbm>>) dst(%dma_wait3A_1027 : memref<128x128xf32, #tpu.memory_space<vmem>>)
    %dma_wait3A_1034 = arith.constant 0 : i32
    %dma_wait3A_1035 = arith.constant 0 : i32
    %dma_wait3A_1036 = arith.constant 0 : i32
    %dma_wait3A_1037 = arith.constant 0 : i32
    %dma_wait3A_1038 = tpu.memref_slice %arg12[%dma_wait3A_1035, %dma_wait3A_1036, %dma_wait3A_1037] : memref<2x128x128xf32, #tpu.memory_space<vmem>> -> memref<1x128x128xf32, #tpu.memory_space<vmem>>
    %dma_wait3A_1039 = tpu.memref_squeeze %dma_wait3A_1038 : memref<1x128x128xf32, #tpu.memory_space<vmem>> -> memref<128x128xf32, #tpu.memory_space<vmem>>
    %dma_wait3A_1040 = arith.constant 0 : i32
    %dma_wait3A_1041 = tpu.memref_slice %arg10[%dma_wait3A_1034, %dma_wait3A_1040] : memref<4x128xi32, #tpu.memory_space<vmem>> -> memref<1x128xi32, #tpu.memory_space<vmem>>
    %dma_wait3A_1042 = tpu.memref_squeeze %dma_wait3A_1041 : memref<1x128xi32, #tpu.memory_space<vmem>> -> memref<128xi32, #tpu.memory_space<vmem>>
    %dma_wait3A_1043 = arith.constant 0 : i32
    %dma_wait3A_1044 = arith.constant 0 : i32
    %dma_wait3A_1045 = tpu.memref_slice %arg5[%dma_wait3A_1043, %dma_wait3A_1044] : memref<125000x128xf32, #tpu.memory_space<hbm>> -> memref<125000x128xf32, #tpu.memory_space<hbm>>
    tpu.wait_indirect_dma semaphore(%arg14 : memref<!tpu.dma_semaphore, #tpu.memory_space<semaphore_mem>>) src(%dma_wait3A_1045 : memref<125000x128xf32, #tpu.memory_space<hbm>>) dst(%dma_wait3A_1039 : memref<128x128xf32, #tpu.memory_space<vmem>>)
    %dma_start3A_1046 = arith.constant 1 : i32
    %dma_start3A_1047 = arith.constant 1 : i32
    %dma_start3A_1048 = arith.constant 0 : i32
    %dma_start3A_1049 = arith.constant 0 : i32
    %dma_start3A_1050 = tpu.memref_slice %arg11[%dma_start3A_1047, %dma_start3A_1048, %dma_start3A_1049] : memref<2x128x128xf32, #tpu.memory_space<vmem>> -> memref<1x128x128xf32, #tpu.memory_space<vmem>>
    %dma_start3A_1051 = tpu.memref_squeeze %dma_start3A_1050 : memref<1x128x128xf32, #tpu.memory_space<vmem>> -> memref<128x128xf32, #tpu.memory_space<vmem>>
    %dma_start3A_1052 = arith.constant 0 : i32
    %dma_start3A_1053 = tpu.memref_slice %arg9[%dma_start3A_1046, %dma_start3A_1052] : memref<4x128xi32, #tpu.memory_space<vmem>> -> memref<1x128xi32, #tpu.memory_space<vmem>>
    %dma_start3A_1054 = tpu.memref_squeeze %dma_start3A_1053 : memref<1x128xi32, #tpu.memory_space<vmem>> -> memref<128xi32, #tpu.memory_space<vmem>>
    %dma_start3A_1055 = arith.constant 0 : i32
    %dma_start3A_1056 = arith.constant 0 : i32
    %dma_start3A_1057 = tpu.memref_slice %arg4[%dma_start3A_1055, %dma_start3A_1056] : memref<125000x128xf32, #tpu.memory_space<hbm>> -> memref<125000x128xf32, #tpu.memory_space<hbm>>
    tpu.enqueue_indirect_dma source(%dma_start3A_1057 : memref<125000x128xf32, #tpu.memory_space<hbm>>) target(%dma_start3A_1051 : memref<128x128xf32, #tpu.memory_space<vmem>>) offsets(%dma_start3A_1054 : memref<128xi32, #tpu.memory_space<vmem>>) semaphore(%arg14 : memref<!tpu.dma_semaphore, #tpu.memory_space<semaphore_mem>>)
    %dma_start3A_1058 = arith.constant 1 : i32
    %dma_start3A_1059 = arith.constant 1 : i32
    %dma_start3A_1060 = arith.constant 0 : i32
    %dma_start3A_1061 = arith.constant 0 : i32
    %dma_start3A_1062 = tpu.memref_slice %arg12[%dma_start3A_1059, %dma_start3A_1060, %dma_start3A_1061] : memref<2x128x128xf32, #tpu.memory_space<vmem>> -> memref<1x128x128xf32, #tpu.memory_space<vmem>>
    %dma_start3A_1063 = tpu.memref_squeeze %dma_start3A_1062 : memref<1x128x128xf32, #tpu.memory_space<vmem>> -> memref<128x128xf32, #tpu.memory_space<vmem>>
    %dma_start3A_1064 = arith.constant 0 : i32
    %dma_start3A_1065 = tpu.memref_slice %arg10[%dma_start3A_1058, %dma_start3A_1064] : memref<4x128xi32, #tpu.memory_space<vmem>> -> memref<1x128xi32, #tpu.memory_space<vmem>>
    %dma_start3A_1066 = tpu.memref_squeeze %dma_start3A_1065 : memref<1x128xi32, #tpu.memory_space<vmem>> -> memref<128xi32, #tpu.memory_space<vmem>>
    %dma_start3A_1067 = arith.constant 0 : i32
    %dma_start3A_1068 = arith.constant 0 : i32
    %dma_start3A_1069 = tpu.memref_slice %arg5[%dma_start3A_1067, %dma_start3A_1068] : memref<125000x128xf32, #tpu.memory_space<hbm>> -> memref<125000x128xf32, #tpu.memory_space<hbm>>
    tpu.enqueue_indirect_dma source(%dma_start3A_1069 : memref<125000x128xf32, #tpu.memory_space<hbm>>) target(%dma_start3A_1063 : memref<128x128xf32, #tpu.memory_space<vmem>>) offsets(%dma_start3A_1066 : memref<128xi32, #tpu.memory_space<vmem>>) semaphore(%arg14 : memref<!tpu.dma_semaphore, #tpu.memory_space<semaphore_mem>>)
    %scan3A = arith.constant 0 : i32
    %scan3A_1070 = arith.constant 0 : i32
    %scan3A_1071 = arith.constant 8 : i32
    %scan3A_1072 = arith.addi %scan3A_1070, %scan3A_1071 : i32
    %scan3A_1073 = arith.constant 1 : i32
    scf.for %scan3A_1213 = %scan3A_1070 to %scan3A_1072 step %scan3A_1073  : i32 {
      %mul3A_1214 = arith.constant 16 : i32
      %mul3A_1215 = arith.muli %scan3A_1213, %mul3A_1214 : i32
      %get3A_1216 = arith.constant 0 : i32
      %get3A_1217 = arith.index_cast %get3A_1216 : i32 to index
      %get3A_1218 = arith.index_cast %mul3A_1215 : i32 to index
      %get3A_1219 = tpu.vector_load %arg7[%get3A_1217, %get3A_1218] {strides = array<i32>} : memref<4x128xi32, #tpu.memory_space<vmem>>, vector<1x16xi32>,
      %get3A_1220 = vector.shape_cast %get3A_1219 : vector<1x16xi32> to vector<16xi32>
      %and3A_1221 = arith.constant 7 : i32
      %and3A_1222 = vector.broadcast %and3A_1221 : i32 to vector<16xi32>
      %and3A_1223 = arith.andi %get3A_1220, %and3A_1222 : vector<16xi32>
      %shift_left3A = arith.constant 4 : i32
      %shift_left3A_1224 = vector.broadcast %shift_left3A : i32 to vector<16xi32>
      %shift_left3A_1225 = arith.shli %and3A_1223, %shift_left3A_1224 : vector<16xi32>
      %mul3A_1226 = arith.constant 16 : i32
      %mul3A_1227 = arith.muli %scan3A_1213, %mul3A_1226 : i32
      %get3A_1228 = arith.constant 0 : i32
      %get3A_1229 = arith.index_cast %get3A_1228 : i32 to index
      %get3A_1230 = arith.index_cast %mul3A_1227 : i32 to index
      %get3A_1231 = tpu.vector_load %arg8[%get3A_1229, %get3A_1230] {strides = array<i32>} : memref<4x128xi32, #tpu.memory_space<vmem>>, vector<1x16xi32>,
      %get3A_1232 = vector.shape_cast %get3A_1231 : vector<1x16xi32> to vector<16xi32>
      %and3A_1233 = arith.constant 7 : i32
      %and3A_1234 = vector.broadcast %and3A_1233 : i32 to vector<16xi32>
      %and3A_1235 = arith.andi %get3A_1232, %and3A_1234 : vector<16xi32>
      %shift_left3A_1236 = arith.constant 4 : i32
      %shift_left3A_1237 = vector.broadcast %shift_left3A_1236 : i32 to vector<16xi32>
      %shift_left3A_1238 = arith.shli %and3A_1235, %shift_left3A_1237 : vector<16xi32>
      %mul3A_1239 = arith.constant 16 : i32
      %mul3A_1240 = arith.muli %scan3A_1213, %mul3A_1239 : i32
      %add3A_1241 = arith.constant 0 : i32
      %add3A_1242 = arith.addi %mul3A_1240, %add3A_1241 : i32
      %slice3A = vector.extract_strided_slice %shift_left3A_1225 {offsets = [0], sizes = [1], strides = [1]} : vector<16xi32> to vector<1xi32>
      %squeeze3A = vector.extract %slice3A[0] : i32 from vector<1xi32>
      %get3A_1243 = arith.constant 0 : i32
      %get3A_1244 = arith.index_cast %get3A_1243 : i32 to index
      %get3A_1245 = arith.index_cast %add3A_1242 : i32 to index
      %get3A_1246 = arith.index_cast %squeeze3A : i32 to index
      %get3A_1247 = tpu.vector_load %arg11[%get3A_1244, %get3A_1245, %get3A_1246] {strides = array<i32>} : memref<2x128x128xf32, #tpu.memory_space<vmem>>, vector<1x1x16xf32>,
      %get3A_1248 = vector.shape_cast %get3A_1247 : vector<1x1x16xf32> to vector<16xf32>
      %slice3A_1249 = vector.extract_strided_slice %shift_left3A_1238 {offsets = [0], sizes = [1], strides = [1]} : vector<16xi32> to vector<1xi32>
      %squeeze3A_1250 = vector.extract %slice3A_1249[0] : i32 from vector<1xi32>
      %get3A_1251 = arith.constant 0 : i32
      %get3A_1252 = arith.index_cast %get3A_1251 : i32 to index
      %get3A_1253 = arith.index_cast %add3A_1242 : i32 to index
      %get3A_1254 = arith.index_cast %squeeze3A_1250 : i32 to index
      %get3A_1255 = tpu.vector_load %arg12[%get3A_1252, %get3A_1253, %get3A_1254] {strides = array<i32>} : memref<2x128x128xf32, #tpu.memory_space<vmem>>, vector<1x1x16xf32>,
      %get3A_1256 = vector.shape_cast %get3A_1255 : vector<1x1x16xf32> to vector<16xf32>
      %mul3A_1257 = arith.mulf %get3A_1248, %get3A_1256 : vector<16xf32>
      %mul3A_1258 = arith.constant 16 : i32
      %mul3A_1259 = arith.muli %scan3A_1213, %mul3A_1258 : i32
      %add3A_1260 = arith.constant 8 : i32
      %add3A_1261 = arith.addi %mul3A_1259, %add3A_1260 : i32
      %slice3A_1262 = vector.extract_strided_slice %shift_left3A_1225 {offsets = [8], sizes = [1], strides = [1]} : vector<16xi32> to vector<1xi32>
      %squeeze3A_1263 = vector.extract %slice3A_1262[0] : i32 from vector<1xi32>
      %get3A_1264 = arith.constant 0 : i32
      %get3A_1265 = arith.index_cast %get3A_1264 : i32 to index
      %get3A_1266 = arith.index_cast %add3A_1261 : i32 to index
      %get3A_1267 = arith.index_cast %squeeze3A_1263 : i32 to index
      %get3A_1268 = tpu.vector_load %arg11[%get3A_1265, %get3A_1266, %get3A_1267] {strides = array<i32>} : memref<2x128x128xf32, #tpu.memory_space<vmem>>, vector<1x1x16xf32>,
      %get3A_1269 = vector.shape_cast %get3A_1268 : vector<1x1x16xf32> to vector<16xf32>
      %slice3A_1270 = vector.extract_strided_slice %shift_left3A_1238 {offsets = [8], sizes = [1], strides = [1]} : vector<16xi32> to vector<1xi32>
      %squeeze3A_1271 = vector.extract %slice3A_1270[0] : i32 from vector<1xi32>
      %get3A_1272 = arith.constant 0 : i32
      %get3A_1273 = arith.index_cast %get3A_1272 : i32 to index
      %get3A_1274 = arith.index_cast %add3A_1261 : i32 to index
      %get3A_1275 = arith.index_cast %squeeze3A_1271 : i32 to index
      %get3A_1276 = tpu.vector_load %arg12[%get3A_1273, %get3A_1274, %get3A_1275] {strides = array<i32>} : memref<2x128x128xf32, #tpu.memory_space<vmem>>, vector<1x1x16xf32>,
      %get3A_1277 = vector.shape_cast %get3A_1276 : vector<1x1x16xf32> to vector<16xf32>
      %mul3A_1278 = arith.mulf %get3A_1269, %get3A_1277 : vector<16xf32>
      %mul3A_1279 = arith.constant 16 : i32
      %mul3A_1280 = arith.muli %scan3A_1213, %mul3A_1279 : i32
      %add3A_1281 = arith.constant 4 : i32
      %add3A_1282 = arith.addi %mul3A_1280, %add3A_1281 : i32
      %slice3A_1283 = vector.extract_strided_slice %shift_left3A_1225 {offsets = [4], sizes = [1], strides = [1]} : vector<16xi32> to vector<1xi32>
      %squeeze3A_1284 = vector.extract %slice3A_1283[0] : i32 from vector<1xi32>
      %get3A_1285 = arith.constant 0 : i32
      %get3A_1286 = arith.index_cast %get3A_1285 : i32 to index
      %get3A_1287 = arith.index_cast %add3A_1282 : i32 to index
      %get3A_1288 = arith.index_cast %squeeze3A_1284 : i32 to index
      %get3A_1289 = tpu.vector_load %arg11[%get3A_1286, %get3A_1287, %get3A_1288] {strides = array<i32>} : memref<2x128x128xf32, #tpu.memory_space<vmem>>, vector<1x1x16xf32>,
      %get3A_1290 = vector.shape_cast %get3A_1289 : vector<1x1x16xf32> to vector<16xf32>
      %slice3A_1291 = vector.extract_strided_slice %shift_left3A_1238 {offsets = [4], sizes = [1], strides = [1]} : vector<16xi32> to vector<1xi32>
      %squeeze3A_1292 = vector.extract %slice3A_1291[0] : i32 from vector<1xi32>
      %get3A_1293 = arith.constant 0 : i32
      %get3A_1294 = arith.index_cast %get3A_1293 : i32 to index
      %get3A_1295 = arith.index_cast %add3A_1282 : i32 to index
      %get3A_1296 = arith.index_cast %squeeze3A_1292 : i32 to index
      %get3A_1297 = tpu.vector_load %arg12[%get3A_1294, %get3A_1295, %get3A_1296] {strides = array<i32>} : memref<2x128x128xf32, #tpu.memory_space<vmem>>, vector<1x1x16xf32>,
      %get3A_1298 = vector.shape_cast %get3A_1297 : vector<1x1x16xf32> to vector<16xf32>
      %mul3A_1299 = arith.mulf %get3A_1290, %get3A_1298 : vector<16xf32>
      %mul3A_1300 = arith.constant 16 : i32
      %mul3A_1301 = arith.muli %scan3A_1213, %mul3A_1300 : i32
      %add3A_1302 = arith.constant 12 : i32
      %add3A_1303 = arith.addi %mul3A_1301, %add3A_1302 : i32
      %slice3A_1304 = vector.extract_strided_slice %shift_left3A_1225 {offsets = [12], sizes = [1], strides = [1]} : vector<16xi32> to vector<1xi32>
      %squeeze3A_1305 = vector.extract %slice3A_1304[0] : i32 from vector<1xi32>
      %get3A_1306 = arith.constant 0 : i32
      %get3A_1307 = arith.index_cast %get3A_1306 : i32 to index
      %get3A_1308 = arith.index_cast %add3A_1303 : i32 to index
      %get3A_1309 = arith.index_cast %squeeze3A_1305 : i32 to index
      %get3A_1310 = tpu.vector_load %arg11[%get3A_1307, %get3A_1308, %get3A_1309] {strides = array<i32>} : memref<2x128x128xf32, #tpu.memory_space<vmem>>, vector<1x1x16xf32>,
      %get3A_1311 = vector.shape_cast %get3A_1310 : vector<1x1x16xf32> to vector<16xf32>
      %slice3A_1312 = vector.extract_strided_slice %shift_left3A_1238 {offsets = [12], sizes = [1], strides = [1]} : vector<16xi32> to vector<1xi32>
      %squeeze3A_1313 = vector.extract %slice3A_1312[0] : i32 from vector<1xi32>
      %get3A_1314 = arith.constant 0 : i32
      %get3A_1315 = arith.index_cast %get3A_1314 : i32 to index
      %get3A_1316 = arith.index_cast %add3A_1303 : i32 to index
      %get3A_1317 = arith.index_cast %squeeze3A_1313 : i32 to index
      %get3A_1318 = tpu.vector_load %arg12[%get3A_1315, %get3A_1316, %get3A_1317] {strides = array<i32>} : memref<2x128x128xf32, #tpu.memory_space<vmem>>, vector<1x1x16xf32>,
      %get3A_1319 = vector.shape_cast %get3A_1318 : vector<1x1x16xf32> to vector<16xf32>
      %mul3A_1320 = arith.mulf %get3A_1311, %get3A_1319 : vector<16xf32>
      %mul3A_1321 = arith.constant 16 : i32
      %mul3A_1322 = arith.muli %scan3A_1213, %mul3A_1321 : i32
      %add3A_1323 = arith.constant 2 : i32
      %add3A_1324 = arith.addi %mul3A_1322, %add3A_1323 : i32
      %slice3A_1325 = vector.extract_strided_slice %shift_left3A_1225 {offsets = [2], sizes = [1], strides = [1]} : vector<16xi32> to vector<1xi32>
      %squeeze3A_1326 = vector.extract %slice3A_1325[0] : i32 from vector<1xi32>
      %get3A_1327 = arith.constant 0 : i32
      %get3A_1328 = arith.index_cast %get3A_1327 : i32 to index
      %get3A_1329 = arith.index_cast %add3A_1324 : i32 to index
      %get3A_1330 = arith.index_cast %squeeze3A_1326 : i32 to index
      %get3A_1331 = tpu.vector_load %arg11[%get3A_1328, %get3A_1329, %get3A_1330] {strides = array<i32>} : memref<2x128x128xf32, #tpu.memory_space<vmem>>, vector<1x1x16xf32>,
      %get3A_1332 = vector.shape_cast %get3A_1331 : vector<1x1x16xf32> to vector<16xf32>
      %slice3A_1333 = vector.extract_strided_slice %shift_left3A_1238 {offsets = [2], sizes = [1], strides = [1]} : vector<16xi32> to vector<1xi32>
      %squeeze3A_1334 = vector.extract %slice3A_1333[0] : i32 from vector<1xi32>
      %get3A_1335 = arith.constant 0 : i32
      %get3A_1336 = arith.index_cast %get3A_1335 : i32 to index
      %get3A_1337 = arith.index_cast %add3A_1324 : i32 to index
      %get3A_1338 = arith.index_cast %squeeze3A_1334 : i32 to index
      %get3A_1339 = tpu.vector_load %arg12[%get3A_1336, %get3A_1337, %get3A_1338] {strides = array<i32>} : memref<2x128x128xf32, #tpu.memory_space<vmem>>, vector<1x1x16xf32>,
      %get3A_1340 = vector.shape_cast %get3A_1339 : vector<1x1x16xf32> to vector<16xf32>
      %mul3A_1341 = arith.mulf %get3A_1332, %get3A_1340 : vector<16xf32>
      %mul3A_1342 = arith.constant 16 : i32
      %mul3A_1343 = arith.muli %scan3A_1213, %mul3A_1342 : i32
      %add3A_1344 = arith.constant 10 : i32
      %add3A_1345 = arith.addi %mul3A_1343, %add3A_1344 : i32
      %slice3A_1346 = vector.extract_strided_slice %shift_left3A_1225 {offsets = [10], sizes = [1], strides = [1]} : vector<16xi32> to vector<1xi32>
      %squeeze3A_1347 = vector.extract %slice3A_1346[0] : i32 from vector<1xi32>
      %get3A_1348 = arith.constant 0 : i32
      %get3A_1349 = arith.index_cast %get3A_1348 : i32 to index
      %get3A_1350 = arith.index_cast %add3A_1345 : i32 to index
      %get3A_1351 = arith.index_cast %squeeze3A_1347 : i32 to index
      %get3A_1352 = tpu.vector_load %arg11[%get3A_1349, %get3A_1350, %get3A_1351] {strides = array<i32>} : memref<2x128x128xf32, #tpu.memory_space<vmem>>, vector<1x1x16xf32>,
      %get3A_1353 = vector.shape_cast %get3A_1352 : vector<1x1x16xf32> to vector<16xf32>
      %slice3A_1354 = vector.extract_strided_slice %shift_left3A_1238 {offsets = [10], sizes = [1], strides = [1]} : vector<16xi32> to vector<1xi32>
      %squeeze3A_1355 = vector.extract %slice3A_1354[0] : i32 from vector<1xi32>
      %get3A_1356 = arith.constant 0 : i32
      %get3A_1357 = arith.index_cast %get3A_1356 : i32 to index
      %get3A_1358 = arith.index_cast %add3A_1345 : i32 to index
      %get3A_1359 = arith.index_cast %squeeze3A_1355 : i32 to index
      %get3A_1360 = tpu.vector_load %arg12[%get3A_1357, %get3A_1358, %get3A_1359] {strides = array<i32>} : memref<2x128x128xf32, #tpu.memory_space<vmem>>, vector<1x1x16xf32>,
      %get3A_1361 = vector.shape_cast %get3A_1360 : vector<1x1x16xf32> to vector<16xf32>
      %mul3A_1362 = arith.mulf %get3A_1353, %get3A_1361 : vector<16xf32>
      %mul3A_1363 = arith.constant 16 : i32
      %mul3A_1364 = arith.muli %scan3A_1213, %mul3A_1363 : i32
      %add3A_1365 = arith.constant 6 : i32
      %add3A_1366 = arith.addi %mul3A_1364, %add3A_1365 : i32
      %slice3A_1367 = vector.extract_strided_slice %shift_left3A_1225 {offsets = [6], sizes = [1], strides = [1]} : vector<16xi32> to vector<1xi32>
      %squeeze3A_1368 = vector.extract %slice3A_1367[0] : i32 from vector<1xi32>
      %get3A_1369 = arith.constant 0 : i32
      %get3A_1370 = arith.index_cast %get3A_1369 : i32 to index
      %get3A_1371 = arith.index_cast %add3A_1366 : i32 to index
      %get3A_1372 = arith.index_cast %squeeze3A_1368 : i32 to index
      %get3A_1373 = tpu.vector_load %arg11[%get3A_1370, %get3A_1371, %get3A_1372] {strides = array<i32>} : memref<2x128x128xf32, #tpu.memory_space<vmem>>, vector<1x1x16xf32>,
      %get3A_1374 = vector.shape_cast %get3A_1373 : vector<1x1x16xf32> to vector<16xf32>
      %slice3A_1375 = vector.extract_strided_slice %shift_left3A_1238 {offsets = [6], sizes = [1], strides = [1]} : vector<16xi32> to vector<1xi32>
      %squeeze3A_1376 = vector.extract %slice3A_1375[0] : i32 from vector<1xi32>
      %get3A_1377 = arith.constant 0 : i32
      %get3A_1378 = arith.index_cast %get3A_1377 : i32 to index
      %get3A_1379 = arith.index_cast %add3A_1366 : i32 to index
      %get3A_1380 = arith.index_cast %squeeze3A_1376 : i32 to index
      %get3A_1381 = tpu.vector_load %arg12[%get3A_1378, %get3A_1379, %get3A_1380] {strides = array<i32>} : memref<2x128x128xf32, #tpu.memory_space<vmem>>, vector<1x1x16xf32>,
      %get3A_1382 = vector.shape_cast %get3A_1381 : vector<1x1x16xf32> to vector<16xf32>
      %mul3A_1383 = arith.mulf %get3A_1374, %get3A_1382 : vector<16xf32>
      %mul3A_1384 = arith.constant 16 : i32
      %mul3A_1385 = arith.muli %scan3A_1213, %mul3A_1384 : i32
      %add3A_1386 = arith.constant 14 : i32
      %add3A_1387 = arith.addi %mul3A_1385, %add3A_1386 : i32
      %slice3A_1388 = vector.extract_strided_slice %shift_left3A_1225 {offsets = [14], sizes = [1], strides = [1]} : vector<16xi32> to vector<1xi32>
      %squeeze3A_1389 = vector.extract %slice3A_1388[0] : i32 from vector<1xi32>
      %get3A_1390 = arith.constant 0 : i32
      %get3A_1391 = arith.index_cast %get3A_1390 : i32 to index
      %get3A_1392 = arith.index_cast %add3A_1387 : i32 to index
      %get3A_1393 = arith.index_cast %squeeze3A_1389 : i32 to index
      %get3A_1394 = tpu.vector_load %arg11[%get3A_1391, %get3A_1392, %get3A_1393] {strides = array<i32>} : memref<2x128x128xf32, #tpu.memory_space<vmem>>, vector<1x1x16xf32>,
      %get3A_1395 = vector.shape_cast %get3A_1394 : vector<1x1x16xf32> to vector<16xf32>
      %slice3A_1396 = vector.extract_strided_slice %shift_left3A_1238 {offsets = [14], sizes = [1], strides = [1]} : vector<16xi32> to vector<1xi32>
      %squeeze3A_1397 = vector.extract %slice3A_1396[0] : i32 from vector<1xi32>
      %get3A_1398 = arith.constant 0 : i32
      %get3A_1399 = arith.index_cast %get3A_1398 : i32 to index
      %get3A_1400 = arith.index_cast %add3A_1387 : i32 to index
      %get3A_1401 = arith.index_cast %squeeze3A_1397 : i32 to index
      %get3A_1402 = tpu.vector_load %arg12[%get3A_1399, %get3A_1400, %get3A_1401] {strides = array<i32>} : memref<2x128x128xf32, #tpu.memory_space<vmem>>, vector<1x1x16xf32>,
      %get3A_1403 = vector.shape_cast %get3A_1402 : vector<1x1x16xf32> to vector<16xf32>
      %mul3A_1404 = arith.mulf %get3A_1395, %get3A_1403 : vector<16xf32>
      %mul3A_1405 = arith.constant 16 : i32
      %mul3A_1406 = arith.muli %scan3A_1213, %mul3A_1405 : i32
      %add3A_1407 = arith.constant 1 : i32
      %add3A_1408 = arith.addi %mul3A_1406, %add3A_1407 : i32
      %slice3A_1409 = vector.extract_strided_slice %shift_left3A_1225 {offsets = [1], sizes = [1], strides = [1]} : vector<16xi32> to vector<1xi32>
      %squeeze3A_1410 = vector.extract %slice3A_1409[0] : i32 from vector<1xi32>
      %get3A_1411 = arith.constant 0 : i32
      %get3A_1412 = arith.index_cast %get3A_1411 : i32 to index
      %get3A_1413 = arith.index_cast %add3A_1408 : i32 to index
      %get3A_1414 = arith.index_cast %squeeze3A_1410 : i32 to index
      %get3A_1415 = tpu.vector_load %arg11[%get3A_1412, %get3A_1413, %get3A_1414] {strides = array<i32>} : memref<2x128x128xf32, #tpu.memory_space<vmem>>, vector<1x1x16xf32>,
      %get3A_1416 = vector.shape_cast %get3A_1415 : vector<1x1x16xf32> to vector<16xf32>
      %slice3A_1417 = vector.extract_strided_slice %shift_left3A_1238 {offsets = [1], sizes = [1], strides = [1]} : vector<16xi32> to vector<1xi32>
      %squeeze3A_1418 = vector.extract %slice3A_1417[0] : i32 from vector<1xi32>
      %get3A_1419 = arith.constant 0 : i32
      %get3A_1420 = arith.index_cast %get3A_1419 : i32 to index
      %get3A_1421 = arith.index_cast %add3A_1408 : i32 to index
      %get3A_1422 = arith.index_cast %squeeze3A_1418 : i32 to index
      %get3A_1423 = tpu.vector_load %arg12[%get3A_1420, %get3A_1421, %get3A_1422] {strides = array<i32>} : memref<2x128x128xf32, #tpu.memory_space<vmem>>, vector<1x1x16xf32>,
      %get3A_1424 = vector.shape_cast %get3A_1423 : vector<1x1x16xf32> to vector<16xf32>
      %mul3A_1425 = arith.mulf %get3A_1416, %get3A_1424 : vector<16xf32>
      %mul3A_1426 = arith.constant 16 : i32
      %mul3A_1427 = arith.muli %scan3A_1213, %mul3A_1426 : i32
      %add3A_1428 = arith.constant 9 : i32
      %add3A_1429 = arith.addi %mul3A_1427, %add3A_1428 : i32
      %slice3A_1430 = vector.extract_strided_slice %shift_left3A_1225 {offsets = [9], sizes = [1], strides = [1]} : vector<16xi32> to vector<1xi32>
      %squeeze3A_1431 = vector.extract %slice3A_1430[0] : i32 from vector<1xi32>
      %get3A_1432 = arith.constant 0 : i32
      %get3A_1433 = arith.index_cast %get3A_1432 : i32 to index
      %get3A_1434 = arith.index_cast %add3A_1429 : i32 to index
      %get3A_1435 = arith.index_cast %squeeze3A_1431 : i32 to index
      %get3A_1436 = tpu.vector_load %arg11[%get3A_1433, %get3A_1434, %get3A_1435] {strides = array<i32>} : memref<2x128x128xf32, #tpu.memory_space<vmem>>, vector<1x1x16xf32>,
      %get3A_1437 = vector.shape_cast %get3A_1436 : vector<1x1x16xf32> to vector<16xf32>
      %slice3A_1438 = vector.extract_strided_slice %shift_left3A_1238 {offsets = [9], sizes = [1], strides = [1]} : vector<16xi32> to vector<1xi32>
      %squeeze3A_1439 = vector.extract %slice3A_1438[0] : i32 from vector<1xi32>
      %get3A_1440 = arith.constant 0 : i32
      %get3A_1441 = arith.index_cast %get3A_1440 : i32 to index
      %get3A_1442 = arith.index_cast %add3A_1429 : i32 to index
      %get3A_1443 = arith.index_cast %squeeze3A_1439 : i32 to index
      %get3A_1444 = tpu.vector_load %arg12[%get3A_1441, %get3A_1442, %get3A_1443] {strides = array<i32>} : memref<2x128x128xf32, #tpu.memory_space<vmem>>, vector<1x1x16xf32>,
      %get3A_1445 = vector.shape_cast %get3A_1444 : vector<1x1x16xf32> to vector<16xf32>
      %mul3A_1446 = arith.mulf %get3A_1437, %get3A_1445 : vector<16xf32>
      %mul3A_1447 = arith.constant 16 : i32
      %mul3A_1448 = arith.muli %scan3A_1213, %mul3A_1447 : i32
      %add3A_1449 = arith.constant 5 : i32
      %add3A_1450 = arith.addi %mul3A_1448, %add3A_1449 : i32
      %slice3A_1451 = vector.extract_strided_slice %shift_left3A_1225 {offsets = [5], sizes = [1], strides = [1]} : vector<16xi32> to vector<1xi32>
      %squeeze3A_1452 = vector.extract %slice3A_1451[0] : i32 from vector<1xi32>
      %get3A_1453 = arith.constant 0 : i32
      %get3A_1454 = arith.index_cast %get3A_1453 : i32 to index
      %get3A_1455 = arith.index_cast %add3A_1450 : i32 to index
      %get3A_1456 = arith.index_cast %squeeze3A_1452 : i32 to index
      %get3A_1457 = tpu.vector_load %arg11[%get3A_1454, %get3A_1455, %get3A_1456] {strides = array<i32>} : memref<2x128x128xf32, #tpu.memory_space<vmem>>, vector<1x1x16xf32>,
      %get3A_1458 = vector.shape_cast %get3A_1457 : vector<1x1x16xf32> to vector<16xf32>
      %slice3A_1459 = vector.extract_strided_slice %shift_left3A_1238 {offsets = [5], sizes = [1], strides = [1]} : vector<16xi32> to vector<1xi32>
      %squeeze3A_1460 = vector.extract %slice3A_1459[0] : i32 from vector<1xi32>
      %get3A_1461 = arith.constant 0 : i32
      %get3A_1462 = arith.index_cast %get3A_1461 : i32 to index
      %get3A_1463 = arith.index_cast %add3A_1450 : i32 to index
      %get3A_1464 = arith.index_cast %squeeze3A_1460 : i32 to index
      %get3A_1465 = tpu.vector_load %arg12[%get3A_1462, %get3A_1463, %get3A_1464] {strides = array<i32>} : memref<2x128x128xf32, #tpu.memory_space<vmem>>, vector<1x1x16xf32>,
      %get3A_1466 = vector.shape_cast %get3A_1465 : vector<1x1x16xf32> to vector<16xf32>
      %mul3A_1467 = arith.mulf %get3A_1458, %get3A_1466 : vector<16xf32>
      %mul3A_1468 = arith.constant 16 : i32
      %mul3A_1469 = arith.muli %scan3A_1213, %mul3A_1468 : i32
      %add3A_1470 = arith.constant 13 : i32
      %add3A_1471 = arith.addi %mul3A_1469, %add3A_1470 : i32
      %slice3A_1472 = vector.extract_strided_slice %shift_left3A_1225 {offsets = [13], sizes = [1], strides = [1]} : vector<16xi32> to vector<1xi32>
      %squeeze3A_1473 = vector.extract %slice3A_1472[0] : i32 from vector<1xi32>
      %get3A_1474 = arith.constant 0 : i32
      %get3A_1475 = arith.index_cast %get3A_1474 : i32 to index
      %get3A_1476 = arith.index_cast %add3A_1471 : i32 to index
      %get3A_1477 = arith.index_cast %squeeze3A_1473 : i32 to index
      %get3A_1478 = tpu.vector_load %arg11[%get3A_1475, %get3A_1476, %get3A_1477] {strides = array<i32>} : memref<2x128x128xf32, #tpu.memory_space<vmem>>, vector<1x1x16xf32>,
      %get3A_1479 = vector.shape_cast %get3A_1478 : vector<1x1x16xf32> to vector<16xf32>
      %slice3A_1480 = vector.extract_strided_slice %shift_left3A_1238 {offsets = [13], sizes = [1], strides = [1]} : vector<16xi32> to vector<1xi32>
      %squeeze3A_1481 = vector.extract %slice3A_1480[0] : i32 from vector<1xi32>
      %get3A_1482 = arith.constant 0 : i32
      %get3A_1483 = arith.index_cast %get3A_1482 : i32 to index
      %get3A_1484 = arith.index_cast %add3A_1471 : i32 to index
      %get3A_1485 = arith.index_cast %squeeze3A_1481 : i32 to index
      %get3A_1486 = tpu.vector_load %arg12[%get3A_1483, %get3A_1484, %get3A_1485] {strides = array<i32>} : memref<2x128x128xf32, #tpu.memory_space<vmem>>, vector<1x1x16xf32>,
      %get3A_1487 = vector.shape_cast %get3A_1486 : vector<1x1x16xf32> to vector<16xf32>
      %mul3A_1488 = arith.mulf %get3A_1479, %get3A_1487 : vector<16xf32>
      %mul3A_1489 = arith.constant 16 : i32
      %mul3A_1490 = arith.muli %scan3A_1213, %mul3A_1489 : i32
      %add3A_1491 = arith.constant 3 : i32
      %add3A_1492 = arith.addi %mul3A_1490, %add3A_1491 : i32
      %slice3A_1493 = vector.extract_strided_slice %shift_left3A_1225 {offsets = [3], sizes = [1], strides = [1]} : vector<16xi32> to vector<1xi32>
      %squeeze3A_1494 = vector.extract %slice3A_1493[0] : i32 from vector<1xi32>
      %get3A_1495 = arith.constant 0 : i32
      %get3A_1496 = arith.index_cast %get3A_1495 : i32 to index
      %get3A_1497 = arith.index_cast %add3A_1492 : i32 to index
      %get3A_1498 = arith.index_cast %squeeze3A_1494 : i32 to index
      %get3A_1499 = tpu.vector_load %arg11[%get3A_1496, %get3A_1497, %get3A_1498] {strides = array<i32>} : memref<2x128x128xf32, #tpu.memory_space<vmem>>, vector<1x1x16xf32>,
      %get3A_1500 = vector.shape_cast %get3A_1499 : vector<1x1x16xf32> to vector<16xf32>
      %slice3A_1501 = vector.extract_strided_slice %shift_left3A_1238 {offsets = [3], sizes = [1], strides = [1]} : vector<16xi32> to vector<1xi32>
      %squeeze3A_1502 = vector.extract %slice3A_1501[0] : i32 from vector<1xi32>
      %get3A_1503 = arith.constant 0 : i32
      %get3A_1504 = arith.index_cast %get3A_1503 : i32 to index
      %get3A_1505 = arith.index_cast %add3A_1492 : i32 to index
      %get3A_1506 = arith.index_cast %squeeze3A_1502 : i32 to index
      %get3A_1507 = tpu.vector_load %arg12[%get3A_1504, %get3A_1505, %get3A_1506] {strides = array<i32>} : memref<2x128x128xf32, #tpu.memory_space<vmem>>, vector<1x1x16xf32>,
      %get3A_1508 = vector.shape_cast %get3A_1507 : vector<1x1x16xf32> to vector<16xf32>
      %mul3A_1509 = arith.mulf %get3A_1500, %get3A_1508 : vector<16xf32>
      %mul3A_1510 = arith.constant 16 : i32
      %mul3A_1511 = arith.muli %scan3A_1213, %mul3A_1510 : i32
      %add3A_1512 = arith.constant 11 : i32
      %add3A_1513 = arith.addi %mul3A_1511, %add3A_1512 : i32
      %slice3A_1514 = vector.extract_strided_slice %shift_left3A_1225 {offsets = [11], sizes = [1], strides = [1]} : vector<16xi32> to vector<1xi32>
      %squeeze3A_1515 = vector.extract %slice3A_1514[0] : i32 from vector<1xi32>
      %get3A_1516 = arith.constant 0 : i32
      %get3A_1517 = arith.index_cast %get3A_1516 : i32 to index
      %get3A_1518 = arith.index_cast %add3A_1513 : i32 to index
      %get3A_1519 = arith.index_cast %squeeze3A_1515 : i32 to index
      %get3A_1520 = tpu.vector_load %arg11[%get3A_1517, %get3A_1518, %get3A_1519] {strides = array<i32>} : memref<2x128x128xf32, #tpu.memory_space<vmem>>, vector<1x1x16xf32>,
      %get3A_1521 = vector.shape_cast %get3A_1520 : vector<1x1x16xf32> to vector<16xf32>
      %slice3A_1522 = vector.extract_strided_slice %shift_left3A_1238 {offsets = [11], sizes = [1], strides = [1]} : vector<16xi32> to vector<1xi32>
      %squeeze3A_1523 = vector.extract %slice3A_1522[0] : i32 from vector<1xi32>
      %get3A_1524 = arith.constant 0 : i32
      %get3A_1525 = arith.index_cast %get3A_1524 : i32 to index
      %get3A_1526 = arith.index_cast %add3A_1513 : i32 to index
      %get3A_1527 = arith.index_cast %squeeze3A_1523 : i32 to index
      %get3A_1528 = tpu.vector_load %arg12[%get3A_1525, %get3A_1526, %get3A_1527] {strides = array<i32>} : memref<2x128x128xf32, #tpu.memory_space<vmem>>, vector<1x1x16xf32>,
      %get3A_1529 = vector.shape_cast %get3A_1528 : vector<1x1x16xf32> to vector<16xf32>
      %mul3A_1530 = arith.mulf %get3A_1521, %get3A_1529 : vector<16xf32>
      %mul3A_1531 = arith.constant 16 : i32
      %mul3A_1532 = arith.muli %scan3A_1213, %mul3A_1531 : i32
      %add3A_1533 = arith.constant 7 : i32
      %add3A_1534 = arith.addi %mul3A_1532, %add3A_1533 : i32
      %slice3A_1535 = vector.extract_strided_slice %shift_left3A_1225 {offsets = [7], sizes = [1], strides = [1]} : vector<16xi32> to vector<1xi32>
      %squeeze3A_1536 = vector.extract %slice3A_1535[0] : i32 from vector<1xi32>
      %get3A_1537 = arith.constant 0 : i32
      %get3A_1538 = arith.index_cast %get3A_1537 : i32 to index
      %get3A_1539 = arith.index_cast %add3A_1534 : i32 to index
      %get3A_1540 = arith.index_cast %squeeze3A_1536 : i32 to index
      %get3A_1541 = tpu.vector_load %arg11[%get3A_1538, %get3A_1539, %get3A_1540] {strides = array<i32>} : memref<2x128x128xf32, #tpu.memory_space<vmem>>, vector<1x1x16xf32>,
      %get3A_1542 = vector.shape_cast %get3A_1541 : vector<1x1x16xf32> to vector<16xf32>
      %slice3A_1543 = vector.extract_strided_slice %shift_left3A_1238 {offsets = [7], sizes = [1], strides = [1]} : vector<16xi32> to vector<1xi32>
      %squeeze3A_1544 = vector.extract %slice3A_1543[0] : i32 from vector<1xi32>
      %get3A_1545 = arith.constant 0 : i32
      %get3A_1546 = arith.index_cast %get3A_1545 : i32 to index
      %get3A_1547 = arith.index_cast %add3A_1534 : i32 to index
      %get3A_1548 = arith.index_cast %squeeze3A_1544 : i32 to index
      %get3A_1549 = tpu.vector_load %arg12[%get3A_1546, %get3A_1547, %get3A_1548] {strides = array<i32>} : memref<2x128x128xf32, #tpu.memory_space<vmem>>, vector<1x1x16xf32>,
      %get3A_1550 = vector.shape_cast %get3A_1549 : vector<1x1x16xf32> to vector<16xf32>
      %mul3A_1551 = arith.mulf %get3A_1542, %get3A_1550 : vector<16xf32>
      %mul3A_1552 = arith.constant 16 : i32
      %mul3A_1553 = arith.muli %scan3A_1213, %mul3A_1552 : i32
      %add3A_1554 = arith.constant 15 : i32
      %add3A_1555 = arith.addi %mul3A_1553, %add3A_1554 : i32
      %slice3A_1556 = vector.extract_strided_slice %shift_left3A_1225 {offsets = [15], sizes = [1], strides = [1]} : vector<16xi32> to vector<1xi32>
      %squeeze3A_1557 = vector.extract %slice3A_1556[0] : i32 from vector<1xi32>
      %get3A_1558 = arith.constant 0 : i32
      %get3A_1559 = arith.index_cast %get3A_1558 : i32 to index
      %get3A_1560 = arith.index_cast %add3A_1555 : i32 to index
      %get3A_1561 = arith.index_cast %squeeze3A_1557 : i32 to index
      %get3A_1562 = tpu.vector_load %arg11[%get3A_1559, %get3A_1560, %get3A_1561] {strides = array<i32>} : memref<2x128x128xf32, #tpu.memory_space<vmem>>, vector<1x1x16xf32>,
      %get3A_1563 = vector.shape_cast %get3A_1562 : vector<1x1x16xf32> to vector<16xf32>
      %slice3A_1564 = vector.extract_strided_slice %shift_left3A_1238 {offsets = [15], sizes = [1], strides = [1]} : vector<16xi32> to vector<1xi32>
      %squeeze3A_1565 = vector.extract %slice3A_1564[0] : i32 from vector<1xi32>
      %get3A_1566 = arith.constant 0 : i32
      %get3A_1567 = arith.index_cast %get3A_1566 : i32 to index
      %get3A_1568 = arith.index_cast %add3A_1555 : i32 to index
      %get3A_1569 = arith.index_cast %squeeze3A_1565 : i32 to index
      %get3A_1570 = tpu.vector_load %arg12[%get3A_1567, %get3A_1568, %get3A_1569] {strides = array<i32>} : memref<2x128x128xf32, #tpu.memory_space<vmem>>, vector<1x1x16xf32>,
      %get3A_1571 = vector.shape_cast %get3A_1570 : vector<1x1x16xf32> to vector<16xf32>
      %mul3A_1572 = arith.mulf %get3A_1563, %get3A_1571 : vector<16xf32>
      %broadcast_in_dim3A = vector.shape_cast %xor3A_897 : vector<16xi32> to vector<16x1xi32>
      %gather3A = vector.shape_cast %broadcast_in_dim3A : vector<16x1xi32> to vector<16xi32>
      %gather3A_1573 = tpu.dynamic_gather %mul3A_1257[%gather3A] in [0] : vector<16xf32>, vector<16xi32> -> vector<16xf32>
      %add3A_1574 = arith.addf %mul3A_1257, %gather3A_1573 : vector<16xf32>
      %broadcast_in_dim3A_1575 = vector.shape_cast %xor3A_897 : vector<16xi32> to vector<16x1xi32>
      %gather3A_1576 = vector.shape_cast %broadcast_in_dim3A_1575 : vector<16x1xi32> to vector<16xi32>
      %gather3A_1577 = tpu.dynamic_gather %mul3A_1278[%gather3A_1576] in [0] : vector<16xf32>, vector<16xi32> -> vector<16xf32>
      %add3A_1578 = arith.addf %mul3A_1278, %gather3A_1577 : vector<16xf32>
      %select_n3A_1579 = arith.select %lt3A_924, %add3A_1574, %add3A_1578 : vector<16xi1>, vector<16xf32>
      %broadcast_in_dim3A_1580 = vector.shape_cast %xor3A_897 : vector<16xi32> to vector<16x1xi32>
      %gather3A_1581 = vector.shape_cast %broadcast_in_dim3A_1580 : vector<16x1xi32> to vector<16xi32>
      %gather3A_1582 = tpu.dynamic_gather %mul3A_1299[%gather3A_1581] in [0] : vector<16xf32>, vector<16xi32> -> vector<16xf32>
      %add3A_1583 = arith.addf %mul3A_1299, %gather3A_1582 : vector<16xf32>
      %broadcast_in_dim3A_1584 = vector.shape_cast %xor3A_897 : vector<16xi32> to vector<16x1xi32>
      %gather3A_1585 = vector.shape_cast %broadcast_in_dim3A_1584 : vector<16x1xi32> to vector<16xi32>
      %gather3A_1586 = tpu.dynamic_gather %mul3A_1320[%gather3A_1585] in [0] : vector<16xf32>, vector<16xi32> -> vector<16xf32>
      %add3A_1587 = arith.addf %mul3A_1320, %gather3A_1586 : vector<16xf32>
      %select_n3A_1588 = arith.select %lt3A_924, %add3A_1583, %add3A_1587 : vector<16xi1>, vector<16xf32>
      %broadcast_in_dim3A_1589 = vector.shape_cast %xor3A_897 : vector<16xi32> to vector<16x1xi32>
      %gather3A_1590 = vector.shape_cast %broadcast_in_dim3A_1589 : vector<16x1xi32> to vector<16xi32>
      %gather3A_1591 = tpu.dynamic_gather %mul3A_1341[%gather3A_1590] in [0] : vector<16xf32>, vector<16xi32> -> vector<16xf32>
      %add3A_1592 = arith.addf %mul3A_1341, %gather3A_1591 : vector<16xf32>
      %broadcast_in_dim3A_1593 = vector.shape_cast %xor3A_897 : vector<16xi32> to vector<16x1xi32>
      %gather3A_1594 = vector.shape_cast %broadcast_in_dim3A_1593 : vector<16x1xi32> to vector<16xi32>
      %gather3A_1595 = tpu.dynamic_gather %mul3A_1362[%gather3A_1594] in [0] : vector<16xf32>, vector<16xi32> -> vector<16xf32>
      %add3A_1596 = arith.addf %mul3A_1362, %gather3A_1595 : vector<16xf32>
      %select_n3A_1597 = arith.select %lt3A_924, %add3A_1592, %add3A_1596 : vector<16xi1>, vector<16xf32>
      %broadcast_in_dim3A_1598 = vector.shape_cast %xor3A_897 : vector<16xi32> to vector<16x1xi32>
      %gather3A_1599 = vector.shape_cast %broadcast_in_dim3A_1598 : vector<16x1xi32> to vector<16xi32>
      %gather3A_1600 = tpu.dynamic_gather %mul3A_1383[%gather3A_1599] in [0] : vector<16xf32>, vector<16xi32> -> vector<16xf32>
      %add3A_1601 = arith.addf %mul3A_1383, %gather3A_1600 : vector<16xf32>
      %broadcast_in_dim3A_1602 = vector.shape_cast %xor3A_897 : vector<16xi32> to vector<16x1xi32>
      %gather3A_1603 = vector.shape_cast %broadcast_in_dim3A_1602 : vector<16x1xi32> to vector<16xi32>
      %gather3A_1604 = tpu.dynamic_gather %mul3A_1404[%gather3A_1603] in [0] : vector<16xf32>, vector<16xi32> -> vector<16xf32>
      %add3A_1605 = arith.addf %mul3A_1404, %gather3A_1604 : vector<16xf32>
      %select_n3A_1606 = arith.select %lt3A_924, %add3A_1601, %add3A_1605 : vector<16xi1>, vector<16xf32>
      %broadcast_in_dim3A_1607 = vector.shape_cast %xor3A_897 : vector<16xi32> to vector<16x1xi32>
      %gather3A_1608 = vector.shape_cast %broadcast_in_dim3A_1607 : vector<16x1xi32> to vector<16xi32>
      %gather3A_1609 = tpu.dynamic_gather %mul3A_1425[%gather3A_1608] in [0] : vector<16xf32>, vector<16xi32> -> vector<16xf32>
      %add3A_1610 = arith.addf %mul3A_1425, %gather3A_1609 : vector<16xf32>
      %broadcast_in_dim3A_1611 = vector.shape_cast %xor3A_897 : vector<16xi32> to vector<16x1xi32>
      %gather3A_1612 = vector.shape_cast %broadcast_in_dim3A_1611 : vector<16x1xi32> to vector<16xi32>
      %gather3A_1613 = tpu.dynamic_gather %mul3A_1446[%gather3A_1612] in [0] : vector<16xf32>, vector<16xi32> -> vector<16xf32>
      %add3A_1614 = arith.addf %mul3A_1446, %gather3A_1613 : vector<16xf32>
      %select_n3A_1615 = arith.select %lt3A_924, %add3A_1610, %add3A_1614 : vector<16xi1>, vector<16xf32>
      %broadcast_in_dim3A_1616 = vector.shape_cast %xor3A_897 : vector<16xi32> to vector<16x1xi32>
      %gather3A_1617 = vector.shape_cast %broadcast_in_dim3A_1616 : vector<16x1xi32> to vector<16xi32>
      %gather3A_1618 = tpu.dynamic_gather %mul3A_1467[%gather3A_1617] in [0] : vector<16xf32>, vector<16xi32> -> vector<16xf32>
      %add3A_1619 = arith.addf %mul3A_1467, %gather3A_1618 : vector<16xf32>
      %broadcast_in_dim3A_1620 = vector.shape_cast %xor3A_897 : vector<16xi32> to vector<16x1xi32>
      %gather3A_1621 = vector.shape_cast %broadcast_in_dim3A_1620 : vector<16x1xi32> to vector<16xi32>
      %gather3A_1622 = tpu.dynamic_gather %mul3A_1488[%gather3A_1621] in [0] : vector<16xf32>, vector<16xi32> -> vector<16xf32>
      %add3A_1623 = arith.addf %mul3A_1488, %gather3A_1622 : vector<16xf32>
      %select_n3A_1624 = arith.select %lt3A_924, %add3A_1619, %add3A_1623 : vector<16xi1>, vector<16xf32>
      %broadcast_in_dim3A_1625 = vector.shape_cast %xor3A_897 : vector<16xi32> to vector<16x1xi32>
      %gather3A_1626 = vector.shape_cast %broadcast_in_dim3A_1625 : vector<16x1xi32> to vector<16xi32>
      %gather3A_1627 = tpu.dynamic_gather %mul3A_1509[%gather3A_1626] in [0] : vector<16xf32>, vector<16xi32> -> vector<16xf32>
      %add3A_1628 = arith.addf %mul3A_1509, %gather3A_1627 : vector<16xf32>
      %broadcast_in_dim3A_1629 = vector.shape_cast %xor3A_897 : vector<16xi32> to vector<16x1xi32>
      %gather3A_1630 = vector.shape_cast %broadcast_in_dim3A_1629 : vector<16x1xi32> to vector<16xi32>
      %gather3A_1631 = tpu.dynamic_gather %mul3A_1530[%gather3A_1630] in [0] : vector<16xf32>, vector<16xi32> -> vector<16xf32>
      %add3A_1632 = arith.addf %mul3A_1530, %gather3A_1631 : vector<16xf32>
      %select_n3A_1633 = arith.select %lt3A_924, %add3A_1628, %add3A_1632 : vector<16xi1>, vector<16xf32>
      %broadcast_in_dim3A_1634 = vector.shape_cast %xor3A_897 : vector<16xi32> to vector<16x1xi32>
      %gather3A_1635 = vector.shape_cast %broadcast_in_dim3A_1634 : vector<16x1xi32> to vector<16xi32>
      %gather3A_1636 = tpu.dynamic_gather %mul3A_1551[%gather3A_1635] in [0] : vector<16xf32>, vector<16xi32> -> vector<16xf32>
      %add3A_1637 = arith.addf %mul3A_1551, %gather3A_1636 : vector<16xf32>
      %broadcast_in_dim3A_1638 = vector.shape_cast %xor3A_897 : vector<16xi32> to vector<16x1xi32>
      %gather3A_1639 = vector.shape_cast %broadcast_in_dim3A_1638 : vector<16x1xi32> to vector<16xi32>
      %gather3A_1640 = tpu.dynamic_gather %mul3A_1572[%gather3A_1639] in [0] : vector<16xf32>, vector<16xi32> -> vector<16xf32>
      %add3A_1641 = arith.addf %mul3A_1572, %gather3A_1640 : vector<16xf32>
      %select_n3A_1642 = arith.select %lt3A_924, %add3A_1637, %add3A_1641 : vector<16xi1>, vector<16xf32>
      %broadcast_in_dim3A_1643 = vector.shape_cast %xor3A_900 : vector<16xi32> to vector<16x1xi32>
      %gather3A_1644 = vector.shape_cast %broadcast_in_dim3A_1643 : vector<16x1xi32> to vector<16xi32>
      %gather3A_1645 = tpu.dynamic_gather %select_n3A_1579[%gather3A_1644] in [0] : vector<16xf32>, vector<16xi32> -> vector<16xf32>
      %add3A_1646 = arith.addf %select_n3A_1579, %gather3A_1645 : vector<16xf32>
      %broadcast_in_dim3A_1647 = vector.shape_cast %xor3A_900 : vector<16xi32> to vector<16x1xi32>
      %gather3A_1648 = vector.shape_cast %broadcast_in_dim3A_1647 : vector<16x1xi32> to vector<16xi32>
      %gather3A_1649 = tpu.dynamic_gather %select_n3A_1588[%gather3A_1648] in [0] : vector<16xf32>, vector<16xi32> -> vector<16xf32>
      %add3A_1650 = arith.addf %select_n3A_1588, %gather3A_1649 : vector<16xf32>
      %select_n3A_1651 = arith.select %lt3A_949, %add3A_1646, %add3A_1650 : vector<16xi1>, vector<16xf32>
      %broadcast_in_dim3A_1652 = vector.shape_cast %xor3A_900 : vector<16xi32> to vector<16x1xi32>
      %gather3A_1653 = vector.shape_cast %broadcast_in_dim3A_1652 : vector<16x1xi32> to vector<16xi32>
      %gather3A_1654 = tpu.dynamic_gather %select_n3A_1597[%gather3A_1653] in [0] : vector<16xf32>, vector<16xi32> -> vector<16xf32>
      %add3A_1655 = arith.addf %select_n3A_1597, %gather3A_1654 : vector<16xf32>
      %broadcast_in_dim3A_1656 = vector.shape_cast %xor3A_900 : vector<16xi32> to vector<16x1xi32>
      %gather3A_1657 = vector.shape_cast %broadcast_in_dim3A_1656 : vector<16x1xi32> to vector<16xi32>
      %gather3A_1658 = tpu.dynamic_gather %select_n3A_1606[%gather3A_1657] in [0] : vector<16xf32>, vector<16xi32> -> vector<16xf32>
      %add3A_1659 = arith.addf %select_n3A_1606, %gather3A_1658 : vector<16xf32>
      %select_n3A_1660 = arith.select %lt3A_949, %add3A_1655, %add3A_1659 : vector<16xi1>, vector<16xf32>
      %broadcast_in_dim3A_1661 = vector.shape_cast %xor3A_900 : vector<16xi32> to vector<16x1xi32>
      %gather3A_1662 = vector.shape_cast %broadcast_in_dim3A_1661 : vector<16x1xi32> to vector<16xi32>
      %gather3A_1663 = tpu.dynamic_gather %select_n3A_1615[%gather3A_1662] in [0] : vector<16xf32>, vector<16xi32> -> vector<16xf32>
      %add3A_1664 = arith.addf %select_n3A_1615, %gather3A_1663 : vector<16xf32>
      %broadcast_in_dim3A_1665 = vector.shape_cast %xor3A_900 : vector<16xi32> to vector<16x1xi32>
      %gather3A_1666 = vector.shape_cast %broadcast_in_dim3A_1665 : vector<16x1xi32> to vector<16xi32>
      %gather3A_1667 = tpu.dynamic_gather %select_n3A_1624[%gather3A_1666] in [0] : vector<16xf32>, vector<16xi32> -> vector<16xf32>
      %add3A_1668 = arith.addf %select_n3A_1624, %gather3A_1667 : vector<16xf32>
      %select_n3A_1669 = arith.select %lt3A_949, %add3A_1664, %add3A_1668 : vector<16xi1>, vector<16xf32>
      %broadcast_in_dim3A_1670 = vector.shape_cast %xor3A_900 : vector<16xi32> to vector<16x1xi32>
      %gather3A_1671 = vector.shape_cast %broadcast_in_dim3A_1670 : vector<16x1xi32> to vector<16xi32>
      %gather3A_1672 = tpu.dynamic_gather %select_n3A_1633[%gather3A_1671] in [0] : vector<16xf32>, vector<16xi32> -> vector<16xf32>
      %add3A_1673 = arith.addf %select_n3A_1633, %gather3A_1672 : vector<16xf32>
      %broadcast_in_dim3A_1674 = vector.shape_cast %xor3A_900 : vector<16xi32> to vector<16x1xi32>
      %gather3A_1675 = vector.shape_cast %broadcast_in_dim3A_1674 : vector<16x1xi32> to vector<16xi32>
      %gather3A_1676 = tpu.dynamic_gather %select_n3A_1642[%gather3A_1675] in [0] : vector<16xf32>, vector<16xi32> -> vector<16xf32>
      %add3A_1677 = arith.addf %select_n3A_1642, %gather3A_1676 : vector<16xf32>
      %select_n3A_1678 = arith.select %lt3A_949, %add3A_1673, %add3A_1677 : vector<16xi1>, vector<16xf32>
      %broadcast_in_dim3A_1679 = vector.shape_cast %xor3A_903 : vector<16xi32> to vector<16x1xi32>
      %gather3A_1680 = vector.shape_cast %broadcast_in_dim3A_1679 : vector<16x1xi32> to vector<16xi32>
      %gather3A_1681 = tpu.dynamic_gather %select_n3A_1651[%gather3A_1680] in [0] : vector<16xf32>, vector<16xi32> -> vector<16xf32>
      %add3A_1682 = arith.addf %select_n3A_1651, %gather3A_1681 : vector<16xf32>
      %broadcast_in_dim3A_1683 = vector.shape_cast %xor3A_903 : vector<16xi32> to vector<16x1xi32>
      %gather3A_1684 = vector.shape_cast %broadcast_in_dim3A_1683 : vector<16x1xi32> to vector<16xi32>
      %gather3A_1685 = tpu.dynamic_gather %select_n3A_1660[%gather3A_1684] in [0] : vector<16xf32>, vector<16xi32> -> vector<16xf32>
      %add3A_1686 = arith.addf %select_n3A_1660, %gather3A_1685 : vector<16xf32>
      %select_n3A_1687 = arith.select %lt3A_974, %add3A_1682, %add3A_1686 : vector<16xi1>, vector<16xf32>
      %broadcast_in_dim3A_1688 = vector.shape_cast %xor3A_903 : vector<16xi32> to vector<16x1xi32>
      %gather3A_1689 = vector.shape_cast %broadcast_in_dim3A_1688 : vector<16x1xi32> to vector<16xi32>
      %gather3A_1690 = tpu.dynamic_gather %select_n3A_1669[%gather3A_1689] in [0] : vector<16xf32>, vector<16xi32> -> vector<16xf32>
      %add3A_1691 = arith.addf %select_n3A_1669, %gather3A_1690 : vector<16xf32>
      %broadcast_in_dim3A_1692 = vector.shape_cast %xor3A_903 : vector<16xi32> to vector<16x1xi32>
      %gather3A_1693 = vector.shape_cast %broadcast_in_dim3A_1692 : vector<16x1xi32> to vector<16xi32>
      %gather3A_1694 = tpu.dynamic_gather %select_n3A_1678[%gather3A_1693] in [0] : vector<16xf32>, vector<16xi32> -> vector<16xf32>
      %add3A_1695 = arith.addf %select_n3A_1678, %gather3A_1694 : vector<16xf32>
      %select_n3A_1696 = arith.select %lt3A_974, %add3A_1691, %add3A_1695 : vector<16xi1>, vector<16xf32>
      %broadcast_in_dim3A_1697 = vector.shape_cast %xor3A_906 : vector<16xi32> to vector<16x1xi32>
      %gather3A_1698 = vector.shape_cast %broadcast_in_dim3A_1697 : vector<16x1xi32> to vector<16xi32>
      %gather3A_1699 = tpu.dynamic_gather %select_n3A_1687[%gather3A_1698] in [0] : vector<16xf32>, vector<16xi32> -> vector<16xf32>
      %add3A_1700 = arith.addf %select_n3A_1687, %gather3A_1699 : vector<16xf32>
      %broadcast_in_dim3A_1701 = vector.shape_cast %xor3A_906 : vector<16xi32> to vector<16x1xi32>
      %gather3A_1702 = vector.shape_cast %broadcast_in_dim3A_1701 : vector<16x1xi32> to vector<16xi32>
      %gather3A_1703 = tpu.dynamic_gather %select_n3A_1696[%gather3A_1702] in [0] : vector<16xf32>, vector<16xi32> -> vector<16xf32>
      %add3A_1704 = arith.addf %select_n3A_1696, %gather3A_1703 : vector<16xf32>
      %select_n3A_1705 = arith.select %lt3A_999, %add3A_1700, %add3A_1704 : vector<16xi1>, vector<16xf32>
      %neg3A = arith.constant 0.000000e+00 : f32
      %neg3A_1706 = vector.broadcast %neg3A : f32 to vector<16xf32>
      %neg3A_1707 = arith.subf %neg3A_1706, %select_n3A_1705 : vector<16xf32>
      %exp3A = math.exp %neg3A_1707 : vector<16xf32>
      %add3A_1708 = arith.constant 1.000000e+00 : f32
      %add3A_1709 = vector.broadcast %add3A_1708 : f32 to vector<16xf32>
      %add3A_1710 = arith.addf %add3A_1709, %exp3A : vector<16xf32>
      %div3A = arith.constant 1.000000e+00 : f32
      %div3A_1711 = vector.broadcast %div3A : f32 to vector<16xf32>
      %div3A_1712 = arith.divf %div3A_1711, %add3A_1710 : vector<16xf32>
      %mul3A_1713 = arith.constant 16 : i32
      %mul3A_1714 = arith.muli %scan3A_1213, %mul3A_1713 : i32
      %add3A_1715 = arith.constant 0 : i32
      %add3A_1716 = arith.addi %add3A_1715, %mul3A_1714 : i32
      %swap3A_1717 = arith.index_cast %add3A_1716 : i32 to index
      %swap3A_1718 = tpu.vector_load %arg13[%swap3A_1717] {strides = array<i32>} : memref<512xf32, #tpu.memory_space<vmem>>, vector<16xf32>,
      %swap3A_1719 = vector.shape_cast %swap3A_1718 : vector<16xf32> to vector<16xf32>
      %swap3A_1720 = vector.shape_cast %div3A_1712 : vector<16xf32> to vector<16xf32>
      tpu.vector_store %arg13[%swap3A_1717], %swap3A_1720 {strides = array<i32>} : memref<512xf32, #tpu.memory_space<vmem>>, vector<16xf32>,
    }
    %scan3A_1074 = arith.constant 8 : i32
    %dma_wait3A_1075 = arith.constant 1 : i32
    %dma_wait3A_1076 = arith.constant 1 : i32
    %dma_wait3A_1077 = arith.constant 0 : i32
    %dma_wait3A_1078 = arith.constant 0 : i32
    %dma_wait3A_1079 = tpu.memref_slice %arg11[%dma_wait3A_1076, %dma_wait3A_1077, %dma_wait3A_1078] : memref<2x128x128xf32, #tpu.memory_space<vmem>> -> memref<1x128x128xf32, #tpu.memory_space<vmem>>
    %dma_wait3A_1080 = tpu.memref_squeeze %dma_wait3A_1079 : memref<1x128x128xf32, #tpu.memory_space<vmem>> -> memref<128x128xf32, #tpu.memory_space<vmem>>
    %dma_wait3A_1081 = arith.constant 0 : i32
    %dma_wait3A_1082 = tpu.memref_slice %arg9[%dma_wait3A_1075, %dma_wait3A_1081] : memref<4x128xi32, #tpu.memory_space<vmem>> -> memref<1x128xi32, #tpu.memory_space<vmem>>
    %dma_wait3A_1083 = tpu.memref_squeeze %dma_wait3A_1082 : memref<1x128xi32, #tpu.memory_space<vmem>> -> memref<128xi32, #tpu.memory_space<vmem>>
    %dma_wait3A_1084 = arith.constant 0 : i32
    %dma_wait3A_1085 = arith.constant 0 : i32
    %dma_wait3A_1086 = tpu.memref_slice %arg4[%dma_wait3A_1084, %dma_wait3A_1085] : memref<125000x128xf32, #tpu.memory_space<hbm>> -> memref<125000x128xf32, #tpu.memory_space<hbm>>
    tpu.wait_indirect_dma semaphore(%arg14 : memref<!tpu.dma_semaphore, #tpu.memory_space<semaphore_mem>>) src(%dma_wait3A_1086 : memref<125000x128xf32, #tpu.memory_space<hbm>>) dst(%dma_wait3A_1080 : memref<128x128xf32, #tpu.memory_space<vmem>>)
    %dma_wait3A_1087 = arith.constant 1 : i32
    %dma_wait3A_1088 = arith.constant 1 : i32
    %dma_wait3A_1089 = arith.constant 0 : i32
    %dma_wait3A_1090 = arith.constant 0 : i32
    %dma_wait3A_1091 = tpu.memref_slice %arg12[%dma_wait3A_1088, %dma_wait3A_1089, %dma_wait3A_1090] : memref<2x128x128xf32, #tpu.memory_space<vmem>> -> memref<1x128x128xf32, #tpu.memory_space<vmem>>
    %dma_wait3A_1092 = tpu.memref_squeeze %dma_wait3A_1091 : memref<1x128x128xf32, #tpu.memory_space<vmem>> -> memref<128x128xf32, #tpu.memory_space<vmem>>
    %dma_wait3A_1093 = arith.constant 0 : i32
    %dma_wait3A_1094 = tpu.memref_slice %arg10[%dma_wait3A_1087, %dma_wait3A_1093] : memref<4x128xi32, #tpu.memory_space<vmem>> -> memref<1x128xi32, #tpu.memory_space<vmem>>
    %dma_wait3A_1095 = tpu.memref_squeeze %dma_wait3A_1094 : memref<1x128xi32, #tpu.memory_space<vmem>> -> memref<128xi32, #tpu.memory_space<vmem>>
    %dma_wait3A_1096 = arith.constant 0 : i32
    %dma_wait3A_1097 = arith.constant 0 : i32
    %dma_wait3A_1098 = tpu.memref_slice %arg5[%dma_wait3A_1096, %dma_wait3A_1097] : memref<125000x128xf32, #tpu.memory_space<hbm>> -> memref<125000x128xf32, #tpu.memory_space<hbm>>
    tpu.wait_indirect_dma semaphore(%arg14 : memref<!tpu.dma_semaphore, #tpu.memory_space<semaphore_mem>>) src(%dma_wait3A_1098 : memref<125000x128xf32, #tpu.memory_space<hbm>>) dst(%dma_wait3A_1092 : memref<128x128xf32, #tpu.memory_space<vmem>>)
    %dma_start3A_1099 = arith.constant 2 : i32
    %dma_start3A_1100 = arith.constant 0 : i32
    %dma_start3A_1101 = arith.constant 0 : i32
    %dma_start3A_1102 = arith.constant 0 : i32
    %dma_start3A_1103 = tpu.memref_slice %arg11[%dma_start3A_1100, %dma_start3A_1101, %dma_start3A_1102] : memref<2x128x128xf32, #tpu.memory_space<vmem>> -> memref<1x128x128xf32, #tpu.memory_space<vmem>>
    %dma_start3A_1104 = tpu.memref_squeeze %dma_start3A_1103 : memref<1x128x128xf32, #tpu.memory_space<vmem>> -> memref<128x128xf32, #tpu.memory_space<vmem>>
    %dma_start3A_1105 = arith.constant 0 : i32
    %dma_start3A_1106 = tpu.memref_slice %arg9[%dma_start3A_1099, %dma_start3A_1105] : memref<4x128xi32, #tpu.memory_space<vmem>> -> memref<1x128xi32, #tpu.memory_space<vmem>>
    %dma_start3A_1107 = tpu.memref_squeeze %dma_start3A_1106 : memref<1x128xi32, #tpu.memory_space<vmem>> -> memref<128xi32, #tpu.memory_space<vmem>>
    %dma_start3A_1108 = arith.constant 0 : i32
    %dma_start3A_1109 = arith.constant 0 : i32
    %dma_start3A_1110 = tpu.memref_slice %arg4[%dma_start3A_1108, %dma_start3A_1109] : memref<125000x128xf32, #tpu.memory_space<hbm>> -> memref<125000x128xf32, #tpu.memory_space<hbm>>
    tpu.enqueue_indirect_dma source(%dma_start3A_1110 : memref<125000x128xf32, #tpu.memory_space<hbm>>) target(%dma_start3A_1104 : memref<128x128xf32, #tpu.memory_space<vmem>>) offsets(%dma_start3A_1107 : memref<128xi32, #tpu.memory_space<vmem>>) semaphore(%arg14 : memref<!tpu.dma_semaphore, #tpu.memory_space<semaphore_mem>>)
    %dma_start3A_1111 = arith.constant 2 : i32
    %dma_start3A_1112 = arith.constant 0 : i32
    %dma_start3A_1113 = arith.constant 0 : i32
    %dma_start3A_1114 = arith.constant 0 : i32
    %dma_start3A_1115 = tpu.memref_slice %arg12[%dma_start3A_1112, %dma_start3A_1113, %dma_start3A_1114] : memref<2x128x128xf32, #tpu.memory_space<vmem>> -> memref<1x128x128xf32, #tpu.memory_space<vmem>>
    %dma_start3A_1116 = tpu.memref_squeeze %dma_start3A_1115 : memref<1x128x128xf32, #tpu.memory_space<vmem>> -> memref<128x128xf32, #tpu.memory_space<vmem>>
    %dma_start3A_1117 = arith.constant 0 : i32
    %dma_start3A_1118 = tpu.memref_slice %arg10[%dma_start3A_1111, %dma_start3A_1117] : memref<4x128xi32, #tpu.memory_space<vmem>> -> memref<1x128xi32, #tpu.memory_space<vmem>>
    %dma_start3A_1119 = tpu.memref_squeeze %dma_start3A_1118 : memref<1x128xi32, #tpu.memory_space<vmem>> -> memref<128xi32, #tpu.memory_space<vmem>>
    %dma_start3A_1120 = arith.constant 0 : i32
    %dma_start3A_1121 = arith.constant 0 : i32
    %dma_start3A_1122 = tpu.memref_slice %arg5[%dma_start3A_1120, %dma_start3A_1121] : memref<125000x128xf32, #tpu.memory_space<hbm>> -> memref<125000x128xf32, #tpu.memory_space<hbm>>
    tpu.enqueue_indirect_dma source(%dma_start3A_1122 : memref<125000x128xf32, #tpu.memory_space<hbm>>) target(%dma_start3A_1116 : memref<128x128xf32, #tpu.memory_space<vmem>>) offsets(%dma_start3A_1119 : memref<128xi32, #tpu.memory_space<vmem>>) semaphore(%arg14 : memref<!tpu.dma_semaphore, #tpu.memory_space<semaphore_mem>>)
    %scan3A_1123 = arith.constant 0 : i32
    %scan3A_1124 = arith.constant 0 : i32
    %scan3A_1125 = arith.constant 8 : i32
    %scan3A_1126 = arith.addi %scan3A_1124, %scan3A_1125 : i32
    %scan3A_1127 = arith.constant 1 : i32
    scf.for %scan3A_1213 = %scan3A_1124 to %scan3A_1126 step %scan3A_1127  : i32 {
      %mul3A_1214 = arith.constant 16 : i32
      %mul3A_1215 = arith.muli %scan3A_1213, %mul3A_1214 : i32
      %get3A_1216 = arith.constant 1 : i32
      %get3A_1217 = arith.index_cast %get3A_1216 : i32 to index
      %get3A_1218 = arith.index_cast %mul3A_1215 : i32 to index
      %get3A_1219 = tpu.vector_load %arg7[%get3A_1217, %get3A_1218] {strides = array<i32>} : memref<4x128xi32, #tpu.memory_space<vmem>>, vector<1x16xi32>,
      %get3A_1220 = vector.shape_cast %get3A_1219 : vector<1x16xi32> to vector<16xi32>
      %and3A_1221 = arith.constant 7 : i32
      %and3A_1222 = vector.broadcast %and3A_1221 : i32 to vector<16xi32>
      %and3A_1223 = arith.andi %get3A_1220, %and3A_1222 : vector<16xi32>
      %shift_left3A = arith.constant 4 : i32
      %shift_left3A_1224 = vector.broadcast %shift_left3A : i32 to vector<16xi32>
      %shift_left3A_1225 = arith.shli %and3A_1223, %shift_left3A_1224 : vector<16xi32>
      %mul3A_1226 = arith.constant 16 : i32
      %mul3A_1227 = arith.muli %scan3A_1213, %mul3A_1226 : i32
      %get3A_1228 = arith.constant 1 : i32
      %get3A_1229 = arith.index_cast %get3A_1228 : i32 to index
      %get3A_1230 = arith.index_cast %mul3A_1227 : i32 to index
      %get3A_1231 = tpu.vector_load %arg8[%get3A_1229, %get3A_1230] {strides = array<i32>} : memref<4x128xi32, #tpu.memory_space<vmem>>, vector<1x16xi32>,
      %get3A_1232 = vector.shape_cast %get3A_1231 : vector<1x16xi32> to vector<16xi32>
      %and3A_1233 = arith.constant 7 : i32
      %and3A_1234 = vector.broadcast %and3A_1233 : i32 to vector<16xi32>
      %and3A_1235 = arith.andi %get3A_1232, %and3A_1234 : vector<16xi32>
      %shift_left3A_1236 = arith.constant 4 : i32
      %shift_left3A_1237 = vector.broadcast %shift_left3A_1236 : i32 to vector<16xi32>
      %shift_left3A_1238 = arith.shli %and3A_1235, %shift_left3A_1237 : vector<16xi32>
      %mul3A_1239 = arith.constant 16 : i32
      %mul3A_1240 = arith.muli %scan3A_1213, %mul3A_1239 : i32
      %add3A_1241 = arith.constant 0 : i32
      %add3A_1242 = arith.addi %mul3A_1240, %add3A_1241 : i32
      %slice3A = vector.extract_strided_slice %shift_left3A_1225 {offsets = [0], sizes = [1], strides = [1]} : vector<16xi32> to vector<1xi32>
      %squeeze3A = vector.extract %slice3A[0] : i32 from vector<1xi32>
      %get3A_1243 = arith.constant 1 : i32
      %get3A_1244 = arith.index_cast %get3A_1243 : i32 to index
      %get3A_1245 = arith.index_cast %add3A_1242 : i32 to index
      %get3A_1246 = arith.index_cast %squeeze3A : i32 to index
      %get3A_1247 = tpu.vector_load %arg11[%get3A_1244, %get3A_1245, %get3A_1246] {strides = array<i32>} : memref<2x128x128xf32, #tpu.memory_space<vmem>>, vector<1x1x16xf32>,
      %get3A_1248 = vector.shape_cast %get3A_1247 : vector<1x1x16xf32> to vector<16xf32>
      %slice3A_1249 = vector.extract_strided_slice %shift_left3A_1238 {offsets = [0], sizes = [1], strides = [1]} : vector<16xi32> to vector<1xi32>
      %squeeze3A_1250 = vector.extract %slice3A_1249[0] : i32 from vector<1xi32>
      %get3A_1251 = arith.constant 1 : i32
      %get3A_1252 = arith.index_cast %get3A_1251 : i32 to index
      %get3A_1253 = arith.index_cast %add3A_1242 : i32 to index
      %get3A_1254 = arith.index_cast %squeeze3A_1250 : i32 to index
      %get3A_1255 = tpu.vector_load %arg12[%get3A_1252, %get3A_1253, %get3A_1254] {strides = array<i32>} : memref<2x128x128xf32, #tpu.memory_space<vmem>>, vector<1x1x16xf32>,
      %get3A_1256 = vector.shape_cast %get3A_1255 : vector<1x1x16xf32> to vector<16xf32>
      %mul3A_1257 = arith.mulf %get3A_1248, %get3A_1256 : vector<16xf32>
      %mul3A_1258 = arith.constant 16 : i32
      %mul3A_1259 = arith.muli %scan3A_1213, %mul3A_1258 : i32
      %add3A_1260 = arith.constant 8 : i32
      %add3A_1261 = arith.addi %mul3A_1259, %add3A_1260 : i32
      %slice3A_1262 = vector.extract_strided_slice %shift_left3A_1225 {offsets = [8], sizes = [1], strides = [1]} : vector<16xi32> to vector<1xi32>
      %squeeze3A_1263 = vector.extract %slice3A_1262[0] : i32 from vector<1xi32>
      %get3A_1264 = arith.constant 1 : i32
      %get3A_1265 = arith.index_cast %get3A_1264 : i32 to index
      %get3A_1266 = arith.index_cast %add3A_1261 : i32 to index
      %get3A_1267 = arith.index_cast %squeeze3A_1263 : i32 to index
      %get3A_1268 = tpu.vector_load %arg11[%get3A_1265, %get3A_1266, %get3A_1267] {strides = array<i32>} : memref<2x128x128xf32, #tpu.memory_space<vmem>>, vector<1x1x16xf32>,
      %get3A_1269 = vector.shape_cast %get3A_1268 : vector<1x1x16xf32> to vector<16xf32>
      %slice3A_1270 = vector.extract_strided_slice %shift_left3A_1238 {offsets = [8], sizes = [1], strides = [1]} : vector<16xi32> to vector<1xi32>
      %squeeze3A_1271 = vector.extract %slice3A_1270[0] : i32 from vector<1xi32>
      %get3A_1272 = arith.constant 1 : i32
      %get3A_1273 = arith.index_cast %get3A_1272 : i32 to index
      %get3A_1274 = arith.index_cast %add3A_1261 : i32 to index
      %get3A_1275 = arith.index_cast %squeeze3A_1271 : i32 to index
      %get3A_1276 = tpu.vector_load %arg12[%get3A_1273, %get3A_1274, %get3A_1275] {strides = array<i32>} : memref<2x128x128xf32, #tpu.memory_space<vmem>>, vector<1x1x16xf32>,
      %get3A_1277 = vector.shape_cast %get3A_1276 : vector<1x1x16xf32> to vector<16xf32>
      %mul3A_1278 = arith.mulf %get3A_1269, %get3A_1277 : vector<16xf32>
      %mul3A_1279 = arith.constant 16 : i32
      %mul3A_1280 = arith.muli %scan3A_1213, %mul3A_1279 : i32
      %add3A_1281 = arith.constant 4 : i32
      %add3A_1282 = arith.addi %mul3A_1280, %add3A_1281 : i32
      %slice3A_1283 = vector.extract_strided_slice %shift_left3A_1225 {offsets = [4], sizes = [1], strides = [1]} : vector<16xi32> to vector<1xi32>
      %squeeze3A_1284 = vector.extract %slice3A_1283[0] : i32 from vector<1xi32>
      %get3A_1285 = arith.constant 1 : i32
      %get3A_1286 = arith.index_cast %get3A_1285 : i32 to index
      %get3A_1287 = arith.index_cast %add3A_1282 : i32 to index
      %get3A_1288 = arith.index_cast %squeeze3A_1284 : i32 to index
      %get3A_1289 = tpu.vector_load %arg11[%get3A_1286, %get3A_1287, %get3A_1288] {strides = array<i32>} : memref<2x128x128xf32, #tpu.memory_space<vmem>>, vector<1x1x16xf32>,
      %get3A_1290 = vector.shape_cast %get3A_1289 : vector<1x1x16xf32> to vector<16xf32>
      %slice3A_1291 = vector.extract_strided_slice %shift_left3A_1238 {offsets = [4], sizes = [1], strides = [1]} : vector<16xi32> to vector<1xi32>
      %squeeze3A_1292 = vector.extract %slice3A_1291[0] : i32 from vector<1xi32>
      %get3A_1293 = arith.constant 1 : i32
      %get3A_1294 = arith.index_cast %get3A_1293 : i32 to index
      %get3A_1295 = arith.index_cast %add3A_1282 : i32 to index
      %get3A_1296 = arith.index_cast %squeeze3A_1292 : i32 to index
      %get3A_1297 = tpu.vector_load %arg12[%get3A_1294, %get3A_1295, %get3A_1296] {strides = array<i32>} : memref<2x128x128xf32, #tpu.memory_space<vmem>>, vector<1x1x16xf32>,
      %get3A_1298 = vector.shape_cast %get3A_1297 : vector<1x1x16xf32> to vector<16xf32>
      %mul3A_1299 = arith.mulf %get3A_1290, %get3A_1298 : vector<16xf32>
      %mul3A_1300 = arith.constant 16 : i32
      %mul3A_1301 = arith.muli %scan3A_1213, %mul3A_1300 : i32
      %add3A_1302 = arith.constant 12 : i32
      %add3A_1303 = arith.addi %mul3A_1301, %add3A_1302 : i32
      %slice3A_1304 = vector.extract_strided_slice %shift_left3A_1225 {offsets = [12], sizes = [1], strides = [1]} : vector<16xi32> to vector<1xi32>
      %squeeze3A_1305 = vector.extract %slice3A_1304[0] : i32 from vector<1xi32>
      %get3A_1306 = arith.constant 1 : i32
      %get3A_1307 = arith.index_cast %get3A_1306 : i32 to index
      %get3A_1308 = arith.index_cast %add3A_1303 : i32 to index
      %get3A_1309 = arith.index_cast %squeeze3A_1305 : i32 to index
      %get3A_1310 = tpu.vector_load %arg11[%get3A_1307, %get3A_1308, %get3A_1309] {strides = array<i32>} : memref<2x128x128xf32, #tpu.memory_space<vmem>>, vector<1x1x16xf32>,
      %get3A_1311 = vector.shape_cast %get3A_1310 : vector<1x1x16xf32> to vector<16xf32>
      %slice3A_1312 = vector.extract_strided_slice %shift_left3A_1238 {offsets = [12], sizes = [1], strides = [1]} : vector<16xi32> to vector<1xi32>
      %squeeze3A_1313 = vector.extract %slice3A_1312[0] : i32 from vector<1xi32>
      %get3A_1314 = arith.constant 1 : i32
      %get3A_1315 = arith.index_cast %get3A_1314 : i32 to index
      %get3A_1316 = arith.index_cast %add3A_1303 : i32 to index
      %get3A_1317 = arith.index_cast %squeeze3A_1313 : i32 to index
      %get3A_1318 = tpu.vector_load %arg12[%get3A_1315, %get3A_1316, %get3A_1317] {strides = array<i32>} : memref<2x128x128xf32, #tpu.memory_space<vmem>>, vector<1x1x16xf32>,
      %get3A_1319 = vector.shape_cast %get3A_1318 : vector<1x1x16xf32> to vector<16xf32>
      %mul3A_1320 = arith.mulf %get3A_1311, %get3A_1319 : vector<16xf32>
      %mul3A_1321 = arith.constant 16 : i32
      %mul3A_1322 = arith.muli %scan3A_1213, %mul3A_1321 : i32
      %add3A_1323 = arith.constant 2 : i32
      %add3A_1324 = arith.addi %mul3A_1322, %add3A_1323 : i32
      %slice3A_1325 = vector.extract_strided_slice %shift_left3A_1225 {offsets = [2], sizes = [1], strides = [1]} : vector<16xi32> to vector<1xi32>
      %squeeze3A_1326 = vector.extract %slice3A_1325[0] : i32 from vector<1xi32>
      %get3A_1327 = arith.constant 1 : i32
      %get3A_1328 = arith.index_cast %get3A_1327 : i32 to index
      %get3A_1329 = arith.index_cast %add3A_1324 : i32 to index
      %get3A_1330 = arith.index_cast %squeeze3A_1326 : i32 to index
      %get3A_1331 = tpu.vector_load %arg11[%get3A_1328, %get3A_1329, %get3A_1330] {strides = array<i32>} : memref<2x128x128xf32, #tpu.memory_space<vmem>>, vector<1x1x16xf32>,
      %get3A_1332 = vector.shape_cast %get3A_1331 : vector<1x1x16xf32> to vector<16xf32>
      %slice3A_1333 = vector.extract_strided_slice %shift_left3A_1238 {offsets = [2], sizes = [1], strides = [1]} : vector<16xi32> to vector<1xi32>
      %squeeze3A_1334 = vector.extract %slice3A_1333[0] : i32 from vector<1xi32>
      %get3A_1335 = arith.constant 1 : i32
      %get3A_1336 = arith.index_cast %get3A_1335 : i32 to index
      %get3A_1337 = arith.index_cast %add3A_1324 : i32 to index
      %get3A_1338 = arith.index_cast %squeeze3A_1334 : i32 to index
      %get3A_1339 = tpu.vector_load %arg12[%get3A_1336, %get3A_1337, %get3A_1338] {strides = array<i32>} : memref<2x128x128xf32, #tpu.memory_space<vmem>>, vector<1x1x16xf32>,
      %get3A_1340 = vector.shape_cast %get3A_1339 : vector<1x1x16xf32> to vector<16xf32>
      %mul3A_1341 = arith.mulf %get3A_1332, %get3A_1340 : vector<16xf32>
      %mul3A_1342 = arith.constant 16 : i32
      %mul3A_1343 = arith.muli %scan3A_1213, %mul3A_1342 : i32
      %add3A_1344 = arith.constant 10 : i32
      %add3A_1345 = arith.addi %mul3A_1343, %add3A_1344 : i32
      %slice3A_1346 = vector.extract_strided_slice %shift_left3A_1225 {offsets = [10], sizes = [1], strides = [1]} : vector<16xi32> to vector<1xi32>
      %squeeze3A_1347 = vector.extract %slice3A_1346[0] : i32 from vector<1xi32>
      %get3A_1348 = arith.constant 1 : i32
      %get3A_1349 = arith.index_cast %get3A_1348 : i32 to index
      %get3A_1350 = arith.index_cast %add3A_1345 : i32 to index
      %get3A_1351 = arith.index_cast %squeeze3A_1347 : i32 to index
      %get3A_1352 = tpu.vector_load %arg11[%get3A_1349, %get3A_1350, %get3A_1351] {strides = array<i32>} : memref<2x128x128xf32, #tpu.memory_space<vmem>>, vector<1x1x16xf32>,
      %get3A_1353 = vector.shape_cast %get3A_1352 : vector<1x1x16xf32> to vector<16xf32>
      %slice3A_1354 = vector.extract_strided_slice %shift_left3A_1238 {offsets = [10], sizes = [1], strides = [1]} : vector<16xi32> to vector<1xi32>
      %squeeze3A_1355 = vector.extract %slice3A_1354[0] : i32 from vector<1xi32>
      %get3A_1356 = arith.constant 1 : i32
      %get3A_1357 = arith.index_cast %get3A_1356 : i32 to index
      %get3A_1358 = arith.index_cast %add3A_1345 : i32 to index
      %get3A_1359 = arith.index_cast %squeeze3A_1355 : i32 to index
      %get3A_1360 = tpu.vector_load %arg12[%get3A_1357, %get3A_1358, %get3A_1359] {strides = array<i32>} : memref<2x128x128xf32, #tpu.memory_space<vmem>>, vector<1x1x16xf32>,
      %get3A_1361 = vector.shape_cast %get3A_1360 : vector<1x1x16xf32> to vector<16xf32>
      %mul3A_1362 = arith.mulf %get3A_1353, %get3A_1361 : vector<16xf32>
      %mul3A_1363 = arith.constant 16 : i32
      %mul3A_1364 = arith.muli %scan3A_1213, %mul3A_1363 : i32
      %add3A_1365 = arith.constant 6 : i32
      %add3A_1366 = arith.addi %mul3A_1364, %add3A_1365 : i32
      %slice3A_1367 = vector.extract_strided_slice %shift_left3A_1225 {offsets = [6], sizes = [1], strides = [1]} : vector<16xi32> to vector<1xi32>
      %squeeze3A_1368 = vector.extract %slice3A_1367[0] : i32 from vector<1xi32>
      %get3A_1369 = arith.constant 1 : i32
      %get3A_1370 = arith.index_cast %get3A_1369 : i32 to index
      %get3A_1371 = arith.index_cast %add3A_1366 : i32 to index
      %get3A_1372 = arith.index_cast %squeeze3A_1368 : i32 to index
      %get3A_1373 = tpu.vector_load %arg11[%get3A_1370, %get3A_1371, %get3A_1372] {strides = array<i32>} : memref<2x128x128xf32, #tpu.memory_space<vmem>>, vector<1x1x16xf32>,
      %get3A_1374 = vector.shape_cast %get3A_1373 : vector<1x1x16xf32> to vector<16xf32>
      %slice3A_1375 = vector.extract_strided_slice %shift_left3A_1238 {offsets = [6], sizes = [1], strides = [1]} : vector<16xi32> to vector<1xi32>
      %squeeze3A_1376 = vector.extract %slice3A_1375[0] : i32 from vector<1xi32>
      %get3A_1377 = arith.constant 1 : i32
      %get3A_1378 = arith.index_cast %get3A_1377 : i32 to index
      %get3A_1379 = arith.index_cast %add3A_1366 : i32 to index
      %get3A_1380 = arith.index_cast %squeeze3A_1376 : i32 to index
      %get3A_1381 = tpu.vector_load %arg12[%get3A_1378, %get3A_1379, %get3A_1380] {strides = array<i32>} : memref<2x128x128xf32, #tpu.memory_space<vmem>>, vector<1x1x16xf32>,
      %get3A_1382 = vector.shape_cast %get3A_1381 : vector<1x1x16xf32> to vector<16xf32>
      %mul3A_1383 = arith.mulf %get3A_1374, %get3A_1382 : vector<16xf32>
      %mul3A_1384 = arith.constant 16 : i32
      %mul3A_1385 = arith.muli %scan3A_1213, %mul3A_1384 : i32
      %add3A_1386 = arith.constant 14 : i32
      %add3A_1387 = arith.addi %mul3A_1385, %add3A_1386 : i32
      %slice3A_1388 = vector.extract_strided_slice %shift_left3A_1225 {offsets = [14], sizes = [1], strides = [1]} : vector<16xi32> to vector<1xi32>
      %squeeze3A_1389 = vector.extract %slice3A_1388[0] : i32 from vector<1xi32>
      %get3A_1390 = arith.constant 1 : i32
      %get3A_1391 = arith.index_cast %get3A_1390 : i32 to index
      %get3A_1392 = arith.index_cast %add3A_1387 : i32 to index
      %get3A_1393 = arith.index_cast %squeeze3A_1389 : i32 to index
      %get3A_1394 = tpu.vector_load %arg11[%get3A_1391, %get3A_1392, %get3A_1393] {strides = array<i32>} : memref<2x128x128xf32, #tpu.memory_space<vmem>>, vector<1x1x16xf32>,
      %get3A_1395 = vector.shape_cast %get3A_1394 : vector<1x1x16xf32> to vector<16xf32>
      %slice3A_1396 = vector.extract_strided_slice %shift_left3A_1238 {offsets = [14], sizes = [1], strides = [1]} : vector<16xi32> to vector<1xi32>
      %squeeze3A_1397 = vector.extract %slice3A_1396[0] : i32 from vector<1xi32>
      %get3A_1398 = arith.constant 1 : i32
      %get3A_1399 = arith.index_cast %get3A_1398 : i32 to index
      %get3A_1400 = arith.index_cast %add3A_1387 : i32 to index
      %get3A_1401 = arith.index_cast %squeeze3A_1397 : i32 to index
      %get3A_1402 = tpu.vector_load %arg12[%get3A_1399, %get3A_1400, %get3A_1401] {strides = array<i32>} : memref<2x128x128xf32, #tpu.memory_space<vmem>>, vector<1x1x16xf32>,
      %get3A_1403 = vector.shape_cast %get3A_1402 : vector<1x1x16xf32> to vector<16xf32>
      %mul3A_1404 = arith.mulf %get3A_1395, %get3A_1403 : vector<16xf32>
      %mul3A_1405 = arith.constant 16 : i32
      %mul3A_1406 = arith.muli %scan3A_1213, %mul3A_1405 : i32
      %add3A_1407 = arith.constant 1 : i32
      %add3A_1408 = arith.addi %mul3A_1406, %add3A_1407 : i32
      %slice3A_1409 = vector.extract_strided_slice %shift_left3A_1225 {offsets = [1], sizes = [1], strides = [1]} : vector<16xi32> to vector<1xi32>
      %squeeze3A_1410 = vector.extract %slice3A_1409[0] : i32 from vector<1xi32>
      %get3A_1411 = arith.constant 1 : i32
      %get3A_1412 = arith.index_cast %get3A_1411 : i32 to index
      %get3A_1413 = arith.index_cast %add3A_1408 : i32 to index
      %get3A_1414 = arith.index_cast %squeeze3A_1410 : i32 to index
      %get3A_1415 = tpu.vector_load %arg11[%get3A_1412, %get3A_1413, %get3A_1414] {strides = array<i32>} : memref<2x128x128xf32, #tpu.memory_space<vmem>>, vector<1x1x16xf32>,
      %get3A_1416 = vector.shape_cast %get3A_1415 : vector<1x1x16xf32> to vector<16xf32>
      %slice3A_1417 = vector.extract_strided_slice %shift_left3A_1238 {offsets = [1], sizes = [1], strides = [1]} : vector<16xi32> to vector<1xi32>
      %squeeze3A_1418 = vector.extract %slice3A_1417[0] : i32 from vector<1xi32>
      %get3A_1419 = arith.constant 1 : i32
      %get3A_1420 = arith.index_cast %get3A_1419 : i32 to index
      %get3A_1421 = arith.index_cast %add3A_1408 : i32 to index
      %get3A_1422 = arith.index_cast %squeeze3A_1418 : i32 to index
      %get3A_1423 = tpu.vector_load %arg12[%get3A_1420, %get3A_1421, %get3A_1422] {strides = array<i32>} : memref<2x128x128xf32, #tpu.memory_space<vmem>>, vector<1x1x16xf32>,
      %get3A_1424 = vector.shape_cast %get3A_1423 : vector<1x1x16xf32> to vector<16xf32>
      %mul3A_1425 = arith.mulf %get3A_1416, %get3A_1424 : vector<16xf32>
      %mul3A_1426 = arith.constant 16 : i32
      %mul3A_1427 = arith.muli %scan3A_1213, %mul3A_1426 : i32
      %add3A_1428 = arith.constant 9 : i32
      %add3A_1429 = arith.addi %mul3A_1427, %add3A_1428 : i32
      %slice3A_1430 = vector.extract_strided_slice %shift_left3A_1225 {offsets = [9], sizes = [1], strides = [1]} : vector<16xi32> to vector<1xi32>
      %squeeze3A_1431 = vector.extract %slice3A_1430[0] : i32 from vector<1xi32>
      %get3A_1432 = arith.constant 1 : i32
      %get3A_1433 = arith.index_cast %get3A_1432 : i32 to index
      %get3A_1434 = arith.index_cast %add3A_1429 : i32 to index
      %get3A_1435 = arith.index_cast %squeeze3A_1431 : i32 to index
      %get3A_1436 = tpu.vector_load %arg11[%get3A_1433, %get3A_1434, %get3A_1435] {strides = array<i32>} : memref<2x128x128xf32, #tpu.memory_space<vmem>>, vector<1x1x16xf32>,
      %get3A_1437 = vector.shape_cast %get3A_1436 : vector<1x1x16xf32> to vector<16xf32>
      %slice3A_1438 = vector.extract_strided_slice %shift_left3A_1238 {offsets = [9], sizes = [1], strides = [1]} : vector<16xi32> to vector<1xi32>
      %squeeze3A_1439 = vector.extract %slice3A_1438[0] : i32 from vector<1xi32>
      %get3A_1440 = arith.constant 1 : i32
      %get3A_1441 = arith.index_cast %get3A_1440 : i32 to index
      %get3A_1442 = arith.index_cast %add3A_1429 : i32 to index
      %get3A_1443 = arith.index_cast %squeeze3A_1439 : i32 to index
      %get3A_1444 = tpu.vector_load %arg12[%get3A_1441, %get3A_1442, %get3A_1443] {strides = array<i32>} : memref<2x128x128xf32, #tpu.memory_space<vmem>>, vector<1x1x16xf32>,
      %get3A_1445 = vector.shape_cast %get3A_1444 : vector<1x1x16xf32> to vector<16xf32>
      %mul3A_1446 = arith.mulf %get3A_1437, %get3A_1445 : vector<16xf32>
      %mul3A_1447 = arith.constant 16 : i32
      %mul3A_1448 = arith.muli %scan3A_1213, %mul3A_1447 : i32
      %add3A_1449 = arith.constant 5 : i32
      %add3A_1450 = arith.addi %mul3A_1448, %add3A_1449 : i32
      %slice3A_1451 = vector.extract_strided_slice %shift_left3A_1225 {offsets = [5], sizes = [1], strides = [1]} : vector<16xi32> to vector<1xi32>
      %squeeze3A_1452 = vector.extract %slice3A_1451[0] : i32 from vector<1xi32>
      %get3A_1453 = arith.constant 1 : i32
      %get3A_1454 = arith.index_cast %get3A_1453 : i32 to index
      %get3A_1455 = arith.index_cast %add3A_1450 : i32 to index
      %get3A_1456 = arith.index_cast %squeeze3A_1452 : i32 to index
      %get3A_1457 = tpu.vector_load %arg11[%get3A_1454, %get3A_1455, %get3A_1456] {strides = array<i32>} : memref<2x128x128xf32, #tpu.memory_space<vmem>>, vector<1x1x16xf32>,
      %get3A_1458 = vector.shape_cast %get3A_1457 : vector<1x1x16xf32> to vector<16xf32>
      %slice3A_1459 = vector.extract_strided_slice %shift_left3A_1238 {offsets = [5], sizes = [1], strides = [1]} : vector<16xi32> to vector<1xi32>
      %squeeze3A_1460 = vector.extract %slice3A_1459[0] : i32 from vector<1xi32>
      %get3A_1461 = arith.constant 1 : i32
      %get3A_1462 = arith.index_cast %get3A_1461 : i32 to index
      %get3A_1463 = arith.index_cast %add3A_1450 : i32 to index
      %get3A_1464 = arith.index_cast %squeeze3A_1460 : i32 to index
      %get3A_1465 = tpu.vector_load %arg12[%get3A_1462, %get3A_1463, %get3A_1464] {strides = array<i32>} : memref<2x128x128xf32, #tpu.memory_space<vmem>>, vector<1x1x16xf32>,
      %get3A_1466 = vector.shape_cast %get3A_1465 : vector<1x1x16xf32> to vector<16xf32>
      %mul3A_1467 = arith.mulf %get3A_1458, %get3A_1466 : vector<16xf32>
      %mul3A_1468 = arith.constant 16 : i32
      %mul3A_1469 = arith.muli %scan3A_1213, %mul3A_1468 : i32
      %add3A_1470 = arith.constant 13 : i32
      %add3A_1471 = arith.addi %mul3A_1469, %add3A_1470 : i32
      %slice3A_1472 = vector.extract_strided_slice %shift_left3A_1225 {offsets = [13], sizes = [1], strides = [1]} : vector<16xi32> to vector<1xi32>
      %squeeze3A_1473 = vector.extract %slice3A_1472[0] : i32 from vector<1xi32>
      %get3A_1474 = arith.constant 1 : i32
      %get3A_1475 = arith.index_cast %get3A_1474 : i32 to index
      %get3A_1476 = arith.index_cast %add3A_1471 : i32 to index
      %get3A_1477 = arith.index_cast %squeeze3A_1473 : i32 to index
      %get3A_1478 = tpu.vector_load %arg11[%get3A_1475, %get3A_1476, %get3A_1477] {strides = array<i32>} : memref<2x128x128xf32, #tpu.memory_space<vmem>>, vector<1x1x16xf32>,
      %get3A_1479 = vector.shape_cast %get3A_1478 : vector<1x1x16xf32> to vector<16xf32>
      %slice3A_1480 = vector.extract_strided_slice %shift_left3A_1238 {offsets = [13], sizes = [1], strides = [1]} : vector<16xi32> to vector<1xi32>
      %squeeze3A_1481 = vector.extract %slice3A_1480[0] : i32 from vector<1xi32>
      %get3A_1482 = arith.constant 1 : i32
      %get3A_1483 = arith.index_cast %get3A_1482 : i32 to index
      %get3A_1484 = arith.index_cast %add3A_1471 : i32 to index
      %get3A_1485 = arith.index_cast %squeeze3A_1481 : i32 to index
      %get3A_1486 = tpu.vector_load %arg12[%get3A_1483, %get3A_1484, %get3A_1485] {strides = array<i32>} : memref<2x128x128xf32, #tpu.memory_space<vmem>>, vector<1x1x16xf32>,
      %get3A_1487 = vector.shape_cast %get3A_1486 : vector<1x1x16xf32> to vector<16xf32>
      %mul3A_1488 = arith.mulf %get3A_1479, %get3A_1487 : vector<16xf32>
      %mul3A_1489 = arith.constant 16 : i32
      %mul3A_1490 = arith.muli %scan3A_1213, %mul3A_1489 : i32
      %add3A_1491 = arith.constant 3 : i32
      %add3A_1492 = arith.addi %mul3A_1490, %add3A_1491 : i32
      %slice3A_1493 = vector.extract_strided_slice %shift_left3A_1225 {offsets = [3], sizes = [1], strides = [1]} : vector<16xi32> to vector<1xi32>
      %squeeze3A_1494 = vector.extract %slice3A_1493[0] : i32 from vector<1xi32>
      %get3A_1495 = arith.constant 1 : i32
      %get3A_1496 = arith.index_cast %get3A_1495 : i32 to index
      %get3A_1497 = arith.index_cast %add3A_1492 : i32 to index
      %get3A_1498 = arith.index_cast %squeeze3A_1494 : i32 to index
      %get3A_1499 = tpu.vector_load %arg11[%get3A_1496, %get3A_1497, %get3A_1498] {strides = array<i32>} : memref<2x128x128xf32, #tpu.memory_space<vmem>>, vector<1x1x16xf32>,
      %get3A_1500 = vector.shape_cast %get3A_1499 : vector<1x1x16xf32> to vector<16xf32>
      %slice3A_1501 = vector.extract_strided_slice %shift_left3A_1238 {offsets = [3], sizes = [1], strides = [1]} : vector<16xi32> to vector<1xi32>
      %squeeze3A_1502 = vector.extract %slice3A_1501[0] : i32 from vector<1xi32>
      %get3A_1503 = arith.constant 1 : i32
      %get3A_1504 = arith.index_cast %get3A_1503 : i32 to index
      %get3A_1505 = arith.index_cast %add3A_1492 : i32 to index
      %get3A_1506 = arith.index_cast %squeeze3A_1502 : i32 to index
      %get3A_1507 = tpu.vector_load %arg12[%get3A_1504, %get3A_1505, %get3A_1506] {strides = array<i32>} : memref<2x128x128xf32, #tpu.memory_space<vmem>>, vector<1x1x16xf32>,
      %get3A_1508 = vector.shape_cast %get3A_1507 : vector<1x1x16xf32> to vector<16xf32>
      %mul3A_1509 = arith.mulf %get3A_1500, %get3A_1508 : vector<16xf32>
      %mul3A_1510 = arith.constant 16 : i32
      %mul3A_1511 = arith.muli %scan3A_1213, %mul3A_1510 : i32
      %add3A_1512 = arith.constant 11 : i32
      %add3A_1513 = arith.addi %mul3A_1511, %add3A_1512 : i32
      %slice3A_1514 = vector.extract_strided_slice %shift_left3A_1225 {offsets = [11], sizes = [1], strides = [1]} : vector<16xi32> to vector<1xi32>
      %squeeze3A_1515 = vector.extract %slice3A_1514[0] : i32 from vector<1xi32>
      %get3A_1516 = arith.constant 1 : i32
      %get3A_1517 = arith.index_cast %get3A_1516 : i32 to index
      %get3A_1518 = arith.index_cast %add3A_1513 : i32 to index
      %get3A_1519 = arith.index_cast %squeeze3A_1515 : i32 to index
      %get3A_1520 = tpu.vector_load %arg11[%get3A_1517, %get3A_1518, %get3A_1519] {strides = array<i32>} : memref<2x128x128xf32, #tpu.memory_space<vmem>>, vector<1x1x16xf32>,
      %get3A_1521 = vector.shape_cast %get3A_1520 : vector<1x1x16xf32> to vector<16xf32>
      %slice3A_1522 = vector.extract_strided_slice %shift_left3A_1238 {offsets = [11], sizes = [1], strides = [1]} : vector<16xi32> to vector<1xi32>
      %squeeze3A_1523 = vector.extract %slice3A_1522[0] : i32 from vector<1xi32>
      %get3A_1524 = arith.constant 1 : i32
      %get3A_1525 = arith.index_cast %get3A_1524 : i32 to index
      %get3A_1526 = arith.index_cast %add3A_1513 : i32 to index
      %get3A_1527 = arith.index_cast %squeeze3A_1523 : i32 to index
      %get3A_1528 = tpu.vector_load %arg12[%get3A_1525, %get3A_1526, %get3A_1527] {strides = array<i32>} : memref<2x128x128xf32, #tpu.memory_space<vmem>>, vector<1x1x16xf32>,
      %get3A_1529 = vector.shape_cast %get3A_1528 : vector<1x1x16xf32> to vector<16xf32>
      %mul3A_1530 = arith.mulf %get3A_1521, %get3A_1529 : vector<16xf32>
      %mul3A_1531 = arith.constant 16 : i32
      %mul3A_1532 = arith.muli %scan3A_1213, %mul3A_1531 : i32
      %add3A_1533 = arith.constant 7 : i32
      %add3A_1534 = arith.addi %mul3A_1532, %add3A_1533 : i32
      %slice3A_1535 = vector.extract_strided_slice %shift_left3A_1225 {offsets = [7], sizes = [1], strides = [1]} : vector<16xi32> to vector<1xi32>
      %squeeze3A_1536 = vector.extract %slice3A_1535[0] : i32 from vector<1xi32>
      %get3A_1537 = arith.constant 1 : i32
      %get3A_1538 = arith.index_cast %get3A_1537 : i32 to index
      %get3A_1539 = arith.index_cast %add3A_1534 : i32 to index
      %get3A_1540 = arith.index_cast %squeeze3A_1536 : i32 to index
      %get3A_1541 = tpu.vector_load %arg11[%get3A_1538, %get3A_1539, %get3A_1540] {strides = array<i32>} : memref<2x128x128xf32, #tpu.memory_space<vmem>>, vector<1x1x16xf32>,
      %get3A_1542 = vector.shape_cast %get3A_1541 : vector<1x1x16xf32> to vector<16xf32>
      %slice3A_1543 = vector.extract_strided_slice %shift_left3A_1238 {offsets = [7], sizes = [1], strides = [1]} : vector<16xi32> to vector<1xi32>
      %squeeze3A_1544 = vector.extract %slice3A_1543[0] : i32 from vector<1xi32>
      %get3A_1545 = arith.constant 1 : i32
      %get3A_1546 = arith.index_cast %get3A_1545 : i32 to index
      %get3A_1547 = arith.index_cast %add3A_1534 : i32 to index
      %get3A_1548 = arith.index_cast %squeeze3A_1544 : i32 to index
      %get3A_1549 = tpu.vector_load %arg12[%get3A_1546, %get3A_1547, %get3A_1548] {strides = array<i32>} : memref<2x128x128xf32, #tpu.memory_space<vmem>>, vector<1x1x16xf32>,
      %get3A_1550 = vector.shape_cast %get3A_1549 : vector<1x1x16xf32> to vector<16xf32>
      %mul3A_1551 = arith.mulf %get3A_1542, %get3A_1550 : vector<16xf32>
      %mul3A_1552 = arith.constant 16 : i32
      %mul3A_1553 = arith.muli %scan3A_1213, %mul3A_1552 : i32
      %add3A_1554 = arith.constant 15 : i32
      %add3A_1555 = arith.addi %mul3A_1553, %add3A_1554 : i32
      %slice3A_1556 = vector.extract_strided_slice %shift_left3A_1225 {offsets = [15], sizes = [1], strides = [1]} : vector<16xi32> to vector<1xi32>
      %squeeze3A_1557 = vector.extract %slice3A_1556[0] : i32 from vector<1xi32>
      %get3A_1558 = arith.constant 1 : i32
      %get3A_1559 = arith.index_cast %get3A_1558 : i32 to index
      %get3A_1560 = arith.index_cast %add3A_1555 : i32 to index
      %get3A_1561 = arith.index_cast %squeeze3A_1557 : i32 to index
      %get3A_1562 = tpu.vector_load %arg11[%get3A_1559, %get3A_1560, %get3A_1561] {strides = array<i32>} : memref<2x128x128xf32, #tpu.memory_space<vmem>>, vector<1x1x16xf32>,
      %get3A_1563 = vector.shape_cast %get3A_1562 : vector<1x1x16xf32> to vector<16xf32>
      %slice3A_1564 = vector.extract_strided_slice %shift_left3A_1238 {offsets = [15], sizes = [1], strides = [1]} : vector<16xi32> to vector<1xi32>
      %squeeze3A_1565 = vector.extract %slice3A_1564[0] : i32 from vector<1xi32>
      %get3A_1566 = arith.constant 1 : i32
      %get3A_1567 = arith.index_cast %get3A_1566 : i32 to index
      %get3A_1568 = arith.index_cast %add3A_1555 : i32 to index
      %get3A_1569 = arith.index_cast %squeeze3A_1565 : i32 to index
      %get3A_1570 = tpu.vector_load %arg12[%get3A_1567, %get3A_1568, %get3A_1569] {strides = array<i32>} : memref<2x128x128xf32, #tpu.memory_space<vmem>>, vector<1x1x16xf32>,
      %get3A_1571 = vector.shape_cast %get3A_1570 : vector<1x1x16xf32> to vector<16xf32>
      %mul3A_1572 = arith.mulf %get3A_1563, %get3A_1571 : vector<16xf32>
      %broadcast_in_dim3A = vector.shape_cast %xor3A_897 : vector<16xi32> to vector<16x1xi32>
      %gather3A = vector.shape_cast %broadcast_in_dim3A : vector<16x1xi32> to vector<16xi32>
      %gather3A_1573 = tpu.dynamic_gather %mul3A_1257[%gather3A] in [0] : vector<16xf32>, vector<16xi32> -> vector<16xf32>
      %add3A_1574 = arith.addf %mul3A_1257, %gather3A_1573 : vector<16xf32>
      %broadcast_in_dim3A_1575 = vector.shape_cast %xor3A_897 : vector<16xi32> to vector<16x1xi32>
      %gather3A_1576 = vector.shape_cast %broadcast_in_dim3A_1575 : vector<16x1xi32> to vector<16xi32>
      %gather3A_1577 = tpu.dynamic_gather %mul3A_1278[%gather3A_1576] in [0] : vector<16xf32>, vector<16xi32> -> vector<16xf32>
      %add3A_1578 = arith.addf %mul3A_1278, %gather3A_1577 : vector<16xf32>
      %select_n3A_1579 = arith.select %lt3A_924, %add3A_1574, %add3A_1578 : vector<16xi1>, vector<16xf32>
      %broadcast_in_dim3A_1580 = vector.shape_cast %xor3A_897 : vector<16xi32> to vector<16x1xi32>
      %gather3A_1581 = vector.shape_cast %broadcast_in_dim3A_1580 : vector<16x1xi32> to vector<16xi32>
      %gather3A_1582 = tpu.dynamic_gather %mul3A_1299[%gather3A_1581] in [0] : vector<16xf32>, vector<16xi32> -> vector<16xf32>
      %add3A_1583 = arith.addf %mul3A_1299, %gather3A_1582 : vector<16xf32>
      %broadcast_in_dim3A_1584 = vector.shape_cast %xor3A_897 : vector<16xi32> to vector<16x1xi32>
      %gather3A_1585 = vector.shape_cast %broadcast_in_dim3A_1584 : vector<16x1xi32> to vector<16xi32>
      %gather3A_1586 = tpu.dynamic_gather %mul3A_1320[%gather3A_1585] in [0] : vector<16xf32>, vector<16xi32> -> vector<16xf32>
      %add3A_1587 = arith.addf %mul3A_1320, %gather3A_1586 : vector<16xf32>
      %select_n3A_1588 = arith.select %lt3A_924, %add3A_1583, %add3A_1587 : vector<16xi1>, vector<16xf32>
      %broadcast_in_dim3A_1589 = vector.shape_cast %xor3A_897 : vector<16xi32> to vector<16x1xi32>
      %gather3A_1590 = vector.shape_cast %broadcast_in_dim3A_1589 : vector<16x1xi32> to vector<16xi32>
      %gather3A_1591 = tpu.dynamic_gather %mul3A_1341[%gather3A_1590] in [0] : vector<16xf32>, vector<16xi32> -> vector<16xf32>
      %add3A_1592 = arith.addf %mul3A_1341, %gather3A_1591 : vector<16xf32>
      %broadcast_in_dim3A_1593 = vector.shape_cast %xor3A_897 : vector<16xi32> to vector<16x1xi32>
      %gather3A_1594 = vector.shape_cast %broadcast_in_dim3A_1593 : vector<16x1xi32> to vector<16xi32>
      %gather3A_1595 = tpu.dynamic_gather %mul3A_1362[%gather3A_1594] in [0] : vector<16xf32>, vector<16xi32> -> vector<16xf32>
      %add3A_1596 = arith.addf %mul3A_1362, %gather3A_1595 : vector<16xf32>
      %select_n3A_1597 = arith.select %lt3A_924, %add3A_1592, %add3A_1596 : vector<16xi1>, vector<16xf32>
      %broadcast_in_dim3A_1598 = vector.shape_cast %xor3A_897 : vector<16xi32> to vector<16x1xi32>
      %gather3A_1599 = vector.shape_cast %broadcast_in_dim3A_1598 : vector<16x1xi32> to vector<16xi32>
      %gather3A_1600 = tpu.dynamic_gather %mul3A_1383[%gather3A_1599] in [0] : vector<16xf32>, vector<16xi32> -> vector<16xf32>
      %add3A_1601 = arith.addf %mul3A_1383, %gather3A_1600 : vector<16xf32>
      %broadcast_in_dim3A_1602 = vector.shape_cast %xor3A_897 : vector<16xi32> to vector<16x1xi32>
      %gather3A_1603 = vector.shape_cast %broadcast_in_dim3A_1602 : vector<16x1xi32> to vector<16xi32>
      %gather3A_1604 = tpu.dynamic_gather %mul3A_1404[%gather3A_1603] in [0] : vector<16xf32>, vector<16xi32> -> vector<16xf32>
      %add3A_1605 = arith.addf %mul3A_1404, %gather3A_1604 : vector<16xf32>
      %select_n3A_1606 = arith.select %lt3A_924, %add3A_1601, %add3A_1605 : vector<16xi1>, vector<16xf32>
      %broadcast_in_dim3A_1607 = vector.shape_cast %xor3A_897 : vector<16xi32> to vector<16x1xi32>
      %gather3A_1608 = vector.shape_cast %broadcast_in_dim3A_1607 : vector<16x1xi32> to vector<16xi32>
      %gather3A_1609 = tpu.dynamic_gather %mul3A_1425[%gather3A_1608] in [0] : vector<16xf32>, vector<16xi32> -> vector<16xf32>
      %add3A_1610 = arith.addf %mul3A_1425, %gather3A_1609 : vector<16xf32>
      %broadcast_in_dim3A_1611 = vector.shape_cast %xor3A_897 : vector<16xi32> to vector<16x1xi32>
      %gather3A_1612 = vector.shape_cast %broadcast_in_dim3A_1611 : vector<16x1xi32> to vector<16xi32>
      %gather3A_1613 = tpu.dynamic_gather %mul3A_1446[%gather3A_1612] in [0] : vector<16xf32>, vector<16xi32> -> vector<16xf32>
      %add3A_1614 = arith.addf %mul3A_1446, %gather3A_1613 : vector<16xf32>
      %select_n3A_1615 = arith.select %lt3A_924, %add3A_1610, %add3A_1614 : vector<16xi1>, vector<16xf32>
      %broadcast_in_dim3A_1616 = vector.shape_cast %xor3A_897 : vector<16xi32> to vector<16x1xi32>
      %gather3A_1617 = vector.shape_cast %broadcast_in_dim3A_1616 : vector<16x1xi32> to vector<16xi32>
      %gather3A_1618 = tpu.dynamic_gather %mul3A_1467[%gather3A_1617] in [0] : vector<16xf32>, vector<16xi32> -> vector<16xf32>
      %add3A_1619 = arith.addf %mul3A_1467, %gather3A_1618 : vector<16xf32>
      %broadcast_in_dim3A_1620 = vector.shape_cast %xor3A_897 : vector<16xi32> to vector<16x1xi32>
      %gather3A_1621 = vector.shape_cast %broadcast_in_dim3A_1620 : vector<16x1xi32> to vector<16xi32>
      %gather3A_1622 = tpu.dynamic_gather %mul3A_1488[%gather3A_1621] in [0] : vector<16xf32>, vector<16xi32> -> vector<16xf32>
      %add3A_1623 = arith.addf %mul3A_1488, %gather3A_1622 : vector<16xf32>
      %select_n3A_1624 = arith.select %lt3A_924, %add3A_1619, %add3A_1623 : vector<16xi1>, vector<16xf32>
      %broadcast_in_dim3A_1625 = vector.shape_cast %xor3A_897 : vector<16xi32> to vector<16x1xi32>
      %gather3A_1626 = vector.shape_cast %broadcast_in_dim3A_1625 : vector<16x1xi32> to vector<16xi32>
      %gather3A_1627 = tpu.dynamic_gather %mul3A_1509[%gather3A_1626] in [0] : vector<16xf32>, vector<16xi32> -> vector<16xf32>
      %add3A_1628 = arith.addf %mul3A_1509, %gather3A_1627 : vector<16xf32>
      %broadcast_in_dim3A_1629 = vector.shape_cast %xor3A_897 : vector<16xi32> to vector<16x1xi32>
      %gather3A_1630 = vector.shape_cast %broadcast_in_dim3A_1629 : vector<16x1xi32> to vector<16xi32>
      %gather3A_1631 = tpu.dynamic_gather %mul3A_1530[%gather3A_1630] in [0] : vector<16xf32>, vector<16xi32> -> vector<16xf32>
      %add3A_1632 = arith.addf %mul3A_1530, %gather3A_1631 : vector<16xf32>
      %select_n3A_1633 = arith.select %lt3A_924, %add3A_1628, %add3A_1632 : vector<16xi1>, vector<16xf32>
      %broadcast_in_dim3A_1634 = vector.shape_cast %xor3A_897 : vector<16xi32> to vector<16x1xi32>
      %gather3A_1635 = vector.shape_cast %broadcast_in_dim3A_1634 : vector<16x1xi32> to vector<16xi32>
      %gather3A_1636 = tpu.dynamic_gather %mul3A_1551[%gather3A_1635] in [0] : vector<16xf32>, vector<16xi32> -> vector<16xf32>
      %add3A_1637 = arith.addf %mul3A_1551, %gather3A_1636 : vector<16xf32>
      %broadcast_in_dim3A_1638 = vector.shape_cast %xor3A_897 : vector<16xi32> to vector<16x1xi32>
      %gather3A_1639 = vector.shape_cast %broadcast_in_dim3A_1638 : vector<16x1xi32> to vector<16xi32>
      %gather3A_1640 = tpu.dynamic_gather %mul3A_1572[%gather3A_1639] in [0] : vector<16xf32>, vector<16xi32> -> vector<16xf32>
      %add3A_1641 = arith.addf %mul3A_1572, %gather3A_1640 : vector<16xf32>
      %select_n3A_1642 = arith.select %lt3A_924, %add3A_1637, %add3A_1641 : vector<16xi1>, vector<16xf32>
      %broadcast_in_dim3A_1643 = vector.shape_cast %xor3A_900 : vector<16xi32> to vector<16x1xi32>
      %gather3A_1644 = vector.shape_cast %broadcast_in_dim3A_1643 : vector<16x1xi32> to vector<16xi32>
      %gather3A_1645 = tpu.dynamic_gather %select_n3A_1579[%gather3A_1644] in [0] : vector<16xf32>, vector<16xi32> -> vector<16xf32>
      %add3A_1646 = arith.addf %select_n3A_1579, %gather3A_1645 : vector<16xf32>
      %broadcast_in_dim3A_1647 = vector.shape_cast %xor3A_900 : vector<16xi32> to vector<16x1xi32>
      %gather3A_1648 = vector.shape_cast %broadcast_in_dim3A_1647 : vector<16x1xi32> to vector<16xi32>
      %gather3A_1649 = tpu.dynamic_gather %select_n3A_1588[%gather3A_1648] in [0] : vector<16xf32>, vector<16xi32> -> vector<16xf32>
      %add3A_1650 = arith.addf %select_n3A_1588, %gather3A_1649 : vector<16xf32>
      %select_n3A_1651 = arith.select %lt3A_949, %add3A_1646, %add3A_1650 : vector<16xi1>, vector<16xf32>
      %broadcast_in_dim3A_1652 = vector.shape_cast %xor3A_900 : vector<16xi32> to vector<16x1xi32>
      %gather3A_1653 = vector.shape_cast %broadcast_in_dim3A_1652 : vector<16x1xi32> to vector<16xi32>
      %gather3A_1654 = tpu.dynamic_gather %select_n3A_1597[%gather3A_1653] in [0] : vector<16xf32>, vector<16xi32> -> vector<16xf32>
      %add3A_1655 = arith.addf %select_n3A_1597, %gather3A_1654 : vector<16xf32>
      %broadcast_in_dim3A_1656 = vector.shape_cast %xor3A_900 : vector<16xi32> to vector<16x1xi32>
      %gather3A_1657 = vector.shape_cast %broadcast_in_dim3A_1656 : vector<16x1xi32> to vector<16xi32>
      %gather3A_1658 = tpu.dynamic_gather %select_n3A_1606[%gather3A_1657] in [0] : vector<16xf32>, vector<16xi32> -> vector<16xf32>
      %add3A_1659 = arith.addf %select_n3A_1606, %gather3A_1658 : vector<16xf32>
      %select_n3A_1660 = arith.select %lt3A_949, %add3A_1655, %add3A_1659 : vector<16xi1>, vector<16xf32>
      %broadcast_in_dim3A_1661 = vector.shape_cast %xor3A_900 : vector<16xi32> to vector<16x1xi32>
      %gather3A_1662 = vector.shape_cast %broadcast_in_dim3A_1661 : vector<16x1xi32> to vector<16xi32>
      %gather3A_1663 = tpu.dynamic_gather %select_n3A_1615[%gather3A_1662] in [0] : vector<16xf32>, vector<16xi32> -> vector<16xf32>
      %add3A_1664 = arith.addf %select_n3A_1615, %gather3A_1663 : vector<16xf32>
      %broadcast_in_dim3A_1665 = vector.shape_cast %xor3A_900 : vector<16xi32> to vector<16x1xi32>
      %gather3A_1666 = vector.shape_cast %broadcast_in_dim3A_1665 : vector<16x1xi32> to vector<16xi32>
      %gather3A_1667 = tpu.dynamic_gather %select_n3A_1624[%gather3A_1666] in [0] : vector<16xf32>, vector<16xi32> -> vector<16xf32>
      %add3A_1668 = arith.addf %select_n3A_1624, %gather3A_1667 : vector<16xf32>
      %select_n3A_1669 = arith.select %lt3A_949, %add3A_1664, %add3A_1668 : vector<16xi1>, vector<16xf32>
      %broadcast_in_dim3A_1670 = vector.shape_cast %xor3A_900 : vector<16xi32> to vector<16x1xi32>
      %gather3A_1671 = vector.shape_cast %broadcast_in_dim3A_1670 : vector<16x1xi32> to vector<16xi32>
      %gather3A_1672 = tpu.dynamic_gather %select_n3A_1633[%gather3A_1671] in [0] : vector<16xf32>, vector<16xi32> -> vector<16xf32>
      %add3A_1673 = arith.addf %select_n3A_1633, %gather3A_1672 : vector<16xf32>
      %broadcast_in_dim3A_1674 = vector.shape_cast %xor3A_900 : vector<16xi32> to vector<16x1xi32>
      %gather3A_1675 = vector.shape_cast %broadcast_in_dim3A_1674 : vector<16x1xi32> to vector<16xi32>
      %gather3A_1676 = tpu.dynamic_gather %select_n3A_1642[%gather3A_1675] in [0] : vector<16xf32>, vector<16xi32> -> vector<16xf32>
      %add3A_1677 = arith.addf %select_n3A_1642, %gather3A_1676 : vector<16xf32>
      %select_n3A_1678 = arith.select %lt3A_949, %add3A_1673, %add3A_1677 : vector<16xi1>, vector<16xf32>
      %broadcast_in_dim3A_1679 = vector.shape_cast %xor3A_903 : vector<16xi32> to vector<16x1xi32>
      %gather3A_1680 = vector.shape_cast %broadcast_in_dim3A_1679 : vector<16x1xi32> to vector<16xi32>
      %gather3A_1681 = tpu.dynamic_gather %select_n3A_1651[%gather3A_1680] in [0] : vector<16xf32>, vector<16xi32> -> vector<16xf32>
      %add3A_1682 = arith.addf %select_n3A_1651, %gather3A_1681 : vector<16xf32>
      %broadcast_in_dim3A_1683 = vector.shape_cast %xor3A_903 : vector<16xi32> to vector<16x1xi32>
      %gather3A_1684 = vector.shape_cast %broadcast_in_dim3A_1683 : vector<16x1xi32> to vector<16xi32>
      %gather3A_1685 = tpu.dynamic_gather %select_n3A_1660[%gather3A_1684] in [0] : vector<16xf32>, vector<16xi32> -> vector<16xf32>
      %add3A_1686 = arith.addf %select_n3A_1660, %gather3A_1685 : vector<16xf32>
      %select_n3A_1687 = arith.select %lt3A_974, %add3A_1682, %add3A_1686 : vector<16xi1>, vector<16xf32>
      %broadcast_in_dim3A_1688 = vector.shape_cast %xor3A_903 : vector<16xi32> to vector<16x1xi32>
      %gather3A_1689 = vector.shape_cast %broadcast_in_dim3A_1688 : vector<16x1xi32> to vector<16xi32>
      %gather3A_1690 = tpu.dynamic_gather %select_n3A_1669[%gather3A_1689] in [0] : vector<16xf32>, vector<16xi32> -> vector<16xf32>
      %add3A_1691 = arith.addf %select_n3A_1669, %gather3A_1690 : vector<16xf32>
      %broadcast_in_dim3A_1692 = vector.shape_cast %xor3A_903 : vector<16xi32> to vector<16x1xi32>
      %gather3A_1693 = vector.shape_cast %broadcast_in_dim3A_1692 : vector<16x1xi32> to vector<16xi32>
      %gather3A_1694 = tpu.dynamic_gather %select_n3A_1678[%gather3A_1693] in [0] : vector<16xf32>, vector<16xi32> -> vector<16xf32>
      %add3A_1695 = arith.addf %select_n3A_1678, %gather3A_1694 : vector<16xf32>
      %select_n3A_1696 = arith.select %lt3A_974, %add3A_1691, %add3A_1695 : vector<16xi1>, vector<16xf32>
      %broadcast_in_dim3A_1697 = vector.shape_cast %xor3A_906 : vector<16xi32> to vector<16x1xi32>
      %gather3A_1698 = vector.shape_cast %broadcast_in_dim3A_1697 : vector<16x1xi32> to vector<16xi32>
      %gather3A_1699 = tpu.dynamic_gather %select_n3A_1687[%gather3A_1698] in [0] : vector<16xf32>, vector<16xi32> -> vector<16xf32>
      %add3A_1700 = arith.addf %select_n3A_1687, %gather3A_1699 : vector<16xf32>
      %broadcast_in_dim3A_1701 = vector.shape_cast %xor3A_906 : vector<16xi32> to vector<16x1xi32>
      %gather3A_1702 = vector.shape_cast %broadcast_in_dim3A_1701 : vector<16x1xi32> to vector<16xi32>
      %gather3A_1703 = tpu.dynamic_gather %select_n3A_1696[%gather3A_1702] in [0] : vector<16xf32>, vector<16xi32> -> vector<16xf32>
      %add3A_1704 = arith.addf %select_n3A_1696, %gather3A_1703 : vector<16xf32>
      %select_n3A_1705 = arith.select %lt3A_999, %add3A_1700, %add3A_1704 : vector<16xi1>, vector<16xf32>
      %neg3A = arith.constant 0.000000e+00 : f32
      %neg3A_1706 = vector.broadcast %neg3A : f32 to vector<16xf32>
      %neg3A_1707 = arith.subf %neg3A_1706, %select_n3A_1705 : vector<16xf32>
      %exp3A = math.exp %neg3A_1707 : vector<16xf32>
      %add3A_1708 = arith.constant 1.000000e+00 : f32
      %add3A_1709 = vector.broadcast %add3A_1708 : f32 to vector<16xf32>
      %add3A_1710 = arith.addf %add3A_1709, %exp3A : vector<16xf32>
      %div3A = arith.constant 1.000000e+00 : f32
      %div3A_1711 = vector.broadcast %div3A : f32 to vector<16xf32>
      %div3A_1712 = arith.divf %div3A_1711, %add3A_1710 : vector<16xf32>
      %mul3A_1713 = arith.constant 16 : i32
      %mul3A_1714 = arith.muli %scan3A_1213, %mul3A_1713 : i32
      %add3A_1715 = arith.constant 128 : i32
      %add3A_1716 = arith.addi %add3A_1715, %mul3A_1714 : i32
      %swap3A_1717 = arith.index_cast %add3A_1716 : i32 to index
      %swap3A_1718 = tpu.vector_load %arg13[%swap3A_1717] {strides = array<i32>} : memref<512xf32, #tpu.memory_space<vmem>>, vector<16xf32>,
      %swap3A_1719 = vector.shape_cast %swap3A_1718 : vector<16xf32> to vector<16xf32>
      %swap3A_1720 = vector.shape_cast %div3A_1712 : vector<16xf32> to vector<16xf32>
      tpu.vector_store %arg13[%swap3A_1717], %swap3A_1720 {strides = array<i32>} : memref<512xf32, #tpu.memory_space<vmem>>, vector<16xf32>,
    }
    %scan3A_1128 = arith.constant 8 : i32
    %dma_wait3A_1129 = arith.constant 2 : i32
    %dma_wait3A_1130 = arith.constant 0 : i32
    %dma_wait3A_1131 = arith.constant 0 : i32
    %dma_wait3A_1132 = arith.constant 0 : i32
    %dma_wait3A_1133 = tpu.memref_slice %arg11[%dma_wait3A_1130, %dma_wait3A_1131, %dma_wait3A_1132] : memref<2x128x128xf32, #tpu.memory_space<vmem>> -> memref<1x128x128xf32, #tpu.memory_space<vmem>>
    %dma_wait3A_1134 = tpu.memref_squeeze %dma_wait3A_1133 : memref<1x128x128xf32, #tpu.memory_space<vmem>> -> memref<128x128xf32, #tpu.memory_space<vmem>>
    %dma_wait3A_1135 = arith.constant 0 : i32
    %dma_wait3A_1136 = tpu.memref_slice %arg9[%dma_wait3A_1129, %dma_wait3A_1135] : memref<4x128xi32, #tpu.memory_space<vmem>> -> memref<1x128xi32, #tpu.memory_space<vmem>>
    %dma_wait3A_1137 = tpu.memref_squeeze %dma_wait3A_1136 : memref<1x128xi32, #tpu.memory_space<vmem>> -> memref<128xi32, #tpu.memory_space<vmem>>
    %dma_wait3A_1138 = arith.constant 0 : i32
    %dma_wait3A_1139 = arith.constant 0 : i32
    %dma_wait3A_1140 = tpu.memref_slice %arg4[%dma_wait3A_1138, %dma_wait3A_1139] : memref<125000x128xf32, #tpu.memory_space<hbm>> -> memref<125000x128xf32, #tpu.memory_space<hbm>>
    tpu.wait_indirect_dma semaphore(%arg14 : memref<!tpu.dma_semaphore, #tpu.memory_space<semaphore_mem>>) src(%dma_wait3A_1140 : memref<125000x128xf32, #tpu.memory_space<hbm>>) dst(%dma_wait3A_1134 : memref<128x128xf32, #tpu.memory_space<vmem>>)
    %dma_wait3A_1141 = arith.constant 2 : i32
    %dma_wait3A_1142 = arith.constant 0 : i32
    %dma_wait3A_1143 = arith.constant 0 : i32
    %dma_wait3A_1144 = arith.constant 0 : i32
    %dma_wait3A_1145 = tpu.memref_slice %arg12[%dma_wait3A_1142, %dma_wait3A_1143, %dma_wait3A_1144] : memref<2x128x128xf32, #tpu.memory_space<vmem>> -> memref<1x128x128xf32, #tpu.memory_space<vmem>>
    %dma_wait3A_1146 = tpu.memref_squeeze %dma_wait3A_1145 : memref<1x128x128xf32, #tpu.memory_space<vmem>> -> memref<128x128xf32, #tpu.memory_space<vmem>>
    %dma_wait3A_1147 = arith.constant 0 : i32
    %dma_wait3A_1148 = tpu.memref_slice %arg10[%dma_wait3A_1141, %dma_wait3A_1147] : memref<4x128xi32, #tpu.memory_space<vmem>> -> memref<1x128xi32, #tpu.memory_space<vmem>>
    %dma_wait3A_1149 = tpu.memref_squeeze %dma_wait3A_1148 : memref<1x128xi32, #tpu.memory_space<vmem>> -> memref<128xi32, #tpu.memory_space<vmem>>
    %dma_wait3A_1150 = arith.constant 0 : i32
    %dma_wait3A_1151 = arith.constant 0 : i32
    %dma_wait3A_1152 = tpu.memref_slice %arg5[%dma_wait3A_1150, %dma_wait3A_1151] : memref<125000x128xf32, #tpu.memory_space<hbm>> -> memref<125000x128xf32, #tpu.memory_space<hbm>>
    tpu.wait_indirect_dma semaphore(%arg14 : memref<!tpu.dma_semaphore, #tpu.memory_space<semaphore_mem>>) src(%dma_wait3A_1152 : memref<125000x128xf32, #tpu.memory_space<hbm>>) dst(%dma_wait3A_1146 : memref<128x128xf32, #tpu.memory_space<vmem>>)
    %dma_start3A_1153 = arith.constant 3 : i32
    %dma_start3A_1154 = arith.constant 1 : i32
    %dma_start3A_1155 = arith.constant 0 : i32
    %dma_start3A_1156 = arith.constant 0 : i32
    %dma_start3A_1157 = tpu.memref_slice %arg11[%dma_start3A_1154, %dma_start3A_1155, %dma_start3A_1156] : memref<2x128x128xf32, #tpu.memory_space<vmem>> -> memref<1x128x128xf32, #tpu.memory_space<vmem>>
    %dma_start3A_1158 = tpu.memref_squeeze %dma_start3A_1157 : memref<1x128x128xf32, #tpu.memory_space<vmem>> -> memref<128x128xf32, #tpu.memory_space<vmem>>
    %dma_start3A_1159 = arith.constant 0 : i32
    %dma_start3A_1160 = tpu.memref_slice %arg9[%dma_start3A_1153, %dma_start3A_1159] : memref<4x128xi32, #tpu.memory_space<vmem>> -> memref<1x128xi32, #tpu.memory_space<vmem>>
    %dma_start3A_1161 = tpu.memref_squeeze %dma_start3A_1160 : memref<1x128xi32, #tpu.memory_space<vmem>> -> memref<128xi32, #tpu.memory_space<vmem>>
    %dma_start3A_1162 = arith.constant 0 : i32
    %dma_start3A_1163 = arith.constant 0 : i32
    %dma_start3A_1164 = tpu.memref_slice %arg4[%dma_start3A_1162, %dma_start3A_1163] : memref<125000x128xf32, #tpu.memory_space<hbm>> -> memref<125000x128xf32, #tpu.memory_space<hbm>>
    tpu.enqueue_indirect_dma source(%dma_start3A_1164 : memref<125000x128xf32, #tpu.memory_space<hbm>>) target(%dma_start3A_1158 : memref<128x128xf32, #tpu.memory_space<vmem>>) offsets(%dma_start3A_1161 : memref<128xi32, #tpu.memory_space<vmem>>) semaphore(%arg14 : memref<!tpu.dma_semaphore, #tpu.memory_space<semaphore_mem>>)
    %dma_start3A_1165 = arith.constant 3 : i32
    %dma_start3A_1166 = arith.constant 1 : i32
    %dma_start3A_1167 = arith.constant 0 : i32
    %dma_start3A_1168 = arith.constant 0 : i32
    %dma_start3A_1169 = tpu.memref_slice %arg12[%dma_start3A_1166, %dma_start3A_1167, %dma_start3A_1168] : memref<2x128x128xf32, #tpu.memory_space<vmem>> -> memref<1x128x128xf32, #tpu.memory_space<vmem>>
    %dma_start3A_1170 = tpu.memref_squeeze %dma_start3A_1169 : memref<1x128x128xf32, #tpu.memory_space<vmem>> -> memref<128x128xf32, #tpu.memory_space<vmem>>
    %dma_start3A_1171 = arith.constant 0 : i32
    %dma_start3A_1172 = tpu.memref_slice %arg10[%dma_start3A_1165, %dma_start3A_1171] : memref<4x128xi32, #tpu.memory_space<vmem>> -> memref<1x128xi32, #tpu.memory_space<vmem>>
    %dma_start3A_1173 = tpu.memref_squeeze %dma_start3A_1172 : memref<1x128xi32, #tpu.memory_space<vmem>> -> memref<128xi32, #tpu.memory_space<vmem>>
    %dma_start3A_1174 = arith.constant 0 : i32
    %dma_start3A_1175 = arith.constant 0 : i32
    %dma_start3A_1176 = tpu.memref_slice %arg5[%dma_start3A_1174, %dma_start3A_1175] : memref<125000x128xf32, #tpu.memory_space<hbm>> -> memref<125000x128xf32, #tpu.memory_space<hbm>>
    tpu.enqueue_indirect_dma source(%dma_start3A_1176 : memref<125000x128xf32, #tpu.memory_space<hbm>>) target(%dma_start3A_1170 : memref<128x128xf32, #tpu.memory_space<vmem>>) offsets(%dma_start3A_1173 : memref<128xi32, #tpu.memory_space<vmem>>) semaphore(%arg14 : memref<!tpu.dma_semaphore, #tpu.memory_space<semaphore_mem>>)
    %scan3A_1177 = arith.constant 0 : i32
    %scan3A_1178 = arith.constant 0 : i32
    %scan3A_1179 = arith.constant 8 : i32
    %scan3A_1180 = arith.addi %scan3A_1178, %scan3A_1179 : i32
    %scan3A_1181 = arith.constant 1 : i32
    scf.for %scan3A_1213 = %scan3A_1178 to %scan3A_1180 step %scan3A_1181  : i32 {
      %mul3A_1214 = arith.constant 16 : i32
      %mul3A_1215 = arith.muli %scan3A_1213, %mul3A_1214 : i32
      %get3A_1216 = arith.constant 2 : i32
      %get3A_1217 = arith.index_cast %get3A_1216 : i32 to index
      %get3A_1218 = arith.index_cast %mul3A_1215 : i32 to index
      %get3A_1219 = tpu.vector_load %arg7[%get3A_1217, %get3A_1218] {strides = array<i32>} : memref<4x128xi32, #tpu.memory_space<vmem>>, vector<1x16xi32>,
      %get3A_1220 = vector.shape_cast %get3A_1219 : vector<1x16xi32> to vector<16xi32>
      %and3A_1221 = arith.constant 7 : i32
      %and3A_1222 = vector.broadcast %and3A_1221 : i32 to vector<16xi32>
      %and3A_1223 = arith.andi %get3A_1220, %and3A_1222 : vector<16xi32>
      %shift_left3A = arith.constant 4 : i32
      %shift_left3A_1224 = vector.broadcast %shift_left3A : i32 to vector<16xi32>
      %shift_left3A_1225 = arith.shli %and3A_1223, %shift_left3A_1224 : vector<16xi32>
      %mul3A_1226 = arith.constant 16 : i32
      %mul3A_1227 = arith.muli %scan3A_1213, %mul3A_1226 : i32
      %get3A_1228 = arith.constant 2 : i32
      %get3A_1229 = arith.index_cast %get3A_1228 : i32 to index
      %get3A_1230 = arith.index_cast %mul3A_1227 : i32 to index
      %get3A_1231 = tpu.vector_load %arg8[%get3A_1229, %get3A_1230] {strides = array<i32>} : memref<4x128xi32, #tpu.memory_space<vmem>>, vector<1x16xi32>,
      %get3A_1232 = vector.shape_cast %get3A_1231 : vector<1x16xi32> to vector<16xi32>
      %and3A_1233 = arith.constant 7 : i32
      %and3A_1234 = vector.broadcast %and3A_1233 : i32 to vector<16xi32>
      %and3A_1235 = arith.andi %get3A_1232, %and3A_1234 : vector<16xi32>
      %shift_left3A_1236 = arith.constant 4 : i32
      %shift_left3A_1237 = vector.broadcast %shift_left3A_1236 : i32 to vector<16xi32>
      %shift_left3A_1238 = arith.shli %and3A_1235, %shift_left3A_1237 : vector<16xi32>
      %mul3A_1239 = arith.constant 16 : i32
      %mul3A_1240 = arith.muli %scan3A_1213, %mul3A_1239 : i32
      %add3A_1241 = arith.constant 0 : i32
      %add3A_1242 = arith.addi %mul3A_1240, %add3A_1241 : i32
      %slice3A = vector.extract_strided_slice %shift_left3A_1225 {offsets = [0], sizes = [1], strides = [1]} : vector<16xi32> to vector<1xi32>
      %squeeze3A = vector.extract %slice3A[0] : i32 from vector<1xi32>
      %get3A_1243 = arith.constant 0 : i32
      %get3A_1244 = arith.index_cast %get3A_1243 : i32 to index
      %get3A_1245 = arith.index_cast %add3A_1242 : i32 to index
      %get3A_1246 = arith.index_cast %squeeze3A : i32 to index
      %get3A_1247 = tpu.vector_load %arg11[%get3A_1244, %get3A_1245, %get3A_1246] {strides = array<i32>} : memref<2x128x128xf32, #tpu.memory_space<vmem>>, vector<1x1x16xf32>,
      %get3A_1248 = vector.shape_cast %get3A_1247 : vector<1x1x16xf32> to vector<16xf32>
      %slice3A_1249 = vector.extract_strided_slice %shift_left3A_1238 {offsets = [0], sizes = [1], strides = [1]} : vector<16xi32> to vector<1xi32>
      %squeeze3A_1250 = vector.extract %slice3A_1249[0] : i32 from vector<1xi32>
      %get3A_1251 = arith.constant 0 : i32
      %get3A_1252 = arith.index_cast %get3A_1251 : i32 to index
      %get3A_1253 = arith.index_cast %add3A_1242 : i32 to index
      %get3A_1254 = arith.index_cast %squeeze3A_1250 : i32 to index
      %get3A_1255 = tpu.vector_load %arg12[%get3A_1252, %get3A_1253, %get3A_1254] {strides = array<i32>} : memref<2x128x128xf32, #tpu.memory_space<vmem>>, vector<1x1x16xf32>,
      %get3A_1256 = vector.shape_cast %get3A_1255 : vector<1x1x16xf32> to vector<16xf32>
      %mul3A_1257 = arith.mulf %get3A_1248, %get3A_1256 : vector<16xf32>
      %mul3A_1258 = arith.constant 16 : i32
      %mul3A_1259 = arith.muli %scan3A_1213, %mul3A_1258 : i32
      %add3A_1260 = arith.constant 8 : i32
      %add3A_1261 = arith.addi %mul3A_1259, %add3A_1260 : i32
      %slice3A_1262 = vector.extract_strided_slice %shift_left3A_1225 {offsets = [8], sizes = [1], strides = [1]} : vector<16xi32> to vector<1xi32>
      %squeeze3A_1263 = vector.extract %slice3A_1262[0] : i32 from vector<1xi32>
      %get3A_1264 = arith.constant 0 : i32
      %get3A_1265 = arith.index_cast %get3A_1264 : i32 to index
      %get3A_1266 = arith.index_cast %add3A_1261 : i32 to index
      %get3A_1267 = arith.index_cast %squeeze3A_1263 : i32 to index
      %get3A_1268 = tpu.vector_load %arg11[%get3A_1265, %get3A_1266, %get3A_1267] {strides = array<i32>} : memref<2x128x128xf32, #tpu.memory_space<vmem>>, vector<1x1x16xf32>,
      %get3A_1269 = vector.shape_cast %get3A_1268 : vector<1x1x16xf32> to vector<16xf32>
      %slice3A_1270 = vector.extract_strided_slice %shift_left3A_1238 {offsets = [8], sizes = [1], strides = [1]} : vector<16xi32> to vector<1xi32>
      %squeeze3A_1271 = vector.extract %slice3A_1270[0] : i32 from vector<1xi32>
      %get3A_1272 = arith.constant 0 : i32
      %get3A_1273 = arith.index_cast %get3A_1272 : i32 to index
      %get3A_1274 = arith.index_cast %add3A_1261 : i32 to index
      %get3A_1275 = arith.index_cast %squeeze3A_1271 : i32 to index
      %get3A_1276 = tpu.vector_load %arg12[%get3A_1273, %get3A_1274, %get3A_1275] {strides = array<i32>} : memref<2x128x128xf32, #tpu.memory_space<vmem>>, vector<1x1x16xf32>,
      %get3A_1277 = vector.shape_cast %get3A_1276 : vector<1x1x16xf32> to vector<16xf32>
      %mul3A_1278 = arith.mulf %get3A_1269, %get3A_1277 : vector<16xf32>
      %mul3A_1279 = arith.constant 16 : i32
      %mul3A_1280 = arith.muli %scan3A_1213, %mul3A_1279 : i32
      %add3A_1281 = arith.constant 4 : i32
      %add3A_1282 = arith.addi %mul3A_1280, %add3A_1281 : i32
      %slice3A_1283 = vector.extract_strided_slice %shift_left3A_1225 {offsets = [4], sizes = [1], strides = [1]} : vector<16xi32> to vector<1xi32>
      %squeeze3A_1284 = vector.extract %slice3A_1283[0] : i32 from vector<1xi32>
      %get3A_1285 = arith.constant 0 : i32
      %get3A_1286 = arith.index_cast %get3A_1285 : i32 to index
      %get3A_1287 = arith.index_cast %add3A_1282 : i32 to index
      %get3A_1288 = arith.index_cast %squeeze3A_1284 : i32 to index
      %get3A_1289 = tpu.vector_load %arg11[%get3A_1286, %get3A_1287, %get3A_1288] {strides = array<i32>} : memref<2x128x128xf32, #tpu.memory_space<vmem>>, vector<1x1x16xf32>,
      %get3A_1290 = vector.shape_cast %get3A_1289 : vector<1x1x16xf32> to vector<16xf32>
      %slice3A_1291 = vector.extract_strided_slice %shift_left3A_1238 {offsets = [4], sizes = [1], strides = [1]} : vector<16xi32> to vector<1xi32>
      %squeeze3A_1292 = vector.extract %slice3A_1291[0] : i32 from vector<1xi32>
      %get3A_1293 = arith.constant 0 : i32
      %get3A_1294 = arith.index_cast %get3A_1293 : i32 to index
      %get3A_1295 = arith.index_cast %add3A_1282 : i32 to index
      %get3A_1296 = arith.index_cast %squeeze3A_1292 : i32 to index
      %get3A_1297 = tpu.vector_load %arg12[%get3A_1294, %get3A_1295, %get3A_1296] {strides = array<i32>} : memref<2x128x128xf32, #tpu.memory_space<vmem>>, vector<1x1x16xf32>,
      %get3A_1298 = vector.shape_cast %get3A_1297 : vector<1x1x16xf32> to vector<16xf32>
      %mul3A_1299 = arith.mulf %get3A_1290, %get3A_1298 : vector<16xf32>
      %mul3A_1300 = arith.constant 16 : i32
      %mul3A_1301 = arith.muli %scan3A_1213, %mul3A_1300 : i32
      %add3A_1302 = arith.constant 12 : i32
      %add3A_1303 = arith.addi %mul3A_1301, %add3A_1302 : i32
      %slice3A_1304 = vector.extract_strided_slice %shift_left3A_1225 {offsets = [12], sizes = [1], strides = [1]} : vector<16xi32> to vector<1xi32>
      %squeeze3A_1305 = vector.extract %slice3A_1304[0] : i32 from vector<1xi32>
      %get3A_1306 = arith.constant 0 : i32
      %get3A_1307 = arith.index_cast %get3A_1306 : i32 to index
      %get3A_1308 = arith.index_cast %add3A_1303 : i32 to index
      %get3A_1309 = arith.index_cast %squeeze3A_1305 : i32 to index
      %get3A_1310 = tpu.vector_load %arg11[%get3A_1307, %get3A_1308, %get3A_1309] {strides = array<i32>} : memref<2x128x128xf32, #tpu.memory_space<vmem>>, vector<1x1x16xf32>,
      %get3A_1311 = vector.shape_cast %get3A_1310 : vector<1x1x16xf32> to vector<16xf32>
      %slice3A_1312 = vector.extract_strided_slice %shift_left3A_1238 {offsets = [12], sizes = [1], strides = [1]} : vector<16xi32> to vector<1xi32>
      %squeeze3A_1313 = vector.extract %slice3A_1312[0] : i32 from vector<1xi32>
      %get3A_1314 = arith.constant 0 : i32
      %get3A_1315 = arith.index_cast %get3A_1314 : i32 to index
      %get3A_1316 = arith.index_cast %add3A_1303 : i32 to index
      %get3A_1317 = arith.index_cast %squeeze3A_1313 : i32 to index
      %get3A_1318 = tpu.vector_load %arg12[%get3A_1315, %get3A_1316, %get3A_1317] {strides = array<i32>} : memref<2x128x128xf32, #tpu.memory_space<vmem>>, vector<1x1x16xf32>,
      %get3A_1319 = vector.shape_cast %get3A_1318 : vector<1x1x16xf32> to vector<16xf32>
      %mul3A_1320 = arith.mulf %get3A_1311, %get3A_1319 : vector<16xf32>
      %mul3A_1321 = arith.constant 16 : i32
      %mul3A_1322 = arith.muli %scan3A_1213, %mul3A_1321 : i32
      %add3A_1323 = arith.constant 2 : i32
      %add3A_1324 = arith.addi %mul3A_1322, %add3A_1323 : i32
      %slice3A_1325 = vector.extract_strided_slice %shift_left3A_1225 {offsets = [2], sizes = [1], strides = [1]} : vector<16xi32> to vector<1xi32>
      %squeeze3A_1326 = vector.extract %slice3A_1325[0] : i32 from vector<1xi32>
      %get3A_1327 = arith.constant 0 : i32
      %get3A_1328 = arith.index_cast %get3A_1327 : i32 to index
      %get3A_1329 = arith.index_cast %add3A_1324 : i32 to index
      %get3A_1330 = arith.index_cast %squeeze3A_1326 : i32 to index
      %get3A_1331 = tpu.vector_load %arg11[%get3A_1328, %get3A_1329, %get3A_1330] {strides = array<i32>} : memref<2x128x128xf32, #tpu.memory_space<vmem>>, vector<1x1x16xf32>,
      %get3A_1332 = vector.shape_cast %get3A_1331 : vector<1x1x16xf32> to vector<16xf32>
      %slice3A_1333 = vector.extract_strided_slice %shift_left3A_1238 {offsets = [2], sizes = [1], strides = [1]} : vector<16xi32> to vector<1xi32>
      %squeeze3A_1334 = vector.extract %slice3A_1333[0] : i32 from vector<1xi32>
      %get3A_1335 = arith.constant 0 : i32
      %get3A_1336 = arith.index_cast %get3A_1335 : i32 to index
      %get3A_1337 = arith.index_cast %add3A_1324 : i32 to index
      %get3A_1338 = arith.index_cast %squeeze3A_1334 : i32 to index
      %get3A_1339 = tpu.vector_load %arg12[%get3A_1336, %get3A_1337, %get3A_1338] {strides = array<i32>} : memref<2x128x128xf32, #tpu.memory_space<vmem>>, vector<1x1x16xf32>,
      %get3A_1340 = vector.shape_cast %get3A_1339 : vector<1x1x16xf32> to vector<16xf32>
      %mul3A_1341 = arith.mulf %get3A_1332, %get3A_1340 : vector<16xf32>
      %mul3A_1342 = arith.constant 16 : i32
      %mul3A_1343 = arith.muli %scan3A_1213, %mul3A_1342 : i32
      %add3A_1344 = arith.constant 10 : i32
      %add3A_1345 = arith.addi %mul3A_1343, %add3A_1344 : i32
      %slice3A_1346 = vector.extract_strided_slice %shift_left3A_1225 {offsets = [10], sizes = [1], strides = [1]} : vector<16xi32> to vector<1xi32>
      %squeeze3A_1347 = vector.extract %slice3A_1346[0] : i32 from vector<1xi32>
      %get3A_1348 = arith.constant 0 : i32
      %get3A_1349 = arith.index_cast %get3A_1348 : i32 to index
      %get3A_1350 = arith.index_cast %add3A_1345 : i32 to index
      %get3A_1351 = arith.index_cast %squeeze3A_1347 : i32 to index
      %get3A_1352 = tpu.vector_load %arg11[%get3A_1349, %get3A_1350, %get3A_1351] {strides = array<i32>} : memref<2x128x128xf32, #tpu.memory_space<vmem>>, vector<1x1x16xf32>,
      %get3A_1353 = vector.shape_cast %get3A_1352 : vector<1x1x16xf32> to vector<16xf32>
      %slice3A_1354 = vector.extract_strided_slice %shift_left3A_1238 {offsets = [10], sizes = [1], strides = [1]} : vector<16xi32> to vector<1xi32>
      %squeeze3A_1355 = vector.extract %slice3A_1354[0] : i32 from vector<1xi32>
      %get3A_1356 = arith.constant 0 : i32
      %get3A_1357 = arith.index_cast %get3A_1356 : i32 to index
      %get3A_1358 = arith.index_cast %add3A_1345 : i32 to index
      %get3A_1359 = arith.index_cast %squeeze3A_1355 : i32 to index
      %get3A_1360 = tpu.vector_load %arg12[%get3A_1357, %get3A_1358, %get3A_1359] {strides = array<i32>} : memref<2x128x128xf32, #tpu.memory_space<vmem>>, vector<1x1x16xf32>,
      %get3A_1361 = vector.shape_cast %get3A_1360 : vector<1x1x16xf32> to vector<16xf32>
      %mul3A_1362 = arith.mulf %get3A_1353, %get3A_1361 : vector<16xf32>
      %mul3A_1363 = arith.constant 16 : i32
      %mul3A_1364 = arith.muli %scan3A_1213, %mul3A_1363 : i32
      %add3A_1365 = arith.constant 6 : i32
      %add3A_1366 = arith.addi %mul3A_1364, %add3A_1365 : i32
      %slice3A_1367 = vector.extract_strided_slice %shift_left3A_1225 {offsets = [6], sizes = [1], strides = [1]} : vector<16xi32> to vector<1xi32>
      %squeeze3A_1368 = vector.extract %slice3A_1367[0] : i32 from vector<1xi32>
      %get3A_1369 = arith.constant 0 : i32
      %get3A_1370 = arith.index_cast %get3A_1369 : i32 to index
      %get3A_1371 = arith.index_cast %add3A_1366 : i32 to index
      %get3A_1372 = arith.index_cast %squeeze3A_1368 : i32 to index
      %get3A_1373 = tpu.vector_load %arg11[%get3A_1370, %get3A_1371, %get3A_1372] {strides = array<i32>} : memref<2x128x128xf32, #tpu.memory_space<vmem>>, vector<1x1x16xf32>,
      %get3A_1374 = vector.shape_cast %get3A_1373 : vector<1x1x16xf32> to vector<16xf32>
      %slice3A_1375 = vector.extract_strided_slice %shift_left3A_1238 {offsets = [6], sizes = [1], strides = [1]} : vector<16xi32> to vector<1xi32>
      %squeeze3A_1376 = vector.extract %slice3A_1375[0] : i32 from vector<1xi32>
      %get3A_1377 = arith.constant 0 : i32
      %get3A_1378 = arith.index_cast %get3A_1377 : i32 to index
      %get3A_1379 = arith.index_cast %add3A_1366 : i32 to index
      %get3A_1380 = arith.index_cast %squeeze3A_1376 : i32 to index
      %get3A_1381 = tpu.vector_load %arg12[%get3A_1378, %get3A_1379, %get3A_1380] {strides = array<i32>} : memref<2x128x128xf32, #tpu.memory_space<vmem>>, vector<1x1x16xf32>,
      %get3A_1382 = vector.shape_cast %get3A_1381 : vector<1x1x16xf32> to vector<16xf32>
      %mul3A_1383 = arith.mulf %get3A_1374, %get3A_1382 : vector<16xf32>
      %mul3A_1384 = arith.constant 16 : i32
      %mul3A_1385 = arith.muli %scan3A_1213, %mul3A_1384 : i32
      %add3A_1386 = arith.constant 14 : i32
      %add3A_1387 = arith.addi %mul3A_1385, %add3A_1386 : i32
      %slice3A_1388 = vector.extract_strided_slice %shift_left3A_1225 {offsets = [14], sizes = [1], strides = [1]} : vector<16xi32> to vector<1xi32>
      %squeeze3A_1389 = vector.extract %slice3A_1388[0] : i32 from vector<1xi32>
      %get3A_1390 = arith.constant 0 : i32
      %get3A_1391 = arith.index_cast %get3A_1390 : i32 to index
      %get3A_1392 = arith.index_cast %add3A_1387 : i32 to index
      %get3A_1393 = arith.index_cast %squeeze3A_1389 : i32 to index
      %get3A_1394 = tpu.vector_load %arg11[%get3A_1391, %get3A_1392, %get3A_1393] {strides = array<i32>} : memref<2x128x128xf32, #tpu.memory_space<vmem>>, vector<1x1x16xf32>,
      %get3A_1395 = vector.shape_cast %get3A_1394 : vector<1x1x16xf32> to vector<16xf32>
      %slice3A_1396 = vector.extract_strided_slice %shift_left3A_1238 {offsets = [14], sizes = [1], strides = [1]} : vector<16xi32> to vector<1xi32>
      %squeeze3A_1397 = vector.extract %slice3A_1396[0] : i32 from vector<1xi32>
      %get3A_1398 = arith.constant 0 : i32
      %get3A_1399 = arith.index_cast %get3A_1398 : i32 to index
      %get3A_1400 = arith.index_cast %add3A_1387 : i32 to index
      %get3A_1401 = arith.index_cast %squeeze3A_1397 : i32 to index
      %get3A_1402 = tpu.vector_load %arg12[%get3A_1399, %get3A_1400, %get3A_1401] {strides = array<i32>} : memref<2x128x128xf32, #tpu.memory_space<vmem>>, vector<1x1x16xf32>,
      %get3A_1403 = vector.shape_cast %get3A_1402 : vector<1x1x16xf32> to vector<16xf32>
      %mul3A_1404 = arith.mulf %get3A_1395, %get3A_1403 : vector<16xf32>
      %mul3A_1405 = arith.constant 16 : i32
      %mul3A_1406 = arith.muli %scan3A_1213, %mul3A_1405 : i32
      %add3A_1407 = arith.constant 1 : i32
      %add3A_1408 = arith.addi %mul3A_1406, %add3A_1407 : i32
      %slice3A_1409 = vector.extract_strided_slice %shift_left3A_1225 {offsets = [1], sizes = [1], strides = [1]} : vector<16xi32> to vector<1xi32>
      %squeeze3A_1410 = vector.extract %slice3A_1409[0] : i32 from vector<1xi32>
      %get3A_1411 = arith.constant 0 : i32
      %get3A_1412 = arith.index_cast %get3A_1411 : i32 to index
      %get3A_1413 = arith.index_cast %add3A_1408 : i32 to index
      %get3A_1414 = arith.index_cast %squeeze3A_1410 : i32 to index
      %get3A_1415 = tpu.vector_load %arg11[%get3A_1412, %get3A_1413, %get3A_1414] {strides = array<i32>} : memref<2x128x128xf32, #tpu.memory_space<vmem>>, vector<1x1x16xf32>,
      %get3A_1416 = vector.shape_cast %get3A_1415 : vector<1x1x16xf32> to vector<16xf32>
      %slice3A_1417 = vector.extract_strided_slice %shift_left3A_1238 {offsets = [1], sizes = [1], strides = [1]} : vector<16xi32> to vector<1xi32>
      %squeeze3A_1418 = vector.extract %slice3A_1417[0] : i32 from vector<1xi32>
      %get3A_1419 = arith.constant 0 : i32
      %get3A_1420 = arith.index_cast %get3A_1419 : i32 to index
      %get3A_1421 = arith.index_cast %add3A_1408 : i32 to index
      %get3A_1422 = arith.index_cast %squeeze3A_1418 : i32 to index
      %get3A_1423 = tpu.vector_load %arg12[%get3A_1420, %get3A_1421, %get3A_1422] {strides = array<i32>} : memref<2x128x128xf32, #tpu.memory_space<vmem>>, vector<1x1x16xf32>,
      %get3A_1424 = vector.shape_cast %get3A_1423 : vector<1x1x16xf32> to vector<16xf32>
      %mul3A_1425 = arith.mulf %get3A_1416, %get3A_1424 : vector<16xf32>
      %mul3A_1426 = arith.constant 16 : i32
      %mul3A_1427 = arith.muli %scan3A_1213, %mul3A_1426 : i32
      %add3A_1428 = arith.constant 9 : i32
      %add3A_1429 = arith.addi %mul3A_1427, %add3A_1428 : i32
      %slice3A_1430 = vector.extract_strided_slice %shift_left3A_1225 {offsets = [9], sizes = [1], strides = [1]} : vector<16xi32> to vector<1xi32>
      %squeeze3A_1431 = vector.extract %slice3A_1430[0] : i32 from vector<1xi32>
      %get3A_1432 = arith.constant 0 : i32
      %get3A_1433 = arith.index_cast %get3A_1432 : i32 to index
      %get3A_1434 = arith.index_cast %add3A_1429 : i32 to index
      %get3A_1435 = arith.index_cast %squeeze3A_1431 : i32 to index
      %get3A_1436 = tpu.vector_load %arg11[%get3A_1433, %get3A_1434, %get3A_1435] {strides = array<i32>} : memref<2x128x128xf32, #tpu.memory_space<vmem>>, vector<1x1x16xf32>,
      %get3A_1437 = vector.shape_cast %get3A_1436 : vector<1x1x16xf32> to vector<16xf32>
      %slice3A_1438 = vector.extract_strided_slice %shift_left3A_1238 {offsets = [9], sizes = [1], strides = [1]} : vector<16xi32> to vector<1xi32>
      %squeeze3A_1439 = vector.extract %slice3A_1438[0] : i32 from vector<1xi32>
      %get3A_1440 = arith.constant 0 : i32
      %get3A_1441 = arith.index_cast %get3A_1440 : i32 to index
      %get3A_1442 = arith.index_cast %add3A_1429 : i32 to index
      %get3A_1443 = arith.index_cast %squeeze3A_1439 : i32 to index
      %get3A_1444 = tpu.vector_load %arg12[%get3A_1441, %get3A_1442, %get3A_1443] {strides = array<i32>} : memref<2x128x128xf32, #tpu.memory_space<vmem>>, vector<1x1x16xf32>,
      %get3A_1445 = vector.shape_cast %get3A_1444 : vector<1x1x16xf32> to vector<16xf32>
      %mul3A_1446 = arith.mulf %get3A_1437, %get3A_1445 : vector<16xf32>
      %mul3A_1447 = arith.constant 16 : i32
      %mul3A_1448 = arith.muli %scan3A_1213, %mul3A_1447 : i32
      %add3A_1449 = arith.constant 5 : i32
      %add3A_1450 = arith.addi %mul3A_1448, %add3A_1449 : i32
      %slice3A_1451 = vector.extract_strided_slice %shift_left3A_1225 {offsets = [5], sizes = [1], strides = [1]} : vector<16xi32> to vector<1xi32>
      %squeeze3A_1452 = vector.extract %slice3A_1451[0] : i32 from vector<1xi32>
      %get3A_1453 = arith.constant 0 : i32
      %get3A_1454 = arith.index_cast %get3A_1453 : i32 to index
      %get3A_1455 = arith.index_cast %add3A_1450 : i32 to index
      %get3A_1456 = arith.index_cast %squeeze3A_1452 : i32 to index
      %get3A_1457 = tpu.vector_load %arg11[%get3A_1454, %get3A_1455, %get3A_1456] {strides = array<i32>} : memref<2x128x128xf32, #tpu.memory_space<vmem>>, vector<1x1x16xf32>,
      %get3A_1458 = vector.shape_cast %get3A_1457 : vector<1x1x16xf32> to vector<16xf32>
      %slice3A_1459 = vector.extract_strided_slice %shift_left3A_1238 {offsets = [5], sizes = [1], strides = [1]} : vector<16xi32> to vector<1xi32>
      %squeeze3A_1460 = vector.extract %slice3A_1459[0] : i32 from vector<1xi32>
      %get3A_1461 = arith.constant 0 : i32
      %get3A_1462 = arith.index_cast %get3A_1461 : i32 to index
      %get3A_1463 = arith.index_cast %add3A_1450 : i32 to index
      %get3A_1464 = arith.index_cast %squeeze3A_1460 : i32 to index
      %get3A_1465 = tpu.vector_load %arg12[%get3A_1462, %get3A_1463, %get3A_1464] {strides = array<i32>} : memref<2x128x128xf32, #tpu.memory_space<vmem>>, vector<1x1x16xf32>,
      %get3A_1466 = vector.shape_cast %get3A_1465 : vector<1x1x16xf32> to vector<16xf32>
      %mul3A_1467 = arith.mulf %get3A_1458, %get3A_1466 : vector<16xf32>
      %mul3A_1468 = arith.constant 16 : i32
      %mul3A_1469 = arith.muli %scan3A_1213, %mul3A_1468 : i32
      %add3A_1470 = arith.constant 13 : i32
      %add3A_1471 = arith.addi %mul3A_1469, %add3A_1470 : i32
      %slice3A_1472 = vector.extract_strided_slice %shift_left3A_1225 {offsets = [13], sizes = [1], strides = [1]} : vector<16xi32> to vector<1xi32>
      %squeeze3A_1473 = vector.extract %slice3A_1472[0] : i32 from vector<1xi32>
      %get3A_1474 = arith.constant 0 : i32
      %get3A_1475 = arith.index_cast %get3A_1474 : i32 to index
      %get3A_1476 = arith.index_cast %add3A_1471 : i32 to index
      %get3A_1477 = arith.index_cast %squeeze3A_1473 : i32 to index
      %get3A_1478 = tpu.vector_load %arg11[%get3A_1475, %get3A_1476, %get3A_1477] {strides = array<i32>} : memref<2x128x128xf32, #tpu.memory_space<vmem>>, vector<1x1x16xf32>,
      %get3A_1479 = vector.shape_cast %get3A_1478 : vector<1x1x16xf32> to vector<16xf32>
      %slice3A_1480 = vector.extract_strided_slice %shift_left3A_1238 {offsets = [13], sizes = [1], strides = [1]} : vector<16xi32> to vector<1xi32>
      %squeeze3A_1481 = vector.extract %slice3A_1480[0] : i32 from vector<1xi32>
      %get3A_1482 = arith.constant 0 : i32
      %get3A_1483 = arith.index_cast %get3A_1482 : i32 to index
      %get3A_1484 = arith.index_cast %add3A_1471 : i32 to index
      %get3A_1485 = arith.index_cast %squeeze3A_1481 : i32 to index
      %get3A_1486 = tpu.vector_load %arg12[%get3A_1483, %get3A_1484, %get3A_1485] {strides = array<i32>} : memref<2x128x128xf32, #tpu.memory_space<vmem>>, vector<1x1x16xf32>,
      %get3A_1487 = vector.shape_cast %get3A_1486 : vector<1x1x16xf32> to vector<16xf32>
      %mul3A_1488 = arith.mulf %get3A_1479, %get3A_1487 : vector<16xf32>
      %mul3A_1489 = arith.constant 16 : i32
      %mul3A_1490 = arith.muli %scan3A_1213, %mul3A_1489 : i32
      %add3A_1491 = arith.constant 3 : i32
      %add3A_1492 = arith.addi %mul3A_1490, %add3A_1491 : i32
      %slice3A_1493 = vector.extract_strided_slice %shift_left3A_1225 {offsets = [3], sizes = [1], strides = [1]} : vector<16xi32> to vector<1xi32>
      %squeeze3A_1494 = vector.extract %slice3A_1493[0] : i32 from vector<1xi32>
      %get3A_1495 = arith.constant 0 : i32
      %get3A_1496 = arith.index_cast %get3A_1495 : i32 to index
      %get3A_1497 = arith.index_cast %add3A_1492 : i32 to index
      %get3A_1498 = arith.index_cast %squeeze3A_1494 : i32 to index
      %get3A_1499 = tpu.vector_load %arg11[%get3A_1496, %get3A_1497, %get3A_1498] {strides = array<i32>} : memref<2x128x128xf32, #tpu.memory_space<vmem>>, vector<1x1x16xf32>,
      %get3A_1500 = vector.shape_cast %get3A_1499 : vector<1x1x16xf32> to vector<16xf32>
      %slice3A_1501 = vector.extract_strided_slice %shift_left3A_1238 {offsets = [3], sizes = [1], strides = [1]} : vector<16xi32> to vector<1xi32>
      %squeeze3A_1502 = vector.extract %slice3A_1501[0] : i32 from vector<1xi32>
      %get3A_1503 = arith.constant 0 : i32
      %get3A_1504 = arith.index_cast %get3A_1503 : i32 to index
      %get3A_1505 = arith.index_cast %add3A_1492 : i32 to index
      %get3A_1506 = arith.index_cast %squeeze3A_1502 : i32 to index
      %get3A_1507 = tpu.vector_load %arg12[%get3A_1504, %get3A_1505, %get3A_1506] {strides = array<i32>} : memref<2x128x128xf32, #tpu.memory_space<vmem>>, vector<1x1x16xf32>,
      %get3A_1508 = vector.shape_cast %get3A_1507 : vector<1x1x16xf32> to vector<16xf32>
      %mul3A_1509 = arith.mulf %get3A_1500, %get3A_1508 : vector<16xf32>
      %mul3A_1510 = arith.constant 16 : i32
      %mul3A_1511 = arith.muli %scan3A_1213, %mul3A_1510 : i32
      %add3A_1512 = arith.constant 11 : i32
      %add3A_1513 = arith.addi %mul3A_1511, %add3A_1512 : i32
      %slice3A_1514 = vector.extract_strided_slice %shift_left3A_1225 {offsets = [11], sizes = [1], strides = [1]} : vector<16xi32> to vector<1xi32>
      %squeeze3A_1515 = vector.extract %slice3A_1514[0] : i32 from vector<1xi32>
      %get3A_1516 = arith.constant 0 : i32
      %get3A_1517 = arith.index_cast %get3A_1516 : i32 to index
      %get3A_1518 = arith.index_cast %add3A_1513 : i32 to index
      %get3A_1519 = arith.index_cast %squeeze3A_1515 : i32 to index
      %get3A_1520 = tpu.vector_load %arg11[%get3A_1517, %get3A_1518, %get3A_1519] {strides = array<i32>} : memref<2x128x128xf32, #tpu.memory_space<vmem>>, vector<1x1x16xf32>,
      %get3A_1521 = vector.shape_cast %get3A_1520 : vector<1x1x16xf32> to vector<16xf32>
      %slice3A_1522 = vector.extract_strided_slice %shift_left3A_1238 {offsets = [11], sizes = [1], strides = [1]} : vector<16xi32> to vector<1xi32>
      %squeeze3A_1523 = vector.extract %slice3A_1522[0] : i32 from vector<1xi32>
      %get3A_1524 = arith.constant 0 : i32
      %get3A_1525 = arith.index_cast %get3A_1524 : i32 to index
      %get3A_1526 = arith.index_cast %add3A_1513 : i32 to index
      %get3A_1527 = arith.index_cast %squeeze3A_1523 : i32 to index
      %get3A_1528 = tpu.vector_load %arg12[%get3A_1525, %get3A_1526, %get3A_1527] {strides = array<i32>} : memref<2x128x128xf32, #tpu.memory_space<vmem>>, vector<1x1x16xf32>,
      %get3A_1529 = vector.shape_cast %get3A_1528 : vector<1x1x16xf32> to vector<16xf32>
      %mul3A_1530 = arith.mulf %get3A_1521, %get3A_1529 : vector<16xf32>
      %mul3A_1531 = arith.constant 16 : i32
      %mul3A_1532 = arith.muli %scan3A_1213, %mul3A_1531 : i32
      %add3A_1533 = arith.constant 7 : i32
      %add3A_1534 = arith.addi %mul3A_1532, %add3A_1533 : i32
      %slice3A_1535 = vector.extract_strided_slice %shift_left3A_1225 {offsets = [7], sizes = [1], strides = [1]} : vector<16xi32> to vector<1xi32>
      %squeeze3A_1536 = vector.extract %slice3A_1535[0] : i32 from vector<1xi32>
      %get3A_1537 = arith.constant 0 : i32
      %get3A_1538 = arith.index_cast %get3A_1537 : i32 to index
      %get3A_1539 = arith.index_cast %add3A_1534 : i32 to index
      %get3A_1540 = arith.index_cast %squeeze3A_1536 : i32 to index
      %get3A_1541 = tpu.vector_load %arg11[%get3A_1538, %get3A_1539, %get3A_1540] {strides = array<i32>} : memref<2x128x128xf32, #tpu.memory_space<vmem>>, vector<1x1x16xf32>,
      %get3A_1542 = vector.shape_cast %get3A_1541 : vector<1x1x16xf32> to vector<16xf32>
      %slice3A_1543 = vector.extract_strided_slice %shift_left3A_1238 {offsets = [7], sizes = [1], strides = [1]} : vector<16xi32> to vector<1xi32>
      %squeeze3A_1544 = vector.extract %slice3A_1543[0] : i32 from vector<1xi32>
      %get3A_1545 = arith.constant 0 : i32
      %get3A_1546 = arith.index_cast %get3A_1545 : i32 to index
      %get3A_1547 = arith.index_cast %add3A_1534 : i32 to index
      %get3A_1548 = arith.index_cast %squeeze3A_1544 : i32 to index
      %get3A_1549 = tpu.vector_load %arg12[%get3A_1546, %get3A_1547, %get3A_1548] {strides = array<i32>} : memref<2x128x128xf32, #tpu.memory_space<vmem>>, vector<1x1x16xf32>,
      %get3A_1550 = vector.shape_cast %get3A_1549 : vector<1x1x16xf32> to vector<16xf32>
      %mul3A_1551 = arith.mulf %get3A_1542, %get3A_1550 : vector<16xf32>
      %mul3A_1552 = arith.constant 16 : i32
      %mul3A_1553 = arith.muli %scan3A_1213, %mul3A_1552 : i32
      %add3A_1554 = arith.constant 15 : i32
      %add3A_1555 = arith.addi %mul3A_1553, %add3A_1554 : i32
      %slice3A_1556 = vector.extract_strided_slice %shift_left3A_1225 {offsets = [15], sizes = [1], strides = [1]} : vector<16xi32> to vector<1xi32>
      %squeeze3A_1557 = vector.extract %slice3A_1556[0] : i32 from vector<1xi32>
      %get3A_1558 = arith.constant 0 : i32
      %get3A_1559 = arith.index_cast %get3A_1558 : i32 to index
      %get3A_1560 = arith.index_cast %add3A_1555 : i32 to index
      %get3A_1561 = arith.index_cast %squeeze3A_1557 : i32 to index
      %get3A_1562 = tpu.vector_load %arg11[%get3A_1559, %get3A_1560, %get3A_1561] {strides = array<i32>} : memref<2x128x128xf32, #tpu.memory_space<vmem>>, vector<1x1x16xf32>,
      %get3A_1563 = vector.shape_cast %get3A_1562 : vector<1x1x16xf32> to vector<16xf32>
      %slice3A_1564 = vector.extract_strided_slice %shift_left3A_1238 {offsets = [15], sizes = [1], strides = [1]} : vector<16xi32> to vector<1xi32>
      %squeeze3A_1565 = vector.extract %slice3A_1564[0] : i32 from vector<1xi32>
      %get3A_1566 = arith.constant 0 : i32
      %get3A_1567 = arith.index_cast %get3A_1566 : i32 to index
      %get3A_1568 = arith.index_cast %add3A_1555 : i32 to index
      %get3A_1569 = arith.index_cast %squeeze3A_1565 : i32 to index
      %get3A_1570 = tpu.vector_load %arg12[%get3A_1567, %get3A_1568, %get3A_1569] {strides = array<i32>} : memref<2x128x128xf32, #tpu.memory_space<vmem>>, vector<1x1x16xf32>,
      %get3A_1571 = vector.shape_cast %get3A_1570 : vector<1x1x16xf32> to vector<16xf32>
      %mul3A_1572 = arith.mulf %get3A_1563, %get3A_1571 : vector<16xf32>
      %broadcast_in_dim3A = vector.shape_cast %xor3A_897 : vector<16xi32> to vector<16x1xi32>
      %gather3A = vector.shape_cast %broadcast_in_dim3A : vector<16x1xi32> to vector<16xi32>
      %gather3A_1573 = tpu.dynamic_gather %mul3A_1257[%gather3A] in [0] : vector<16xf32>, vector<16xi32> -> vector<16xf32>
      %add3A_1574 = arith.addf %mul3A_1257, %gather3A_1573 : vector<16xf32>
      %broadcast_in_dim3A_1575 = vector.shape_cast %xor3A_897 : vector<16xi32> to vector<16x1xi32>
      %gather3A_1576 = vector.shape_cast %broadcast_in_dim3A_1575 : vector<16x1xi32> to vector<16xi32>
      %gather3A_1577 = tpu.dynamic_gather %mul3A_1278[%gather3A_1576] in [0] : vector<16xf32>, vector<16xi32> -> vector<16xf32>
      %add3A_1578 = arith.addf %mul3A_1278, %gather3A_1577 : vector<16xf32>
      %select_n3A_1579 = arith.select %lt3A_924, %add3A_1574, %add3A_1578 : vector<16xi1>, vector<16xf32>
      %broadcast_in_dim3A_1580 = vector.shape_cast %xor3A_897 : vector<16xi32> to vector<16x1xi32>
      %gather3A_1581 = vector.shape_cast %broadcast_in_dim3A_1580 : vector<16x1xi32> to vector<16xi32>
      %gather3A_1582 = tpu.dynamic_gather %mul3A_1299[%gather3A_1581] in [0] : vector<16xf32>, vector<16xi32> -> vector<16xf32>
      %add3A_1583 = arith.addf %mul3A_1299, %gather3A_1582 : vector<16xf32>
      %broadcast_in_dim3A_1584 = vector.shape_cast %xor3A_897 : vector<16xi32> to vector<16x1xi32>
      %gather3A_1585 = vector.shape_cast %broadcast_in_dim3A_1584 : vector<16x1xi32> to vector<16xi32>
      %gather3A_1586 = tpu.dynamic_gather %mul3A_1320[%gather3A_1585] in [0] : vector<16xf32>, vector<16xi32> -> vector<16xf32>
      %add3A_1587 = arith.addf %mul3A_1320, %gather3A_1586 : vector<16xf32>
      %select_n3A_1588 = arith.select %lt3A_924, %add3A_1583, %add3A_1587 : vector<16xi1>, vector<16xf32>
      %broadcast_in_dim3A_1589 = vector.shape_cast %xor3A_897 : vector<16xi32> to vector<16x1xi32>
      %gather3A_1590 = vector.shape_cast %broadcast_in_dim3A_1589 : vector<16x1xi32> to vector<16xi32>
      %gather3A_1591 = tpu.dynamic_gather %mul3A_1341[%gather3A_1590] in [0] : vector<16xf32>, vector<16xi32> -> vector<16xf32>
      %add3A_1592 = arith.addf %mul3A_1341, %gather3A_1591 : vector<16xf32>
      %broadcast_in_dim3A_1593 = vector.shape_cast %xor3A_897 : vector<16xi32> to vector<16x1xi32>
      %gather3A_1594 = vector.shape_cast %broadcast_in_dim3A_1593 : vector<16x1xi32> to vector<16xi32>
      %gather3A_1595 = tpu.dynamic_gather %mul3A_1362[%gather3A_1594] in [0] : vector<16xf32>, vector<16xi32> -> vector<16xf32>
      %add3A_1596 = arith.addf %mul3A_1362, %gather3A_1595 : vector<16xf32>
      %select_n3A_1597 = arith.select %lt3A_924, %add3A_1592, %add3A_1596 : vector<16xi1>, vector<16xf32>
      %broadcast_in_dim3A_1598 = vector.shape_cast %xor3A_897 : vector<16xi32> to vector<16x1xi32>
      %gather3A_1599 = vector.shape_cast %broadcast_in_dim3A_1598 : vector<16x1xi32> to vector<16xi32>
      %gather3A_1600 = tpu.dynamic_gather %mul3A_1383[%gather3A_1599] in [0] : vector<16xf32>, vector<16xi32> -> vector<16xf32>
      %add3A_1601 = arith.addf %mul3A_1383, %gather3A_1600 : vector<16xf32>
      %broadcast_in_dim3A_1602 = vector.shape_cast %xor3A_897 : vector<16xi32> to vector<16x1xi32>
      %gather3A_1603 = vector.shape_cast %broadcast_in_dim3A_1602 : vector<16x1xi32> to vector<16xi32>
      %gather3A_1604 = tpu.dynamic_gather %mul3A_1404[%gather3A_1603] in [0] : vector<16xf32>, vector<16xi32> -> vector<16xf32>
      %add3A_1605 = arith.addf %mul3A_1404, %gather3A_1604 : vector<16xf32>
      %select_n3A_1606 = arith.select %lt3A_924, %add3A_1601, %add3A_1605 : vector<16xi1>, vector<16xf32>
      %broadcast_in_dim3A_1607 = vector.shape_cast %xor3A_897 : vector<16xi32> to vector<16x1xi32>
      %gather3A_1608 = vector.shape_cast %broadcast_in_dim3A_1607 : vector<16x1xi32> to vector<16xi32>
      %gather3A_1609 = tpu.dynamic_gather %mul3A_1425[%gather3A_1608] in [0] : vector<16xf32>, vector<16xi32> -> vector<16xf32>
      %add3A_1610 = arith.addf %mul3A_1425, %gather3A_1609 : vector<16xf32>
      %broadcast_in_dim3A_1611 = vector.shape_cast %xor3A_897 : vector<16xi32> to vector<16x1xi32>
      %gather3A_1612 = vector.shape_cast %broadcast_in_dim3A_1611 : vector<16x1xi32> to vector<16xi32>
      %gather3A_1613 = tpu.dynamic_gather %mul3A_1446[%gather3A_1612] in [0] : vector<16xf32>, vector<16xi32> -> vector<16xf32>
      %add3A_1614 = arith.addf %mul3A_1446, %gather3A_1613 : vector<16xf32>
      %select_n3A_1615 = arith.select %lt3A_924, %add3A_1610, %add3A_1614 : vector<16xi1>, vector<16xf32>
      %broadcast_in_dim3A_1616 = vector.shape_cast %xor3A_897 : vector<16xi32> to vector<16x1xi32>
      %gather3A_1617 = vector.shape_cast %broadcast_in_dim3A_1616 : vector<16x1xi32> to vector<16xi32>
      %gather3A_1618 = tpu.dynamic_gather %mul3A_1467[%gather3A_1617] in [0] : vector<16xf32>, vector<16xi32> -> vector<16xf32>
      %add3A_1619 = arith.addf %mul3A_1467, %gather3A_1618 : vector<16xf32>
      %broadcast_in_dim3A_1620 = vector.shape_cast %xor3A_897 : vector<16xi32> to vector<16x1xi32>
      %gather3A_1621 = vector.shape_cast %broadcast_in_dim3A_1620 : vector<16x1xi32> to vector<16xi32>
      %gather3A_1622 = tpu.dynamic_gather %mul3A_1488[%gather3A_1621] in [0] : vector<16xf32>, vector<16xi32> -> vector<16xf32>
      %add3A_1623 = arith.addf %mul3A_1488, %gather3A_1622 : vector<16xf32>
      %select_n3A_1624 = arith.select %lt3A_924, %add3A_1619, %add3A_1623 : vector<16xi1>, vector<16xf32>
      %broadcast_in_dim3A_1625 = vector.shape_cast %xor3A_897 : vector<16xi32> to vector<16x1xi32>
      %gather3A_1626 = vector.shape_cast %broadcast_in_dim3A_1625 : vector<16x1xi32> to vector<16xi32>
      %gather3A_1627 = tpu.dynamic_gather %mul3A_1509[%gather3A_1626] in [0] : vector<16xf32>, vector<16xi32> -> vector<16xf32>
      %add3A_1628 = arith.addf %mul3A_1509, %gather3A_1627 : vector<16xf32>
      %broadcast_in_dim3A_1629 = vector.shape_cast %xor3A_897 : vector<16xi32> to vector<16x1xi32>
      %gather3A_1630 = vector.shape_cast %broadcast_in_dim3A_1629 : vector<16x1xi32> to vector<16xi32>
      %gather3A_1631 = tpu.dynamic_gather %mul3A_1530[%gather3A_1630] in [0] : vector<16xf32>, vector<16xi32> -> vector<16xf32>
      %add3A_1632 = arith.addf %mul3A_1530, %gather3A_1631 : vector<16xf32>
      %select_n3A_1633 = arith.select %lt3A_924, %add3A_1628, %add3A_1632 : vector<16xi1>, vector<16xf32>
      %broadcast_in_dim3A_1634 = vector.shape_cast %xor3A_897 : vector<16xi32> to vector<16x1xi32>
      %gather3A_1635 = vector.shape_cast %broadcast_in_dim3A_1634 : vector<16x1xi32> to vector<16xi32>
      %gather3A_1636 = tpu.dynamic_gather %mul3A_1551[%gather3A_1635] in [0] : vector<16xf32>, vector<16xi32> -> vector<16xf32>
      %add3A_1637 = arith.addf %mul3A_1551, %gather3A_1636 : vector<16xf32>
      %broadcast_in_dim3A_1638 = vector.shape_cast %xor3A_897 : vector<16xi32> to vector<16x1xi32>
      %gather3A_1639 = vector.shape_cast %broadcast_in_dim3A_1638 : vector<16x1xi32> to vector<16xi32>
      %gather3A_1640 = tpu.dynamic_gather %mul3A_1572[%gather3A_1639] in [0] : vector<16xf32>, vector<16xi32> -> vector<16xf32>
      %add3A_1641 = arith.addf %mul3A_1572, %gather3A_1640 : vector<16xf32>
      %select_n3A_1642 = arith.select %lt3A_924, %add3A_1637, %add3A_1641 : vector<16xi1>, vector<16xf32>
      %broadcast_in_dim3A_1643 = vector.shape_cast %xor3A_900 : vector<16xi32> to vector<16x1xi32>
      %gather3A_1644 = vector.shape_cast %broadcast_in_dim3A_1643 : vector<16x1xi32> to vector<16xi32>
      %gather3A_1645 = tpu.dynamic_gather %select_n3A_1579[%gather3A_1644] in [0] : vector<16xf32>, vector<16xi32> -> vector<16xf32>
      %add3A_1646 = arith.addf %select_n3A_1579, %gather3A_1645 : vector<16xf32>
      %broadcast_in_dim3A_1647 = vector.shape_cast %xor3A_900 : vector<16xi32> to vector<16x1xi32>
      %gather3A_1648 = vector.shape_cast %broadcast_in_dim3A_1647 : vector<16x1xi32> to vector<16xi32>
      %gather3A_1649 = tpu.dynamic_gather %select_n3A_1588[%gather3A_1648] in [0] : vector<16xf32>, vector<16xi32> -> vector<16xf32>
      %add3A_1650 = arith.addf %select_n3A_1588, %gather3A_1649 : vector<16xf32>
      %select_n3A_1651 = arith.select %lt3A_949, %add3A_1646, %add3A_1650 : vector<16xi1>, vector<16xf32>
      %broadcast_in_dim3A_1652 = vector.shape_cast %xor3A_900 : vector<16xi32> to vector<16x1xi32>
      %gather3A_1653 = vector.shape_cast %broadcast_in_dim3A_1652 : vector<16x1xi32> to vector<16xi32>
      %gather3A_1654 = tpu.dynamic_gather %select_n3A_1597[%gather3A_1653] in [0] : vector<16xf32>, vector<16xi32> -> vector<16xf32>
      %add3A_1655 = arith.addf %select_n3A_1597, %gather3A_1654 : vector<16xf32>
      %broadcast_in_dim3A_1656 = vector.shape_cast %xor3A_900 : vector<16xi32> to vector<16x1xi32>
      %gather3A_1657 = vector.shape_cast %broadcast_in_dim3A_1656 : vector<16x1xi32> to vector<16xi32>
      %gather3A_1658 = tpu.dynamic_gather %select_n3A_1606[%gather3A_1657] in [0] : vector<16xf32>, vector<16xi32> -> vector<16xf32>
      %add3A_1659 = arith.addf %select_n3A_1606, %gather3A_1658 : vector<16xf32>
      %select_n3A_1660 = arith.select %lt3A_949, %add3A_1655, %add3A_1659 : vector<16xi1>, vector<16xf32>
      %broadcast_in_dim3A_1661 = vector.shape_cast %xor3A_900 : vector<16xi32> to vector<16x1xi32>
      %gather3A_1662 = vector.shape_cast %broadcast_in_dim3A_1661 : vector<16x1xi32> to vector<16xi32>
      %gather3A_1663 = tpu.dynamic_gather %select_n3A_1615[%gather3A_1662] in [0] : vector<16xf32>, vector<16xi32> -> vector<16xf32>
      %add3A_1664 = arith.addf %select_n3A_1615, %gather3A_1663 : vector<16xf32>
      %broadcast_in_dim3A_1665 = vector.shape_cast %xor3A_900 : vector<16xi32> to vector<16x1xi32>
      %gather3A_1666 = vector.shape_cast %broadcast_in_dim3A_1665 : vector<16x1xi32> to vector<16xi32>
      %gather3A_1667 = tpu.dynamic_gather %select_n3A_1624[%gather3A_1666] in [0] : vector<16xf32>, vector<16xi32> -> vector<16xf32>
      %add3A_1668 = arith.addf %select_n3A_1624, %gather3A_1667 : vector<16xf32>
      %select_n3A_1669 = arith.select %lt3A_949, %add3A_1664, %add3A_1668 : vector<16xi1>, vector<16xf32>
      %broadcast_in_dim3A_1670 = vector.shape_cast %xor3A_900 : vector<16xi32> to vector<16x1xi32>
      %gather3A_1671 = vector.shape_cast %broadcast_in_dim3A_1670 : vector<16x1xi32> to vector<16xi32>
      %gather3A_1672 = tpu.dynamic_gather %select_n3A_1633[%gather3A_1671] in [0] : vector<16xf32>, vector<16xi32> -> vector<16xf32>
      %add3A_1673 = arith.addf %select_n3A_1633, %gather3A_1672 : vector<16xf32>
      %broadcast_in_dim3A_1674 = vector.shape_cast %xor3A_900 : vector<16xi32> to vector<16x1xi32>
      %gather3A_1675 = vector.shape_cast %broadcast_in_dim3A_1674 : vector<16x1xi32> to vector<16xi32>
      %gather3A_1676 = tpu.dynamic_gather %select_n3A_1642[%gather3A_1675] in [0] : vector<16xf32>, vector<16xi32> -> vector<16xf32>
      %add3A_1677 = arith.addf %select_n3A_1642, %gather3A_1676 : vector<16xf32>
      %select_n3A_1678 = arith.select %lt3A_949, %add3A_1673, %add3A_1677 : vector<16xi1>, vector<16xf32>
      %broadcast_in_dim3A_1679 = vector.shape_cast %xor3A_903 : vector<16xi32> to vector<16x1xi32>
      %gather3A_1680 = vector.shape_cast %broadcast_in_dim3A_1679 : vector<16x1xi32> to vector<16xi32>
      %gather3A_1681 = tpu.dynamic_gather %select_n3A_1651[%gather3A_1680] in [0] : vector<16xf32>, vector<16xi32> -> vector<16xf32>
      %add3A_1682 = arith.addf %select_n3A_1651, %gather3A_1681 : vector<16xf32>
      %broadcast_in_dim3A_1683 = vector.shape_cast %xor3A_903 : vector<16xi32> to vector<16x1xi32>
      %gather3A_1684 = vector.shape_cast %broadcast_in_dim3A_1683 : vector<16x1xi32> to vector<16xi32>
      %gather3A_1685 = tpu.dynamic_gather %select_n3A_1660[%gather3A_1684] in [0] : vector<16xf32>, vector<16xi32> -> vector<16xf32>
      %add3A_1686 = arith.addf %select_n3A_1660, %gather3A_1685 : vector<16xf32>
      %select_n3A_1687 = arith.select %lt3A_974, %add3A_1682, %add3A_1686 : vector<16xi1>, vector<16xf32>
      %broadcast_in_dim3A_1688 = vector.shape_cast %xor3A_903 : vector<16xi32> to vector<16x1xi32>
      %gather3A_1689 = vector.shape_cast %broadcast_in_dim3A_1688 : vector<16x1xi32> to vector<16xi32>
      %gather3A_1690 = tpu.dynamic_gather %select_n3A_1669[%gather3A_1689] in [0] : vector<16xf32>, vector<16xi32> -> vector<16xf32>
      %add3A_1691 = arith.addf %select_n3A_1669, %gather3A_1690 : vector<16xf32>
      %broadcast_in_dim3A_1692 = vector.shape_cast %xor3A_903 : vector<16xi32> to vector<16x1xi32>
      %gather3A_1693 = vector.shape_cast %broadcast_in_dim3A_1692 : vector<16x1xi32> to vector<16xi32>
      %gather3A_1694 = tpu.dynamic_gather %select_n3A_1678[%gather3A_1693] in [0] : vector<16xf32>, vector<16xi32> -> vector<16xf32>
      %add3A_1695 = arith.addf %select_n3A_1678, %gather3A_1694 : vector<16xf32>
      %select_n3A_1696 = arith.select %lt3A_974, %add3A_1691, %add3A_1695 : vector<16xi1>, vector<16xf32>
      %broadcast_in_dim3A_1697 = vector.shape_cast %xor3A_906 : vector<16xi32> to vector<16x1xi32>
      %gather3A_1698 = vector.shape_cast %broadcast_in_dim3A_1697 : vector<16x1xi32> to vector<16xi32>
      %gather3A_1699 = tpu.dynamic_gather %select_n3A_1687[%gather3A_1698] in [0] : vector<16xf32>, vector<16xi32> -> vector<16xf32>
      %add3A_1700 = arith.addf %select_n3A_1687, %gather3A_1699 : vector<16xf32>
      %broadcast_in_dim3A_1701 = vector.shape_cast %xor3A_906 : vector<16xi32> to vector<16x1xi32>
      %gather3A_1702 = vector.shape_cast %broadcast_in_dim3A_1701 : vector<16x1xi32> to vector<16xi32>
      %gather3A_1703 = tpu.dynamic_gather %select_n3A_1696[%gather3A_1702] in [0] : vector<16xf32>, vector<16xi32> -> vector<16xf32>
      %add3A_1704 = arith.addf %select_n3A_1696, %gather3A_1703 : vector<16xf32>
      %select_n3A_1705 = arith.select %lt3A_999, %add3A_1700, %add3A_1704 : vector<16xi1>, vector<16xf32>
      %neg3A = arith.constant 0.000000e+00 : f32
      %neg3A_1706 = vector.broadcast %neg3A : f32 to vector<16xf32>
      %neg3A_1707 = arith.subf %neg3A_1706, %select_n3A_1705 : vector<16xf32>
      %exp3A = math.exp %neg3A_1707 : vector<16xf32>
      %add3A_1708 = arith.constant 1.000000e+00 : f32
      %add3A_1709 = vector.broadcast %add3A_1708 : f32 to vector<16xf32>
      %add3A_1710 = arith.addf %add3A_1709, %exp3A : vector<16xf32>
      %div3A = arith.constant 1.000000e+00 : f32
      %div3A_1711 = vector.broadcast %div3A : f32 to vector<16xf32>
      %div3A_1712 = arith.divf %div3A_1711, %add3A_1710 : vector<16xf32>
      %mul3A_1713 = arith.constant 16 : i32
      %mul3A_1714 = arith.muli %scan3A_1213, %mul3A_1713 : i32
      %add3A_1715 = arith.constant 256 : i32
      %add3A_1716 = arith.addi %add3A_1715, %mul3A_1714 : i32
      %swap3A_1717 = arith.index_cast %add3A_1716 : i32 to index
      %swap3A_1718 = tpu.vector_load %arg13[%swap3A_1717] {strides = array<i32>} : memref<512xf32, #tpu.memory_space<vmem>>, vector<16xf32>,
      %swap3A_1719 = vector.shape_cast %swap3A_1718 : vector<16xf32> to vector<16xf32>
      %swap3A_1720 = vector.shape_cast %div3A_1712 : vector<16xf32> to vector<16xf32>
      tpu.vector_store %arg13[%swap3A_1717], %swap3A_1720 {strides = array<i32>} : memref<512xf32, #tpu.memory_space<vmem>>, vector<16xf32>,
    }
    %scan3A_1182 = arith.constant 8 : i32
    %dma_wait3A_1183 = arith.constant 3 : i32
    %dma_wait3A_1184 = arith.constant 1 : i32
    %dma_wait3A_1185 = arith.constant 0 : i32
    %dma_wait3A_1186 = arith.constant 0 : i32
    %dma_wait3A_1187 = tpu.memref_slice %arg11[%dma_wait3A_1184, %dma_wait3A_1185, %dma_wait3A_1186] : memref<2x128x128xf32, #tpu.memory_space<vmem>> -> memref<1x128x128xf32, #tpu.memory_space<vmem>>
    %dma_wait3A_1188 = tpu.memref_squeeze %dma_wait3A_1187 : memref<1x128x128xf32, #tpu.memory_space<vmem>> -> memref<128x128xf32, #tpu.memory_space<vmem>>
    %dma_wait3A_1189 = arith.constant 0 : i32
    %dma_wait3A_1190 = tpu.memref_slice %arg9[%dma_wait3A_1183, %dma_wait3A_1189] : memref<4x128xi32, #tpu.memory_space<vmem>> -> memref<1x128xi32, #tpu.memory_space<vmem>>
    %dma_wait3A_1191 = tpu.memref_squeeze %dma_wait3A_1190 : memref<1x128xi32, #tpu.memory_space<vmem>> -> memref<128xi32, #tpu.memory_space<vmem>>
    %dma_wait3A_1192 = arith.constant 0 : i32
    %dma_wait3A_1193 = arith.constant 0 : i32
    %dma_wait3A_1194 = tpu.memref_slice %arg4[%dma_wait3A_1192, %dma_wait3A_1193] : memref<125000x128xf32, #tpu.memory_space<hbm>> -> memref<125000x128xf32, #tpu.memory_space<hbm>>
    tpu.wait_indirect_dma semaphore(%arg14 : memref<!tpu.dma_semaphore, #tpu.memory_space<semaphore_mem>>) src(%dma_wait3A_1194 : memref<125000x128xf32, #tpu.memory_space<hbm>>) dst(%dma_wait3A_1188 : memref<128x128xf32, #tpu.memory_space<vmem>>)
    %dma_wait3A_1195 = arith.constant 3 : i32
    %dma_wait3A_1196 = arith.constant 1 : i32
    %dma_wait3A_1197 = arith.constant 0 : i32
    %dma_wait3A_1198 = arith.constant 0 : i32
    %dma_wait3A_1199 = tpu.memref_slice %arg12[%dma_wait3A_1196, %dma_wait3A_1197, %dma_wait3A_1198] : memref<2x128x128xf32, #tpu.memory_space<vmem>> -> memref<1x128x128xf32, #tpu.memory_space<vmem>>
    %dma_wait3A_1200 = tpu.memref_squeeze %dma_wait3A_1199 : memref<1x128x128xf32, #tpu.memory_space<vmem>> -> memref<128x128xf32, #tpu.memory_space<vmem>>
    %dma_wait3A_1201 = arith.constant 0 : i32
    %dma_wait3A_1202 = tpu.memref_slice %arg10[%dma_wait3A_1195, %dma_wait3A_1201] : memref<4x128xi32, #tpu.memory_space<vmem>> -> memref<1x128xi32, #tpu.memory_space<vmem>>
    %dma_wait3A_1203 = tpu.memref_squeeze %dma_wait3A_1202 : memref<1x128xi32, #tpu.memory_space<vmem>> -> memref<128xi32, #tpu.memory_space<vmem>>
    %dma_wait3A_1204 = arith.constant 0 : i32
    %dma_wait3A_1205 = arith.constant 0 : i32
    %dma_wait3A_1206 = tpu.memref_slice %arg5[%dma_wait3A_1204, %dma_wait3A_1205] : memref<125000x128xf32, #tpu.memory_space<hbm>> -> memref<125000x128xf32, #tpu.memory_space<hbm>>
    tpu.wait_indirect_dma semaphore(%arg14 : memref<!tpu.dma_semaphore, #tpu.memory_space<semaphore_mem>>) src(%dma_wait3A_1206 : memref<125000x128xf32, #tpu.memory_space<hbm>>) dst(%dma_wait3A_1200 : memref<128x128xf32, #tpu.memory_space<vmem>>)
    %scan3A_1207 = arith.constant 0 : i32
    %scan3A_1208 = arith.constant 0 : i32
    %scan3A_1209 = arith.constant 8 : i32
    %scan3A_1210 = arith.addi %scan3A_1208, %scan3A_1209 : i32
    %scan3A_1211 = arith.constant 1 : i32
    scf.for %scan3A_1213 = %scan3A_1208 to %scan3A_1210 step %scan3A_1211  : i32 {
      %mul3A_1214 = arith.constant 16 : i32
      %mul3A_1215 = arith.muli %scan3A_1213, %mul3A_1214 : i32
      %get3A_1216 = arith.constant 3 : i32
      %get3A_1217 = arith.index_cast %get3A_1216 : i32 to index
      %get3A_1218 = arith.index_cast %mul3A_1215 : i32 to index
      %get3A_1219 = tpu.vector_load %arg7[%get3A_1217, %get3A_1218] {strides = array<i32>} : memref<4x128xi32, #tpu.memory_space<vmem>>, vector<1x16xi32>,
      %get3A_1220 = vector.shape_cast %get3A_1219 : vector<1x16xi32> to vector<16xi32>
      %and3A_1221 = arith.constant 7 : i32
      %and3A_1222 = vector.broadcast %and3A_1221 : i32 to vector<16xi32>
      %and3A_1223 = arith.andi %get3A_1220, %and3A_1222 : vector<16xi32>
      %shift_left3A = arith.constant 4 : i32
      %shift_left3A_1224 = vector.broadcast %shift_left3A : i32 to vector<16xi32>
      %shift_left3A_1225 = arith.shli %and3A_1223, %shift_left3A_1224 : vector<16xi32>
      %mul3A_1226 = arith.constant 16 : i32
      %mul3A_1227 = arith.muli %scan3A_1213, %mul3A_1226 : i32
      %get3A_1228 = arith.constant 3 : i32
      %get3A_1229 = arith.index_cast %get3A_1228 : i32 to index
      %get3A_1230 = arith.index_cast %mul3A_1227 : i32 to index
      %get3A_1231 = tpu.vector_load %arg8[%get3A_1229, %get3A_1230] {strides = array<i32>} : memref<4x128xi32, #tpu.memory_space<vmem>>, vector<1x16xi32>,
      %get3A_1232 = vector.shape_cast %get3A_1231 : vector<1x16xi32> to vector<16xi32>
      %and3A_1233 = arith.constant 7 : i32
      %and3A_1234 = vector.broadcast %and3A_1233 : i32 to vector<16xi32>
      %and3A_1235 = arith.andi %get3A_1232, %and3A_1234 : vector<16xi32>
      %shift_left3A_1236 = arith.constant 4 : i32
      %shift_left3A_1237 = vector.broadcast %shift_left3A_1236 : i32 to vector<16xi32>
      %shift_left3A_1238 = arith.shli %and3A_1235, %shift_left3A_1237 : vector<16xi32>
      %mul3A_1239 = arith.constant 16 : i32
      %mul3A_1240 = arith.muli %scan3A_1213, %mul3A_1239 : i32
      %add3A_1241 = arith.constant 0 : i32
      %add3A_1242 = arith.addi %mul3A_1240, %add3A_1241 : i32
      %slice3A = vector.extract_strided_slice %shift_left3A_1225 {offsets = [0], sizes = [1], strides = [1]} : vector<16xi32> to vector<1xi32>
      %squeeze3A = vector.extract %slice3A[0] : i32 from vector<1xi32>
      %get3A_1243 = arith.constant 1 : i32
      %get3A_1244 = arith.index_cast %get3A_1243 : i32 to index
      %get3A_1245 = arith.index_cast %add3A_1242 : i32 to index
      %get3A_1246 = arith.index_cast %squeeze3A : i32 to index
      %get3A_1247 = tpu.vector_load %arg11[%get3A_1244, %get3A_1245, %get3A_1246] {strides = array<i32>} : memref<2x128x128xf32, #tpu.memory_space<vmem>>, vector<1x1x16xf32>,
      %get3A_1248 = vector.shape_cast %get3A_1247 : vector<1x1x16xf32> to vector<16xf32>
      %slice3A_1249 = vector.extract_strided_slice %shift_left3A_1238 {offsets = [0], sizes = [1], strides = [1]} : vector<16xi32> to vector<1xi32>
      %squeeze3A_1250 = vector.extract %slice3A_1249[0] : i32 from vector<1xi32>
      %get3A_1251 = arith.constant 1 : i32
      %get3A_1252 = arith.index_cast %get3A_1251 : i32 to index
      %get3A_1253 = arith.index_cast %add3A_1242 : i32 to index
      %get3A_1254 = arith.index_cast %squeeze3A_1250 : i32 to index
      %get3A_1255 = tpu.vector_load %arg12[%get3A_1252, %get3A_1253, %get3A_1254] {strides = array<i32>} : memref<2x128x128xf32, #tpu.memory_space<vmem>>, vector<1x1x16xf32>,
      %get3A_1256 = vector.shape_cast %get3A_1255 : vector<1x1x16xf32> to vector<16xf32>
      %mul3A_1257 = arith.mulf %get3A_1248, %get3A_1256 : vector<16xf32>
      %mul3A_1258 = arith.constant 16 : i32
      %mul3A_1259 = arith.muli %scan3A_1213, %mul3A_1258 : i32
      %add3A_1260 = arith.constant 8 : i32
      %add3A_1261 = arith.addi %mul3A_1259, %add3A_1260 : i32
      %slice3A_1262 = vector.extract_strided_slice %shift_left3A_1225 {offsets = [8], sizes = [1], strides = [1]} : vector<16xi32> to vector<1xi32>
      %squeeze3A_1263 = vector.extract %slice3A_1262[0] : i32 from vector<1xi32>
      %get3A_1264 = arith.constant 1 : i32
      %get3A_1265 = arith.index_cast %get3A_1264 : i32 to index
      %get3A_1266 = arith.index_cast %add3A_1261 : i32 to index
      %get3A_1267 = arith.index_cast %squeeze3A_1263 : i32 to index
      %get3A_1268 = tpu.vector_load %arg11[%get3A_1265, %get3A_1266, %get3A_1267] {strides = array<i32>} : memref<2x128x128xf32, #tpu.memory_space<vmem>>, vector<1x1x16xf32>,
      %get3A_1269 = vector.shape_cast %get3A_1268 : vector<1x1x16xf32> to vector<16xf32>
      %slice3A_1270 = vector.extract_strided_slice %shift_left3A_1238 {offsets = [8], sizes = [1], strides = [1]} : vector<16xi32> to vector<1xi32>
      %squeeze3A_1271 = vector.extract %slice3A_1270[0] : i32 from vector<1xi32>
      %get3A_1272 = arith.constant 1 : i32
      %get3A_1273 = arith.index_cast %get3A_1272 : i32 to index
      %get3A_1274 = arith.index_cast %add3A_1261 : i32 to index
      %get3A_1275 = arith.index_cast %squeeze3A_1271 : i32 to index
      %get3A_1276 = tpu.vector_load %arg12[%get3A_1273, %get3A_1274, %get3A_1275] {strides = array<i32>} : memref<2x128x128xf32, #tpu.memory_space<vmem>>, vector<1x1x16xf32>,
      %get3A_1277 = vector.shape_cast %get3A_1276 : vector<1x1x16xf32> to vector<16xf32>
      %mul3A_1278 = arith.mulf %get3A_1269, %get3A_1277 : vector<16xf32>
      %mul3A_1279 = arith.constant 16 : i32
      %mul3A_1280 = arith.muli %scan3A_1213, %mul3A_1279 : i32
      %add3A_1281 = arith.constant 4 : i32
      %add3A_1282 = arith.addi %mul3A_1280, %add3A_1281 : i32
      %slice3A_1283 = vector.extract_strided_slice %shift_left3A_1225 {offsets = [4], sizes = [1], strides = [1]} : vector<16xi32> to vector<1xi32>
      %squeeze3A_1284 = vector.extract %slice3A_1283[0] : i32 from vector<1xi32>
      %get3A_1285 = arith.constant 1 : i32
      %get3A_1286 = arith.index_cast %get3A_1285 : i32 to index
      %get3A_1287 = arith.index_cast %add3A_1282 : i32 to index
      %get3A_1288 = arith.index_cast %squeeze3A_1284 : i32 to index
      %get3A_1289 = tpu.vector_load %arg11[%get3A_1286, %get3A_1287, %get3A_1288] {strides = array<i32>} : memref<2x128x128xf32, #tpu.memory_space<vmem>>, vector<1x1x16xf32>,
      %get3A_1290 = vector.shape_cast %get3A_1289 : vector<1x1x16xf32> to vector<16xf32>
      %slice3A_1291 = vector.extract_strided_slice %shift_left3A_1238 {offsets = [4], sizes = [1], strides = [1]} : vector<16xi32> to vector<1xi32>
      %squeeze3A_1292 = vector.extract %slice3A_1291[0] : i32 from vector<1xi32>
      %get3A_1293 = arith.constant 1 : i32
      %get3A_1294 = arith.index_cast %get3A_1293 : i32 to index
      %get3A_1295 = arith.index_cast %add3A_1282 : i32 to index
      %get3A_1296 = arith.index_cast %squeeze3A_1292 : i32 to index
      %get3A_1297 = tpu.vector_load %arg12[%get3A_1294, %get3A_1295, %get3A_1296] {strides = array<i32>} : memref<2x128x128xf32, #tpu.memory_space<vmem>>, vector<1x1x16xf32>,
      %get3A_1298 = vector.shape_cast %get3A_1297 : vector<1x1x16xf32> to vector<16xf32>
      %mul3A_1299 = arith.mulf %get3A_1290, %get3A_1298 : vector<16xf32>
      %mul3A_1300 = arith.constant 16 : i32
      %mul3A_1301 = arith.muli %scan3A_1213, %mul3A_1300 : i32
      %add3A_1302 = arith.constant 12 : i32
      %add3A_1303 = arith.addi %mul3A_1301, %add3A_1302 : i32
      %slice3A_1304 = vector.extract_strided_slice %shift_left3A_1225 {offsets = [12], sizes = [1], strides = [1]} : vector<16xi32> to vector<1xi32>
      %squeeze3A_1305 = vector.extract %slice3A_1304[0] : i32 from vector<1xi32>
      %get3A_1306 = arith.constant 1 : i32
      %get3A_1307 = arith.index_cast %get3A_1306 : i32 to index
      %get3A_1308 = arith.index_cast %add3A_1303 : i32 to index
      %get3A_1309 = arith.index_cast %squeeze3A_1305 : i32 to index
      %get3A_1310 = tpu.vector_load %arg11[%get3A_1307, %get3A_1308, %get3A_1309] {strides = array<i32>} : memref<2x128x128xf32, #tpu.memory_space<vmem>>, vector<1x1x16xf32>,
      %get3A_1311 = vector.shape_cast %get3A_1310 : vector<1x1x16xf32> to vector<16xf32>
      %slice3A_1312 = vector.extract_strided_slice %shift_left3A_1238 {offsets = [12], sizes = [1], strides = [1]} : vector<16xi32> to vector<1xi32>
      %squeeze3A_1313 = vector.extract %slice3A_1312[0] : i32 from vector<1xi32>
      %get3A_1314 = arith.constant 1 : i32
      %get3A_1315 = arith.index_cast %get3A_1314 : i32 to index
      %get3A_1316 = arith.index_cast %add3A_1303 : i32 to index
      %get3A_1317 = arith.index_cast %squeeze3A_1313 : i32 to index
      %get3A_1318 = tpu.vector_load %arg12[%get3A_1315, %get3A_1316, %get3A_1317] {strides = array<i32>} : memref<2x128x128xf32, #tpu.memory_space<vmem>>, vector<1x1x16xf32>,
      %get3A_1319 = vector.shape_cast %get3A_1318 : vector<1x1x16xf32> to vector<16xf32>
      %mul3A_1320 = arith.mulf %get3A_1311, %get3A_1319 : vector<16xf32>
      %mul3A_1321 = arith.constant 16 : i32
      %mul3A_1322 = arith.muli %scan3A_1213, %mul3A_1321 : i32
      %add3A_1323 = arith.constant 2 : i32
      %add3A_1324 = arith.addi %mul3A_1322, %add3A_1323 : i32
      %slice3A_1325 = vector.extract_strided_slice %shift_left3A_1225 {offsets = [2], sizes = [1], strides = [1]} : vector<16xi32> to vector<1xi32>
      %squeeze3A_1326 = vector.extract %slice3A_1325[0] : i32 from vector<1xi32>
      %get3A_1327 = arith.constant 1 : i32
      %get3A_1328 = arith.index_cast %get3A_1327 : i32 to index
      %get3A_1329 = arith.index_cast %add3A_1324 : i32 to index
      %get3A_1330 = arith.index_cast %squeeze3A_1326 : i32 to index
      %get3A_1331 = tpu.vector_load %arg11[%get3A_1328, %get3A_1329, %get3A_1330] {strides = array<i32>} : memref<2x128x128xf32, #tpu.memory_space<vmem>>, vector<1x1x16xf32>,
      %get3A_1332 = vector.shape_cast %get3A_1331 : vector<1x1x16xf32> to vector<16xf32>
      %slice3A_1333 = vector.extract_strided_slice %shift_left3A_1238 {offsets = [2], sizes = [1], strides = [1]} : vector<16xi32> to vector<1xi32>
      %squeeze3A_1334 = vector.extract %slice3A_1333[0] : i32 from vector<1xi32>
      %get3A_1335 = arith.constant 1 : i32
      %get3A_1336 = arith.index_cast %get3A_1335 : i32 to index
      %get3A_1337 = arith.index_cast %add3A_1324 : i32 to index
      %get3A_1338 = arith.index_cast %squeeze3A_1334 : i32 to index
      %get3A_1339 = tpu.vector_load %arg12[%get3A_1336, %get3A_1337, %get3A_1338] {strides = array<i32>} : memref<2x128x128xf32, #tpu.memory_space<vmem>>, vector<1x1x16xf32>,
      %get3A_1340 = vector.shape_cast %get3A_1339 : vector<1x1x16xf32> to vector<16xf32>
      %mul3A_1341 = arith.mulf %get3A_1332, %get3A_1340 : vector<16xf32>
      %mul3A_1342 = arith.constant 16 : i32
      %mul3A_1343 = arith.muli %scan3A_1213, %mul3A_1342 : i32
      %add3A_1344 = arith.constant 10 : i32
      %add3A_1345 = arith.addi %mul3A_1343, %add3A_1344 : i32
      %slice3A_1346 = vector.extract_strided_slice %shift_left3A_1225 {offsets = [10], sizes = [1], strides = [1]} : vector<16xi32> to vector<1xi32>
      %squeeze3A_1347 = vector.extract %slice3A_1346[0] : i32 from vector<1xi32>
      %get3A_1348 = arith.constant 1 : i32
      %get3A_1349 = arith.index_cast %get3A_1348 : i32 to index
      %get3A_1350 = arith.index_cast %add3A_1345 : i32 to index
      %get3A_1351 = arith.index_cast %squeeze3A_1347 : i32 to index
      %get3A_1352 = tpu.vector_load %arg11[%get3A_1349, %get3A_1350, %get3A_1351] {strides = array<i32>} : memref<2x128x128xf32, #tpu.memory_space<vmem>>, vector<1x1x16xf32>,
      %get3A_1353 = vector.shape_cast %get3A_1352 : vector<1x1x16xf32> to vector<16xf32>
      %slice3A_1354 = vector.extract_strided_slice %shift_left3A_1238 {offsets = [10], sizes = [1], strides = [1]} : vector<16xi32> to vector<1xi32>
      %squeeze3A_1355 = vector.extract %slice3A_1354[0] : i32 from vector<1xi32>
      %get3A_1356 = arith.constant 1 : i32
      %get3A_1357 = arith.index_cast %get3A_1356 : i32 to index
      %get3A_1358 = arith.index_cast %add3A_1345 : i32 to index
      %get3A_1359 = arith.index_cast %squeeze3A_1355 : i32 to index
      %get3A_1360 = tpu.vector_load %arg12[%get3A_1357, %get3A_1358, %get3A_1359] {strides = array<i32>} : memref<2x128x128xf32, #tpu.memory_space<vmem>>, vector<1x1x16xf32>,
      %get3A_1361 = vector.shape_cast %get3A_1360 : vector<1x1x16xf32> to vector<16xf32>
      %mul3A_1362 = arith.mulf %get3A_1353, %get3A_1361 : vector<16xf32>
      %mul3A_1363 = arith.constant 16 : i32
      %mul3A_1364 = arith.muli %scan3A_1213, %mul3A_1363 : i32
      %add3A_1365 = arith.constant 6 : i32
      %add3A_1366 = arith.addi %mul3A_1364, %add3A_1365 : i32
      %slice3A_1367 = vector.extract_strided_slice %shift_left3A_1225 {offsets = [6], sizes = [1], strides = [1]} : vector<16xi32> to vector<1xi32>
      %squeeze3A_1368 = vector.extract %slice3A_1367[0] : i32 from vector<1xi32>
      %get3A_1369 = arith.constant 1 : i32
      %get3A_1370 = arith.index_cast %get3A_1369 : i32 to index
      %get3A_1371 = arith.index_cast %add3A_1366 : i32 to index
      %get3A_1372 = arith.index_cast %squeeze3A_1368 : i32 to index
      %get3A_1373 = tpu.vector_load %arg11[%get3A_1370, %get3A_1371, %get3A_1372] {strides = array<i32>} : memref<2x128x128xf32, #tpu.memory_space<vmem>>, vector<1x1x16xf32>,
      %get3A_1374 = vector.shape_cast %get3A_1373 : vector<1x1x16xf32> to vector<16xf32>
      %slice3A_1375 = vector.extract_strided_slice %shift_left3A_1238 {offsets = [6], sizes = [1], strides = [1]} : vector<16xi32> to vector<1xi32>
      %squeeze3A_1376 = vector.extract %slice3A_1375[0] : i32 from vector<1xi32>
      %get3A_1377 = arith.constant 1 : i32
      %get3A_1378 = arith.index_cast %get3A_1377 : i32 to index
      %get3A_1379 = arith.index_cast %add3A_1366 : i32 to index
      %get3A_1380 = arith.index_cast %squeeze3A_1376 : i32 to index
      %get3A_1381 = tpu.vector_load %arg12[%get3A_1378, %get3A_1379, %get3A_1380] {strides = array<i32>} : memref<2x128x128xf32, #tpu.memory_space<vmem>>, vector<1x1x16xf32>,
      %get3A_1382 = vector.shape_cast %get3A_1381 : vector<1x1x16xf32> to vector<16xf32>
      %mul3A_1383 = arith.mulf %get3A_1374, %get3A_1382 : vector<16xf32>
      %mul3A_1384 = arith.constant 16 : i32
      %mul3A_1385 = arith.muli %scan3A_1213, %mul3A_1384 : i32
      %add3A_1386 = arith.constant 14 : i32
      %add3A_1387 = arith.addi %mul3A_1385, %add3A_1386 : i32
      %slice3A_1388 = vector.extract_strided_slice %shift_left3A_1225 {offsets = [14], sizes = [1], strides = [1]} : vector<16xi32> to vector<1xi32>
      %squeeze3A_1389 = vector.extract %slice3A_1388[0] : i32 from vector<1xi32>
      %get3A_1390 = arith.constant 1 : i32
      %get3A_1391 = arith.index_cast %get3A_1390 : i32 to index
      %get3A_1392 = arith.index_cast %add3A_1387 : i32 to index
      %get3A_1393 = arith.index_cast %squeeze3A_1389 : i32 to index
      %get3A_1394 = tpu.vector_load %arg11[%get3A_1391, %get3A_1392, %get3A_1393] {strides = array<i32>} : memref<2x128x128xf32, #tpu.memory_space<vmem>>, vector<1x1x16xf32>,
      %get3A_1395 = vector.shape_cast %get3A_1394 : vector<1x1x16xf32> to vector<16xf32>
      %slice3A_1396 = vector.extract_strided_slice %shift_left3A_1238 {offsets = [14], sizes = [1], strides = [1]} : vector<16xi32> to vector<1xi32>
      %squeeze3A_1397 = vector.extract %slice3A_1396[0] : i32 from vector<1xi32>
      %get3A_1398 = arith.constant 1 : i32
      %get3A_1399 = arith.index_cast %get3A_1398 : i32 to index
      %get3A_1400 = arith.index_cast %add3A_1387 : i32 to index
      %get3A_1401 = arith.index_cast %squeeze3A_1397 : i32 to index
      %get3A_1402 = tpu.vector_load %arg12[%get3A_1399, %get3A_1400, %get3A_1401] {strides = array<i32>} : memref<2x128x128xf32, #tpu.memory_space<vmem>>, vector<1x1x16xf32>,
      %get3A_1403 = vector.shape_cast %get3A_1402 : vector<1x1x16xf32> to vector<16xf32>
      %mul3A_1404 = arith.mulf %get3A_1395, %get3A_1403 : vector<16xf32>
      %mul3A_1405 = arith.constant 16 : i32
      %mul3A_1406 = arith.muli %scan3A_1213, %mul3A_1405 : i32
      %add3A_1407 = arith.constant 1 : i32
      %add3A_1408 = arith.addi %mul3A_1406, %add3A_1407 : i32
      %slice3A_1409 = vector.extract_strided_slice %shift_left3A_1225 {offsets = [1], sizes = [1], strides = [1]} : vector<16xi32> to vector<1xi32>
      %squeeze3A_1410 = vector.extract %slice3A_1409[0] : i32 from vector<1xi32>
      %get3A_1411 = arith.constant 1 : i32
      %get3A_1412 = arith.index_cast %get3A_1411 : i32 to index
      %get3A_1413 = arith.index_cast %add3A_1408 : i32 to index
      %get3A_1414 = arith.index_cast %squeeze3A_1410 : i32 to index
      %get3A_1415 = tpu.vector_load %arg11[%get3A_1412, %get3A_1413, %get3A_1414] {strides = array<i32>} : memref<2x128x128xf32, #tpu.memory_space<vmem>>, vector<1x1x16xf32>,
      %get3A_1416 = vector.shape_cast %get3A_1415 : vector<1x1x16xf32> to vector<16xf32>
      %slice3A_1417 = vector.extract_strided_slice %shift_left3A_1238 {offsets = [1], sizes = [1], strides = [1]} : vector<16xi32> to vector<1xi32>
      %squeeze3A_1418 = vector.extract %slice3A_1417[0] : i32 from vector<1xi32>
      %get3A_1419 = arith.constant 1 : i32
      %get3A_1420 = arith.index_cast %get3A_1419 : i32 to index
      %get3A_1421 = arith.index_cast %add3A_1408 : i32 to index
      %get3A_1422 = arith.index_cast %squeeze3A_1418 : i32 to index
      %get3A_1423 = tpu.vector_load %arg12[%get3A_1420, %get3A_1421, %get3A_1422] {strides = array<i32>} : memref<2x128x128xf32, #tpu.memory_space<vmem>>, vector<1x1x16xf32>,
      %get3A_1424 = vector.shape_cast %get3A_1423 : vector<1x1x16xf32> to vector<16xf32>
      %mul3A_1425 = arith.mulf %get3A_1416, %get3A_1424 : vector<16xf32>
      %mul3A_1426 = arith.constant 16 : i32
      %mul3A_1427 = arith.muli %scan3A_1213, %mul3A_1426 : i32
      %add3A_1428 = arith.constant 9 : i32
      %add3A_1429 = arith.addi %mul3A_1427, %add3A_1428 : i32
      %slice3A_1430 = vector.extract_strided_slice %shift_left3A_1225 {offsets = [9], sizes = [1], strides = [1]} : vector<16xi32> to vector<1xi32>
      %squeeze3A_1431 = vector.extract %slice3A_1430[0] : i32 from vector<1xi32>
      %get3A_1432 = arith.constant 1 : i32
      %get3A_1433 = arith.index_cast %get3A_1432 : i32 to index
      %get3A_1434 = arith.index_cast %add3A_1429 : i32 to index
      %get3A_1435 = arith.index_cast %squeeze3A_1431 : i32 to index
      %get3A_1436 = tpu.vector_load %arg11[%get3A_1433, %get3A_1434, %get3A_1435] {strides = array<i32>} : memref<2x128x128xf32, #tpu.memory_space<vmem>>, vector<1x1x16xf32>,
      %get3A_1437 = vector.shape_cast %get3A_1436 : vector<1x1x16xf32> to vector<16xf32>
      %slice3A_1438 = vector.extract_strided_slice %shift_left3A_1238 {offsets = [9], sizes = [1], strides = [1]} : vector<16xi32> to vector<1xi32>
      %squeeze3A_1439 = vector.extract %slice3A_1438[0] : i32 from vector<1xi32>
      %get3A_1440 = arith.constant 1 : i32
      %get3A_1441 = arith.index_cast %get3A_1440 : i32 to index
      %get3A_1442 = arith.index_cast %add3A_1429 : i32 to index
      %get3A_1443 = arith.index_cast %squeeze3A_1439 : i32 to index
      %get3A_1444 = tpu.vector_load %arg12[%get3A_1441, %get3A_1442, %get3A_1443] {strides = array<i32>} : memref<2x128x128xf32, #tpu.memory_space<vmem>>, vector<1x1x16xf32>,
      %get3A_1445 = vector.shape_cast %get3A_1444 : vector<1x1x16xf32> to vector<16xf32>
      %mul3A_1446 = arith.mulf %get3A_1437, %get3A_1445 : vector<16xf32>
      %mul3A_1447 = arith.constant 16 : i32
      %mul3A_1448 = arith.muli %scan3A_1213, %mul3A_1447 : i32
      %add3A_1449 = arith.constant 5 : i32
      %add3A_1450 = arith.addi %mul3A_1448, %add3A_1449 : i32
      %slice3A_1451 = vector.extract_strided_slice %shift_left3A_1225 {offsets = [5], sizes = [1], strides = [1]} : vector<16xi32> to vector<1xi32>
      %squeeze3A_1452 = vector.extract %slice3A_1451[0] : i32 from vector<1xi32>
      %get3A_1453 = arith.constant 1 : i32
      %get3A_1454 = arith.index_cast %get3A_1453 : i32 to index
      %get3A_1455 = arith.index_cast %add3A_1450 : i32 to index
      %get3A_1456 = arith.index_cast %squeeze3A_1452 : i32 to index
      %get3A_1457 = tpu.vector_load %arg11[%get3A_1454, %get3A_1455, %get3A_1456] {strides = array<i32>} : memref<2x128x128xf32, #tpu.memory_space<vmem>>, vector<1x1x16xf32>,
      %get3A_1458 = vector.shape_cast %get3A_1457 : vector<1x1x16xf32> to vector<16xf32>
      %slice3A_1459 = vector.extract_strided_slice %shift_left3A_1238 {offsets = [5], sizes = [1], strides = [1]} : vector<16xi32> to vector<1xi32>
      %squeeze3A_1460 = vector.extract %slice3A_1459[0] : i32 from vector<1xi32>
      %get3A_1461 = arith.constant 1 : i32
      %get3A_1462 = arith.index_cast %get3A_1461 : i32 to index
      %get3A_1463 = arith.index_cast %add3A_1450 : i32 to index
      %get3A_1464 = arith.index_cast %squeeze3A_1460 : i32 to index
      %get3A_1465 = tpu.vector_load %arg12[%get3A_1462, %get3A_1463, %get3A_1464] {strides = array<i32>} : memref<2x128x128xf32, #tpu.memory_space<vmem>>, vector<1x1x16xf32>,
      %get3A_1466 = vector.shape_cast %get3A_1465 : vector<1x1x16xf32> to vector<16xf32>
      %mul3A_1467 = arith.mulf %get3A_1458, %get3A_1466 : vector<16xf32>
      %mul3A_1468 = arith.constant 16 : i32
      %mul3A_1469 = arith.muli %scan3A_1213, %mul3A_1468 : i32
      %add3A_1470 = arith.constant 13 : i32
      %add3A_1471 = arith.addi %mul3A_1469, %add3A_1470 : i32
      %slice3A_1472 = vector.extract_strided_slice %shift_left3A_1225 {offsets = [13], sizes = [1], strides = [1]} : vector<16xi32> to vector<1xi32>
      %squeeze3A_1473 = vector.extract %slice3A_1472[0] : i32 from vector<1xi32>
      %get3A_1474 = arith.constant 1 : i32
      %get3A_1475 = arith.index_cast %get3A_1474 : i32 to index
      %get3A_1476 = arith.index_cast %add3A_1471 : i32 to index
      %get3A_1477 = arith.index_cast %squeeze3A_1473 : i32 to index
      %get3A_1478 = tpu.vector_load %arg11[%get3A_1475, %get3A_1476, %get3A_1477] {strides = array<i32>} : memref<2x128x128xf32, #tpu.memory_space<vmem>>, vector<1x1x16xf32>,
      %get3A_1479 = vector.shape_cast %get3A_1478 : vector<1x1x16xf32> to vector<16xf32>
      %slice3A_1480 = vector.extract_strided_slice %shift_left3A_1238 {offsets = [13], sizes = [1], strides = [1]} : vector<16xi32> to vector<1xi32>
      %squeeze3A_1481 = vector.extract %slice3A_1480[0] : i32 from vector<1xi32>
      %get3A_1482 = arith.constant 1 : i32
      %get3A_1483 = arith.index_cast %get3A_1482 : i32 to index
      %get3A_1484 = arith.index_cast %add3A_1471 : i32 to index
      %get3A_1485 = arith.index_cast %squeeze3A_1481 : i32 to index
      %get3A_1486 = tpu.vector_load %arg12[%get3A_1483, %get3A_1484, %get3A_1485] {strides = array<i32>} : memref<2x128x128xf32, #tpu.memory_space<vmem>>, vector<1x1x16xf32>,
      %get3A_1487 = vector.shape_cast %get3A_1486 : vector<1x1x16xf32> to vector<16xf32>
      %mul3A_1488 = arith.mulf %get3A_1479, %get3A_1487 : vector<16xf32>
      %mul3A_1489 = arith.constant 16 : i32
      %mul3A_1490 = arith.muli %scan3A_1213, %mul3A_1489 : i32
      %add3A_1491 = arith.constant 3 : i32
      %add3A_1492 = arith.addi %mul3A_1490, %add3A_1491 : i32
      %slice3A_1493 = vector.extract_strided_slice %shift_left3A_1225 {offsets = [3], sizes = [1], strides = [1]} : vector<16xi32> to vector<1xi32>
      %squeeze3A_1494 = vector.extract %slice3A_1493[0] : i32 from vector<1xi32>
      %get3A_1495 = arith.constant 1 : i32
      %get3A_1496 = arith.index_cast %get3A_1495 : i32 to index
      %get3A_1497 = arith.index_cast %add3A_1492 : i32 to index
      %get3A_1498 = arith.index_cast %squeeze3A_1494 : i32 to index
      %get3A_1499 = tpu.vector_load %arg11[%get3A_1496, %get3A_1497, %get3A_1498] {strides = array<i32>} : memref<2x128x128xf32, #tpu.memory_space<vmem>>, vector<1x1x16xf32>,
      %get3A_1500 = vector.shape_cast %get3A_1499 : vector<1x1x16xf32> to vector<16xf32>
      %slice3A_1501 = vector.extract_strided_slice %shift_left3A_1238 {offsets = [3], sizes = [1], strides = [1]} : vector<16xi32> to vector<1xi32>
      %squeeze3A_1502 = vector.extract %slice3A_1501[0] : i32 from vector<1xi32>
      %get3A_1503 = arith.constant 1 : i32
      %get3A_1504 = arith.index_cast %get3A_1503 : i32 to index
      %get3A_1505 = arith.index_cast %add3A_1492 : i32 to index
      %get3A_1506 = arith.index_cast %squeeze3A_1502 : i32 to index
      %get3A_1507 = tpu.vector_load %arg12[%get3A_1504, %get3A_1505, %get3A_1506] {strides = array<i32>} : memref<2x128x128xf32, #tpu.memory_space<vmem>>, vector<1x1x16xf32>,
      %get3A_1508 = vector.shape_cast %get3A_1507 : vector<1x1x16xf32> to vector<16xf32>
      %mul3A_1509 = arith.mulf %get3A_1500, %get3A_1508 : vector<16xf32>
      %mul3A_1510 = arith.constant 16 : i32
      %mul3A_1511 = arith.muli %scan3A_1213, %mul3A_1510 : i32
      %add3A_1512 = arith.constant 11 : i32
      %add3A_1513 = arith.addi %mul3A_1511, %add3A_1512 : i32
      %slice3A_1514 = vector.extract_strided_slice %shift_left3A_1225 {offsets = [11], sizes = [1], strides = [1]} : vector<16xi32> to vector<1xi32>
      %squeeze3A_1515 = vector.extract %slice3A_1514[0] : i32 from vector<1xi32>
      %get3A_1516 = arith.constant 1 : i32
      %get3A_1517 = arith.index_cast %get3A_1516 : i32 to index
      %get3A_1518 = arith.index_cast %add3A_1513 : i32 to index
      %get3A_1519 = arith.index_cast %squeeze3A_1515 : i32 to index
      %get3A_1520 = tpu.vector_load %arg11[%get3A_1517, %get3A_1518, %get3A_1519] {strides = array<i32>} : memref<2x128x128xf32, #tpu.memory_space<vmem>>, vector<1x1x16xf32>,
      %get3A_1521 = vector.shape_cast %get3A_1520 : vector<1x1x16xf32> to vector<16xf32>
      %slice3A_1522 = vector.extract_strided_slice %shift_left3A_1238 {offsets = [11], sizes = [1], strides = [1]} : vector<16xi32> to vector<1xi32>
      %squeeze3A_1523 = vector.extract %slice3A_1522[0] : i32 from vector<1xi32>
      %get3A_1524 = arith.constant 1 : i32
      %get3A_1525 = arith.index_cast %get3A_1524 : i32 to index
      %get3A_1526 = arith.index_cast %add3A_1513 : i32 to index
      %get3A_1527 = arith.index_cast %squeeze3A_1523 : i32 to index
      %get3A_1528 = tpu.vector_load %arg12[%get3A_1525, %get3A_1526, %get3A_1527] {strides = array<i32>} : memref<2x128x128xf32, #tpu.memory_space<vmem>>, vector<1x1x16xf32>,
      %get3A_1529 = vector.shape_cast %get3A_1528 : vector<1x1x16xf32> to vector<16xf32>
      %mul3A_1530 = arith.mulf %get3A_1521, %get3A_1529 : vector<16xf32>
      %mul3A_1531 = arith.constant 16 : i32
      %mul3A_1532 = arith.muli %scan3A_1213, %mul3A_1531 : i32
      %add3A_1533 = arith.constant 7 : i32
      %add3A_1534 = arith.addi %mul3A_1532, %add3A_1533 : i32
      %slice3A_1535 = vector.extract_strided_slice %shift_left3A_1225 {offsets = [7], sizes = [1], strides = [1]} : vector<16xi32> to vector<1xi32>
      %squeeze3A_1536 = vector.extract %slice3A_1535[0] : i32 from vector<1xi32>
      %get3A_1537 = arith.constant 1 : i32
      %get3A_1538 = arith.index_cast %get3A_1537 : i32 to index
      %get3A_1539 = arith.index_cast %add3A_1534 : i32 to index
      %get3A_1540 = arith.index_cast %squeeze3A_1536 : i32 to index
      %get3A_1541 = tpu.vector_load %arg11[%get3A_1538, %get3A_1539, %get3A_1540] {strides = array<i32>} : memref<2x128x128xf32, #tpu.memory_space<vmem>>, vector<1x1x16xf32>,
      %get3A_1542 = vector.shape_cast %get3A_1541 : vector<1x1x16xf32> to vector<16xf32>
      %slice3A_1543 = vector.extract_strided_slice %shift_left3A_1238 {offsets = [7], sizes = [1], strides = [1]} : vector<16xi32> to vector<1xi32>
      %squeeze3A_1544 = vector.extract %slice3A_1543[0] : i32 from vector<1xi32>
      %get3A_1545 = arith.constant 1 : i32
      %get3A_1546 = arith.index_cast %get3A_1545 : i32 to index
      %get3A_1547 = arith.index_cast %add3A_1534 : i32 to index
      %get3A_1548 = arith.index_cast %squeeze3A_1544 : i32 to index
      %get3A_1549 = tpu.vector_load %arg12[%get3A_1546, %get3A_1547, %get3A_1548] {strides = array<i32>} : memref<2x128x128xf32, #tpu.memory_space<vmem>>, vector<1x1x16xf32>,
      %get3A_1550 = vector.shape_cast %get3A_1549 : vector<1x1x16xf32> to vector<16xf32>
      %mul3A_1551 = arith.mulf %get3A_1542, %get3A_1550 : vector<16xf32>
      %mul3A_1552 = arith.constant 16 : i32
      %mul3A_1553 = arith.muli %scan3A_1213, %mul3A_1552 : i32
      %add3A_1554 = arith.constant 15 : i32
      %add3A_1555 = arith.addi %mul3A_1553, %add3A_1554 : i32
      %slice3A_1556 = vector.extract_strided_slice %shift_left3A_1225 {offsets = [15], sizes = [1], strides = [1]} : vector<16xi32> to vector<1xi32>
      %squeeze3A_1557 = vector.extract %slice3A_1556[0] : i32 from vector<1xi32>
      %get3A_1558 = arith.constant 1 : i32
      %get3A_1559 = arith.index_cast %get3A_1558 : i32 to index
      %get3A_1560 = arith.index_cast %add3A_1555 : i32 to index
      %get3A_1561 = arith.index_cast %squeeze3A_1557 : i32 to index
      %get3A_1562 = tpu.vector_load %arg11[%get3A_1559, %get3A_1560, %get3A_1561] {strides = array<i32>} : memref<2x128x128xf32, #tpu.memory_space<vmem>>, vector<1x1x16xf32>,
      %get3A_1563 = vector.shape_cast %get3A_1562 : vector<1x1x16xf32> to vector<16xf32>
      %slice3A_1564 = vector.extract_strided_slice %shift_left3A_1238 {offsets = [15], sizes = [1], strides = [1]} : vector<16xi32> to vector<1xi32>
      %squeeze3A_1565 = vector.extract %slice3A_1564[0] : i32 from vector<1xi32>
      %get3A_1566 = arith.constant 1 : i32
      %get3A_1567 = arith.index_cast %get3A_1566 : i32 to index
      %get3A_1568 = arith.index_cast %add3A_1555 : i32 to index
      %get3A_1569 = arith.index_cast %squeeze3A_1565 : i32 to index
      %get3A_1570 = tpu.vector_load %arg12[%get3A_1567, %get3A_1568, %get3A_1569] {strides = array<i32>} : memref<2x128x128xf32, #tpu.memory_space<vmem>>, vector<1x1x16xf32>,
      %get3A_1571 = vector.shape_cast %get3A_1570 : vector<1x1x16xf32> to vector<16xf32>
      %mul3A_1572 = arith.mulf %get3A_1563, %get3A_1571 : vector<16xf32>
      %broadcast_in_dim3A = vector.shape_cast %xor3A_897 : vector<16xi32> to vector<16x1xi32>
      %gather3A = vector.shape_cast %broadcast_in_dim3A : vector<16x1xi32> to vector<16xi32>
      %gather3A_1573 = tpu.dynamic_gather %mul3A_1257[%gather3A] in [0] : vector<16xf32>, vector<16xi32> -> vector<16xf32>
      %add3A_1574 = arith.addf %mul3A_1257, %gather3A_1573 : vector<16xf32>
      %broadcast_in_dim3A_1575 = vector.shape_cast %xor3A_897 : vector<16xi32> to vector<16x1xi32>
      %gather3A_1576 = vector.shape_cast %broadcast_in_dim3A_1575 : vector<16x1xi32> to vector<16xi32>
      %gather3A_1577 = tpu.dynamic_gather %mul3A_1278[%gather3A_1576] in [0] : vector<16xf32>, vector<16xi32> -> vector<16xf32>
      %add3A_1578 = arith.addf %mul3A_1278, %gather3A_1577 : vector<16xf32>
      %select_n3A_1579 = arith.select %lt3A_924, %add3A_1574, %add3A_1578 : vector<16xi1>, vector<16xf32>
      %broadcast_in_dim3A_1580 = vector.shape_cast %xor3A_897 : vector<16xi32> to vector<16x1xi32>
      %gather3A_1581 = vector.shape_cast %broadcast_in_dim3A_1580 : vector<16x1xi32> to vector<16xi32>
      %gather3A_1582 = tpu.dynamic_gather %mul3A_1299[%gather3A_1581] in [0] : vector<16xf32>, vector<16xi32> -> vector<16xf32>
      %add3A_1583 = arith.addf %mul3A_1299, %gather3A_1582 : vector<16xf32>
      %broadcast_in_dim3A_1584 = vector.shape_cast %xor3A_897 : vector<16xi32> to vector<16x1xi32>
      %gather3A_1585 = vector.shape_cast %broadcast_in_dim3A_1584 : vector<16x1xi32> to vector<16xi32>
      %gather3A_1586 = tpu.dynamic_gather %mul3A_1320[%gather3A_1585] in [0] : vector<16xf32>, vector<16xi32> -> vector<16xf32>
      %add3A_1587 = arith.addf %mul3A_1320, %gather3A_1586 : vector<16xf32>
      %select_n3A_1588 = arith.select %lt3A_924, %add3A_1583, %add3A_1587 : vector<16xi1>, vector<16xf32>
      %broadcast_in_dim3A_1589 = vector.shape_cast %xor3A_897 : vector<16xi32> to vector<16x1xi32>
      %gather3A_1590 = vector.shape_cast %broadcast_in_dim3A_1589 : vector<16x1xi32> to vector<16xi32>
      %gather3A_1591 = tpu.dynamic_gather %mul3A_1341[%gather3A_1590] in [0] : vector<16xf32>, vector<16xi32> -> vector<16xf32>
      %add3A_1592 = arith.addf %mul3A_1341, %gather3A_1591 : vector<16xf32>
      %broadcast_in_dim3A_1593 = vector.shape_cast %xor3A_897 : vector<16xi32> to vector<16x1xi32>
      %gather3A_1594 = vector.shape_cast %broadcast_in_dim3A_1593 : vector<16x1xi32> to vector<16xi32>
      %gather3A_1595 = tpu.dynamic_gather %mul3A_1362[%gather3A_1594] in [0] : vector<16xf32>, vector<16xi32> -> vector<16xf32>
      %add3A_1596 = arith.addf %mul3A_1362, %gather3A_1595 : vector<16xf32>
      %select_n3A_1597 = arith.select %lt3A_924, %add3A_1592, %add3A_1596 : vector<16xi1>, vector<16xf32>
      %broadcast_in_dim3A_1598 = vector.shape_cast %xor3A_897 : vector<16xi32> to vector<16x1xi32>
      %gather3A_1599 = vector.shape_cast %broadcast_in_dim3A_1598 : vector<16x1xi32> to vector<16xi32>
      %gather3A_1600 = tpu.dynamic_gather %mul3A_1383[%gather3A_1599] in [0] : vector<16xf32>, vector<16xi32> -> vector<16xf32>
      %add3A_1601 = arith.addf %mul3A_1383, %gather3A_1600 : vector<16xf32>
      %broadcast_in_dim3A_1602 = vector.shape_cast %xor3A_897 : vector<16xi32> to vector<16x1xi32>
      %gather3A_1603 = vector.shape_cast %broadcast_in_dim3A_1602 : vector<16x1xi32> to vector<16xi32>
      %gather3A_1604 = tpu.dynamic_gather %mul3A_1404[%gather3A_1603] in [0] : vector<16xf32>, vector<16xi32> -> vector<16xf32>
      %add3A_1605 = arith.addf %mul3A_1404, %gather3A_1604 : vector<16xf32>
      %select_n3A_1606 = arith.select %lt3A_924, %add3A_1601, %add3A_1605 : vector<16xi1>, vector<16xf32>
      %broadcast_in_dim3A_1607 = vector.shape_cast %xor3A_897 : vector<16xi32> to vector<16x1xi32>
      %gather3A_1608 = vector.shape_cast %broadcast_in_dim3A_1607 : vector<16x1xi32> to vector<16xi32>
      %gather3A_1609 = tpu.dynamic_gather %mul3A_1425[%gather3A_1608] in [0] : vector<16xf32>, vector<16xi32> -> vector<16xf32>
      %add3A_1610 = arith.addf %mul3A_1425, %gather3A_1609 : vector<16xf32>
      %broadcast_in_dim3A_1611 = vector.shape_cast %xor3A_897 : vector<16xi32> to vector<16x1xi32>
      %gather3A_1612 = vector.shape_cast %broadcast_in_dim3A_1611 : vector<16x1xi32> to vector<16xi32>
      %gather3A_1613 = tpu.dynamic_gather %mul3A_1446[%gather3A_1612] in [0] : vector<16xf32>, vector<16xi32> -> vector<16xf32>
      %add3A_1614 = arith.addf %mul3A_1446, %gather3A_1613 : vector<16xf32>
      %select_n3A_1615 = arith.select %lt3A_924, %add3A_1610, %add3A_1614 : vector<16xi1>, vector<16xf32>
      %broadcast_in_dim3A_1616 = vector.shape_cast %xor3A_897 : vector<16xi32> to vector<16x1xi32>
      %gather3A_1617 = vector.shape_cast %broadcast_in_dim3A_1616 : vector<16x1xi32> to vector<16xi32>
      %gather3A_1618 = tpu.dynamic_gather %mul3A_1467[%gather3A_1617] in [0] : vector<16xf32>, vector<16xi32> -> vector<16xf32>
      %add3A_1619 = arith.addf %mul3A_1467, %gather3A_1618 : vector<16xf32>
      %broadcast_in_dim3A_1620 = vector.shape_cast %xor3A_897 : vector<16xi32> to vector<16x1xi32>
      %gather3A_1621 = vector.shape_cast %broadcast_in_dim3A_1620 : vector<16x1xi32> to vector<16xi32>
      %gather3A_1622 = tpu.dynamic_gather %mul3A_1488[%gather3A_1621] in [0] : vector<16xf32>, vector<16xi32> -> vector<16xf32>
      %add3A_1623 = arith.addf %mul3A_1488, %gather3A_1622 : vector<16xf32>
      %select_n3A_1624 = arith.select %lt3A_924, %add3A_1619, %add3A_1623 : vector<16xi1>, vector<16xf32>
      %broadcast_in_dim3A_1625 = vector.shape_cast %xor3A_897 : vector<16xi32> to vector<16x1xi32>
      %gather3A_1626 = vector.shape_cast %broadcast_in_dim3A_1625 : vector<16x1xi32> to vector<16xi32>
      %gather3A_1627 = tpu.dynamic_gather %mul3A_1509[%gather3A_1626] in [0] : vector<16xf32>, vector<16xi32> -> vector<16xf32>
      %add3A_1628 = arith.addf %mul3A_1509, %gather3A_1627 : vector<16xf32>
      %broadcast_in_dim3A_1629 = vector.shape_cast %xor3A_897 : vector<16xi32> to vector<16x1xi32>
      %gather3A_1630 = vector.shape_cast %broadcast_in_dim3A_1629 : vector<16x1xi32> to vector<16xi32>
      %gather3A_1631 = tpu.dynamic_gather %mul3A_1530[%gather3A_1630] in [0] : vector<16xf32>, vector<16xi32> -> vector<16xf32>
      %add3A_1632 = arith.addf %mul3A_1530, %gather3A_1631 : vector<16xf32>
      %select_n3A_1633 = arith.select %lt3A_924, %add3A_1628, %add3A_1632 : vector<16xi1>, vector<16xf32>
      %broadcast_in_dim3A_1634 = vector.shape_cast %xor3A_897 : vector<16xi32> to vector<16x1xi32>
      %gather3A_1635 = vector.shape_cast %broadcast_in_dim3A_1634 : vector<16x1xi32> to vector<16xi32>
      %gather3A_1636 = tpu.dynamic_gather %mul3A_1551[%gather3A_1635] in [0] : vector<16xf32>, vector<16xi32> -> vector<16xf32>
      %add3A_1637 = arith.addf %mul3A_1551, %gather3A_1636 : vector<16xf32>
      %broadcast_in_dim3A_1638 = vector.shape_cast %xor3A_897 : vector<16xi32> to vector<16x1xi32>
      %gather3A_1639 = vector.shape_cast %broadcast_in_dim3A_1638 : vector<16x1xi32> to vector<16xi32>
      %gather3A_1640 = tpu.dynamic_gather %mul3A_1572[%gather3A_1639] in [0] : vector<16xf32>, vector<16xi32> -> vector<16xf32>
      %add3A_1641 = arith.addf %mul3A_1572, %gather3A_1640 : vector<16xf32>
      %select_n3A_1642 = arith.select %lt3A_924, %add3A_1637, %add3A_1641 : vector<16xi1>, vector<16xf32>
      %broadcast_in_dim3A_1643 = vector.shape_cast %xor3A_900 : vector<16xi32> to vector<16x1xi32>
      %gather3A_1644 = vector.shape_cast %broadcast_in_dim3A_1643 : vector<16x1xi32> to vector<16xi32>
      %gather3A_1645 = tpu.dynamic_gather %select_n3A_1579[%gather3A_1644] in [0] : vector<16xf32>, vector<16xi32> -> vector<16xf32>
      %add3A_1646 = arith.addf %select_n3A_1579, %gather3A_1645 : vector<16xf32>
      %broadcast_in_dim3A_1647 = vector.shape_cast %xor3A_900 : vector<16xi32> to vector<16x1xi32>
      %gather3A_1648 = vector.shape_cast %broadcast_in_dim3A_1647 : vector<16x1xi32> to vector<16xi32>
      %gather3A_1649 = tpu.dynamic_gather %select_n3A_1588[%gather3A_1648] in [0] : vector<16xf32>, vector<16xi32> -> vector<16xf32>
      %add3A_1650 = arith.addf %select_n3A_1588, %gather3A_1649 : vector<16xf32>
      %select_n3A_1651 = arith.select %lt3A_949, %add3A_1646, %add3A_1650 : vector<16xi1>, vector<16xf32>
      %broadcast_in_dim3A_1652 = vector.shape_cast %xor3A_900 : vector<16xi32> to vector<16x1xi32>
      %gather3A_1653 = vector.shape_cast %broadcast_in_dim3A_1652 : vector<16x1xi32> to vector<16xi32>
      %gather3A_1654 = tpu.dynamic_gather %select_n3A_1597[%gather3A_1653] in [0] : vector<16xf32>, vector<16xi32> -> vector<16xf32>
      %add3A_1655 = arith.addf %select_n3A_1597, %gather3A_1654 : vector<16xf32>
      %broadcast_in_dim3A_1656 = vector.shape_cast %xor3A_900 : vector<16xi32> to vector<16x1xi32>
      %gather3A_1657 = vector.shape_cast %broadcast_in_dim3A_1656 : vector<16x1xi32> to vector<16xi32>
      %gather3A_1658 = tpu.dynamic_gather %select_n3A_1606[%gather3A_1657] in [0] : vector<16xf32>, vector<16xi32> -> vector<16xf32>
      %add3A_1659 = arith.addf %select_n3A_1606, %gather3A_1658 : vector<16xf32>
      %select_n3A_1660 = arith.select %lt3A_949, %add3A_1655, %add3A_1659 : vector<16xi1>, vector<16xf32>
      %broadcast_in_dim3A_1661 = vector.shape_cast %xor3A_900 : vector<16xi32> to vector<16x1xi32>
      %gather3A_1662 = vector.shape_cast %broadcast_in_dim3A_1661 : vector<16x1xi32> to vector<16xi32>
      %gather3A_1663 = tpu.dynamic_gather %select_n3A_1615[%gather3A_1662] in [0] : vector<16xf32>, vector<16xi32> -> vector<16xf32>
      %add3A_1664 = arith.addf %select_n3A_1615, %gather3A_1663 : vector<16xf32>
      %broadcast_in_dim3A_1665 = vector.shape_cast %xor3A_900 : vector<16xi32> to vector<16x1xi32>
      %gather3A_1666 = vector.shape_cast %broadcast_in_dim3A_1665 : vector<16x1xi32> to vector<16xi32>
      %gather3A_1667 = tpu.dynamic_gather %select_n3A_1624[%gather3A_1666] in [0] : vector<16xf32>, vector<16xi32> -> vector<16xf32>
      %add3A_1668 = arith.addf %select_n3A_1624, %gather3A_1667 : vector<16xf32>
      %select_n3A_1669 = arith.select %lt3A_949, %add3A_1664, %add3A_1668 : vector<16xi1>, vector<16xf32>
      %broadcast_in_dim3A_1670 = vector.shape_cast %xor3A_900 : vector<16xi32> to vector<16x1xi32>
      %gather3A_1671 = vector.shape_cast %broadcast_in_dim3A_1670 : vector<16x1xi32> to vector<16xi32>
      %gather3A_1672 = tpu.dynamic_gather %select_n3A_1633[%gather3A_1671] in [0] : vector<16xf32>, vector<16xi32> -> vector<16xf32>
      %add3A_1673 = arith.addf %select_n3A_1633, %gather3A_1672 : vector<16xf32>
      %broadcast_in_dim3A_1674 = vector.shape_cast %xor3A_900 : vector<16xi32> to vector<16x1xi32>
      %gather3A_1675 = vector.shape_cast %broadcast_in_dim3A_1674 : vector<16x1xi32> to vector<16xi32>
      %gather3A_1676 = tpu.dynamic_gather %select_n3A_1642[%gather3A_1675] in [0] : vector<16xf32>, vector<16xi32> -> vector<16xf32>
      %add3A_1677 = arith.addf %select_n3A_1642, %gather3A_1676 : vector<16xf32>
      %select_n3A_1678 = arith.select %lt3A_949, %add3A_1673, %add3A_1677 : vector<16xi1>, vector<16xf32>
      %broadcast_in_dim3A_1679 = vector.shape_cast %xor3A_903 : vector<16xi32> to vector<16x1xi32>
      %gather3A_1680 = vector.shape_cast %broadcast_in_dim3A_1679 : vector<16x1xi32> to vector<16xi32>
      %gather3A_1681 = tpu.dynamic_gather %select_n3A_1651[%gather3A_1680] in [0] : vector<16xf32>, vector<16xi32> -> vector<16xf32>
      %add3A_1682 = arith.addf %select_n3A_1651, %gather3A_1681 : vector<16xf32>
      %broadcast_in_dim3A_1683 = vector.shape_cast %xor3A_903 : vector<16xi32> to vector<16x1xi32>
      %gather3A_1684 = vector.shape_cast %broadcast_in_dim3A_1683 : vector<16x1xi32> to vector<16xi32>
      %gather3A_1685 = tpu.dynamic_gather %select_n3A_1660[%gather3A_1684] in [0] : vector<16xf32>, vector<16xi32> -> vector<16xf32>
      %add3A_1686 = arith.addf %select_n3A_1660, %gather3A_1685 : vector<16xf32>
      %select_n3A_1687 = arith.select %lt3A_974, %add3A_1682, %add3A_1686 : vector<16xi1>, vector<16xf32>
      %broadcast_in_dim3A_1688 = vector.shape_cast %xor3A_903 : vector<16xi32> to vector<16x1xi32>
      %gather3A_1689 = vector.shape_cast %broadcast_in_dim3A_1688 : vector<16x1xi32> to vector<16xi32>
      %gather3A_1690 = tpu.dynamic_gather %select_n3A_1669[%gather3A_1689] in [0] : vector<16xf32>, vector<16xi32> -> vector<16xf32>
      %add3A_1691 = arith.addf %select_n3A_1669, %gather3A_1690 : vector<16xf32>
      %broadcast_in_dim3A_1692 = vector.shape_cast %xor3A_903 : vector<16xi32> to vector<16x1xi32>
      %gather3A_1693 = vector.shape_cast %broadcast_in_dim3A_1692 : vector<16x1xi32> to vector<16xi32>
      %gather3A_1694 = tpu.dynamic_gather %select_n3A_1678[%gather3A_1693] in [0] : vector<16xf32>, vector<16xi32> -> vector<16xf32>
      %add3A_1695 = arith.addf %select_n3A_1678, %gather3A_1694 : vector<16xf32>
      %select_n3A_1696 = arith.select %lt3A_974, %add3A_1691, %add3A_1695 : vector<16xi1>, vector<16xf32>
      %broadcast_in_dim3A_1697 = vector.shape_cast %xor3A_906 : vector<16xi32> to vector<16x1xi32>
      %gather3A_1698 = vector.shape_cast %broadcast_in_dim3A_1697 : vector<16x1xi32> to vector<16xi32>
      %gather3A_1699 = tpu.dynamic_gather %select_n3A_1687[%gather3A_1698] in [0] : vector<16xf32>, vector<16xi32> -> vector<16xf32>
      %add3A_1700 = arith.addf %select_n3A_1687, %gather3A_1699 : vector<16xf32>
      %broadcast_in_dim3A_1701 = vector.shape_cast %xor3A_906 : vector<16xi32> to vector<16x1xi32>
      %gather3A_1702 = vector.shape_cast %broadcast_in_dim3A_1701 : vector<16x1xi32> to vector<16xi32>
      %gather3A_1703 = tpu.dynamic_gather %select_n3A_1696[%gather3A_1702] in [0] : vector<16xf32>, vector<16xi32> -> vector<16xf32>
      %add3A_1704 = arith.addf %select_n3A_1696, %gather3A_1703 : vector<16xf32>
      %select_n3A_1705 = arith.select %lt3A_999, %add3A_1700, %add3A_1704 : vector<16xi1>, vector<16xf32>
      %neg3A = arith.constant 0.000000e+00 : f32
      %neg3A_1706 = vector.broadcast %neg3A : f32 to vector<16xf32>
      %neg3A_1707 = arith.subf %neg3A_1706, %select_n3A_1705 : vector<16xf32>
      %exp3A = math.exp %neg3A_1707 : vector<16xf32>
      %add3A_1708 = arith.constant 1.000000e+00 : f32
      %add3A_1709 = vector.broadcast %add3A_1708 : f32 to vector<16xf32>
      %add3A_1710 = arith.addf %add3A_1709, %exp3A : vector<16xf32>
      %div3A = arith.constant 1.000000e+00 : f32
      %div3A_1711 = vector.broadcast %div3A : f32 to vector<16xf32>
      %div3A_1712 = arith.divf %div3A_1711, %add3A_1710 : vector<16xf32>
      %mul3A_1713 = arith.constant 16 : i32
      %mul3A_1714 = arith.muli %scan3A_1213, %mul3A_1713 : i32
      %add3A_1715 = arith.constant 384 : i32
      %add3A_1716 = arith.addi %add3A_1715, %mul3A_1714 : i32
      %swap3A_1717 = arith.index_cast %add3A_1716 : i32 to index
      %swap3A_1718 = tpu.vector_load %arg13[%swap3A_1717] {strides = array<i32>} : memref<512xf32, #tpu.memory_space<vmem>>, vector<16xf32>,
      %swap3A_1719 = vector.shape_cast %swap3A_1718 : vector<16xf32> to vector<16xf32>
      %swap3A_1720 = vector.shape_cast %div3A_1712 : vector<16xf32> to vector<16xf32>
      tpu.vector_store %arg13[%swap3A_1717], %swap3A_1720 {strides = array<i32>} : memref<512xf32, #tpu.memory_space<vmem>>, vector<16xf32>,
    }
    %scan3A_1212 = arith.constant 8 : i32
    "tpu.region"() ({
      %run_scoped3A = tpu.sem_alloc : memref<!tpu.dma_semaphore, #tpu.memory_space<semaphore_mem>>
      %dma_start3A_1213 = tpu.memref_slice %arg6[%mul3A_2] : memref<16384xf32, #tpu.memory_space<hbm>> -> memref<512xf32, #tpu.memory_space<hbm>>
      %dma_start3A_1214 = tpu.memref_slice %arg6[%mul3A_2] : memref<16384xf32, #tpu.memory_space<hbm>> -> memref<512xf32, #tpu.memory_space<hbm>>
      tpu.enqueue_dma source(%arg13 : memref<512xf32, #tpu.memory_space<vmem>>) target(%dma_start3A_1214 : memref<512xf32, #tpu.memory_space<hbm>>) target_semaphore(%run_scoped3A : memref<!tpu.dma_semaphore, #tpu.memory_space<semaphore_mem>>)
      %dma_wait3A_1215 = tpu.memref_slice %arg6[%mul3A_2] : memref<16384xf32, #tpu.memory_space<hbm>> -> memref<512xf32, #tpu.memory_space<hbm>>
      %dma_wait3A_1216 = tpu.memref_slice %arg6[%mul3A_2] : memref<16384xf32, #tpu.memory_space<hbm>> -> memref<512xf32, #tpu.memory_space<hbm>>
      tpu.wait_dma2 semaphore(%run_scoped3A : memref<!tpu.dma_semaphore, #tpu.memory_space<semaphore_mem>>) src(%arg13 : memref<512xf32, #tpu.memory_space<vmem>>) dst(%dma_wait3A_1216 : memref<512xf32, #tpu.memory_space<hbm>>)
      tpu.yield
    }) : () -> ()
    return
  }
}

</mosaic_0001>

<sc_bundles>
// kernel: kernel.3.cloned.1.call-start
scs
__scs_entry_jumppad:
0x0: {  	(pc) =	sbr.rel $0x88, $3  }
0x1: {  	(tag) =	ssettag $0x0;
	lr =	simm.s32 $0x1  }
0x2: {  	[smem:$0x3F9E] =	sst lr;
	_ =	strace $0xD0000000  }
0x3: {  	_ = 	snop  }
0x4: {  	_ = 	snop  }
0x5: {  	_ = 	snop  }
0x6: {  	_ = 	snop  }
0x7: {  	_ = 	snop  }
__scs_overlays_trampoline_lowered:
0x8: {  	[smem:$0x3FAD] =	sst s0  }
0x9: {  	[smem:$0x3FAE] =	sst s1  }
0xa: {  	[smem:$0x3FAF] =	sst s2  }
0xb: {  	[smem:$0x3FB0] =	sst s3  }
0xc: {  	[smem:$0x3FB1] =	sst s4  }
0xd: {  	[smem:$0x3FB2] =	sst s5  }
0xe: {  	[smem:$0x3FB3] =	sst s6  }
0xf: {  	[smem:$0x3FB4] =	sst s7  }
0x10: {  	[smem:$0x3FB5] =	sst s8  }
0x11: {  	[smem:$0x3FB6] =	sst s9;
	s0 =	simm.s32 @!p0 $0x0  }
0x12: {  	s1 =	sld [smem:$0x3F9C];
	s0 =	simm.s32 @p0 $0x1  }
0x13: {  	[smem:$0x3FB7] =	sst s0;
	s0 =	simm.s32 @!p1 $0x0  }
0x14: {  	s2 =	sld [smem:$0x3F9B];
	s0 =	simm.s32 @p1 $0x1  }
0x15: {  	[smem:$0x3FB8] =	sst s0;
	s0 =	simm.s32 @!p2 $0x0  }
0x16: {  	s3 =	sld [smem:$0x3FDB];
	s0 =	simm.s32 @p2 $0x1  }
0x17: {  	s4 =	simm.s32 $0x1BF5;
	[smem:$0x3FBA] =	sst s0  }
0x18: {  	s0 =	sld [smem:$0x3F9D];
	_ =	swait.ge [sflag:s4], $0x0  }
0x19: {  	s7 =	sld [smem:$0x3F9E]  }
0x1a: {  	s8 =	sadd.s32 $0xFFFFE003, lr  }
0x1b: {  	s9 =	sadd.s32 $0xFFFFFEF7, lr;
	s5 =	simm.s32 $0xFFFFFFFF;
	p2 =	slt.u32 s8, $0xFFFFF086  }
0x1c: {  	p1 =	slt.u32 s9, $0xF7A;
	s5 =	simm.s32 @!p2 $0x0  }
0x1d: {  	s5 =	simm.s32 @p1 $0x1;
	p0 =	seq.s32 s7, s2  }
0x1e: {  	s7 =	smul.u32 @!p0 $0xF7A, s2;
	p2 =	seq.s32 @!p0 s5, $0x0  }
0x1f: {  	s9 =	smul.u32 $0xF7A, s1;
	s8 =	simm.s32 @!p0 $0x1BF5;
	p2 =	por !p2, p0  }
0x20: {  	[sflag:s8] =	ssyncset.s32 @!p0 $0xFFFFF086;
	s6 =	sadd.s32 @!p0 s3, s7;
	s7 =	simm.s32 @!p0 $0x108  }
0x21: {  	s3 =	sadd.s32 s3, s9;
	s6 =	sadd.s32 @!p0 $0x88, s6;
	s7 =	simm.s32 @p2 $0x1082  }
0x22: {  	[simem:s7], [sflag:s8] =	dma.local @!p0 [hbm:s6], $0xF7A  }
0x23: {  	s9 =	sor.u32 $0xD0000000, s2;
	s6 =	simm.s32 $0x108;
	_ =	swait.ge @!p0 [sflag:s8], $0x0  }
0x24: {  	s3 =	sadd.s32 $0x88, s3;
	s6 =	simm.s32 @!p1 $0x1082;
	[sflag:s4] =	ssyncset.s32 $0xFFFFF086  }
0x25: {  	[simem:s6], [sflag:s4] =	dma.local [hbm:s3], $0xF7A  }
0x26: {  	[smem:$0x3F9E] =	sst s1;
	(tag) =	ssettag s2;
	_ =	strace s9  }
0x27: {  	s1 =	sld [smem:$0x3FAE]  }
0x28: {  	s2 =	sld [smem:$0x3FAF]  }
0x29: {  	s4 =	sld [smem:$0x3FB1]  }
0x2a: {  	p0 =	seq.s32 s5, $0x0;
	s5 =	sld [smem:$0x3FB2]  }
0x2b: {  	s6 =	sld [smem:$0x3FB3]  }
0x2c: {  	s7 =	sld [smem:$0x3FB4]  }
0x2d: {  	s3 =	simm.s32 $0x108;
	s8 =	sld [smem:$0x3FB5]  }
0x2e: {  	s3 =	simm.s32 @!p0 $0x1082;
	s9 =	sld [smem:$0x3FB6]  }
0x2f: {  	lr =	sadd.s32 s0, s3;
	s0 =	sld [smem:$0x3FAD]  }
0x30: {  	s3 =	sld [smem:$0x3FB0]  }
0x31: {  	[smem:$0x3FB9] =	sst s10  }
0x32: {  	s10 =	sld [smem:$0x3FB7];
	_ =	sdelay $0x3  }
0x33: {  	p0 =	seq.s32 s10, $0x1;
	s10 =	sld [smem:$0x3FB9];
	_ =	sdelay $0x3  }
0x34: {  	[smem:$0x3FB9] =	sst s10  }
0x35: {  	s10 =	sld [smem:$0x3FB8];
	_ =	sdelay $0x3  }
0x36: {  	p1 =	seq.s32 s10, $0x1;
	s10 =	sld [smem:$0x3FB9];
	_ =	sdelay $0x3  }
0x37: {  	[smem:$0x3FB9] =	sst s10  }
0x38: {  	s10 =	sld [smem:$0x3FBA]  }
0x39: {  	_ = 	snop;
	(pc) =	sbr.ind lr, $3  }
0x3a: {  	_ = 	snop  }
0x3b: {  	_ = 	snop  }
0x3c: {  	p2 =	seq.s32 s10, $0x1;
	s10 =	sld [smem:$0x3FB9]  }
0x3d: {  	_ =	shalt  }
0x3e: {  	_ =	shalt  }
0x3f: {  	_ =	shalt  }
0x40: {  	_ =	shalt  }
0x41: {  	_ =	shalt  }
0x42: {  	_ =	shalt  }
0x43: {  	_ =	shalt  }
0x44: {  	_ =	shalt  }
0x45: {  	_ =	shalt  }
0x46: {  	_ =	shalt  }
0x47: {  	_ =	shalt  }
0x48: {  	_ =	shalt  }
0x49: {  	_ =	shalt  }
0x4a: {  	_ =	shalt  }
0x4b: {  	_ =	shalt  }
0x4c: {  	_ =	shalt  }
0x4d: {  	_ =	shalt  }
0x4e: {  	_ =	shalt  }
0x4f: {  	_ =	shalt  }
0x50: {  	_ =	shalt  }
0x51: {  	_ =	shalt  }
0x52: {  	_ =	shalt  }
0x53: {  	_ =	shalt  }
0x54: {  	_ =	shalt  }
0x55: {  	_ =	shalt  }
0x56: {  	_ =	shalt  }
0x57: {  	_ =	shalt  }
0x58: {  	_ =	shalt  }
0x59: {  	_ =	shalt  }
0x5a: {  	_ =	shalt  }
0x5b: {  	_ =	shalt  }
0x5c: {  	_ =	shalt  }
0x5d: {  	_ =	shalt  }
0x5e: {  	_ =	shalt  }
0x5f: {  	_ =	shalt  }
0x60: {  	_ =	shalt  }
0x61: {  	_ =	shalt  }
0x62: {  	_ =	shalt  }
0x63: {  	_ =	shalt  }
0x64: {  	_ =	shalt  }
0x65: {  	_ =	shalt  }
0x66: {  	_ =	shalt  }
0x67: {  	_ =	shalt  }
0x68: {  	_ =	shalt  }
0x69: {  	_ =	shalt  }
0x6a: {  	_ =	shalt  }
0x6b: {  	_ =	shalt  }
0x6c: {  	_ =	shalt  }
0x6d: {  	_ =	shalt  }
0x6e: {  	_ =	shalt  }
0x6f: {  	_ =	shalt  }
0x70: {  	_ =	shalt  }
0x71: {  	_ =	shalt  }
0x72: {  	_ =	shalt  }
0x73: {  	_ =	shalt  }
0x74: {  	_ =	shalt  }
0x75: {  	_ =	shalt  }
0x76: {  	_ =	shalt  }
0x77: {  	_ =	shalt  }
0x78: {  	_ =	shalt  }
0x79: {  	_ =	shalt  }
0x7a: {  	_ =	shalt  }
0x7b: {  	_ =	shalt  }
0x7c: {  	_ =	shalt  }
0x7d: {  	_ =	shalt  }
0x7e: {  	_ =	shalt  }
0x7f: {  	_ =	shalt  }
0x80: {  	_ =	shalt  }
0x81: {  	_ =	shalt  }
0x82: {  	_ =	shalt  }
0x83: {  	_ =	shalt  }
0x84: {  	_ =	shalt  }
0x85: {  	_ =	shalt  }
0x86: {  	_ =	shalt  }
0x87: {  	_ =	shalt  }
.Lfunc_end0:
.L_simem_size_0:
called_computation_lowered:
.L_overlay_start_0:
0x88: {  	s2 =	sld [smem:$0x3FD9]  }
0x89: {  	s3 =	sld [smem:$0x3FFE];
	_ =	sdelay $0x1  }
0x8a: {  	s1 =	srdreg.scid  }
0x8b: {  	s0 =	sand.u32 $0x1, s1  }
0x8c: {  	s17 =	sshll.u32 s0, $0xA;
	s2 =	sadd.s32 s3, s2  }
0x8d: {  	s2 =	sadd.s32 s2, s17  }
0x8e: {  	[smem:$0x3FC5] =	sst s2  }
0x8f: {  	_ = 	snop  }
0x90: {  	s2 =	sld [smem:$0x3FD0];
	(tm) =	ssettm $0x1  }
0x91: {  	s18 =	sld [smem:$0x3FFB];
	_ =	sdelay $0x3  }
0x92: {  	_ =	strace s18  }
0x93: {  	s3 =	sld [smem:$0x3FFC];
	_ =	sdelay $0x3  }
0x94: {  	_ =	strace s3  }
0x95: {  	s3 =	sld [smem:$0x3FFD];
	_ =	sdelay $0x3  }
0x96: {  	_ =	strace s3  }
0x97: {  	_ =	strace $0x8FFFFFFF  }
0x98: {  	s19 =	sld [smem:$0x3FDB];
	_ =	sdelay $0x1  }
0x99: {  	s4 =	simm.s32 $_scs_section_size  }
0x9a: {  	s5 =	simm.s32 $_size__tile_overlayer_lowered;
	s6 =	simm.s32 $_tile_overlayer_lowered  }
0x9b: {  	s22 =	simm.s32 $0x1BFF;
	s21 =	sshll.u32 s6, $0x1;
	s3 =	sadd.s32 s4, s19  }
0x9c: {  	s7 =	simm.s32 $0x0;
	s20 =	sshll.u32 s5, $0x1;
	s5 =	sadd.s32 s21, s3  }
0x9d: {  	[timem:s7], [sflag:s22] =	dma.local [hbm:s5], s20  }
0x9e: {  	_ =	swait.ge [sflag:s22], s20  }
0x9f: {  	s4 =	ssub.s32 $0x0, s20;
	[sflag:s22] =	ssyncset.done $0x0  }
0xa0: {  	[sflag:s22] =	ssyncadd.s32 s4;
	_ =	sdelay $0x1  }
0xa1: {  	s23 =	simm.s32 $0x1B8B  }
0xa2: {  	_ =	swait.ge [sflag:s23], $0x1  }
0xa3: {  	[sflag:s23] =	ssyncset.done $0x0  }
0xa4: {  	s25 =	simm.s32 $0x1B8E;
	s24 =	sld [smem:$0x3FFE];
	[sflag:s23] =	ssyncadd.s32 $0xFFFFFFFF  }
0xa5: {  	s26 =	simm.s32 $execute0_lowered;
	[smem:$0x3FD2] =	sst s25  }
0xa6: {  	s5 =	sshll.u32 s26, $0x1;
	_ =	strace $0x80000046;
	[dreg:$0x1] =	wrdreg $0xFFFFFFFF  }
0xa7: {  	s28 =	simm.s32 $_size_execute0_lowered;
	s3 =	sadd.s32 s3, s5;
	[dreg:$0x0] =	wrdreg $0x0  }
0xa8: {  	s5 =	sshll.u32 s28, $0x1;
	[dreg:$0x2] =	wrdreg s3  }
0xa9: {  	[dreg:$0x3] =	wrdreg s5  }
0xaa: {  	[dreg:$0x4] =	wrdreg $0xC0  }
0xab: {  	_ =	task [dreg:s7], $0x5FFFF  }
0xac: {  	[dreg:$0x1] =	wrdreg $0xFFFFFFFF  }
0xad: {  	[dreg:$0x0] =	wrdreg $0x60  }
0xae: {  	[dreg:$0x2] =	wrdreg s24  }
0xaf: {  	[dreg:$0x3] =	wrdreg s2  }
0xb0: {  	[dreg:$0x4] =	wrdreg $0x9  }
0xb1: {  	_ =	task.clear_ibuf [dreg:s7], $0x5FFFF;
	_ =	strace $0x90000046  }
0xb2: {  	s29 =	simm.s32 $0x9;
	_ =	strace $0x80000048  }
0xb3: {  	_ =	swait.ge [sflag:s29], $0x1  }
0xb4: {  	[sflag:s29] =	ssyncadd.s32 $0xFFFFFFFF  }
0xb5: {  	_ =	strace $0x90000048  }
0xb6: {  	_ =	sfence  }
0xb7: {  	s30 =	sld [smem:$0x0];
	_ =	sdelay $0x2  }
0xb8: {  	s31 =	sshll.u32 s1, $0xD;
	s1 =	sshrl.u32 s1, $0x2  }
0xb9: {  	s3 =	sand.u32 $0x4000, s31;
	s1 =	sadd.s32 s1, s30  }
0xba: {  	s0 =	sor.u32 s3, s0;
	s1 =	sshll.u32 s1, $0x11  }
0xbb: {  	s0 =	sor.u32 s1, s0  }
0xbc: {  	s0 =	sadd.s32 $0x8F2B, s0  }
0xbd: {  	[sflag:s0] =	ssyncadd.remote.s32 $0x1  }
0xbe: {  	_ =	sfence.sel $0xFFFF  }
0xbf: {  	[dreg:$0x0] =	wrdreg $0xFFFFFFFF;
	(pc) =	sbr.abs _section_cstart, $3  }
0xc0: {  	[dreg:$0x1] =	wrdreg $0xFFFFFFFF  }
0xc1: {  	_ =	task.clear_ibuf [dreg:s7], $0x2FFFF;
	_ =	strace $0x9FFFFFFF  }
0xc2: {  	(tm) =	ssettm $0x7FFFFFFF  }
0xc3: {  	_ =	shalt  }
tec
execute0_lowered:
.L_overlay_start_1:
0x0: {  	(tag) =	ssettag $0x1  }
0x1: {  	v0 =	vimm.s32 $0x76543210;
	v1 =	vimm.s32 $0xFEDCBA98;
	v2 =	vimm.s32 $0xBA98FEDC  }
0x2: {  	v3 =	vimm.s32 $0x32107654;
	v4 =	vimm.s32 $0xDCFE98BA;
	v5 =	vimm.s32 $0x54761032  }
0x3: {  	vm0 =	vcmask $0x2F20;
	vm1 =	vcmask $0xF00;
	vm2 =	vcmask $0x1710  }
0x4: {  	vm3 =	vcmask $0x700;
	vm4 =	vcmask $0x300;
	v1 =	vunpack.c.l.s4.s8 v1  }
0x5: {  	v0 =	vunpack.c.l.s4.s8 v0;
	v2 =	vunpack.c.l.s4.s8 v2;
	v3 =	vunpack.c.l.s4.s8 v3  }
0x6: {  	v4 =	vunpack.c.l.s4.s8 v4;
	vm0 =	vmor vm1, vm0;
	v1 =	vunpack.c.0.s8.s32 v1  }
0x7: {  	v0 =	vunpack.c.0.s8.s32 v0;
	v2 =	vunpack.c.0.s8.s32 v2;
	v3 =	vunpack.c.0.s8.s32 v3  }
0x8: {  	s0 =	rddreg [dreg:$0x0];
	vm1 =	vmor vm3, vm2;
	vm3 =	vcmask $0xB08;
	v1 =	vand.u32 $0xF, v1  }
0x9: {  	s7 =	rddreg [dreg:$0x1];
	s2 =	srdreg.scid;
	v0 =	vcombine.low v1, v0;
	v1 =	vcombine.low v3, v2;
	v2 =	vunpack.c.l.s4.s8 v5  }
0xa: {  	s1 =	stileid.u32;
	s10 =	simm.s32 $0x80;
	s12 =	simm.s32 $0x800;
	vm2 =	vcmask $0x2720;
	vm3 =	vmor vm4, vm3  }
0xb: {  	s14 =	simm.s32 $0x8800;
	s16 =	simm.s32 $0x480;
	s17 =	simm.s32 $0x4800;
	vm4 =	vcmask $0x1310;
	v3 =	vunpack.c.0.s8.s32 v4;
	v2 =	vunpack.c.0.s8.s32 v2  }
0xc: {  	s18 =	simm.s32 $0x680;
	s19 =	simm.s32 $0xC800;
	s20 =	simm.s32 $0x500;
	vm1 =	vmor vm1, vm2;
	vm2 =	vcmask $0x3730;
	vm3 =	vmor vm3, vm4  }
0xd: {  	s15 =	simm.s32 $0x1;
	s21 =	simm.s32 $0x700;
	s22 =	simm.s32 $0x580;
	v4 =	vimm.s32 $0x67452301;
	v2 =	vcombine.low v2, v3;
	v3 =	vimm.s32 $0xEFCDAB89  }
0xe: {  	s23 =	simm.s32 $0x780;
	s24 =	simm.s32 $0x10800;
	s25 =	simm.s32 $0x0;
	vm4 =	vcmask $0x1B18;
	v4 =	vunpack.c.l.s4.s8 v4;
	v3 =	vunpack.c.l.s4.s8 v3  }
0xf: {  	s3 =	sand.u32 $0x1, s2;
	s2 =	simm.s32 $0x0;
	s4 =	sshll.u32 s1, $0x7;
	vm1 =	vmor vm1, vm2;
	vm2 =	vmor vm3, vm4  }
0x10: {  	s5 =	sshll.u32 s3, $0x6;
	[smem:$0x7FF] =	sst s2;
	s30 =	ssub.s32 $0x2, s3;
	vm3 =	vcmask $0x2320;
	v4 =	vunpack.c.0.s8.s32 v4;
	v3 =	vunpack.c.0.s8.s32 v3  }
0x11: {  	s3 =	sadd.s32 $0xF43A00, s0;
	s8 =	sor.u32 s5, s4;
	_ =	strace $0x80000047;
	vm4 =	vcmask $0x2B28;
	vm3 =	vmor vm2, vm3;
	vm2 =	vmmov $0xff  }
0x12: {  	s9 =	sshrl.u32 s30, $0x1;
	s4 =	sadd.s32 $0x112C000, s0;
	s6 =	sadd.s32 s8, s0;
	vm3 =	vmor vm3, vm4;
	vm4 =	vcmask $0x3330;
	v3 =	vcombine.low v4, v3  }
0x13: {  	s31 =	ssub.s32 s30, s9;
	s7 =	sadd.s32 s7, s8;
	s9 =	simm.s32 $0x2;
	vm3 =	vmor vm3, vm4;
	vm4 =	vcmask $0x3B38;
	v1 =	vand.u32 $0xF, v1  }
0x14: {  	s5 =	sadd.s32 $0xE00, s6;
	s6 =	sadd.s32 $0x600, s6;
	s8 =	smax.u32 s31, $0x1;
	vm3 =	vmor vm3, vm4;
	v2 =	vand.u32 $0xF, v2;
	v3 =	vand.u32 $0xF, v3  }
.LBB2_1:
0x15: {  	[tilespmem:s2], [sflag:$0x2] =	stream.linear.gather [hbm4b:s5+s2], $0x200, $0x38;
	[tilespmem:$0x10A00] =	vst v63  }
0x16: {  	_ =	swait.ge [sflag:s9], $0x200  }
0x17: {  	[sflag:s9] =	ssyncset.done $0x0  }
0x18: {  	s26 =	simm.s32 $0x200;
	[sflag:s9] =	ssyncadd.s32 $0xFFFFFE00  }
0x19: {  	[tilespmem:s26], [sflag:$0x2] =	stream.linear.gather [hbm4b:s6+s2], $0x200, $0x38;
	[tilespmem:$0x10A00] =	vst v63  }
0x1a: {  	_ =	swait.ge [sflag:s9], $0x200  }
0x1b: {  	[sflag:s9] =	ssyncset.done $0x0  }
0x1c: {  	[sflag:s9] =	ssyncadd.s32 $0xFFFFFE00  }
0x1d: {  	v4 =	vld [tilespmem:$0x0]  }
0x1e: {  	v5 =	vld [tilespmem:$0x200]  }
0x1f: {  	v6 =	vld [tilespmem:$0x10]  }
0x20: {  	v7 =	vld [tilespmem:$0x210]  }
0x21: {  	v8 =	vld [tilespmem:$0x20]  }
0x22: {  	v9 =	vld [tilespmem:$0x220];
	v4 =	vshra.s32 v4, $0x3  }
0x23: {  	[tilespmem:$0x400] =	vst v4;
	v4 =	vshra.s32 v5, $0x3;
	v5 =	vld [tilespmem:$0x30]  }
0x24: {  	[tilespmem:$0x600] =	vst v4;
	v4 =	vshra.s32 v6, $0x3;
	v6 =	vld [tilespmem:$0x230]  }
0x25: {  	[tilespmem:$0x410] =	vst v4;
	v4 =	vshra.s32 v7, $0x3;
	v7 =	vld [tilespmem:$0x40]  }
0x26: {  	[tilespmem:$0x610] =	vst v4;
	v4 =	vshra.s32 v8, $0x3;
	v8 =	vld [tilespmem:$0x240]  }
0x27: {  	v50 =	vld [tilespmem:$0x50];
	[tilespmem:$0x420] =	vst v4;
	v4 =	vshra.s32 v9, $0x3  }
0x28: {  	[tilespmem:$0x620] =	vst v4;
	v4 =	vshra.s32 v5, $0x3;
	v5 =	vld [tilespmem:$0x250]  }
0x29: {  	[tilespmem:$0x430] =	vst v4;
	v4 =	vshra.s32 v6, $0x3;
	v6 =	vld [tilespmem:$0x60]  }
0x2a: {  	[tilespmem:$0x630] =	vst v4;
	v4 =	vshra.s32 v7, $0x3;
	v7 =	vld [tilespmem:$0x260]  }
0x2b: {  	[tilespmem:$0x440] =	vst v4;
	v4 =	vshra.s32 v8, $0x3;
	v8 =	vld [tilespmem:$0x70]  }
0x2c: {  	v51 =	vld [tilespmem:$0x270];
	[tilespmem:$0x640] =	vst v4;
	v4 =	vshra.s32 v50, $0x3  }
0x2d: {  	[tilespmem:$0x450] =	vst v4;
	v4 =	vshra.s32 v5, $0x3;
	v5 =	vld [tilespmem:$0x80]  }
0x2e: {  	[tilespmem:$0x650] =	vst v4;
	v4 =	vshra.s32 v6, $0x3;
	v6 =	vld [tilespmem:$0x280]  }
0x2f: {  	[tilespmem:$0x460] =	vst v4;
	v4 =	vshra.s32 v7, $0x3;
	v7 =	vld [tilespmem:$0x90]  }
0x30: {  	[tilespmem:$0x660] =	vst v4;
	v4 =	vshra.s32 v8, $0x3;
	v8 =	vld [tilespmem:$0x290]  }
0x31: {  	v52 =	vld [tilespmem:$0xA0];
	[tilespmem:$0x470] =	vst v4;
	v4 =	vshra.s32 v51, $0x3  }
0x32: {  	[tilespmem:$0x670] =	vst v4;
	v4 =	vshra.s32 v5, $0x3;
	v5 =	vld [tilespmem:$0x2A0]  }
0x33: {  	[tilespmem:$0x480] =	vst v4;
	v4 =	vshra.s32 v6, $0x3;
	v6 =	vld [tilespmem:$0xB0]  }
0x34: {  	[tilespmem:$0x680] =	vst v4;
	v4 =	vshra.s32 v7, $0x3;
	v7 =	vld [tilespmem:$0x2B0]  }
0x35: {  	[tilespmem:$0x490] =	vst v4;
	v4 =	vshra.s32 v8, $0x3;
	v8 =	vld [tilespmem:$0xC0]  }
0x36: {  	v53 =	vld [tilespmem:$0x2C0];
	[tilespmem:$0x690] =	vst v4;
	v4 =	vshra.s32 v52, $0x3  }
0x37: {  	[tilespmem:$0x4A0] =	vst v4;
	v4 =	vshra.s32 v5, $0x3;
	v5 =	vld [tilespmem:$0xD0]  }
0x38: {  	[tilespmem:$0x6A0] =	vst v4;
	v4 =	vshra.s32 v6, $0x3;
	v6 =	vld [tilespmem:$0x2D0]  }
0x39: {  	[tilespmem:$0x4B0] =	vst v4;
	v4 =	vshra.s32 v7, $0x3;
	v7 =	vld [tilespmem:$0xE0]  }
0x3a: {  	[tilespmem:$0x6B0] =	vst v4;
	v4 =	vshra.s32 v8, $0x3;
	v8 =	vld [tilespmem:$0x2E0]  }
0x3b: {  	v54 =	vld [tilespmem:$0xF0];
	[tilespmem:$0x4C0] =	vst v4;
	v4 =	vshra.s32 v53, $0x3  }
0x3c: {  	[tilespmem:$0x6C0] =	vst v4;
	v4 =	vshra.s32 v5, $0x3;
	v5 =	vld [tilespmem:$0x2F0]  }
0x3d: {  	[tilespmem:$0x4D0] =	vst v4;
	v4 =	vshra.s32 v6, $0x3;
	v6 =	vld [tilespmem:$0x100]  }
0x3e: {  	[tilespmem:$0x6D0] =	vst v4;
	v4 =	vshra.s32 v7, $0x3;
	v7 =	vld [tilespmem:$0x300]  }
0x3f: {  	[tilespmem:$0x4E0] =	vst v4;
	v4 =	vshra.s32 v8, $0x3;
	v8 =	vld [tilespmem:$0x110]  }
0x40: {  	v55 =	vld [tilespmem:$0x310];
	[tilespmem:$0x6E0] =	vst v4;
	v4 =	vshra.s32 v54, $0x3  }
0x41: {  	[tilespmem:$0x4F0] =	vst v4;
	v4 =	vshra.s32 v5, $0x3;
	v5 =	vld [tilespmem:$0x120]  }
0x42: {  	[tilespmem:$0x6F0] =	vst v4;
	v4 =	vshra.s32 v6, $0x3;
	v6 =	vld [tilespmem:$0x320]  }
0x43: {  	[tilespmem:$0x500] =	vst v4;
	v4 =	vshra.s32 v7, $0x3;
	v7 =	vld [tilespmem:$0x130]  }
0x44: {  	[tilespmem:$0x700] =	vst v4;
	v4 =	vshra.s32 v8, $0x3;
	v8 =	vld [tilespmem:$0x330]  }
0x45: {  	v56 =	vld [tilespmem:$0x140];
	[tilespmem:$0x510] =	vst v4;
	v4 =	vshra.s32 v55, $0x3  }
0x46: {  	[tilespmem:$0x710] =	vst v4;
	v4 =	vshra.s32 v5, $0x3;
	v5 =	vld [tilespmem:$0x340]  }
0x47: {  	[tilespmem:$0x520] =	vst v4;
	v4 =	vshra.s32 v6, $0x3;
	v6 =	vld [tilespmem:$0x150]  }
0x48: {  	[tilespmem:$0x720] =	vst v4;
	v4 =	vshra.s32 v7, $0x3;
	v7 =	vld [tilespmem:$0x350]  }
0x49: {  	[tilespmem:$0x530] =	vst v4;
	v4 =	vshra.s32 v8, $0x3;
	v8 =	vld [tilespmem:$0x160]  }
0x4a: {  	v57 =	vld [tilespmem:$0x360];
	[tilespmem:$0x730] =	vst v4;
	v4 =	vshra.s32 v56, $0x3  }
0x4b: {  	[tilespmem:$0x540] =	vst v4;
	v4 =	vshra.s32 v5, $0x3;
	v5 =	vld [tilespmem:$0x170]  }
0x4c: {  	[tilespmem:$0x740] =	vst v4;
	v4 =	vshra.s32 v6, $0x3;
	v6 =	vld [tilespmem:$0x370]  }
0x4d: {  	[tilespmem:$0x550] =	vst v4;
	v4 =	vshra.s32 v7, $0x3;
	v7 =	vld [tilespmem:$0x180]  }
0x4e: {  	[tilespmem:$0x750] =	vst v4;
	v4 =	vshra.s32 v8, $0x3;
	v8 =	vld [tilespmem:$0x380]  }
0x4f: {  	v58 =	vld [tilespmem:$0x190];
	[tilespmem:$0x560] =	vst v4;
	v4 =	vshra.s32 v57, $0x3  }
0x50: {  	[tilespmem:$0x760] =	vst v4;
	v4 =	vshra.s32 v5, $0x3;
	v5 =	vld [tilespmem:$0x390]  }
0x51: {  	[tilespmem:$0x570] =	vst v4;
	v4 =	vshra.s32 v6, $0x3;
	v6 =	vld [tilespmem:$0x1A0]  }
0x52: {  	[tilespmem:$0x770] =	vst v4;
	v4 =	vshra.s32 v7, $0x3;
	v7 =	vld [tilespmem:$0x3A0]  }
0x53: {  	[tilespmem:$0x580] =	vst v4;
	v4 =	vshra.s32 v8, $0x3;
	v8 =	vld [tilespmem:$0x1B0]  }
0x54: {  	v59 =	vld [tilespmem:$0x3B0];
	[tilespmem:$0x780] =	vst v4;
	v4 =	vshra.s32 v58, $0x3  }
0x55: {  	[tilespmem:$0x590] =	vst v4;
	v4 =	vshra.s32 v5, $0x3;
	v5 =	vld [tilespmem:$0x1C0]  }
0x56: {  	[tilespmem:$0x790] =	vst v4;
	v4 =	vshra.s32 v6, $0x3;
	v6 =	vld [tilespmem:$0x3C0]  }
0x57: {  	[tilespmem:$0x5A0] =	vst v4;
	v4 =	vshra.s32 v7, $0x3;
	v7 =	vld [tilespmem:$0x1D0]  }
0x58: {  	[tilespmem:$0x7A0] =	vst v4;
	v4 =	vshra.s32 v8, $0x3;
	v8 =	vld [tilespmem:$0x3D0]  }
0x59: {  	v60 =	vld [tilespmem:$0x1E0];
	[tilespmem:$0x5B0] =	vst v4;
	v4 =	vshra.s32 v59, $0x3  }
0x5a: {  	[tilespmem:$0x7B0] =	vst v4;
	v4 =	vshra.s32 v5, $0x3;
	v5 =	vld [tilespmem:$0x3E0]  }
0x5b: {  	[tilespmem:$0x5C0] =	vst v4;
	v4 =	vshra.s32 v6, $0x3;
	v6 =	vld [tilespmem:$0x1F0]  }
0x5c: {  	[tilespmem:$0x7C0] =	vst v4;
	v4 =	vshra.s32 v7, $0x3;
	v7 =	vld [tilespmem:$0x3F0]  }
0x5d: {  	[tilespmem:$0x5D0] =	vst v4;
	v4 =	vshra.s32 v8, $0x3  }
0x5e: {  	[tilespmem:$0x7D0] =	vst v4;
	v4 =	vshra.s32 v60, $0x3  }
0x5f: {  	[tilespmem:$0x5E0] =	vst v4;
	v4 =	vshra.s32 v5, $0x3  }
0x60: {  	[tilespmem:$0x7E0] =	vst v4;
	v4 =	vshra.s32 v6, $0x3  }
0x61: {  	[tilespmem:$0x5F0] =	vst v4;
	v4 =	vshra.s32 v7, $0x3  }
0x62: {  	s0 =	simm.s32 $0x400;
	[tilespmem:$0x7F0] =	vst v4  }
0x63: {  	[tilespmem:s12], [sflag:$0x1] =	stream.indirect.gather [hbm4b:s3+s10], $0x80, s0, s10, $0xb8;
	[tilespmem:$0x10A00] =	vst v63  }
0x64: {  	s11 =	simm.s32 $0x600  }
0x65: {  	[tilespmem:s14], [sflag:$0x1] =	stream.indirect.gather [hbm4b:s4+s10], $0x80, s11, s10, $0xb8;
	[tilespmem:$0x10A00] =	vst v63  }
0x66: {  	_ =	swait.ge [sflag:s15], $0x4000  }
0x67: {  	[sflag:s15] =	ssyncset.done $0x0  }
0x68: {  	[sflag:s15] =	ssyncadd.s32 $0xFFFFC000  }
0x69: {  	_ =	swait.ge [sflag:s15], $0x4000  }
0x6a: {  	[sflag:s15] =	ssyncset.done $0x0  }
0x6b: {  	[sflag:s15] =	ssyncadd.s32 $0xFFFFC000  }
0x6c: {  	[tilespmem:s17], [sflag:$0x1] =	stream.indirect.gather [hbm4b:s3+s10], $0x80, s16, s10, $0xb8;
	[tilespmem:$0x10A00] =	vst v63  }
0x6d: {  	_ = 	snop  }
0x6e: {  	[tilespmem:s19], [sflag:$0x1] =	stream.indirect.gather [hbm4b:s4+s10], $0x80, s18, s10, $0xb8;
	[tilespmem:$0x10A00] =	vst v63  }
0x6f: {  	v4 =	vld [tilespmem:s2+$0x0];
	_ =	sdelay $0x4  }
0x70: {  	v4 =	vshll.u32 v4, $0x4  }
0x71: {  	s13 =	simm.s32 $0x0;
	v4 =	vand.u32 $0x70, v4  }
0x72: {  	v4 =	vadd.s32 s13, v4  }
0x73: {  	v5 =	vld [tilespmem:s26+$0x0];
	(v2sf) =	vpush v4, $0x8  }
0x74: {  	(v2sf) =	vpush v4, $0xC  }
0x75: {  	(v2sf) =	vpush v4, $0x4  }
0x76: {  	(v2sf) =	vpush v4, $0x0  }
0x77: {  	(v2sf) =	vpush v4, $0x2  }
0x78: {  	v5 =	vshll.u32 v5, $0x4;
	(v2sf) =	vpush v4, $0x7  }
0x79: {  	v5 =	vand.u32 $0x70, v5;
	(v2sf) =	vpush v4, $0x5  }
0x7a: {  	v5 =	vadd.s32 s13, v5;
	(v2sf) =	vpush v4, $0xB  }
0x7b: {  	(v2sf) =	vpush v5, $0xD  }
0x7c: {  	(v2sf) =	vpush v5, $0x4  }
0x7d: {  	(v2sf) =	vpush v5, $0xC  }
0x7e: {  	(v2sf) =	vpush v5, $0x0  }
0x7f: {  	(v2sf) =	vpush v4, $0x1  }
0x80: {  	(v2sf) =	vpush v5, $0xB  }
0x81: {  	(v2sf) =	vpush v5, $0xA  }
0x82: {  	s1 =	spop (v2sf);
	(v2sf) =	vpush v5, $0x1  }
0x83: {  	s28 =	spop (v2sf);
	(v2sf) =	vpush v5, $0x9;
	v6 =	vld [tilespmem:s1+$0xC00]  }
0x84: {  	s29 =	spop (v2sf);
	(v2sf) =	vpush v4, $0x3;
	v13 =	vld [tilespmem:s28+$0xE00]  }
0x85: {  	s11 =	spop (v2sf);
	(v2sf) =	vpush v4, $0xA;
	v14 =	vld [tilespmem:s29+$0xA00]  }
0x86: {  	v7 =	vld [tilespmem:s11+$0x800];
	s13 =	spop (v2sf);
	(v2sf) =	vpush v5, $0x2  }
0x87: {  	v8 =	vld [tilespmem:s13+$0x900];
	(v2sf) =	vpush v4, $0xD;
	s1 =	spop (v2sf)  }
0x88: {  	v61 =	vld [tilespmem:s1+$0xB80];
	(v2sf) =	vpush v4, $0x6;
	s11 =	spop (v2sf)  }
0x89: {  	v10 =	vld [tilespmem:s11+$0xA80];
	s13 =	spop (v2sf);
	(v2sf) =	vpush v5, $0x3  }
0x8a: {  	v11 =	vld [tilespmem:s13+$0xD80];
	(v2sf) =	vpush v5, $0x6;
	s1 =	spop (v2sf)  }
0x8b: {  	v12 =	vld [tilespmem:s1+$0x8E80];
	(v2sf) =	vpush v5, $0x8;
	s11 =	spop (v2sf)  }
0x8c: {  	s28 =	spop (v2sf);
	(v2sf) =	vpush v5, $0xE;
	v15 =	vld [tilespmem:s11+$0x8A00]  }
0x8d: {  	s29 =	spop (v2sf);
	(v2sf) =	vpush v4, $0xE;
	v17 =	vld [tilespmem:s28+$0x8E00]  }
0x8e: {  	s13 =	spop (v2sf);
	(v2sf) =	vpush v5, $0x7;
	v21 =	vld [tilespmem:s29+$0x8800]  }
0x8f: {  	v16 =	vld [tilespmem:s13+$0x880];
	(v2sf) =	vpush v5, $0x5;
	s30 =	spop (v2sf)  }
0x90: {  	s1 =	spop (v2sf);
	(v2sf) =	vpush v5, $0xF;
	v19 =	vld [tilespmem:s30+$0x8D80]  }
0x91: {  	v5 =	vld [tilespmem:s1+$0x8D00];
	s11 =	spop (v2sf);
	(v2sf) =	vpush v4, $0xF  }
0x92: {  	v18 =	vld [tilespmem:s11+$0x8880];
	s13 =	spop (v2sf);
	(v2sf) =	vpush v4, $0x9  }
0x93: {  	s28 =	spop (v2sf);
	v46 =	vld [tilespmem:s13+$0x8C80]  }
0x94: {  	v4 =	vld [tilespmem:s28+$0x980];
	s28 =	spop (v2sf)  }
0x95: {  	v14 =	vmul.f32 v15, v14;
	v20 =	vld [tilespmem:s28+$0xD00];
	s28 =	spop (v2sf)  }
0x96: {  	v13 =	vmul.f32 v17, v13;
	s29 =	spop (v2sf);
	v62 =	vld [tilespmem:s28+$0x8900]  }
0x97: {  	v22 =	vperm.xlane v14, v0;
	s28 =	spop (v2sf);
	v63 =	vld [tilespmem:s29+$0xE80]  }
0x98: {  	v7 =	vmul.f32 v21, v7;
	v23 =	vperm.xlane v13, v0;
	s29 =	spop (v2sf);
	v24 =	vld [tilespmem:s28+$0xB00]  }
0x99: {  	v14 =	vadd.f32 v22, v14;
	v11 =	vmul.f32 v19, v11;
	s28 =	spop (v2sf);
	v28 =	vld [tilespmem:s29+$0x8980]  }
0x9a: {  	v36 =	vperm.xlane v7, v0;
	v13 =	vadd.f32 v23, v13;
	v16 =	vmul.f32 v18, v16;
	s29 =	spop (v2sf);
	v40 =	vld [tilespmem:s28+$0x8B00]  }
0x9b: {  	v32 =	vperm.xlane v11, v0;
	v5 =	vmul.f32 v5, v20;
	v29 =	vld [tilespmem:s29+$0x8C00];
	s29 =	spop (v2sf)  }
0x9c: {  	v13 =	vsel vm2, v14, v13;
	v30 =	vperm.xlane v16, v0;
	v8 =	vmul.f32 v62, v8;
	v31 =	vld [tilespmem:s29+$0x8F00];
	s29 =	spop (v2sf)  }
0x9d: {  	v7 =	vadd.f32 v36, v7;
	v34 =	vperm.xlane v13, v1;
	v39 =	vperm.xlane v5, v0;
	v33 =	vld [tilespmem:s29+$0xF00];
	s29 =	spop (v2sf)  }
0x9e: {  	v11 =	vadd.f32 v32, v11;
	v16 =	vadd.f32 v30, v16;
	v25 =	vperm.xlane v8, v0;
	v35 =	vld [tilespmem:s29+$0x8B80];
	s29 =	spop (v2sf)  }
0x9f: {  	v12 =	vmul.f32 v12, v63;
	v4 =	vmul.f32 v28, v4;
	v5 =	vadd.f32 v39, v5;
	v37 =	vld [tilespmem:s29+$0x8A80];
	s29 =	spop (v2sf)  }
0xa0: {  	v8 =	vadd.f32 v25, v8;
	v48 =	vmul.f32 v40, v24;
	v38 =	vld [tilespmem:s29+$0x8F80];
	v6 =	vmul.f32 v29, v6;
	s29 =	spop (v2sf)  }
0xa1: {  	v13 =	vadd.f32 v34, v13;
	v45 =	vperm.xlane v12, v0;
	v41 =	vperm.xlane v4, v0;
	v42 =	vld [tilespmem:s29+$0xF80];
	s28 =	spop (v2sf)  }
0xa2: {  	v51 =	vperm.xlane v48, v0;
	v5 =	vsel vm2, v8, v5;
	v43 =	vperm.xlane v6, v0;
	v44 =	vld [tilespmem:s28+$0xC80]  }
0xa3: {  	v14 =	vmul.f32 v31, v33;
	v4 =	vadd.f32 v41, v4;
	v58 =	vperm.xlane v5, v1  }
0xa4: {  	v12 =	vadd.f32 v45, v12;
	v9 =	vmul.f32 v35, v61;
	v10 =	vmul.f32 v37, v10  }
0xa5: {  	v6 =	vadd.f32 v43, v6;
	v47 =	vperm.xlane v14, v0;
	v4 =	vsel vm2, v4, v11  }
0xa6: {  	v11 =	vadd.f32 v51, v48;
	v5 =	vadd.f32 v58, v5;
	v50 =	vperm.xlane v9, v0  }
0xa7: {  	v6 =	vsel vm2, v7, v6;
	v7 =	vmul.f32 v38, v42;
	v17 =	vmul.f32 v46, v44  }
0xa8: {  	v49 =	vperm.xlane v10, v0;
	v14 =	vadd.f32 v47, v14;
	v52 =	vperm.xlane v6, v1  }
0xa9: {  	v9 =	vadd.f32 v50, v9;
	v53 =	vperm.xlane v7, v0;
	v55 =	vperm.xlane v17, v0  }
0xaa: {  	v54 =	vperm.xlane v4, v1;
	v10 =	vadd.f32 v49, v10;
	v6 =	vadd.f32 v52, v6  }
0xab: {  	v8 =	vsel vm2, v11, v14;
	v7 =	vadd.f32 v53, v7;
	v56 =	vadd.f32 v55, v17  }
0xac: {  	v57 =	vperm.xlane v8, v1;
	v10 =	vsel vm2, v10, v12;
	v6 =	vsel vm0, v6, v13  }
0xad: {  	v59 =	vperm.xlane v10, v1;
	v7 =	vsel vm2, v9, v7;
	v11 =	vsel vm2, v16, v56  }
0xae: {  	v8 =	vadd.f32 v57, v8;
	v60 =	vperm.xlane v7, v1;
	v61 =	vperm.xlane v11, v1  }
0xaf: {  	v4 =	vadd.f32 v54, v4;
	v62 =	vperm.xlane v6, v2;
	v10 =	vadd.f32 v59, v10  }
0xb0: {  	v5 =	vsel vm0, v5, v8;
	v7 =	vadd.f32 v60, v7;
	v8 =	vadd.f32 v61, v11  }
0xb1: {  	v63 =	vperm.xlane v5, v2  }
0xb2: {  	v6 =	vadd.f32 v62, v6;
	v4 =	vsel vm0, v4, v7;
	v7 =	vsel vm0, v8, v10  }
0xb3: {  	v9 =	vadd.f32 v63, v5;
	v8 =	vperm.xlane v4, v2;
	v10 =	vperm.xlane v7, v2  }
0xb4: {  	s31 =	simm.s32 $0x10800  }
0xb5: {  	s30 =	simm.s32 $0x0;
	s29 =	simm.s32 $0x2000;
	s28 =	simm.s32 $0x10800;
	v5 =	vadd.f32 v8, v4;
	v4 =	vsel vm1, v6, v9;
	v6 =	vadd.f32 v10, v7  }
.LBB2_2:
0xb6: {  	s30 =	sadd.s32 $0x10, s30;
	s26 =	sadd.s32 $0x10, s26;
	s31 =	sadd.s32 $0x10, s31  }
0xb7: {  	p0 =	sne.s32 s29, $0xE000;
	s0 =	smov.u32 s29;
	s29 =	sadd.s32 $0x2000, s29;
	v5 =	vsel vm1, v6, v5  }
0xb8: {  	v6 =	vperm.xlane v4, v3;
	v7 =	vperm.xlane v5, v3;
	_ =	sdelay $0x1  }
0xb9: {  	v4 =	vadd.f32 v6, v4;
	v5 =	vadd.f32 v7, v5;
	_ =	sdelay $0x1  }
0xba: {  	v4 =	vsel vm3, v4, v5  }
0xbb: {  	v4 =	vsub.f32 $0.0e+00, v4;
	_ =	sdelay $0x1  }
0xbc: {  	v4 =	vmul.f32 $1.442695020e+00, v4;
	_ =	sdelay $0x1  }
0xbd: {  	(erf) = vpow2.f32 v4;
	_ =	sdelay $0x8  }
0xbe: {  	v4 =	vpop (erf)  }
0xbf: {  	v4 =	vadd.f32 $1.000000000e+00, v4;
	_ =	sdelay $0x1  }
0xc0: {  	(erf) = vrcp.f32 v4;
	_ =	sdelay $0x8  }
0xc1: {  	v4 =	vpop (erf)  }
0xc2: {  	[tilespmem:s28+$0x0] =	vst v4;
	s28 =	smov.u32 s31  }
0xc3: {  	v4 =	vld [tilespmem:s30+$0x0]  }
0xc4: {  	v5 =	vld [tilespmem:s26+$0x0];
	_ =	sdelay $0x3  }
0xc5: {  	v4 =	vshll.u32 v4, $0x4  }
0xc6: {  	s0 =	sshra.s32 s0, $0x2;
	v4 =	vand.u32 $0x70, v4;
	v5 =	vshll.u32 v5, $0x4  }
0xc7: {  	v5 =	vand.u32 $0x70, v5;
	v4 =	vadd.s32 s0, v4  }
0xc8: {  	v5 =	vadd.s32 s0, v5;
	(v2sf) =	vpush v4, $0x8  }
0xc9: {  	(v2sf) =	vpush v4, $0xC  }
0xca: {  	(v2sf) =	vpush v4, $0x4  }
0xcb: {  	(v2sf) =	vpush v4, $0x0  }
0xcc: {  	(v2sf) =	vpush v4, $0x2  }
0xcd: {  	(v2sf) =	vpush v4, $0x7  }
0xce: {  	(v2sf) =	vpush v4, $0x5  }
0xcf: {  	(v2sf) =	vpush v4, $0xB  }
0xd0: {  	(v2sf) =	vpush v5, $0xD  }
0xd1: {  	(v2sf) =	vpush v5, $0x4  }
0xd2: {  	(v2sf) =	vpush v5, $0xC  }
0xd3: {  	(v2sf) =	vpush v5, $0x0  }
0xd4: {  	(v2sf) =	vpush v4, $0x1  }
0xd5: {  	(v2sf) =	vpush v5, $0xB  }
0xd6: {  	(v2sf) =	vpush v5, $0xA  }
0xd7: {  	s0 =	spop (v2sf);
	(v2sf) =	vpush v5, $0x1  }
0xd8: {  	s1 =	spop (v2sf);
	(v2sf) =	vpush v5, $0x9  }
0xd9: {  	s11 =	spop (v2sf);
	(v2sf) =	vpush v4, $0x3  }
0xda: {  	v6 =	vld [tilespmem:s0+$0xC00];
	s0 =	spop (v2sf);
	(v2sf) =	vpush v4, $0xA  }
0xdb: {  	v7 =	vld [tilespmem:s0+$0x800];
	s0 =	spop (v2sf);
	(v2sf) =	vpush v5, $0x2  }
0xdc: {  	v8 =	vld [tilespmem:s0+$0x900];
	(v2sf) =	vpush v4, $0xD;
	s0 =	spop (v2sf)  }
0xdd: {  	v9 =	vld [tilespmem:s0+$0xB80];
	(v2sf) =	vpush v4, $0x6;
	s0 =	spop (v2sf)  }
0xde: {  	v10 =	vld [tilespmem:s0+$0xA80];
	s0 =	spop (v2sf);
	(v2sf) =	vpush v5, $0x3  }
0xdf: {  	v11 =	vld [tilespmem:s0+$0xD80];
	(v2sf) =	vpush v5, $0x6;
	s0 =	spop (v2sf)  }
0xe0: {  	v12 =	vld [tilespmem:s0+$0x8E80];
	(v2sf) =	vpush v5, $0x8;
	s0 =	spop (v2sf)  }
0xe1: {  	v13 =	vld [tilespmem:s1+$0xE00];
	s1 =	spop (v2sf);
	(v2sf) =	vpush v5, $0xE  }
0xe2: {  	v14 =	vld [tilespmem:s11+$0xA00];
	s11 =	spop (v2sf);
	(v2sf) =	vpush v4, $0xE  }
0xe3: {  	v15 =	vld [tilespmem:s0+$0x8A00];
	s0 =	spop (v2sf);
	(v2sf) =	vpush v5, $0x7  }
0xe4: {  	v16 =	vld [tilespmem:s0+$0x880];
	(v2sf) =	vpush v5, $0x5;
	s13 =	spop (v2sf)  }
0xe5: {  	v17 =	vld [tilespmem:s1+$0x8E00];
	s0 =	spop (v2sf);
	(v2sf) =	vpush v5, $0xF  }
0xe6: {  	v5 =	vld [tilespmem:s0+$0x8D00];
	s0 =	spop (v2sf);
	(v2sf) =	vpush v4, $0xF  }
0xe7: {  	v18 =	vld [tilespmem:s0+$0x8880];
	s0 =	spop (v2sf)  }
0xe8: {  	v14 =	vmul.f32 v15, v14;
	v15 =	vld [tilespmem:s13+$0x8D80];
	(v2sf) =	vpush v4, $0x9;
	s1 =	spop (v2sf)  }
0xe9: {  	v4 =	vld [tilespmem:s1+$0x980];
	s1 =	spop (v2sf)  }
0xea: {  	v13 =	vmul.f32 v17, v13;
	v17 =	vld [tilespmem:s1+$0xD00];
	v19 =	vperm.xlane v14, v0;
	s1 =	spop (v2sf)  }
0xeb: {  	v20 =	vld [tilespmem:s11+$0x8800];
	s11 =	spop (v2sf)  }
0xec: {  	v21 =	vld [tilespmem:s1+$0x8900];
	v16 =	vmul.f32 v18, v16;
	v14 =	vadd.f32 v19, v14;
	v18 =	vperm.xlane v13, v0;
	s1 =	spop (v2sf)  }
0xed: {  	v19 =	vld [tilespmem:s11+$0xE80];
	v11 =	vmul.f32 v15, v11;
	s11 =	spop (v2sf)  }
0xee: {  	v15 =	vld [tilespmem:s1+$0xB00];
	v13 =	vadd.f32 v18, v13;
	v18 =	vperm.xlane v16, v0;
	s1 =	spop (v2sf)  }
0xef: {  	v5 =	vmul.f32 v5, v17;
	v17 =	vld [tilespmem:s11+$0x8980];
	v22 =	vperm.xlane v11, v0;
	s11 =	spop (v2sf)  }
0xf0: {  	v7 =	vmul.f32 v20, v7;
	v20 =	vld [tilespmem:s11+$0x8C00];
	v13 =	vsel vm2, v14, v13;
	v14 =	vadd.f32 v18, v16;
	s11 =	spop (v2sf)  }
0xf1: {  	v8 =	vmul.f32 v21, v8;
	v16 =	vld [tilespmem:s11+$0x8F00];
	v11 =	vadd.f32 v22, v11;
	v18 =	vperm.xlane v13, v1;
	s11 =	spop (v2sf)  }
0xf2: {  	v21 =	vld [tilespmem:s11+$0xF00];
	v22 =	vperm.xlane v7, v0;
	s11 =	spop (v2sf)  }
0xf3: {  	v25 =	vperm.xlane v5, v0;
	v23 =	vld [tilespmem:s11+$0x8B80];
	v24 =	vperm.xlane v8, v0;
	v13 =	vadd.f32 v18, v13;
	s11 =	spop (v2sf)  }
0xf4: {  	v18 =	vld [tilespmem:s11+$0x8A80];
	v4 =	vmul.f32 v17, v4;
	v7 =	vadd.f32 v22, v7;
	s11 =	spop (v2sf)  }
0xf5: {  	v12 =	vmul.f32 v12, v19;
	v6 =	vmul.f32 v20, v6;
	v17 =	vld [tilespmem:s11+$0x8F80];
	v8 =	vadd.f32 v24, v8;
	s11 =	spop (v2sf)  }
0xf6: {  	v5 =	vadd.f32 v25, v5;
	v19 =	vld [tilespmem:s1+$0x8B00];
	v20 =	vperm.xlane v4, v0  }
0xf7: {  	v25 =	vperm.xlane v12, v0;
	v22 =	vld [tilespmem:s11+$0xF80];
	v24 =	vperm.xlane v6, v0;
	s1 =	spop (v2sf)  }
0xf8: {  	v16 =	vmul.f32 v16, v21;
	v21 =	vld [tilespmem:s1+$0xC80];
	v4 =	vadd.f32 v20, v4  }
0xf9: {  	v9 =	vmul.f32 v23, v9;
	v20 =	vld [tilespmem:s0+$0x8C80];
	v10 =	vmul.f32 v18, v10;
	v6 =	vadd.f32 v24, v6  }
0xfa: {  	v18 =	vperm.xlane v16, v0;
	v4 =	vsel vm2, v4, v11  }
0xfb: {  	v11 =	vmul.f32 v19, v15;
	v6 =	vsel vm2, v7, v6;
	v7 =	vperm.xlane v10, v0  }
0xfc: {  	v16 =	vadd.f32 v18, v16;
	v15 =	vmul.f32 v17, v22;
	v17 =	vperm.xlane v9, v0  }
0xfd: {  	v12 =	vadd.f32 v25, v12;
	v19 =	vperm.xlane v6, v1;
	v18 =	vperm.xlane v11, v0  }
0xfe: {  	v20 =	vmul.f32 v20, v21;
	v9 =	vadd.f32 v17, v9;
	v17 =	vperm.xlane v15, v0  }
0xff: {  	v7 =	vadd.f32 v7, v10;
	v10 =	vperm.xlane v4, v1;
	v6 =	vadd.f32 v19, v6  }
0x100: {  	v5 =	vsel vm2, v8, v5;
	v8 =	vadd.f32 v18, v11;
	v11 =	vadd.f32 v17, v15  }
0x101: {  	v7 =	vsel vm2, v7, v12;
	v4 =	vadd.f32 v10, v4;
	v15 =	vperm.xlane v20, v0  }
0x102: {  	v6 =	vsel vm0, v6, v13;
	v8 =	vsel vm2, v8, v16;
	v9 =	vsel vm2, v9, v11  }
0x103: {  	v10 =	vadd.f32 v15, v20;
	v11 =	vperm.xlane v5, v1;
	v12 =	vperm.xlane v8, v1  }
0x104: {  	v13 =	vperm.xlane v7, v1;
	v15 =	vperm.xlane v6, v2  }
0x105: {  	v10 =	vsel vm2, v14, v10;
	v8 =	vadd.f32 v12, v8;
	v12 =	vperm.xlane v9, v1  }
0x106: {  	v7 =	vadd.f32 v13, v7;
	v5 =	vadd.f32 v11, v5;
	v11 =	vperm.xlane v10, v1  }
0x107: {  	v6 =	vadd.f32 v15, v6;
	v9 =	vadd.f32 v12, v9  }
0x108: {  	v5 =	vsel vm0, v5, v8;
	v8 =	vadd.f32 v11, v10  }
.Ltmp0:
0x109: {  	v4 =	vsel vm0, v4, v9;
	v9 =	vperm.xlane v5, v2;
	(pc) =	sbr.rel @p0 .LBB2_2-.Ltmp0, $4  }
0x10a: {  	v7 =	vsel vm0, v8, v7;
	v8 =	vperm.xlane v4, v2  }
0x10b: {  	v9 =	vadd.f32 v9, v5;
	v10 =	vperm.xlane v7, v2  }
0x10c: {  	v5 =	vadd.f32 v8, v4  }
0x10d: {  	v4 =	vsel vm1, v6, v9;
	v6 =	vadd.f32 v10, v7  }
0x10e: {  	_ = 	snop  }
0x10f: {  	v5 =	vsel vm1, v6, v5  }
0x110: {  	v6 =	vperm.xlane v4, v3;
	v7 =	vperm.xlane v5, v3;
	_ =	sdelay $0x1  }
0x111: {  	v4 =	vadd.f32 v6, v4;
	v5 =	vadd.f32 v7, v5;
	_ =	sdelay $0x1  }
0x112: {  	v4 =	vsel vm3, v4, v5  }
0x113: {  	v4 =	vsub.f32 $0.0e+00, v4;
	_ =	sdelay $0x1  }
0x114: {  	v4 =	vmul.f32 $1.442695020e+00, v4;
	_ =	sdelay $0x1  }
0x115: {  	(erf) = vpow2.f32 v4;
	_ =	sdelay $0x8  }
0x116: {  	v4 =	vpop (erf)  }
0x117: {  	v4 =	vadd.f32 $1.000000000e+00, v4;
	_ =	sdelay $0x1  }
0x118: {  	(erf) = vrcp.f32 v4;
	_ =	sdelay $0x8  }
0x119: {  	v4 =	vpop (erf)  }
0x11a: {  	[tilespmem:s28+$0x0] =	vst v4  }
0x11b: {  	_ =	swait.ge [sflag:s15], $0x4000  }
0x11c: {  	[sflag:s15] =	ssyncset.done $0x0  }
0x11d: {  	[sflag:s15] =	ssyncadd.s32 $0xFFFFC000  }
0x11e: {  	_ =	swait.ge [sflag:s15], $0x4000  }
0x11f: {  	[sflag:s15] =	ssyncset.done $0x0  }
0x120: {  	s26 =	simm.s32 $0x80;
	[sflag:s15] =	ssyncadd.s32 $0xFFFFC000  }
0x121: {  	[tilespmem:s12], [sflag:$0x1] =	stream.indirect.gather [hbm4b:s3+s26], $0x80, s20, s26, $0xb8;
	[tilespmem:$0x10A00] =	vst v63  }
0x122: {  	_ = 	snop  }
0x123: {  	[tilespmem:s14], [sflag:$0x1] =	stream.indirect.gather [hbm4b:s4+s26], $0x80, s21, s26, $0xb8;
	[tilespmem:$0x10A00] =	vst v63  }
0x124: {  	v4 =	vld [tilespmem:s26+$0x0];
	_ =	sdelay $0x4  }
0x125: {  	v4 =	vshll.u32 v4, $0x4  }
0x126: {  	s0 =	simm.s32 $0x0;
	v4 =	vand.u32 $0x70, v4  }
0x127: {  	s28 =	simm.s32 $0x280;
	v4 =	vadd.s32 s0, v4  }
0x128: {  	v5 =	vld [tilespmem:s28+$0x0];
	(v2sf) =	vpush v4, $0x8  }
0x129: {  	(v2sf) =	vpush v4, $0xC  }
0x12a: {  	(v2sf) =	vpush v4, $0x4  }
0x12b: {  	(v2sf) =	vpush v4, $0x0  }
0x12c: {  	(v2sf) =	vpush v4, $0x2  }
0x12d: {  	v5 =	vshll.u32 v5, $0x4;
	(v2sf) =	vpush v4, $0x7  }
0x12e: {  	v5 =	vand.u32 $0x70, v5;
	(v2sf) =	vpush v4, $0x5  }
0x12f: {  	v5 =	vadd.s32 s0, v5;
	(v2sf) =	vpush v4, $0xB  }
0x130: {  	(v2sf) =	vpush v5, $0xD  }
0x131: {  	(v2sf) =	vpush v5, $0x4  }
0x132: {  	(v2sf) =	vpush v5, $0xC  }
0x133: {  	(v2sf) =	vpush v5, $0x0  }
0x134: {  	(v2sf) =	vpush v4, $0x1  }
0x135: {  	(v2sf) =	vpush v5, $0xB  }
0x136: {  	(v2sf) =	vpush v5, $0xA  }
0x137: {  	s13 =	spop (v2sf);
	(v2sf) =	vpush v5, $0x1  }
0x138: {  	s1 =	spop (v2sf);
	(v2sf) =	vpush v5, $0x9;
	v6 =	vld [tilespmem:s13+$0x4C00]  }
0x139: {  	s11 =	spop (v2sf);
	(v2sf) =	vpush v4, $0x3;
	v13 =	vld [tilespmem:s1+$0x4E00]  }
0x13a: {  	s13 =	spop (v2sf);
	(v2sf) =	vpush v4, $0xA;
	v14 =	vld [tilespmem:s11+$0x4A00]  }
0x13b: {  	v7 =	vld [tilespmem:s13+$0x4800];
	s13 =	spop (v2sf);
	(v2sf) =	vpush v5, $0x2  }
0x13c: {  	v8 =	vld [tilespmem:s13+$0x4900];
	(v2sf) =	vpush v4, $0xD;
	s13 =	spop (v2sf)  }
0x13d: {  	v9 =	vld [tilespmem:s13+$0x4B80];
	(v2sf) =	vpush v4, $0x6;
	s13 =	spop (v2sf)  }
0x13e: {  	v10 =	vld [tilespmem:s13+$0x4A80];
	s13 =	spop (v2sf);
	(v2sf) =	vpush v5, $0x3  }
0x13f: {  	v11 =	vld [tilespmem:s13+$0x4D80];
	(v2sf) =	vpush v5, $0x6;
	s13 =	spop (v2sf)  }
0x140: {  	v12 =	vld [tilespmem:s13+$0xCE80];
	(v2sf) =	vpush v5, $0x8;
	s13 =	spop (v2sf)  }
0x141: {  	s1 =	spop (v2sf);
	(v2sf) =	vpush v5, $0xE;
	v15 =	vld [tilespmem:s13+$0xCA00]  }
0x142: {  	s11 =	spop (v2sf);
	(v2sf) =	vpush v4, $0xE;
	v17 =	vld [tilespmem:s1+$0xCE00]  }
0x143: {  	s13 =	spop (v2sf);
	(v2sf) =	vpush v5, $0x7;
	v21 =	vld [tilespmem:s11+$0xC800]  }
0x144: {  	v16 =	vld [tilespmem:s13+$0x4880];
	(v2sf) =	vpush v5, $0x5;
	s13 =	spop (v2sf)  }
0x145: {  	s1 =	spop (v2sf);
	(v2sf) =	vpush v5, $0xF;
	v19 =	vld [tilespmem:s13+$0xCD80]  }
0x146: {  	v5 =	vld [tilespmem:s1+$0xCD00];
	s1 =	spop (v2sf);
	(v2sf) =	vpush v4, $0xF  }
0x147: {  	v18 =	vld [tilespmem:s1+$0xC880];
	s0 =	spop (v2sf);
	(v2sf) =	vpush v4, $0x9  }
0x148: {  	s13 =	spop (v2sf);
	v46 =	vld [tilespmem:s0+$0xCC80]  }
0x149: {  	v4 =	vld [tilespmem:s13+$0x4980];
	s13 =	spop (v2sf)  }
0x14a: {  	v14 =	vmul.f32 v15, v14;
	v20 =	vld [tilespmem:s13+$0x4D00];
	s1 =	spop (v2sf)  }
0x14b: {  	v13 =	vmul.f32 v17, v13;
	s13 =	spop (v2sf);
	v62 =	vld [tilespmem:s1+$0xC900]  }
0x14c: {  	v22 =	vperm.xlane v14, v0;
	s1 =	spop (v2sf);
	v63 =	vld [tilespmem:s13+$0x4E80]  }
0x14d: {  	v7 =	vmul.f32 v21, v7;
	v23 =	vperm.xlane v13, v0;
	s13 =	spop (v2sf);
	v24 =	vld [tilespmem:s1+$0x4B00]  }
0x14e: {  	v14 =	vadd.f32 v22, v14;
	v11 =	vmul.f32 v19, v11;
	s1 =	spop (v2sf);
	v28 =	vld [tilespmem:s13+$0xC980]  }
0x14f: {  	v36 =	vperm.xlane v7, v0;
	v13 =	vadd.f32 v23, v13;
	v16 =	vmul.f32 v18, v16;
	s13 =	spop (v2sf);
	v40 =	vld [tilespmem:s1+$0xCB00]  }
0x150: {  	v32 =	vperm.xlane v11, v0;
	v5 =	vmul.f32 v5, v20;
	v29 =	vld [tilespmem:s13+$0xCC00];
	s13 =	spop (v2sf)  }
0x151: {  	v13 =	vsel vm2, v14, v13;
	v30 =	vperm.xlane v16, v0;
	v8 =	vmul.f32 v62, v8;
	v31 =	vld [tilespmem:s13+$0xCF00];
	s13 =	spop (v2sf)  }
0x152: {  	v7 =	vadd.f32 v36, v7;
	v34 =	vperm.xlane v13, v1;
	v39 =	vperm.xlane v5, v0;
	v33 =	vld [tilespmem:s13+$0x4F00];
	s13 =	spop (v2sf)  }
0x153: {  	v11 =	vadd.f32 v32, v11;
	v16 =	vadd.f32 v30, v16;
	v25 =	vperm.xlane v8, v0;
	v35 =	vld [tilespmem:s13+$0xCB80];
	s13 =	spop (v2sf)  }
0x154: {  	v12 =	vmul.f32 v12, v63;
	v4 =	vmul.f32 v28, v4;
	v5 =	vadd.f32 v39, v5;
	v37 =	vld [tilespmem:s13+$0xCA80];
	s13 =	spop (v2sf)  }
0x155: {  	v8 =	vadd.f32 v25, v8;
	v48 =	vmul.f32 v40, v24;
	v38 =	vld [tilespmem:s13+$0xCF80];
	v6 =	vmul.f32 v29, v6;
	s13 =	spop (v2sf)  }
0x156: {  	v13 =	vadd.f32 v34, v13;
	v45 =	vperm.xlane v12, v0;
	v41 =	vperm.xlane v4, v0;
	v42 =	vld [tilespmem:s13+$0x4F80];
	s13 =	spop (v2sf)  }
0x157: {  	v51 =	vperm.xlane v48, v0;
	v5 =	vsel vm2, v8, v5;
	v43 =	vperm.xlane v6, v0;
	v44 =	vld [tilespmem:s13+$0x4C80]  }
0x158: {  	v14 =	vmul.f32 v31, v33;
	v4 =	vadd.f32 v41, v4;
	v58 =	vperm.xlane v5, v1  }
0x159: {  	v12 =	vadd.f32 v45, v12;
	v9 =	vmul.f32 v35, v9;
	v10 =	vmul.f32 v37, v10  }
0x15a: {  	v6 =	vadd.f32 v43, v6;
	v47 =	vperm.xlane v14, v0;
	v4 =	vsel vm2, v4, v11  }
0x15b: {  	v11 =	vadd.f32 v51, v48;
	v5 =	vadd.f32 v58, v5;
	v50 =	vperm.xlane v9, v0  }
0x15c: {  	v6 =	vsel vm2, v7, v6;
	v7 =	vmul.f32 v38, v42;
	v17 =	vmul.f32 v46, v44  }
0x15d: {  	v49 =	vperm.xlane v10, v0;
	v14 =	vadd.f32 v47, v14;
	v52 =	vperm.xlane v6, v1  }
0x15e: {  	v9 =	vadd.f32 v50, v9;
	v53 =	vperm.xlane v7, v0;
	v55 =	vperm.xlane v17, v0  }
0x15f: {  	v54 =	vperm.xlane v4, v1;
	v10 =	vadd.f32 v49, v10;
	v6 =	vadd.f32 v52, v6  }
0x160: {  	v8 =	vsel vm2, v11, v14;
	v7 =	vadd.f32 v53, v7;
	v56 =	vadd.f32 v55, v17  }
0x161: {  	v57 =	vperm.xlane v8, v1;
	v10 =	vsel vm2, v10, v12;
	v6 =	vsel vm0, v6, v13  }
0x162: {  	v59 =	vperm.xlane v10, v1;
	v7 =	vsel vm2, v9, v7;
	v11 =	vsel vm2, v16, v56  }
0x163: {  	v8 =	vadd.f32 v57, v8;
	v60 =	vperm.xlane v7, v1;
	v61 =	vperm.xlane v11, v1  }
0x164: {  	v4 =	vadd.f32 v54, v4;
	v62 =	vperm.xlane v6, v2;
	v10 =	vadd.f32 v59, v10  }
0x165: {  	v5 =	vsel vm0, v5, v8;
	v7 =	vadd.f32 v60, v7;
	v8 =	vadd.f32 v61, v11  }
0x166: {  	v63 =	vperm.xlane v5, v2  }
0x167: {  	v6 =	vadd.f32 v62, v6;
	v4 =	vsel vm0, v4, v7;
	v7 =	vsel vm0, v8, v10  }
0x168: {  	v9 =	vadd.f32 v63, v5;
	v8 =	vperm.xlane v4, v2;
	v10 =	vperm.xlane v7, v2;
	_ =	sdelay $0x1  }
0x169: {  	s30 =	simm.s32 $0x10880;
	s31 =	simm.s32 $0x2000;
	s29 =	simm.s32 $0x10880;
	v5 =	vadd.f32 v8, v4;
	v4 =	vsel vm1, v6, v9;
	v6 =	vadd.f32 v10, v7  }
.LBB2_4:
0x16a: {  	s30 =	sadd.s32 $0x10, s30;
	s26 =	sadd.s32 $0x10, s26;
	s28 =	sadd.s32 $0x10, s28  }
0x16b: {  	p0 =	sne.s32 s31, $0xE000;
	s0 =	smov.u32 s31;
	s31 =	sadd.s32 $0x2000, s31;
	v5 =	vsel vm1, v6, v5  }
0x16c: {  	v6 =	vperm.xlane v4, v3;
	v7 =	vperm.xlane v5, v3;
	_ =	sdelay $0x1  }
0x16d: {  	v4 =	vadd.f32 v6, v4;
	v5 =	vadd.f32 v7, v5;
	_ =	sdelay $0x1  }
0x16e: {  	v4 =	vsel vm3, v4, v5  }
0x16f: {  	v4 =	vsub.f32 $0.0e+00, v4;
	_ =	sdelay $0x1  }
0x170: {  	v4 =	vmul.f32 $1.442695020e+00, v4;
	_ =	sdelay $0x1  }
0x171: {  	(erf) = vpow2.f32 v4;
	_ =	sdelay $0x8  }
0x172: {  	v4 =	vpop (erf)  }
0x173: {  	v4 =	vadd.f32 $1.000000000e+00, v4;
	_ =	sdelay $0x1  }
0x174: {  	(erf) = vrcp.f32 v4;
	_ =	sdelay $0x8  }
0x175: {  	v4 =	vpop (erf)  }
0x176: {  	[tilespmem:s29+$0x0] =	vst v4;
	s29 =	smov.u32 s30  }
0x177: {  	v4 =	vld [tilespmem:s26+$0x0]  }
0x178: {  	v5 =	vld [tilespmem:s28+$0x0];
	_ =	sdelay $0x3  }
0x179: {  	v4 =	vshll.u32 v4, $0x4  }
0x17a: {  	s0 =	sshra.s32 s0, $0x2;
	v4 =	vand.u32 $0x70, v4;
	v5 =	vshll.u32 v5, $0x4  }
0x17b: {  	v5 =	vand.u32 $0x70, v5;
	v4 =	vadd.s32 s0, v4  }
0x17c: {  	v5 =	vadd.s32 s0, v5;
	(v2sf) =	vpush v4, $0x8  }
0x17d: {  	(v2sf) =	vpush v4, $0xC  }
0x17e: {  	(v2sf) =	vpush v4, $0x4  }
0x17f: {  	(v2sf) =	vpush v4, $0x0  }
0x180: {  	(v2sf) =	vpush v4, $0x2  }
0x181: {  	(v2sf) =	vpush v4, $0x7  }
0x182: {  	(v2sf) =	vpush v4, $0x5  }
0x183: {  	(v2sf) =	vpush v4, $0xB  }
0x184: {  	(v2sf) =	vpush v5, $0xD  }
0x185: {  	(v2sf) =	vpush v5, $0x4  }
0x186: {  	(v2sf) =	vpush v5, $0xC  }
0x187: {  	(v2sf) =	vpush v5, $0x0  }
0x188: {  	(v2sf) =	vpush v4, $0x1  }
0x189: {  	(v2sf) =	vpush v5, $0xB  }
0x18a: {  	(v2sf) =	vpush v5, $0xA  }
0x18b: {  	s0 =	spop (v2sf);
	(v2sf) =	vpush v5, $0x1  }
0x18c: {  	s1 =	spop (v2sf);
	(v2sf) =	vpush v5, $0x9  }
0x18d: {  	s11 =	spop (v2sf);
	(v2sf) =	vpush v4, $0x3  }
0x18e: {  	v6 =	vld [tilespmem:s0+$0x4C00];
	s0 =	spop (v2sf);
	(v2sf) =	vpush v4, $0xA  }
0x18f: {  	v7 =	vld [tilespmem:s0+$0x4800];
	s0 =	spop (v2sf);
	(v2sf) =	vpush v5, $0x2  }
0x190: {  	v8 =	vld [tilespmem:s0+$0x4900];
	(v2sf) =	vpush v4, $0xD;
	s0 =	spop (v2sf)  }
0x191: {  	v9 =	vld [tilespmem:s0+$0x4B80];
	(v2sf) =	vpush v4, $0x6;
	s0 =	spop (v2sf)  }
0x192: {  	v10 =	vld [tilespmem:s0+$0x4A80];
	s0 =	spop (v2sf);
	(v2sf) =	vpush v5, $0x3  }
0x193: {  	v11 =	vld [tilespmem:s0+$0x4D80];
	(v2sf) =	vpush v5, $0x6;
	s0 =	spop (v2sf)  }
0x194: {  	v12 =	vld [tilespmem:s0+$0xCE80];
	(v2sf) =	vpush v5, $0x8;
	s0 =	spop (v2sf)  }
0x195: {  	v13 =	vld [tilespmem:s1+$0x4E00];
	s1 =	spop (v2sf);
	(v2sf) =	vpush v5, $0xE  }
0x196: {  	v14 =	vld [tilespmem:s11+$0x4A00];
	s11 =	spop (v2sf);
	(v2sf) =	vpush v4, $0xE  }
0x197: {  	v15 =	vld [tilespmem:s0+$0xCA00];
	s0 =	spop (v2sf);
	(v2sf) =	vpush v5, $0x7  }
0x198: {  	v16 =	vld [tilespmem:s0+$0x4880];
	(v2sf) =	vpush v5, $0x5;
	s13 =	spop (v2sf)  }
0x199: {  	v17 =	vld [tilespmem:s1+$0xCE00];
	s0 =	spop (v2sf);
	(v2sf) =	vpush v5, $0xF  }
0x19a: {  	v5 =	vld [tilespmem:s0+$0xCD00];
	s0 =	spop (v2sf);
	(v2sf) =	vpush v4, $0xF  }
0x19b: {  	v18 =	vld [tilespmem:s0+$0xC880];
	s0 =	spop (v2sf)  }
0x19c: {  	v14 =	vmul.f32 v15, v14;
	v15 =	vld [tilespmem:s13+$0xCD80];
	(v2sf) =	vpush v4, $0x9;
	s1 =	spop (v2sf)  }
0x19d: {  	v4 =	vld [tilespmem:s1+$0x4980];
	s1 =	spop (v2sf)  }
0x19e: {  	v13 =	vmul.f32 v17, v13;
	v17 =	vld [tilespmem:s1+$0x4D00];
	v19 =	vperm.xlane v14, v0;
	s1 =	spop (v2sf)  }
0x19f: {  	v20 =	vld [tilespmem:s11+$0xC800];
	s11 =	spop (v2sf)  }
0x1a0: {  	v21 =	vld [tilespmem:s1+$0xC900];
	v16 =	vmul.f32 v18, v16;
	v14 =	vadd.f32 v19, v14;
	v18 =	vperm.xlane v13, v0;
	s1 =	spop (v2sf)  }
0x1a1: {  	v19 =	vld [tilespmem:s11+$0x4E80];
	v11 =	vmul.f32 v15, v11;
	s11 =	spop (v2sf)  }
0x1a2: {  	v15 =	vld [tilespmem:s1+$0x4B00];
	v13 =	vadd.f32 v18, v13;
	v18 =	vperm.xlane v16, v0;
	s1 =	spop (v2sf)  }
0x1a3: {  	v5 =	vmul.f32 v5, v17;
	v17 =	vld [tilespmem:s11+$0xC980];
	v22 =	vperm.xlane v11, v0;
	s11 =	spop (v2sf)  }
0x1a4: {  	v7 =	vmul.f32 v20, v7;
	v20 =	vld [tilespmem:s11+$0xCC00];
	v13 =	vsel vm2, v14, v13;
	v14 =	vadd.f32 v18, v16;
	s11 =	spop (v2sf)  }
0x1a5: {  	v8 =	vmul.f32 v21, v8;
	v16 =	vld [tilespmem:s11+$0xCF00];
	v11 =	vadd.f32 v22, v11;
	v18 =	vperm.xlane v13, v1;
	s11 =	spop (v2sf)  }
0x1a6: {  	v21 =	vld [tilespmem:s11+$0x4F00];
	v22 =	vperm.xlane v7, v0;
	s11 =	spop (v2sf)  }
0x1a7: {  	v25 =	vperm.xlane v5, v0;
	v23 =	vld [tilespmem:s11+$0xCB80];
	v24 =	vperm.xlane v8, v0;
	v13 =	vadd.f32 v18, v13;
	s11 =	spop (v2sf)  }
0x1a8: {  	v18 =	vld [tilespmem:s11+$0xCA80];
	v4 =	vmul.f32 v17, v4;
	v7 =	vadd.f32 v22, v7;
	s11 =	spop (v2sf)  }
0x1a9: {  	v12 =	vmul.f32 v12, v19;
	v6 =	vmul.f32 v20, v6;
	v17 =	vld [tilespmem:s11+$0xCF80];
	v8 =	vadd.f32 v24, v8;
	s11 =	spop (v2sf)  }
0x1aa: {  	v5 =	vadd.f32 v25, v5;
	v19 =	vld [tilespmem:s1+$0xCB00];
	v20 =	vperm.xlane v4, v0  }
0x1ab: {  	v25 =	vperm.xlane v12, v0;
	v22 =	vld [tilespmem:s11+$0x4F80];
	v24 =	vperm.xlane v6, v0;
	s1 =	spop (v2sf)  }
0x1ac: {  	v16 =	vmul.f32 v16, v21;
	v21 =	vld [tilespmem:s1+$0x4C80];
	v4 =	vadd.f32 v20, v4  }
0x1ad: {  	v9 =	vmul.f32 v23, v9;
	v20 =	vld [tilespmem:s0+$0xCC80];
	v10 =	vmul.f32 v18, v10;
	v6 =	vadd.f32 v24, v6  }
0x1ae: {  	v18 =	vperm.xlane v16, v0;
	v4 =	vsel vm2, v4, v11  }
0x1af: {  	v11 =	vmul.f32 v19, v15;
	v6 =	vsel vm2, v7, v6;
	v7 =	vperm.xlane v10, v0  }
0x1b0: {  	v16 =	vadd.f32 v18, v16;
	v15 =	vmul.f32 v17, v22;
	v17 =	vperm.xlane v9, v0  }
0x1b1: {  	v12 =	vadd.f32 v25, v12;
	v19 =	vperm.xlane v6, v1;
	v18 =	vperm.xlane v11, v0  }
0x1b2: {  	v20 =	vmul.f32 v20, v21;
	v9 =	vadd.f32 v17, v9;
	v17 =	vperm.xlane v15, v0  }
0x1b3: {  	v7 =	vadd.f32 v7, v10;
	v10 =	vperm.xlane v4, v1;
	v6 =	vadd.f32 v19, v6  }
0x1b4: {  	v5 =	vsel vm2, v8, v5;
	v8 =	vadd.f32 v18, v11;
	v11 =	vadd.f32 v17, v15  }
0x1b5: {  	v7 =	vsel vm2, v7, v12;
	v4 =	vadd.f32 v10, v4;
	v15 =	vperm.xlane v20, v0  }
0x1b6: {  	v6 =	vsel vm0, v6, v13;
	v8 =	vsel vm2, v8, v16;
	v9 =	vsel vm2, v9, v11  }
0x1b7: {  	v10 =	vadd.f32 v15, v20;
	v11 =	vperm.xlane v5, v1;
	v12 =	vperm.xlane v8, v1  }
0x1b8: {  	v13 =	vperm.xlane v7, v1;
	v15 =	vperm.xlane v6, v2  }
0x1b9: {  	v10 =	vsel vm2, v14, v10;
	v8 =	vadd.f32 v12, v8;
	v12 =	vperm.xlane v9, v1  }
0x1ba: {  	v7 =	vadd.f32 v13, v7;
	v5 =	vadd.f32 v11, v5;
	v11 =	vperm.xlane v10, v1  }
0x1bb: {  	v6 =	vadd.f32 v15, v6;
	v9 =	vadd.f32 v12, v9  }
0x1bc: {  	v5 =	vsel vm0, v5, v8;
	v8 =	vadd.f32 v11, v10  }
.Ltmp1:
0x1bd: {  	v4 =	vsel vm0, v4, v9;
	v9 =	vperm.xlane v5, v2;
	(pc) =	sbr.rel @p0 .LBB2_4-.Ltmp1, $4  }
0x1be: {  	v7 =	vsel vm0, v8, v7;
	v8 =	vperm.xlane v4, v2  }
0x1bf: {  	v9 =	vadd.f32 v9, v5;
	v10 =	vperm.xlane v7, v2  }
0x1c0: {  	v5 =	vadd.f32 v8, v4  }
0x1c1: {  	v4 =	vsel vm1, v6, v9;
	v6 =	vadd.f32 v10, v7  }
0x1c2: {  	_ = 	snop  }
0x1c3: {  	v5 =	vsel vm1, v6, v5  }
0x1c4: {  	v6 =	vperm.xlane v4, v3;
	v7 =	vperm.xlane v5, v3;
	_ =	sdelay $0x1  }
0x1c5: {  	v4 =	vadd.f32 v6, v4;
	v5 =	vadd.f32 v7, v5;
	_ =	sdelay $0x1  }
0x1c6: {  	v4 =	vsel vm3, v4, v5  }
0x1c7: {  	v4 =	vsub.f32 $0.0e+00, v4;
	_ =	sdelay $0x1  }
0x1c8: {  	v4 =	vmul.f32 $1.442695020e+00, v4;
	_ =	sdelay $0x1  }
0x1c9: {  	(erf) = vpow2.f32 v4;
	_ =	sdelay $0x8  }
0x1ca: {  	v4 =	vpop (erf)  }
0x1cb: {  	v4 =	vadd.f32 $1.000000000e+00, v4;
	_ =	sdelay $0x1  }
0x1cc: {  	(erf) = vrcp.f32 v4;
	_ =	sdelay $0x8  }
0x1cd: {  	v4 =	vpop (erf)  }
0x1ce: {  	[tilespmem:s29+$0x0] =	vst v4  }
0x1cf: {  	_ =	swait.ge [sflag:s15], $0x4000  }
0x1d0: {  	[sflag:s15] =	ssyncset.done $0x0  }
0x1d1: {  	[sflag:s15] =	ssyncadd.s32 $0xFFFFC000  }
0x1d2: {  	_ =	swait.ge [sflag:s15], $0x4000  }
0x1d3: {  	[sflag:s15] =	ssyncset.done $0x0  }
0x1d4: {  	[sflag:s15] =	ssyncadd.s32 $0xFFFFC000  }
0x1d5: {  	[tilespmem:s17], [sflag:$0x1] =	stream.indirect.gather [hbm4b:s3+s10], $0x80, s22, s10, $0xb8;
	[tilespmem:$0x10A00] =	vst v63  }
0x1d6: {  	s26 =	simm.s32 $0x100  }
0x1d7: {  	[tilespmem:s19], [sflag:$0x1] =	stream.indirect.gather [hbm4b:s4+s10], $0x80, s23, s10, $0xb8;
	[tilespmem:$0x10A00] =	vst v63  }
0x1d8: {  	v4 =	vld [tilespmem:s26+$0x0];
	_ =	sdelay $0x4  }
0x1d9: {  	v4 =	vshll.u32 v4, $0x4  }
0x1da: {  	s0 =	simm.s32 $0x0;
	v4 =	vand.u32 $0x70, v4  }
0x1db: {  	s28 =	simm.s32 $0x300;
	v4 =	vadd.s32 s0, v4  }
0x1dc: {  	v5 =	vld [tilespmem:s28+$0x0];
	(v2sf) =	vpush v4, $0x8  }
0x1dd: {  	(v2sf) =	vpush v4, $0xC  }
0x1de: {  	(v2sf) =	vpush v4, $0x4  }
0x1df: {  	(v2sf) =	vpush v4, $0x0  }
0x1e0: {  	(v2sf) =	vpush v4, $0x2  }
0x1e1: {  	v5 =	vshll.u32 v5, $0x4;
	(v2sf) =	vpush v4, $0x7  }
0x1e2: {  	v5 =	vand.u32 $0x70, v5;
	(v2sf) =	vpush v4, $0x5  }
0x1e3: {  	v5 =	vadd.s32 s0, v5;
	(v2sf) =	vpush v4, $0xB  }
0x1e4: {  	(v2sf) =	vpush v5, $0xD  }
0x1e5: {  	(v2sf) =	vpush v5, $0x4  }
0x1e6: {  	(v2sf) =	vpush v5, $0xC  }
0x1e7: {  	(v2sf) =	vpush v5, $0x0  }
0x1e8: {  	(v2sf) =	vpush v4, $0x1  }
0x1e9: {  	(v2sf) =	vpush v5, $0xB  }
0x1ea: {  	(v2sf) =	vpush v5, $0xA  }
0x1eb: {  	s13 =	spop (v2sf);
	(v2sf) =	vpush v5, $0x1  }
0x1ec: {  	s1 =	spop (v2sf);
	(v2sf) =	vpush v5, $0x9;
	v6 =	vld [tilespmem:s13+$0xC00]  }
0x1ed: {  	s11 =	spop (v2sf);
	(v2sf) =	vpush v4, $0x3;
	v13 =	vld [tilespmem:s1+$0xE00]  }
0x1ee: {  	s13 =	spop (v2sf);
	(v2sf) =	vpush v4, $0xA;
	v14 =	vld [tilespmem:s11+$0xA00]  }
0x1ef: {  	v7 =	vld [tilespmem:s13+$0x800];
	s13 =	spop (v2sf);
	(v2sf) =	vpush v5, $0x2  }
0x1f0: {  	v8 =	vld [tilespmem:s13+$0x900];
	(v2sf) =	vpush v4, $0xD;
	s13 =	spop (v2sf)  }
0x1f1: {  	v9 =	vld [tilespmem:s13+$0xB80];
	(v2sf) =	vpush v4, $0x6;
	s13 =	spop (v2sf)  }
0x1f2: {  	v10 =	vld [tilespmem:s13+$0xA80];
	s13 =	spop (v2sf);
	(v2sf) =	vpush v5, $0x3  }
0x1f3: {  	v11 =	vld [tilespmem:s13+$0xD80];
	(v2sf) =	vpush v5, $0x6;
	s13 =	spop (v2sf)  }
0x1f4: {  	v12 =	vld [tilespmem:s13+$0x8E80];
	(v2sf) =	vpush v5, $0x8;
	s13 =	spop (v2sf)  }
0x1f5: {  	s1 =	spop (v2sf);
	(v2sf) =	vpush v5, $0xE;
	v15 =	vld [tilespmem:s13+$0x8A00]  }
0x1f6: {  	s11 =	spop (v2sf);
	(v2sf) =	vpush v4, $0xE;
	v17 =	vld [tilespmem:s1+$0x8E00]  }
0x1f7: {  	s13 =	spop (v2sf);
	(v2sf) =	vpush v5, $0x7;
	v21 =	vld [tilespmem:s11+$0x8800]  }
0x1f8: {  	v16 =	vld [tilespmem:s13+$0x880];
	(v2sf) =	vpush v5, $0x5;
	s13 =	spop (v2sf)  }
0x1f9: {  	s1 =	spop (v2sf);
	(v2sf) =	vpush v5, $0xF;
	v19 =	vld [tilespmem:s13+$0x8D80]  }
0x1fa: {  	v5 =	vld [tilespmem:s1+$0x8D00];
	s1 =	spop (v2sf);
	(v2sf) =	vpush v4, $0xF  }
0x1fb: {  	v18 =	vld [tilespmem:s1+$0x8880];
	s0 =	spop (v2sf);
	(v2sf) =	vpush v4, $0x9  }
0x1fc: {  	s13 =	spop (v2sf);
	v46 =	vld [tilespmem:s0+$0x8C80]  }
0x1fd: {  	v4 =	vld [tilespmem:s13+$0x980];
	s13 =	spop (v2sf)  }
0x1fe: {  	v14 =	vmul.f32 v15, v14;
	v20 =	vld [tilespmem:s13+$0xD00];
	s1 =	spop (v2sf)  }
0x1ff: {  	v13 =	vmul.f32 v17, v13;
	s13 =	spop (v2sf);
	v62 =	vld [tilespmem:s1+$0x8900]  }
0x200: {  	v22 =	vperm.xlane v14, v0;
	s1 =	spop (v2sf);
	v63 =	vld [tilespmem:s13+$0xE80]  }
0x201: {  	v7 =	vmul.f32 v21, v7;
	v23 =	vperm.xlane v13, v0;
	s13 =	spop (v2sf);
	v24 =	vld [tilespmem:s1+$0xB00]  }
0x202: {  	v14 =	vadd.f32 v22, v14;
	v11 =	vmul.f32 v19, v11;
	s1 =	spop (v2sf);
	v28 =	vld [tilespmem:s13+$0x8980]  }
0x203: {  	v36 =	vperm.xlane v7, v0;
	v13 =	vadd.f32 v23, v13;
	v16 =	vmul.f32 v18, v16;
	s13 =	spop (v2sf);
	v40 =	vld [tilespmem:s1+$0x8B00]  }
0x204: {  	v32 =	vperm.xlane v11, v0;
	v5 =	vmul.f32 v5, v20;
	v29 =	vld [tilespmem:s13+$0x8C00];
	s13 =	spop (v2sf)  }
0x205: {  	v13 =	vsel vm2, v14, v13;
	v30 =	vperm.xlane v16, v0;
	v8 =	vmul.f32 v62, v8;
	v31 =	vld [tilespmem:s13+$0x8F00];
	s13 =	spop (v2sf)  }
0x206: {  	v7 =	vadd.f32 v36, v7;
	v34 =	vperm.xlane v13, v1;
	v39 =	vperm.xlane v5, v0;
	v33 =	vld [tilespmem:s13+$0xF00];
	s13 =	spop (v2sf)  }
0x207: {  	v11 =	vadd.f32 v32, v11;
	v16 =	vadd.f32 v30, v16;
	v25 =	vperm.xlane v8, v0;
	v35 =	vld [tilespmem:s13+$0x8B80];
	s13 =	spop (v2sf)  }
0x208: {  	v12 =	vmul.f32 v12, v63;
	v4 =	vmul.f32 v28, v4;
	v5 =	vadd.f32 v39, v5;
	v37 =	vld [tilespmem:s13+$0x8A80];
	s13 =	spop (v2sf)  }
0x209: {  	v8 =	vadd.f32 v25, v8;
	v48 =	vmul.f32 v40, v24;
	v38 =	vld [tilespmem:s13+$0x8F80];
	v6 =	vmul.f32 v29, v6;
	s13 =	spop (v2sf)  }
0x20a: {  	v13 =	vadd.f32 v34, v13;
	v45 =	vperm.xlane v12, v0;
	v41 =	vperm.xlane v4, v0;
	v42 =	vld [tilespmem:s13+$0xF80];
	s13 =	spop (v2sf)  }
0x20b: {  	v51 =	vperm.xlane v48, v0;
	v5 =	vsel vm2, v8, v5;
	v43 =	vperm.xlane v6, v0;
	v44 =	vld [tilespmem:s13+$0xC80]  }
0x20c: {  	v14 =	vmul.f32 v31, v33;
	v4 =	vadd.f32 v41, v4;
	v58 =	vperm.xlane v5, v1  }
0x20d: {  	v12 =	vadd.f32 v45, v12;
	v9 =	vmul.f32 v35, v9;
	v10 =	vmul.f32 v37, v10  }
0x20e: {  	v6 =	vadd.f32 v43, v6;
	v47 =	vperm.xlane v14, v0;
	v4 =	vsel vm2, v4, v11  }
0x20f: {  	v11 =	vadd.f32 v51, v48;
	v5 =	vadd.f32 v58, v5;
	v50 =	vperm.xlane v9, v0  }
0x210: {  	v6 =	vsel vm2, v7, v6;
	v7 =	vmul.f32 v38, v42;
	v17 =	vmul.f32 v46, v44  }
0x211: {  	v49 =	vperm.xlane v10, v0;
	v14 =	vadd.f32 v47, v14;
	v52 =	vperm.xlane v6, v1  }
0x212: {  	v9 =	vadd.f32 v50, v9;
	v53 =	vperm.xlane v7, v0;
	v55 =	vperm.xlane v17, v0  }
0x213: {  	v54 =	vperm.xlane v4, v1;
	v10 =	vadd.f32 v49, v10;
	v6 =	vadd.f32 v52, v6  }
0x214: {  	v8 =	vsel vm2, v11, v14;
	v7 =	vadd.f32 v53, v7;
	v56 =	vadd.f32 v55, v17  }
0x215: {  	v57 =	vperm.xlane v8, v1;
	v10 =	vsel vm2, v10, v12;
	v6 =	vsel vm0, v6, v13  }
0x216: {  	v59 =	vperm.xlane v10, v1;
	v7 =	vsel vm2, v9, v7;
	v11 =	vsel vm2, v16, v56  }
0x217: {  	v8 =	vadd.f32 v57, v8;
	v60 =	vperm.xlane v7, v1;
	v61 =	vperm.xlane v11, v1  }
0x218: {  	v4 =	vadd.f32 v54, v4;
	v62 =	vperm.xlane v6, v2;
	v10 =	vadd.f32 v59, v10  }
0x219: {  	v5 =	vsel vm0, v5, v8;
	v7 =	vadd.f32 v60, v7;
	v8 =	vadd.f32 v61, v11  }
0x21a: {  	v63 =	vperm.xlane v5, v2  }
0x21b: {  	v6 =	vadd.f32 v62, v6;
	v4 =	vsel vm0, v4, v7;
	v7 =	vsel vm0, v8, v10  }
0x21c: {  	v9 =	vadd.f32 v63, v5;
	v8 =	vperm.xlane v4, v2;
	v10 =	vperm.xlane v7, v2;
	_ =	sdelay $0x1  }
0x21d: {  	s30 =	simm.s32 $0x10900;
	s31 =	simm.s32 $0x2000;
	s29 =	simm.s32 $0x10900;
	v5 =	vadd.f32 v8, v4;
	v4 =	vsel vm1, v6, v9;
	v6 =	vadd.f32 v10, v7  }
.LBB2_6:
0x21e: {  	s30 =	sadd.s32 $0x10, s30;
	s26 =	sadd.s32 $0x10, s26;
	s28 =	sadd.s32 $0x10, s28  }
0x21f: {  	p0 =	sne.s32 s31, $0xE000;
	s0 =	smov.u32 s31;
	s31 =	sadd.s32 $0x2000, s31;
	v5 =	vsel vm1, v6, v5  }
0x220: {  	v6 =	vperm.xlane v4, v3;
	v7 =	vperm.xlane v5, v3;
	_ =	sdelay $0x1  }
0x221: {  	v4 =	vadd.f32 v6, v4;
	v5 =	vadd.f32 v7, v5;
	_ =	sdelay $0x1  }
0x222: {  	v4 =	vsel vm3, v4, v5  }
0x223: {  	v4 =	vsub.f32 $0.0e+00, v4;
	_ =	sdelay $0x1  }
0x224: {  	v4 =	vmul.f32 $1.442695020e+00, v4;
	_ =	sdelay $0x1  }
0x225: {  	(erf) = vpow2.f32 v4;
	_ =	sdelay $0x8  }
0x226: {  	v4 =	vpop (erf)  }
0x227: {  	v4 =	vadd.f32 $1.000000000e+00, v4;
	_ =	sdelay $0x1  }
0x228: {  	(erf) = vrcp.f32 v4;
	_ =	sdelay $0x8  }
0x229: {  	v4 =	vpop (erf)  }
0x22a: {  	[tilespmem:s29+$0x0] =	vst v4;
	s29 =	smov.u32 s30  }
0x22b: {  	v4 =	vld [tilespmem:s26+$0x0]  }
0x22c: {  	v5 =	vld [tilespmem:s28+$0x0];
	_ =	sdelay $0x3  }
0x22d: {  	v4 =	vshll.u32 v4, $0x4  }
0x22e: {  	s0 =	sshra.s32 s0, $0x2;
	v4 =	vand.u32 $0x70, v4;
	v5 =	vshll.u32 v5, $0x4  }
0x22f: {  	v5 =	vand.u32 $0x70, v5;
	v4 =	vadd.s32 s0, v4  }
0x230: {  	v5 =	vadd.s32 s0, v5;
	(v2sf) =	vpush v4, $0x8  }
0x231: {  	(v2sf) =	vpush v4, $0xC  }
0x232: {  	(v2sf) =	vpush v4, $0x4  }
0x233: {  	(v2sf) =	vpush v4, $0x0  }
0x234: {  	(v2sf) =	vpush v4, $0x2  }
0x235: {  	(v2sf) =	vpush v4, $0x7  }
0x236: {  	(v2sf) =	vpush v4, $0x5  }
0x237: {  	(v2sf) =	vpush v4, $0xB  }
0x238: {  	(v2sf) =	vpush v5, $0xD  }
0x239: {  	(v2sf) =	vpush v5, $0x4  }
0x23a: {  	(v2sf) =	vpush v5, $0xC  }
0x23b: {  	(v2sf) =	vpush v5, $0x0  }
0x23c: {  	(v2sf) =	vpush v4, $0x1  }
0x23d: {  	(v2sf) =	vpush v5, $0xB  }
0x23e: {  	(v2sf) =	vpush v5, $0xA  }
0x23f: {  	s0 =	spop (v2sf);
	(v2sf) =	vpush v5, $0x1  }
0x240: {  	s1 =	spop (v2sf);
	(v2sf) =	vpush v5, $0x9  }
0x241: {  	s11 =	spop (v2sf);
	(v2sf) =	vpush v4, $0x3  }
0x242: {  	v6 =	vld [tilespmem:s0+$0xC00];
	s0 =	spop (v2sf);
	(v2sf) =	vpush v4, $0xA  }
0x243: {  	v7 =	vld [tilespmem:s0+$0x800];
	s0 =	spop (v2sf);
	(v2sf) =	vpush v5, $0x2  }
0x244: {  	v8 =	vld [tilespmem:s0+$0x900];
	(v2sf) =	vpush v4, $0xD;
	s0 =	spop (v2sf)  }
0x245: {  	v9 =	vld [tilespmem:s0+$0xB80];
	(v2sf) =	vpush v4, $0x6;
	s0 =	spop (v2sf)  }
0x246: {  	v10 =	vld [tilespmem:s0+$0xA80];
	s0 =	spop (v2sf);
	(v2sf) =	vpush v5, $0x3  }
0x247: {  	v11 =	vld [tilespmem:s0+$0xD80];
	(v2sf) =	vpush v5, $0x6;
	s0 =	spop (v2sf)  }
0x248: {  	v12 =	vld [tilespmem:s0+$0x8E80];
	(v2sf) =	vpush v5, $0x8;
	s0 =	spop (v2sf)  }
0x249: {  	v13 =	vld [tilespmem:s1+$0xE00];
	s1 =	spop (v2sf);
	(v2sf) =	vpush v5, $0xE  }
0x24a: {  	v14 =	vld [tilespmem:s11+$0xA00];
	s11 =	spop (v2sf);
	(v2sf) =	vpush v4, $0xE  }
0x24b: {  	v15 =	vld [tilespmem:s0+$0x8A00];
	s0 =	spop (v2sf);
	(v2sf) =	vpush v5, $0x7  }
0x24c: {  	v16 =	vld [tilespmem:s0+$0x880];
	(v2sf) =	vpush v5, $0x5;
	s13 =	spop (v2sf)  }
0x24d: {  	v17 =	vld [tilespmem:s1+$0x8E00];
	s0 =	spop (v2sf);
	(v2sf) =	vpush v5, $0xF  }
0x24e: {  	v5 =	vld [tilespmem:s0+$0x8D00];
	s0 =	spop (v2sf);
	(v2sf) =	vpush v4, $0xF  }
0x24f: {  	v18 =	vld [tilespmem:s0+$0x8880];
	s0 =	spop (v2sf)  }
0x250: {  	v14 =	vmul.f32 v15, v14;
	v15 =	vld [tilespmem:s13+$0x8D80];
	(v2sf) =	vpush v4, $0x9;
	s1 =	spop (v2sf)  }
0x251: {  	v4 =	vld [tilespmem:s1+$0x980];
	s1 =	spop (v2sf)  }
0x252: {  	v13 =	vmul.f32 v17, v13;
	v17 =	vld [tilespmem:s1+$0xD00];
	v19 =	vperm.xlane v14, v0;
	s1 =	spop (v2sf)  }
0x253: {  	v20 =	vld [tilespmem:s11+$0x8800];
	s11 =	spop (v2sf)  }
0x254: {  	v21 =	vld [tilespmem:s1+$0x8900];
	v16 =	vmul.f32 v18, v16;
	v14 =	vadd.f32 v19, v14;
	v18 =	vperm.xlane v13, v0;
	s1 =	spop (v2sf)  }
0x255: {  	v19 =	vld [tilespmem:s11+$0xE80];
	v11 =	vmul.f32 v15, v11;
	s11 =	spop (v2sf)  }
0x256: {  	v15 =	vld [tilespmem:s1+$0xB00];
	v13 =	vadd.f32 v18, v13;
	v18 =	vperm.xlane v16, v0;
	s1 =	spop (v2sf)  }
0x257: {  	v5 =	vmul.f32 v5, v17;
	v17 =	vld [tilespmem:s11+$0x8980];
	v22 =	vperm.xlane v11, v0;
	s11 =	spop (v2sf)  }
0x258: {  	v7 =	vmul.f32 v20, v7;
	v20 =	vld [tilespmem:s11+$0x8C00];
	v13 =	vsel vm2, v14, v13;
	v14 =	vadd.f32 v18, v16;
	s11 =	spop (v2sf)  }
0x259: {  	v8 =	vmul.f32 v21, v8;
	v16 =	vld [tilespmem:s11+$0x8F00];
	v11 =	vadd.f32 v22, v11;
	v18 =	vperm.xlane v13, v1;
	s11 =	spop (v2sf)  }
0x25a: {  	v21 =	vld [tilespmem:s11+$0xF00];
	v22 =	vperm.xlane v7, v0;
	s11 =	spop (v2sf)  }
0x25b: {  	v25 =	vperm.xlane v5, v0;
	v23 =	vld [tilespmem:s11+$0x8B80];
	v24 =	vperm.xlane v8, v0;
	v13 =	vadd.f32 v18, v13;
	s11 =	spop (v2sf)  }
0x25c: {  	v18 =	vld [tilespmem:s11+$0x8A80];
	v4 =	vmul.f32 v17, v4;
	v7 =	vadd.f32 v22, v7;
	s11 =	spop (v2sf)  }
0x25d: {  	v12 =	vmul.f32 v12, v19;
	v6 =	vmul.f32 v20, v6;
	v17 =	vld [tilespmem:s11+$0x8F80];
	v8 =	vadd.f32 v24, v8;
	s11 =	spop (v2sf)  }
0x25e: {  	v5 =	vadd.f32 v25, v5;
	v19 =	vld [tilespmem:s1+$0x8B00];
	v20 =	vperm.xlane v4, v0  }
0x25f: {  	v25 =	vperm.xlane v12, v0;
	v22 =	vld [tilespmem:s11+$0xF80];
	v24 =	vperm.xlane v6, v0;
	s1 =	spop (v2sf)  }
0x260: {  	v16 =	vmul.f32 v16, v21;
	v21 =	vld [tilespmem:s1+$0xC80];
	v4 =	vadd.f32 v20, v4  }
0x261: {  	v9 =	vmul.f32 v23, v9;
	v20 =	vld [tilespmem:s0+$0x8C80];
	v10 =	vmul.f32 v18, v10;
	v6 =	vadd.f32 v24, v6  }
0x262: {  	v18 =	vperm.xlane v16, v0;
	v4 =	vsel vm2, v4, v11  }
0x263: {  	v11 =	vmul.f32 v19, v15;
	v6 =	vsel vm2, v7, v6;
	v7 =	vperm.xlane v10, v0  }
0x264: {  	v16 =	vadd.f32 v18, v16;
	v15 =	vmul.f32 v17, v22;
	v17 =	vperm.xlane v9, v0  }
0x265: {  	v12 =	vadd.f32 v25, v12;
	v19 =	vperm.xlane v6, v1;
	v18 =	vperm.xlane v11, v0  }
0x266: {  	v20 =	vmul.f32 v20, v21;
	v9 =	vadd.f32 v17, v9;
	v17 =	vperm.xlane v15, v0  }
0x267: {  	v7 =	vadd.f32 v7, v10;
	v10 =	vperm.xlane v4, v1;
	v6 =	vadd.f32 v19, v6  }
0x268: {  	v5 =	vsel vm2, v8, v5;
	v8 =	vadd.f32 v18, v11;
	v11 =	vadd.f32 v17, v15  }
0x269: {  	v7 =	vsel vm2, v7, v12;
	v4 =	vadd.f32 v10, v4;
	v15 =	vperm.xlane v20, v0  }
0x26a: {  	v6 =	vsel vm0, v6, v13;
	v8 =	vsel vm2, v8, v16;
	v9 =	vsel vm2, v9, v11  }
0x26b: {  	v10 =	vadd.f32 v15, v20;
	v11 =	vperm.xlane v5, v1;
	v12 =	vperm.xlane v8, v1  }
0x26c: {  	v13 =	vperm.xlane v7, v1;
	v15 =	vperm.xlane v6, v2  }
0x26d: {  	v10 =	vsel vm2, v14, v10;
	v8 =	vadd.f32 v12, v8;
	v12 =	vperm.xlane v9, v1  }
0x26e: {  	v7 =	vadd.f32 v13, v7;
	v5 =	vadd.f32 v11, v5;
	v11 =	vperm.xlane v10, v1  }
0x26f: {  	v6 =	vadd.f32 v15, v6;
	v9 =	vadd.f32 v12, v9  }
0x270: {  	v5 =	vsel vm0, v5, v8;
	v8 =	vadd.f32 v11, v10  }
.Ltmp2:
0x271: {  	v4 =	vsel vm0, v4, v9;
	v9 =	vperm.xlane v5, v2;
	(pc) =	sbr.rel @p0 .LBB2_6-.Ltmp2, $4  }
0x272: {  	v7 =	vsel vm0, v8, v7;
	v8 =	vperm.xlane v4, v2  }
0x273: {  	v9 =	vadd.f32 v9, v5;
	v10 =	vperm.xlane v7, v2  }
0x274: {  	v5 =	vadd.f32 v8, v4  }
0x275: {  	v4 =	vsel vm1, v6, v9;
	v6 =	vadd.f32 v10, v7  }
0x276: {  	_ = 	snop  }
0x277: {  	v5 =	vsel vm1, v6, v5  }
0x278: {  	v6 =	vperm.xlane v4, v3;
	v7 =	vperm.xlane v5, v3;
	_ =	sdelay $0x1  }
0x279: {  	v4 =	vadd.f32 v6, v4;
	v5 =	vadd.f32 v7, v5;
	_ =	sdelay $0x1  }
0x27a: {  	v4 =	vsel vm3, v4, v5  }
0x27b: {  	v4 =	vsub.f32 $0.0e+00, v4;
	_ =	sdelay $0x1  }
0x27c: {  	v4 =	vmul.f32 $1.442695020e+00, v4;
	_ =	sdelay $0x1  }
0x27d: {  	(erf) = vpow2.f32 v4;
	_ =	sdelay $0x8  }
0x27e: {  	v4 =	vpop (erf)  }
0x27f: {  	v4 =	vadd.f32 $1.000000000e+00, v4;
	_ =	sdelay $0x1  }
0x280: {  	(erf) = vrcp.f32 v4;
	_ =	sdelay $0x8  }
0x281: {  	v4 =	vpop (erf)  }
0x282: {  	[tilespmem:s29+$0x0] =	vst v4  }
0x283: {  	_ =	swait.ge [sflag:s15], $0x4000  }
0x284: {  	[sflag:s15] =	ssyncset.done $0x0  }
0x285: {  	[sflag:s15] =	ssyncadd.s32 $0xFFFFC000  }
0x286: {  	_ =	swait.ge [sflag:s15], $0x4000  }
0x287: {  	[sflag:s15] =	ssyncset.done $0x0  }
0x288: {  	s26 =	simm.s32 $0x180;
	[sflag:s15] =	ssyncadd.s32 $0xFFFFC000  }
0x289: {  	v4 =	vld [tilespmem:s26+$0x0];
	_ =	sdelay $0x4  }
0x28a: {  	v4 =	vshll.u32 v4, $0x4  }
0x28b: {  	s0 =	simm.s32 $0x0;
	v4 =	vand.u32 $0x70, v4  }
0x28c: {  	s28 =	simm.s32 $0x380;
	v4 =	vadd.s32 s0, v4  }
0x28d: {  	v5 =	vld [tilespmem:s28+$0x0];
	(v2sf) =	vpush v4, $0x8  }
0x28e: {  	(v2sf) =	vpush v4, $0xC  }
0x28f: {  	(v2sf) =	vpush v4, $0x4  }
0x290: {  	(v2sf) =	vpush v4, $0x0  }
0x291: {  	(v2sf) =	vpush v4, $0x2  }
0x292: {  	v5 =	vshll.u32 v5, $0x4;
	(v2sf) =	vpush v4, $0x7  }
0x293: {  	v5 =	vand.u32 $0x70, v5;
	(v2sf) =	vpush v4, $0x5  }
0x294: {  	v5 =	vadd.s32 s0, v5;
	(v2sf) =	vpush v4, $0xB  }
0x295: {  	(v2sf) =	vpush v5, $0xD  }
0x296: {  	(v2sf) =	vpush v5, $0x4  }
0x297: {  	(v2sf) =	vpush v5, $0xC  }
0x298: {  	(v2sf) =	vpush v5, $0x0  }
0x299: {  	(v2sf) =	vpush v4, $0x1  }
0x29a: {  	(v2sf) =	vpush v5, $0xB  }
0x29b: {  	(v2sf) =	vpush v5, $0xA  }
0x29c: {  	s13 =	spop (v2sf);
	(v2sf) =	vpush v5, $0x1  }
0x29d: {  	s1 =	spop (v2sf);
	(v2sf) =	vpush v5, $0x9;
	v6 =	vld [tilespmem:s13+$0x4C00]  }
0x29e: {  	s11 =	spop (v2sf);
	(v2sf) =	vpush v4, $0x3;
	v13 =	vld [tilespmem:s1+$0x4E00]  }
0x29f: {  	s13 =	spop (v2sf);
	(v2sf) =	vpush v4, $0xA;
	v14 =	vld [tilespmem:s11+$0x4A00]  }
0x2a0: {  	v7 =	vld [tilespmem:s13+$0x4800];
	s13 =	spop (v2sf);
	(v2sf) =	vpush v5, $0x2  }
0x2a1: {  	v8 =	vld [tilespmem:s13+$0x4900];
	(v2sf) =	vpush v4, $0xD;
	s13 =	spop (v2sf)  }
0x2a2: {  	v9 =	vld [tilespmem:s13+$0x4B80];
	(v2sf) =	vpush v4, $0x6;
	s13 =	spop (v2sf)  }
0x2a3: {  	v10 =	vld [tilespmem:s13+$0x4A80];
	s13 =	spop (v2sf);
	(v2sf) =	vpush v5, $0x3  }
0x2a4: {  	v11 =	vld [tilespmem:s13+$0x4D80];
	(v2sf) =	vpush v5, $0x6;
	s13 =	spop (v2sf)  }
0x2a5: {  	v12 =	vld [tilespmem:s13+$0xCE80];
	(v2sf) =	vpush v5, $0x8;
	s13 =	spop (v2sf)  }
0x2a6: {  	s1 =	spop (v2sf);
	(v2sf) =	vpush v5, $0xE;
	v15 =	vld [tilespmem:s13+$0xCA00]  }
0x2a7: {  	s11 =	spop (v2sf);
	(v2sf) =	vpush v4, $0xE;
	v17 =	vld [tilespmem:s1+$0xCE00]  }
0x2a8: {  	s13 =	spop (v2sf);
	(v2sf) =	vpush v5, $0x7;
	v21 =	vld [tilespmem:s11+$0xC800]  }
0x2a9: {  	v16 =	vld [tilespmem:s13+$0x4880];
	(v2sf) =	vpush v5, $0x5;
	s13 =	spop (v2sf)  }
0x2aa: {  	s1 =	spop (v2sf);
	(v2sf) =	vpush v5, $0xF;
	v19 =	vld [tilespmem:s13+$0xCD80]  }
0x2ab: {  	v5 =	vld [tilespmem:s1+$0xCD00];
	s1 =	spop (v2sf);
	(v2sf) =	vpush v4, $0xF  }
0x2ac: {  	v18 =	vld [tilespmem:s1+$0xC880];
	s0 =	spop (v2sf);
	(v2sf) =	vpush v4, $0x9  }
0x2ad: {  	s13 =	spop (v2sf);
	v46 =	vld [tilespmem:s0+$0xCC80]  }
0x2ae: {  	v4 =	vld [tilespmem:s13+$0x4980];
	s13 =	spop (v2sf)  }
0x2af: {  	v14 =	vmul.f32 v15, v14;
	v20 =	vld [tilespmem:s13+$0x4D00];
	s1 =	spop (v2sf)  }
0x2b0: {  	v13 =	vmul.f32 v17, v13;
	s13 =	spop (v2sf);
	v62 =	vld [tilespmem:s1+$0xC900]  }
0x2b1: {  	v22 =	vperm.xlane v14, v0;
	s1 =	spop (v2sf);
	v63 =	vld [tilespmem:s13+$0x4E80]  }
0x2b2: {  	v7 =	vmul.f32 v21, v7;
	v23 =	vperm.xlane v13, v0;
	s13 =	spop (v2sf);
	v24 =	vld [tilespmem:s1+$0x4B00]  }
0x2b3: {  	v14 =	vadd.f32 v22, v14;
	v11 =	vmul.f32 v19, v11;
	s1 =	spop (v2sf);
	v28 =	vld [tilespmem:s13+$0xC980]  }
0x2b4: {  	v36 =	vperm.xlane v7, v0;
	v13 =	vadd.f32 v23, v13;
	v16 =	vmul.f32 v18, v16;
	s13 =	spop (v2sf);
	v40 =	vld [tilespmem:s1+$0xCB00]  }
0x2b5: {  	v32 =	vperm.xlane v11, v0;
	v5 =	vmul.f32 v5, v20;
	v29 =	vld [tilespmem:s13+$0xCC00];
	s13 =	spop (v2sf)  }
0x2b6: {  	v13 =	vsel vm2, v14, v13;
	v30 =	vperm.xlane v16, v0;
	v8 =	vmul.f32 v62, v8;
	v31 =	vld [tilespmem:s13+$0xCF00];
	s13 =	spop (v2sf)  }
0x2b7: {  	v7 =	vadd.f32 v36, v7;
	v34 =	vperm.xlane v13, v1;
	v39 =	vperm.xlane v5, v0;
	v33 =	vld [tilespmem:s13+$0x4F00];
	s13 =	spop (v2sf)  }
0x2b8: {  	v11 =	vadd.f32 v32, v11;
	v16 =	vadd.f32 v30, v16;
	v25 =	vperm.xlane v8, v0;
	v35 =	vld [tilespmem:s13+$0xCB80];
	s13 =	spop (v2sf)  }
0x2b9: {  	v12 =	vmul.f32 v12, v63;
	v4 =	vmul.f32 v28, v4;
	v5 =	vadd.f32 v39, v5;
	v37 =	vld [tilespmem:s13+$0xCA80];
	s13 =	spop (v2sf)  }
0x2ba: {  	v8 =	vadd.f32 v25, v8;
	v48 =	vmul.f32 v40, v24;
	v38 =	vld [tilespmem:s13+$0xCF80];
	v6 =	vmul.f32 v29, v6;
	s13 =	spop (v2sf)  }
0x2bb: {  	v13 =	vadd.f32 v34, v13;
	v45 =	vperm.xlane v12, v0;
	v41 =	vperm.xlane v4, v0;
	v42 =	vld [tilespmem:s13+$0x4F80];
	s13 =	spop (v2sf)  }
0x2bc: {  	v51 =	vperm.xlane v48, v0;
	v5 =	vsel vm2, v8, v5;
	v43 =	vperm.xlane v6, v0;
	v44 =	vld [tilespmem:s13+$0x4C80]  }
0x2bd: {  	v14 =	vmul.f32 v31, v33;
	v4 =	vadd.f32 v41, v4;
	v58 =	vperm.xlane v5, v1  }
0x2be: {  	v12 =	vadd.f32 v45, v12;
	v9 =	vmul.f32 v35, v9;
	v10 =	vmul.f32 v37, v10  }
0x2bf: {  	v6 =	vadd.f32 v43, v6;
	v47 =	vperm.xlane v14, v0;
	v4 =	vsel vm2, v4, v11  }
0x2c0: {  	v11 =	vadd.f32 v51, v48;
	v5 =	vadd.f32 v58, v5;
	v50 =	vperm.xlane v9, v0  }
0x2c1: {  	v6 =	vsel vm2, v7, v6;
	v7 =	vmul.f32 v38, v42;
	v17 =	vmul.f32 v46, v44  }
0x2c2: {  	v49 =	vperm.xlane v10, v0;
	v14 =	vadd.f32 v47, v14;
	v52 =	vperm.xlane v6, v1  }
0x2c3: {  	v9 =	vadd.f32 v50, v9;
	v53 =	vperm.xlane v7, v0;
	v55 =	vperm.xlane v17, v0  }
0x2c4: {  	v54 =	vperm.xlane v4, v1;
	v10 =	vadd.f32 v49, v10;
	v6 =	vadd.f32 v52, v6  }
0x2c5: {  	v8 =	vsel vm2, v11, v14;
	v7 =	vadd.f32 v53, v7;
	v56 =	vadd.f32 v55, v17  }
0x2c6: {  	v57 =	vperm.xlane v8, v1;
	v10 =	vsel vm2, v10, v12;
	v6 =	vsel vm0, v6, v13  }
0x2c7: {  	v59 =	vperm.xlane v10, v1;
	v7 =	vsel vm2, v9, v7;
	v11 =	vsel vm2, v16, v56  }
0x2c8: {  	v8 =	vadd.f32 v57, v8;
	v60 =	vperm.xlane v7, v1;
	v61 =	vperm.xlane v11, v1  }
0x2c9: {  	v4 =	vadd.f32 v54, v4;
	v62 =	vperm.xlane v6, v2;
	v10 =	vadd.f32 v59, v10  }
0x2ca: {  	v5 =	vsel vm0, v5, v8;
	v7 =	vadd.f32 v60, v7;
	v8 =	vadd.f32 v61, v11  }
0x2cb: {  	v63 =	vperm.xlane v5, v2  }
0x2cc: {  	v6 =	vadd.f32 v62, v6;
	v4 =	vsel vm0, v4, v7;
	v7 =	vsel vm0, v8, v10  }
0x2cd: {  	v9 =	vadd.f32 v63, v5;
	v8 =	vperm.xlane v4, v2;
	v10 =	vperm.xlane v7, v2;
	_ =	sdelay $0x1  }
0x2ce: {  	s30 =	simm.s32 $0x10980;
	s31 =	simm.s32 $0x2000;
	s29 =	simm.s32 $0x10980;
	v5 =	vadd.f32 v8, v4;
	v4 =	vsel vm1, v6, v9;
	v6 =	vadd.f32 v10, v7  }
.LBB2_8:
0x2cf: {  	s30 =	sadd.s32 $0x10, s30;
	s26 =	sadd.s32 $0x10, s26;
	s28 =	sadd.s32 $0x10, s28  }
0x2d0: {  	p0 =	sne.s32 s31, $0xE000;
	s0 =	smov.u32 s31;
	s31 =	sadd.s32 $0x2000, s31;
	v5 =	vsel vm1, v6, v5  }
0x2d1: {  	v6 =	vperm.xlane v4, v3;
	v7 =	vperm.xlane v5, v3;
	_ =	sdelay $0x1  }
0x2d2: {  	v4 =	vadd.f32 v6, v4;
	v5 =	vadd.f32 v7, v5;
	_ =	sdelay $0x1  }
0x2d3: {  	v4 =	vsel vm3, v4, v5  }
0x2d4: {  	v4 =	vsub.f32 $0.0e+00, v4;
	_ =	sdelay $0x1  }
0x2d5: {  	v4 =	vmul.f32 $1.442695020e+00, v4;
	_ =	sdelay $0x1  }
0x2d6: {  	(erf) = vpow2.f32 v4;
	_ =	sdelay $0x8  }
0x2d7: {  	v4 =	vpop (erf)  }
0x2d8: {  	v4 =	vadd.f32 $1.000000000e+00, v4;
	_ =	sdelay $0x1  }
0x2d9: {  	(erf) = vrcp.f32 v4;
	_ =	sdelay $0x8  }
0x2da: {  	v4 =	vpop (erf)  }
0x2db: {  	[tilespmem:s29+$0x0] =	vst v4;
	s29 =	smov.u32 s30  }
0x2dc: {  	v4 =	vld [tilespmem:s26+$0x0]  }
0x2dd: {  	v5 =	vld [tilespmem:s28+$0x0];
	_ =	sdelay $0x3  }
0x2de: {  	v4 =	vshll.u32 v4, $0x4  }
0x2df: {  	s0 =	sshra.s32 s0, $0x2;
	v4 =	vand.u32 $0x70, v4;
	v5 =	vshll.u32 v5, $0x4  }
0x2e0: {  	v5 =	vand.u32 $0x70, v5;
	v4 =	vadd.s32 s0, v4  }
0x2e1: {  	v5 =	vadd.s32 s0, v5;
	(v2sf) =	vpush v4, $0x8  }
0x2e2: {  	(v2sf) =	vpush v4, $0xC  }
0x2e3: {  	(v2sf) =	vpush v4, $0x4  }
0x2e4: {  	(v2sf) =	vpush v4, $0x0  }
0x2e5: {  	(v2sf) =	vpush v4, $0x2  }
0x2e6: {  	(v2sf) =	vpush v4, $0x7  }
0x2e7: {  	(v2sf) =	vpush v4, $0x5  }
0x2e8: {  	(v2sf) =	vpush v4, $0xB  }
0x2e9: {  	(v2sf) =	vpush v5, $0xD  }
0x2ea: {  	(v2sf) =	vpush v5, $0x4  }
0x2eb: {  	(v2sf) =	vpush v5, $0xC  }
0x2ec: {  	(v2sf) =	vpush v5, $0x0  }
0x2ed: {  	(v2sf) =	vpush v4, $0x1  }
0x2ee: {  	(v2sf) =	vpush v5, $0xB  }
0x2ef: {  	(v2sf) =	vpush v5, $0xA  }
0x2f0: {  	s0 =	spop (v2sf);
	(v2sf) =	vpush v5, $0x1  }
0x2f1: {  	s1 =	spop (v2sf);
	(v2sf) =	vpush v5, $0x9  }
0x2f2: {  	s11 =	spop (v2sf);
	(v2sf) =	vpush v4, $0x3  }
0x2f3: {  	v6 =	vld [tilespmem:s0+$0x4C00];
	s0 =	spop (v2sf);
	(v2sf) =	vpush v4, $0xA  }
0x2f4: {  	v7 =	vld [tilespmem:s0+$0x4800];
	s0 =	spop (v2sf);
	(v2sf) =	vpush v5, $0x2  }
0x2f5: {  	v8 =	vld [tilespmem:s0+$0x4900];
	(v2sf) =	vpush v4, $0xD;
	s0 =	spop (v2sf)  }
0x2f6: {  	v9 =	vld [tilespmem:s0+$0x4B80];
	(v2sf) =	vpush v4, $0x6;
	s0 =	spop (v2sf)  }
0x2f7: {  	v10 =	vld [tilespmem:s0+$0x4A80];
	s0 =	spop (v2sf);
	(v2sf) =	vpush v5, $0x3  }
0x2f8: {  	v11 =	vld [tilespmem:s0+$0x4D80];
	(v2sf) =	vpush v5, $0x6;
	s0 =	spop (v2sf)  }
0x2f9: {  	v12 =	vld [tilespmem:s0+$0xCE80];
	(v2sf) =	vpush v5, $0x8;
	s0 =	spop (v2sf)  }
0x2fa: {  	v13 =	vld [tilespmem:s1+$0x4E00];
	s1 =	spop (v2sf);
	(v2sf) =	vpush v5, $0xE  }
0x2fb: {  	v14 =	vld [tilespmem:s11+$0x4A00];
	s11 =	spop (v2sf);
	(v2sf) =	vpush v4, $0xE  }
0x2fc: {  	v15 =	vld [tilespmem:s0+$0xCA00];
	s0 =	spop (v2sf);
	(v2sf) =	vpush v5, $0x7  }
0x2fd: {  	v16 =	vld [tilespmem:s0+$0x4880];
	(v2sf) =	vpush v5, $0x5;
	s13 =	spop (v2sf)  }
0x2fe: {  	v17 =	vld [tilespmem:s1+$0xCE00];
	s0 =	spop (v2sf);
	(v2sf) =	vpush v5, $0xF  }
0x2ff: {  	v5 =	vld [tilespmem:s0+$0xCD00];
	s0 =	spop (v2sf);
	(v2sf) =	vpush v4, $0xF  }
0x300: {  	v18 =	vld [tilespmem:s0+$0xC880];
	s0 =	spop (v2sf)  }
0x301: {  	v14 =	vmul.f32 v15, v14;
	v15 =	vld [tilespmem:s13+$0xCD80];
	(v2sf) =	vpush v4, $0x9;
	s1 =	spop (v2sf)  }
0x302: {  	v4 =	vld [tilespmem:s1+$0x4980];
	s1 =	spop (v2sf)  }
0x303: {  	v13 =	vmul.f32 v17, v13;
	v17 =	vld [tilespmem:s1+$0x4D00];
	v19 =	vperm.xlane v14, v0;
	s1 =	spop (v2sf)  }
0x304: {  	v20 =	vld [tilespmem:s11+$0xC800];
	s11 =	spop (v2sf)  }
0x305: {  	v21 =	vld [tilespmem:s1+$0xC900];
	v16 =	vmul.f32 v18, v16;
	v14 =	vadd.f32 v19, v14;
	v18 =	vperm.xlane v13, v0;
	s1 =	spop (v2sf)  }
0x306: {  	v19 =	vld [tilespmem:s11+$0x4E80];
	v11 =	vmul.f32 v15, v11;
	s11 =	spop (v2sf)  }
0x307: {  	v15 =	vld [tilespmem:s1+$0x4B00];
	v13 =	vadd.f32 v18, v13;
	v18 =	vperm.xlane v16, v0;
	s1 =	spop (v2sf)  }
0x308: {  	v5 =	vmul.f32 v5, v17;
	v17 =	vld [tilespmem:s11+$0xC980];
	v22 =	vperm.xlane v11, v0;
	s11 =	spop (v2sf)  }
0x309: {  	v7 =	vmul.f32 v20, v7;
	v20 =	vld [tilespmem:s11+$0xCC00];
	v13 =	vsel vm2, v14, v13;
	v14 =	vadd.f32 v18, v16;
	s11 =	spop (v2sf)  }
0x30a: {  	v8 =	vmul.f32 v21, v8;
	v16 =	vld [tilespmem:s11+$0xCF00];
	v11 =	vadd.f32 v22, v11;
	v18 =	vperm.xlane v13, v1;
	s11 =	spop (v2sf)  }
0x30b: {  	v21 =	vld [tilespmem:s11+$0x4F00];
	v22 =	vperm.xlane v7, v0;
	s11 =	spop (v2sf)  }
0x30c: {  	v25 =	vperm.xlane v5, v0;
	v23 =	vld [tilespmem:s11+$0xCB80];
	v24 =	vperm.xlane v8, v0;
	v13 =	vadd.f32 v18, v13;
	s11 =	spop (v2sf)  }
0x30d: {  	v18 =	vld [tilespmem:s11+$0xCA80];
	v4 =	vmul.f32 v17, v4;
	v7 =	vadd.f32 v22, v7;
	s11 =	spop (v2sf)  }
0x30e: {  	v12 =	vmul.f32 v12, v19;
	v6 =	vmul.f32 v20, v6;
	v17 =	vld [tilespmem:s11+$0xCF80];
	v8 =	vadd.f32 v24, v8;
	s11 =	spop (v2sf)  }
0x30f: {  	v5 =	vadd.f32 v25, v5;
	v19 =	vld [tilespmem:s1+$0xCB00];
	v20 =	vperm.xlane v4, v0  }
0x310: {  	v25 =	vperm.xlane v12, v0;
	v22 =	vld [tilespmem:s11+$0x4F80];
	v24 =	vperm.xlane v6, v0;
	s1 =	spop (v2sf)  }
0x311: {  	v16 =	vmul.f32 v16, v21;
	v21 =	vld [tilespmem:s1+$0x4C80];
	v4 =	vadd.f32 v20, v4  }
0x312: {  	v9 =	vmul.f32 v23, v9;
	v20 =	vld [tilespmem:s0+$0xCC80];
	v10 =	vmul.f32 v18, v10;
	v6 =	vadd.f32 v24, v6  }
0x313: {  	v18 =	vperm.xlane v16, v0;
	v4 =	vsel vm2, v4, v11  }
0x314: {  	v11 =	vmul.f32 v19, v15;
	v6 =	vsel vm2, v7, v6;
	v7 =	vperm.xlane v10, v0  }
0x315: {  	v16 =	vadd.f32 v18, v16;
	v15 =	vmul.f32 v17, v22;
	v17 =	vperm.xlane v9, v0  }
0x316: {  	v12 =	vadd.f32 v25, v12;
	v19 =	vperm.xlane v6, v1;
	v18 =	vperm.xlane v11, v0  }
0x317: {  	v20 =	vmul.f32 v20, v21;
	v9 =	vadd.f32 v17, v9;
	v17 =	vperm.xlane v15, v0  }
0x318: {  	v7 =	vadd.f32 v7, v10;
	v10 =	vperm.xlane v4, v1;
	v6 =	vadd.f32 v19, v6  }
0x319: {  	v5 =	vsel vm2, v8, v5;
	v8 =	vadd.f32 v18, v11;
	v11 =	vadd.f32 v17, v15  }
0x31a: {  	v7 =	vsel vm2, v7, v12;
	v4 =	vadd.f32 v10, v4;
	v15 =	vperm.xlane v20, v0  }
0x31b: {  	v6 =	vsel vm0, v6, v13;
	v8 =	vsel vm2, v8, v16;
	v9 =	vsel vm2, v9, v11  }
0x31c: {  	v10 =	vadd.f32 v15, v20;
	v11 =	vperm.xlane v5, v1;
	v12 =	vperm.xlane v8, v1  }
0x31d: {  	v13 =	vperm.xlane v7, v1;
	v15 =	vperm.xlane v6, v2  }
0x31e: {  	v10 =	vsel vm2, v14, v10;
	v8 =	vadd.f32 v12, v8;
	v12 =	vperm.xlane v9, v1  }
0x31f: {  	v7 =	vadd.f32 v13, v7;
	v5 =	vadd.f32 v11, v5;
	v11 =	vperm.xlane v10, v1  }
0x320: {  	v6 =	vadd.f32 v15, v6;
	v9 =	vadd.f32 v12, v9  }
0x321: {  	v5 =	vsel vm0, v5, v8;
	v8 =	vadd.f32 v11, v10  }
.Ltmp3:
0x322: {  	v4 =	vsel vm0, v4, v9;
	v9 =	vperm.xlane v5, v2;
	(pc) =	sbr.rel @p0 .LBB2_8-.Ltmp3, $4  }
0x323: {  	v7 =	vsel vm0, v8, v7;
	v8 =	vperm.xlane v4, v2  }
0x324: {  	v9 =	vadd.f32 v9, v5;
	v10 =	vperm.xlane v7, v2  }
0x325: {  	v5 =	vadd.f32 v8, v4  }
0x326: {  	v4 =	vsel vm1, v6, v9;
	v6 =	vadd.f32 v10, v7  }
0x327: {  	_ = 	snop  }
0x328: {  	v5 =	vsel vm1, v6, v5  }
0x329: {  	v63 =	vperm.xlane v4, v3;
	v7 =	vperm.xlane v5, v3;
	_ =	sdelay $0x1  }
0x32a: {  	v4 =	vadd.f32 v63, v4;
	v5 =	vadd.f32 v7, v5;
	_ =	sdelay $0x1  }
0x32b: {  	v4 =	vsel vm3, v4, v5  }
0x32c: {  	v4 =	vsub.f32 $0.0e+00, v4;
	_ =	sdelay $0x1  }
0x32d: {  	v4 =	vmul.f32 $1.442695020e+00, v4;
	_ =	sdelay $0x1  }
0x32e: {  	(erf) = vpow2.f32 v4;
	_ =	sdelay $0x8  }
0x32f: {  	v4 =	vpop (erf)  }
0x330: {  	v4 =	vadd.f32 $1.000000000e+00, v4;
	_ =	sdelay $0x1  }
0x331: {  	(erf) = vrcp.f32 v4;
	_ =	sdelay $0x7  }
0x332: {  	s25 =	sadd.s32 $0x1, s25  }
0x333: {  	p0 =	sne.s32 s25, s8;
	v4 =	vpop (erf)  }
.Ltmp4:
0x334: {  	[tilespmem:s29+$0x0] =	vst v4;
	(pc) =	sbr.rel @p0 .LBB2_1-.Ltmp4, $4  }
0x335: {  	[hbm4b:s7+s2] =	stream.linear.scatter [tilespmem:s24], [sflag:$0x2], $0x200, $0x38;
	[tilespmem:$0x10A00] =	vst v63  }
0x336: {  	_ =	swait.ge [sflag:s9], $0x200  }
0x337: {  	[sflag:s9] =	ssyncset.done $0x0  }
0x338: {  	[sflag:s9] =	ssyncadd.s32 $0xFFFFFE00  }
0x339: {  	_ =	sfence.sel $0x180000  }
0x33a: {  	[bflag:$0x0] =	sbarrier.arrive $0xFFFF  }
0x33b: {  	_ =	strace $0x90000047  }
0x33c: {  	s0 =	stileid.u32;
	[bflag:$0x2] =	sbarrier.arrive $0xFFFF  }
0x33d: {  	p0 =	sne.s32 s0, $0x0;
	s0 =	rddreg [dreg:$0x2]  }
0x33e: {  	s0 =	sadd.s32 @!p0 $0x100000, s0  }
0x33f: {  	[sflag:s0] =	ssyncadd.tile.s32 @!p0 $0x1;
	_ =	shalt  }
.Lfunc_end2:
_tile_overlayer_lowered:
.L_overlay_start_2:
0x340: {  	(tag) =	ssettag $0x2  }
0x341: {  	s0 =	rddreg [dreg:$0x0];
	s2 =	stileid.u32  }
0x342: {  	s1 =	rddreg [dreg:$0x1];
	p0 =	sne.s32 s2, $0x0  }
0x343: {  	s3 =	rddreg [dreg:$0x2];
	[bflag:$0x3] =	sbarrier.arrive $0xFFFF;
	s2 =	simm.s32 @!p0 $0x1C02  }
0x344: {  	[timem:s3], [sflag:s2] =	dma.local @!p0 [hbm:s0], s1  }
0x345: {  	s0 =	simm.s32 @!p0 $0x2  }
0x346: {  	_ =	swait.ge @!p0 [sflag:s0], s1  }
0x347: {  	s1 =	ssub.s32 @!p0 $0x0, s1;
	[sflag:s0] =	ssyncset.done @!p0 $0x0  }
0x348: {  	[sflag:s0] =	ssyncadd.s32 @!p0 s1  }
0x349: {  	[bflag:$0x3] =	sbarrier.arrive $0xFFFF  }
0x34a: {  	_ =	shalt  }

</sc_bundles>
